<compile_context>
chip_gen: v7x
topology: tpu7x:2x2x1
jax: 0.10.2.dev20260603
libtpu: 0.0.44.dev20260713+nightly
codegen_flags: <defaults>
</compile_context>

<pallas_src>
import functools

import jax
import jax.numpy as jnp
from jax import lax
from jax.experimental import pallas as pl
from jax.experimental.pallas import tpu as pltpu
from jax.experimental.pallas import tpu_sc as plsc

B, N, L, D = 8, 64, 4, 4
NUM_EDGES, FEAT, HEADS = 100000, 64, 8
V = NUM_EDGES + 1
GRP = 32
ROWS = B * N * N
SLOTS = L * D

ROW_BLK = 2048
NBLK = (V + ROW_BLK - 1) // ROW_BLK
VP = NBLK * ROW_BLK

NW = 32
ROWS_PER_W = ROWS // NW
CHUNK = 128
NCHUNK = ROWS_PER_W // CHUNK


def _table_body(e_ref, w_ref, o_ref):
    o_ref[...] = (
        jnp.dot(e_ref[...], w_ref[...], preferred_element_type=jnp.float32) * 0.25
    )


def _build_table(edge_emb, w128):
    return pl.pallas_call(
        _table_body,
        grid=(NBLK,),
        in_specs=[
            pl.BlockSpec((ROW_BLK, FEAT), lambda i: (i, 0)),
            pl.BlockSpec((FEAT, L * GRP), lambda i: (0, 0)),
        ],
        out_specs=pl.BlockSpec((ROW_BLK, L * GRP), lambda i: (i, 0)),
        out_shape=jax.ShapeDtypeStruct((VP, L * GRP), jnp.float32),
    )(edge_emb, w128)


def _gather_body(table_hbm, idx_hbm, out_hbm, idx_v, acc_v, out_v, sem_g):
    wid = lax.axis_index("s") * 2 + lax.axis_index("c")
    pltpu.sync_copy(idx_hbm.at[wid], idx_v)

    for c in range(NCHUNK):
        first = [
            pltpu.async_copy(
                table_hbm.at[idx_v.at[c, 4 * l]], acc_v.at[l], sem_g
            )
            for l in range(L)
        ]
        for cp in first:
            cp.wait()
        rest = [
            pltpu.async_copy(
                table_hbm.at[idx_v.at[c, 4 * l + d]], acc_v.at[l], sem_g,
                add=True,
            )
            for l in range(L)
            for d in range(1, D)
        ]
        for cp in rest:
            cp.wait()

        def row_step(r, carry):
            out_v[r, :] = (
                (acc_v[0, r, pl.ds(0 * GRP, 16)] + acc_v[1, r, pl.ds(1 * GRP, 16)])
                + (acc_v[2, r, pl.ds(2 * GRP, 16)] + acc_v[3, r, pl.ds(3 * GRP, 16)])
            )
            return carry

        lax.fori_loop(0, CHUNK, row_step, 0)
        pltpu.sync_copy(
            out_v, out_hbm.at[pl.ds(wid * ROWS_PER_W + c * CHUNK, CHUNK)]
        )


@functools.partial(
    pl.kernel,
    out_type=jax.ShapeDtypeStruct((ROWS, 16), jnp.float32),
    mesh=plsc.VectorSubcoreMesh(core_axis_name="c", subcore_axis_name="s"),
    scratch_types=[
        pltpu.VMEM((NCHUNK, SLOTS, CHUNK), jnp.int32),
        pltpu.VMEM((L, CHUNK, L * GRP), jnp.float32),
        pltpu.VMEM((CHUNK, 16), jnp.float32),
        pltpu.SemaphoreType.DMA,
    ],
)
def _gather_sum(table_hbm, idx_hbm, out_hbm, idx_v, acc_v, out_v, sem_g):
    _gather_body(table_hbm, idx_hbm, out_hbm, idx_v, acc_v, out_v, sem_g)


def kernel(dist, path_data, edge_emb, attn_map_weights):
    max_len = path_data.shape[-2]
    w128 = jnp.pad(attn_map_weights[:max_len], ((0, 0), (0, 0), (0, GRP - HEADS)))
    w128 = w128.transpose(1, 0, 2).reshape(FEAT, L * GRP)
    table = _build_table(edge_emb, w128)
    idx = (
        path_data.reshape(NW, NCHUNK, CHUNK, SLOTS)
        .transpose(0, 1, 3, 2)
    )
    out = _gather_sum(table, idx)
    out = out[:, :HEADS].reshape(B, N, N, HEADS) / dist[..., None].astype(jnp.float32)
    return out

# --- scband reference (transcript-rebuilt; emitter-appended) ---
"""Pipeline reference for scband-path-encoder-12111807775260 (READ-ONLY COPY).

The authoritative reference and input builder live on the scoring server;
editing this copy changes nothing except your own understanding.
"""

import jax, jax.numpy as jnp
import numpy as np


def setup_inputs(seed: int = 0) -> dict:
    key = jax.random.key(seed)
    k1, k2, k3 = jax.random.split(key, 3)
    B, N, L, d = 8, 64, 4, 4
    num_edges, feat_dim, num_heads, max_len = 100000, 64, 8, 4
    dist = jnp.ones((B, N, N), dtype=jnp.int32)
    path_data = jax.random.randint(k1, (B, N, N, L, d), 0, 100000, dtype=jnp.int32)
    edge_emb = jax.random.normal(k2, (num_edges + 1, feat_dim), dtype=jnp.float32)
    attn_map_weights = jax.random.normal(k3, (max_len, feat_dim, num_heads), dtype=jnp.float32)
    return {"dist": dist, "path_data": path_data, "edge_emb": edge_emb, "attn_map_weights": attn_map_weights}


def reference(dist, path_data, edge_emb, attn_map_weights):
    max_len = path_data.shape[-2]
    # embedding lookup: [B,N,N,L,d] -> [B,N,N,L,d,feat] then mean over d
    pd = jnp.take(edge_emb, path_data, axis=0).mean(axis=-2)
    # computed but unused in the original module (kept for faithfulness)
    shortest_distance = jnp.clip(dist, 1, max_len)
    weight = attn_map_weights[:max_len]
    path_encoding = jnp.einsum('bxyld,ldh->bxylh', pd, weight)
    path_encoding = path_encoding.sum(-2) / dist[..., None].astype(jnp.float32)
    return path_encoding

if __name__ == "__main__":
    import jax
    _d = setup_inputs()
    print(jax.jit(kernel)(*tuple(_d.values())))

</pallas_src>

<mosaic_0001>
#map = affine_map<(d0, d1) -> (0, 0)>
#map1 = affine_map<(d0, d1) -> (0, 0, 0, 0)>
module attributes {stable_mosaic.version = 14 : i64} {
  func.func @_gather_sum(%arg0: i32, %arg1: i32, %arg2: memref<100352x128xf32, #tpu.memory_space<hbm>>, %arg3: memref<32x8x16x128xi32, #tpu.memory_space<hbm>>, %arg4: memref<32768x16xf32, #tpu.memory_space<hbm>>, %arg5: memref<8x16x128xi32, #tpu.memory_space<vmem>>, %arg6: memref<4x128x128xf32, #tpu.memory_space<vmem>>, %arg7: memref<128x16xf32, #tpu.memory_space<vmem>>, %arg8: memref<!tpu.dma_semaphore, #tpu.memory_space<semaphore_mem>>) attributes {dimension_semantics = [#tpu.dimension_semantics<core_parallel>, #tpu.dimension_semantics<subcore_parallel>], iteration_bounds = array<i64: 2, 16>, scalar_prefetch = 0 : i64, scratch_operands = 4 : i64, tpu.core_type = #tpu.core_type<sc_vector_subcore>, window_params = [{transform_indices = #map}, {transform_indices = #map1}, {transform_indices = #map}]} {
    %mul3A = arith.constant 2 : i32
    %mul3A_0 = arith.muli %arg1, %mul3A : i32
    %add3A = arith.addi %mul3A_0, %arg0 : i32
    "tpu.region"() ({
      %run_scoped3A = tpu.sem_alloc : memref<!tpu.dma_semaphore, #tpu.memory_space<semaphore_mem>>
      %dma_start3A_3406 = arith.constant 0 : i32
      %dma_start3A_3407 = arith.constant 0 : i32
      %dma_start3A_3408 = arith.constant 0 : i32
      %dma_start3A_3409 = tpu.memref_slice %arg3[%add3A, %dma_start3A_3406, %dma_start3A_3407, %dma_start3A_3408] : memref<32x8x16x128xi32, #tpu.memory_space<hbm>> -> memref<1x8x16x128xi32, #tpu.memory_space<hbm>>
      %dma_start3A_3410 = tpu.memref_squeeze %dma_start3A_3409 : memref<1x8x16x128xi32, #tpu.memory_space<hbm>> -> memref<8x16x128xi32, #tpu.memory_space<hbm>>
      %dma_start3A_3411 = arith.constant 0 : i32
      %dma_start3A_3412 = arith.constant 0 : i32
      %dma_start3A_3413 = arith.constant 0 : i32
      %dma_start3A_3414 = tpu.memref_slice %arg3[%add3A, %dma_start3A_3411, %dma_start3A_3412, %dma_start3A_3413] : memref<32x8x16x128xi32, #tpu.memory_space<hbm>> -> memref<1x8x16x128xi32, #tpu.memory_space<hbm>>
      %dma_start3A_3415 = tpu.memref_squeeze %dma_start3A_3414 : memref<1x8x16x128xi32, #tpu.memory_space<hbm>> -> memref<8x16x128xi32, #tpu.memory_space<hbm>>
      tpu.enqueue_dma source(%dma_start3A_3415 : memref<8x16x128xi32, #tpu.memory_space<hbm>>) target(%arg5 : memref<8x16x128xi32, #tpu.memory_space<vmem>>) target_semaphore(%run_scoped3A : memref<!tpu.dma_semaphore, #tpu.memory_space<semaphore_mem>>)
      %dma_wait3A_3416 = arith.constant 0 : i32
      %dma_wait3A_3417 = arith.constant 0 : i32
      %dma_wait3A_3418 = arith.constant 0 : i32
      %dma_wait3A_3419 = tpu.memref_slice %arg3[%add3A, %dma_wait3A_3416, %dma_wait3A_3417, %dma_wait3A_3418] : memref<32x8x16x128xi32, #tpu.memory_space<hbm>> -> memref<1x8x16x128xi32, #tpu.memory_space<hbm>>
      %dma_wait3A_3420 = tpu.memref_squeeze %dma_wait3A_3419 : memref<1x8x16x128xi32, #tpu.memory_space<hbm>> -> memref<8x16x128xi32, #tpu.memory_space<hbm>>
      %dma_wait3A_3421 = arith.constant 0 : i32
      %dma_wait3A_3422 = arith.constant 0 : i32
      %dma_wait3A_3423 = arith.constant 0 : i32
      %dma_wait3A_3424 = tpu.memref_slice %arg3[%add3A, %dma_wait3A_3421, %dma_wait3A_3422, %dma_wait3A_3423] : memref<32x8x16x128xi32, #tpu.memory_space<hbm>> -> memref<1x8x16x128xi32, #tpu.memory_space<hbm>>
      %dma_wait3A_3425 = tpu.memref_squeeze %dma_wait3A_3424 : memref<1x8x16x128xi32, #tpu.memory_space<hbm>> -> memref<8x16x128xi32, #tpu.memory_space<hbm>>
      tpu.wait_dma2 semaphore(%run_scoped3A : memref<!tpu.dma_semaphore, #tpu.memory_space<semaphore_mem>>) src(%dma_wait3A_3425 : memref<8x16x128xi32, #tpu.memory_space<hbm>>) dst(%arg5 : memref<8x16x128xi32, #tpu.memory_space<vmem>>)
      tpu.yield
    }) : () -> ()
    %dma_start3A = arith.constant 0 : i32
    %dma_start3A_1 = arith.constant 0 : i32
    %dma_start3A_2 = arith.constant 0 : i32
    %dma_start3A_3 = arith.constant 0 : i32
    %dma_start3A_4 = arith.constant 0 : i32
    %dma_start3A_5 = tpu.memref_slice %arg6[%dma_start3A_2, %dma_start3A_3, %dma_start3A_4] : memref<4x128x128xf32, #tpu.memory_space<vmem>> -> memref<1x128x128xf32, #tpu.memory_space<vmem>>
    %dma_start3A_6 = tpu.memref_squeeze %dma_start3A_5 : memref<1x128x128xf32, #tpu.memory_space<vmem>> -> memref<128x128xf32, #tpu.memory_space<vmem>>
    %dma_start3A_7 = arith.constant 0 : i32
    %dma_start3A_8 = tpu.memref_slice %arg5[%dma_start3A, %dma_start3A_1, %dma_start3A_7] : memref<8x16x128xi32, #tpu.memory_space<vmem>> -> memref<1x1x128xi32, #tpu.memory_space<vmem>>
    %dma_start3A_9 = tpu.memref_squeeze %dma_start3A_8 : memref<1x1x128xi32, #tpu.memory_space<vmem>> -> memref<128xi32, #tpu.memory_space<vmem>>
    %dma_start3A_10 = arith.constant 0 : i32
    %dma_start3A_11 = arith.constant 0 : i32
    %dma_start3A_12 = tpu.memref_slice %arg2[%dma_start3A_10, %dma_start3A_11] : memref<100352x128xf32, #tpu.memory_space<hbm>> -> memref<100352x128xf32, #tpu.memory_space<hbm>>
    tpu.enqueue_indirect_dma source(%dma_start3A_12 : memref<100352x128xf32, #tpu.memory_space<hbm>>) target(%dma_start3A_6 : memref<128x128xf32, #tpu.memory_space<vmem>>) offsets(%dma_start3A_9 : memref<128xi32, #tpu.memory_space<vmem>>) semaphore(%arg8 : memref<!tpu.dma_semaphore, #tpu.memory_space<semaphore_mem>>)
    %dma_start3A_13 = arith.constant 0 : i32
    %dma_start3A_14 = arith.constant 4 : i32
    %dma_start3A_15 = arith.constant 1 : i32
    %dma_start3A_16 = arith.constant 0 : i32
    %dma_start3A_17 = arith.constant 0 : i32
    %dma_start3A_18 = tpu.memref_slice %arg6[%dma_start3A_15, %dma_start3A_16, %dma_start3A_17] : memref<4x128x128xf32, #tpu.memory_space<vmem>> -> memref<1x128x128xf32, #tpu.memory_space<vmem>>
    %dma_start3A_19 = tpu.memref_squeeze %dma_start3A_18 : memref<1x128x128xf32, #tpu.memory_space<vmem>> -> memref<128x128xf32, #tpu.memory_space<vmem>>
    %dma_start3A_20 = arith.constant 0 : i32
    %dma_start3A_21 = tpu.memref_slice %arg5[%dma_start3A_13, %dma_start3A_14, %dma_start3A_20] : memref<8x16x128xi32, #tpu.memory_space<vmem>> -> memref<1x1x128xi32, #tpu.memory_space<vmem>>
    %dma_start3A_22 = tpu.memref_squeeze %dma_start3A_21 : memref<1x1x128xi32, #tpu.memory_space<vmem>> -> memref<128xi32, #tpu.memory_space<vmem>>
    %dma_start3A_23 = arith.constant 0 : i32
    %dma_start3A_24 = arith.constant 0 : i32
    %dma_start3A_25 = tpu.memref_slice %arg2[%dma_start3A_23, %dma_start3A_24] : memref<100352x128xf32, #tpu.memory_space<hbm>> -> memref<100352x128xf32, #tpu.memory_space<hbm>>
    tpu.enqueue_indirect_dma source(%dma_start3A_25 : memref<100352x128xf32, #tpu.memory_space<hbm>>) target(%dma_start3A_19 : memref<128x128xf32, #tpu.memory_space<vmem>>) offsets(%dma_start3A_22 : memref<128xi32, #tpu.memory_space<vmem>>) semaphore(%arg8 : memref<!tpu.dma_semaphore, #tpu.memory_space<semaphore_mem>>)
    %dma_start3A_26 = arith.constant 0 : i32
    %dma_start3A_27 = arith.constant 8 : i32
    %dma_start3A_28 = arith.constant 2 : i32
    %dma_start3A_29 = arith.constant 0 : i32
    %dma_start3A_30 = arith.constant 0 : i32
    %dma_start3A_31 = tpu.memref_slice %arg6[%dma_start3A_28, %dma_start3A_29, %dma_start3A_30] : memref<4x128x128xf32, #tpu.memory_space<vmem>> -> memref<1x128x128xf32, #tpu.memory_space<vmem>>
    %dma_start3A_32 = tpu.memref_squeeze %dma_start3A_31 : memref<1x128x128xf32, #tpu.memory_space<vmem>> -> memref<128x128xf32, #tpu.memory_space<vmem>>
    %dma_start3A_33 = arith.constant 0 : i32
    %dma_start3A_34 = tpu.memref_slice %arg5[%dma_start3A_26, %dma_start3A_27, %dma_start3A_33] : memref<8x16x128xi32, #tpu.memory_space<vmem>> -> memref<1x1x128xi32, #tpu.memory_space<vmem>>
    %dma_start3A_35 = tpu.memref_squeeze %dma_start3A_34 : memref<1x1x128xi32, #tpu.memory_space<vmem>> -> memref<128xi32, #tpu.memory_space<vmem>>
    %dma_start3A_36 = arith.constant 0 : i32
    %dma_start3A_37 = arith.constant 0 : i32
    %dma_start3A_38 = tpu.memref_slice %arg2[%dma_start3A_36, %dma_start3A_37] : memref<100352x128xf32, #tpu.memory_space<hbm>> -> memref<100352x128xf32, #tpu.memory_space<hbm>>
    tpu.enqueue_indirect_dma source(%dma_start3A_38 : memref<100352x128xf32, #tpu.memory_space<hbm>>) target(%dma_start3A_32 : memref<128x128xf32, #tpu.memory_space<vmem>>) offsets(%dma_start3A_35 : memref<128xi32, #tpu.memory_space<vmem>>) semaphore(%arg8 : memref<!tpu.dma_semaphore, #tpu.memory_space<semaphore_mem>>)
    %dma_start3A_39 = arith.constant 0 : i32
    %dma_start3A_40 = arith.constant 12 : i32
    %dma_start3A_41 = arith.constant 3 : i32
    %dma_start3A_42 = arith.constant 0 : i32
    %dma_start3A_43 = arith.constant 0 : i32
    %dma_start3A_44 = tpu.memref_slice %arg6[%dma_start3A_41, %dma_start3A_42, %dma_start3A_43] : memref<4x128x128xf32, #tpu.memory_space<vmem>> -> memref<1x128x128xf32, #tpu.memory_space<vmem>>
    %dma_start3A_45 = tpu.memref_squeeze %dma_start3A_44 : memref<1x128x128xf32, #tpu.memory_space<vmem>> -> memref<128x128xf32, #tpu.memory_space<vmem>>
    %dma_start3A_46 = arith.constant 0 : i32
    %dma_start3A_47 = tpu.memref_slice %arg5[%dma_start3A_39, %dma_start3A_40, %dma_start3A_46] : memref<8x16x128xi32, #tpu.memory_space<vmem>> -> memref<1x1x128xi32, #tpu.memory_space<vmem>>
    %dma_start3A_48 = tpu.memref_squeeze %dma_start3A_47 : memref<1x1x128xi32, #tpu.memory_space<vmem>> -> memref<128xi32, #tpu.memory_space<vmem>>
    %dma_start3A_49 = arith.constant 0 : i32
    %dma_start3A_50 = arith.constant 0 : i32
    %dma_start3A_51 = tpu.memref_slice %arg2[%dma_start3A_49, %dma_start3A_50] : memref<100352x128xf32, #tpu.memory_space<hbm>> -> memref<100352x128xf32, #tpu.memory_space<hbm>>
    tpu.enqueue_indirect_dma source(%dma_start3A_51 : memref<100352x128xf32, #tpu.memory_space<hbm>>) target(%dma_start3A_45 : memref<128x128xf32, #tpu.memory_space<vmem>>) offsets(%dma_start3A_48 : memref<128xi32, #tpu.memory_space<vmem>>) semaphore(%arg8 : memref<!tpu.dma_semaphore, #tpu.memory_space<semaphore_mem>>)
    %dma_wait3A = arith.constant 0 : i32
    %dma_wait3A_52 = arith.constant 0 : i32
    %dma_wait3A_53 = arith.constant 0 : i32
    %dma_wait3A_54 = arith.constant 0 : i32
    %dma_wait3A_55 = arith.constant 0 : i32
    %dma_wait3A_56 = tpu.memref_slice %arg6[%dma_wait3A_53, %dma_wait3A_54, %dma_wait3A_55] : memref<4x128x128xf32, #tpu.memory_space<vmem>> -> memref<1x128x128xf32, #tpu.memory_space<vmem>>
    %dma_wait3A_57 = tpu.memref_squeeze %dma_wait3A_56 : memref<1x128x128xf32, #tpu.memory_space<vmem>> -> memref<128x128xf32, #tpu.memory_space<vmem>>
    %dma_wait3A_58 = arith.constant 0 : i32
    %dma_wait3A_59 = tpu.memref_slice %arg5[%dma_wait3A, %dma_wait3A_52, %dma_wait3A_58] : memref<8x16x128xi32, #tpu.memory_space<vmem>> -> memref<1x1x128xi32, #tpu.memory_space<vmem>>
    %dma_wait3A_60 = tpu.memref_squeeze %dma_wait3A_59 : memref<1x1x128xi32, #tpu.memory_space<vmem>> -> memref<128xi32, #tpu.memory_space<vmem>>
    %dma_wait3A_61 = arith.constant 0 : i32
    %dma_wait3A_62 = arith.constant 0 : i32
    %dma_wait3A_63 = tpu.memref_slice %arg2[%dma_wait3A_61, %dma_wait3A_62] : memref<100352x128xf32, #tpu.memory_space<hbm>> -> memref<100352x128xf32, #tpu.memory_space<hbm>>
    tpu.wait_indirect_dma semaphore(%arg8 : memref<!tpu.dma_semaphore, #tpu.memory_space<semaphore_mem>>) src(%dma_wait3A_63 : memref<100352x128xf32, #tpu.memory_space<hbm>>) dst(%dma_wait3A_57 : memref<128x128xf32, #tpu.memory_space<vmem>>)
    %dma_wait3A_64 = arith.constant 0 : i32
    %dma_wait3A_65 = arith.constant 4 : i32
    %dma_wait3A_66 = arith.constant 1 : i32
    %dma_wait3A_67 = arith.constant 0 : i32
    %dma_wait3A_68 = arith.constant 0 : i32
    %dma_wait3A_69 = tpu.memref_slice %arg6[%dma_wait3A_66, %dma_wait3A_67, %dma_wait3A_68] : memref<4x128x128xf32, #tpu.memory_space<vmem>> -> memref<1x128x128xf32, #tpu.memory_space<vmem>>
    %dma_wait3A_70 = tpu.memref_squeeze %dma_wait3A_69 : memref<1x128x128xf32, #tpu.memory_space<vmem>> -> memref<128x128xf32, #tpu.memory_space<vmem>>
    %dma_wait3A_71 = arith.constant 0 : i32
    %dma_wait3A_72 = tpu.memref_slice %arg5[%dma_wait3A_64, %dma_wait3A_65, %dma_wait3A_71] : memref<8x16x128xi32, #tpu.memory_space<vmem>> -> memref<1x1x128xi32, #tpu.memory_space<vmem>>
    %dma_wait3A_73 = tpu.memref_squeeze %dma_wait3A_72 : memref<1x1x128xi32, #tpu.memory_space<vmem>> -> memref<128xi32, #tpu.memory_space<vmem>>
    %dma_wait3A_74 = arith.constant 0 : i32
    %dma_wait3A_75 = arith.constant 0 : i32
    %dma_wait3A_76 = tpu.memref_slice %arg2[%dma_wait3A_74, %dma_wait3A_75] : memref<100352x128xf32, #tpu.memory_space<hbm>> -> memref<100352x128xf32, #tpu.memory_space<hbm>>
    tpu.wait_indirect_dma semaphore(%arg8 : memref<!tpu.dma_semaphore, #tpu.memory_space<semaphore_mem>>) src(%dma_wait3A_76 : memref<100352x128xf32, #tpu.memory_space<hbm>>) dst(%dma_wait3A_70 : memref<128x128xf32, #tpu.memory_space<vmem>>)
    %dma_wait3A_77 = arith.constant 0 : i32
    %dma_wait3A_78 = arith.constant 8 : i32
    %dma_wait3A_79 = arith.constant 2 : i32
    %dma_wait3A_80 = arith.constant 0 : i32
    %dma_wait3A_81 = arith.constant 0 : i32
    %dma_wait3A_82 = tpu.memref_slice %arg6[%dma_wait3A_79, %dma_wait3A_80, %dma_wait3A_81] : memref<4x128x128xf32, #tpu.memory_space<vmem>> -> memref<1x128x128xf32, #tpu.memory_space<vmem>>
    %dma_wait3A_83 = tpu.memref_squeeze %dma_wait3A_82 : memref<1x128x128xf32, #tpu.memory_space<vmem>> -> memref<128x128xf32, #tpu.memory_space<vmem>>
    %dma_wait3A_84 = arith.constant 0 : i32
    %dma_wait3A_85 = tpu.memref_slice %arg5[%dma_wait3A_77, %dma_wait3A_78, %dma_wait3A_84] : memref<8x16x128xi32, #tpu.memory_space<vmem>> -> memref<1x1x128xi32, #tpu.memory_space<vmem>>
    %dma_wait3A_86 = tpu.memref_squeeze %dma_wait3A_85 : memref<1x1x128xi32, #tpu.memory_space<vmem>> -> memref<128xi32, #tpu.memory_space<vmem>>
    %dma_wait3A_87 = arith.constant 0 : i32
    %dma_wait3A_88 = arith.constant 0 : i32
    %dma_wait3A_89 = tpu.memref_slice %arg2[%dma_wait3A_87, %dma_wait3A_88] : memref<100352x128xf32, #tpu.memory_space<hbm>> -> memref<100352x128xf32, #tpu.memory_space<hbm>>
    tpu.wait_indirect_dma semaphore(%arg8 : memref<!tpu.dma_semaphore, #tpu.memory_space<semaphore_mem>>) src(%dma_wait3A_89 : memref<100352x128xf32, #tpu.memory_space<hbm>>) dst(%dma_wait3A_83 : memref<128x128xf32, #tpu.memory_space<vmem>>)
    %dma_wait3A_90 = arith.constant 0 : i32
    %dma_wait3A_91 = arith.constant 12 : i32
    %dma_wait3A_92 = arith.constant 3 : i32
    %dma_wait3A_93 = arith.constant 0 : i32
    %dma_wait3A_94 = arith.constant 0 : i32
    %dma_wait3A_95 = tpu.memref_slice %arg6[%dma_wait3A_92, %dma_wait3A_93, %dma_wait3A_94] : memref<4x128x128xf32, #tpu.memory_space<vmem>> -> memref<1x128x128xf32, #tpu.memory_space<vmem>>
    %dma_wait3A_96 = tpu.memref_squeeze %dma_wait3A_95 : memref<1x128x128xf32, #tpu.memory_space<vmem>> -> memref<128x128xf32, #tpu.memory_space<vmem>>
    %dma_wait3A_97 = arith.constant 0 : i32
    %dma_wait3A_98 = tpu.memref_slice %arg5[%dma_wait3A_90, %dma_wait3A_91, %dma_wait3A_97] : memref<8x16x128xi32, #tpu.memory_space<vmem>> -> memref<1x1x128xi32, #tpu.memory_space<vmem>>
    %dma_wait3A_99 = tpu.memref_squeeze %dma_wait3A_98 : memref<1x1x128xi32, #tpu.memory_space<vmem>> -> memref<128xi32, #tpu.memory_space<vmem>>
    %dma_wait3A_100 = arith.constant 0 : i32
    %dma_wait3A_101 = arith.constant 0 : i32
    %dma_wait3A_102 = tpu.memref_slice %arg2[%dma_wait3A_100, %dma_wait3A_101] : memref<100352x128xf32, #tpu.memory_space<hbm>> -> memref<100352x128xf32, #tpu.memory_space<hbm>>
    tpu.wait_indirect_dma semaphore(%arg8 : memref<!tpu.dma_semaphore, #tpu.memory_space<semaphore_mem>>) src(%dma_wait3A_102 : memref<100352x128xf32, #tpu.memory_space<hbm>>) dst(%dma_wait3A_96 : memref<128x128xf32, #tpu.memory_space<vmem>>)
    %dma_start3A_103 = arith.constant 0 : i32
    %dma_start3A_104 = arith.constant 1 : i32
    %dma_start3A_105 = arith.constant 0 : i32
    %dma_start3A_106 = arith.constant 0 : i32
    %dma_start3A_107 = arith.constant 0 : i32
    %dma_start3A_108 = tpu.memref_slice %arg6[%dma_start3A_105, %dma_start3A_106, %dma_start3A_107] : memref<4x128x128xf32, #tpu.memory_space<vmem>> -> memref<1x128x128xf32, #tpu.memory_space<vmem>>
    %dma_start3A_109 = tpu.memref_squeeze %dma_start3A_108 : memref<1x128x128xf32, #tpu.memory_space<vmem>> -> memref<128x128xf32, #tpu.memory_space<vmem>>
    %dma_start3A_110 = arith.constant 0 : i32
    %dma_start3A_111 = tpu.memref_slice %arg5[%dma_start3A_103, %dma_start3A_104, %dma_start3A_110] : memref<8x16x128xi32, #tpu.memory_space<vmem>> -> memref<1x1x128xi32, #tpu.memory_space<vmem>>
    %dma_start3A_112 = tpu.memref_squeeze %dma_start3A_111 : memref<1x1x128xi32, #tpu.memory_space<vmem>> -> memref<128xi32, #tpu.memory_space<vmem>>
    %dma_start3A_113 = arith.constant 0 : i32
    %dma_start3A_114 = arith.constant 0 : i32
    %dma_start3A_115 = tpu.memref_slice %arg2[%dma_start3A_113, %dma_start3A_114] : memref<100352x128xf32, #tpu.memory_space<hbm>> -> memref<100352x128xf32, #tpu.memory_space<hbm>>
    tpu.enqueue_indirect_dma source(%dma_start3A_115 : memref<100352x128xf32, #tpu.memory_space<hbm>>) target(%dma_start3A_109 : memref<128x128xf32, #tpu.memory_space<vmem>>) offsets(%dma_start3A_112 : memref<128xi32, #tpu.memory_space<vmem>>) semaphore(%arg8 : memref<!tpu.dma_semaphore, #tpu.memory_space<semaphore_mem>>) {add = true}
    %dma_start3A_116 = arith.constant 0 : i32
    %dma_start3A_117 = arith.constant 2 : i32
    %dma_start3A_118 = arith.constant 0 : i32
    %dma_start3A_119 = arith.constant 0 : i32
    %dma_start3A_120 = arith.constant 0 : i32
    %dma_start3A_121 = tpu.memref_slice %arg6[%dma_start3A_118, %dma_start3A_119, %dma_start3A_120] : memref<4x128x128xf32, #tpu.memory_space<vmem>> -> memref<1x128x128xf32, #tpu.memory_space<vmem>>
    %dma_start3A_122 = tpu.memref_squeeze %dma_start3A_121 : memref<1x128x128xf32, #tpu.memory_space<vmem>> -> memref<128x128xf32, #tpu.memory_space<vmem>>
    %dma_start3A_123 = arith.constant 0 : i32
    %dma_start3A_124 = tpu.memref_slice %arg5[%dma_start3A_116, %dma_start3A_117, %dma_start3A_123] : memref<8x16x128xi32, #tpu.memory_space<vmem>> -> memref<1x1x128xi32, #tpu.memory_space<vmem>>
    %dma_start3A_125 = tpu.memref_squeeze %dma_start3A_124 : memref<1x1x128xi32, #tpu.memory_space<vmem>> -> memref<128xi32, #tpu.memory_space<vmem>>
    %dma_start3A_126 = arith.constant 0 : i32
    %dma_start3A_127 = arith.constant 0 : i32
    %dma_start3A_128 = tpu.memref_slice %arg2[%dma_start3A_126, %dma_start3A_127] : memref<100352x128xf32, #tpu.memory_space<hbm>> -> memref<100352x128xf32, #tpu.memory_space<hbm>>
    tpu.enqueue_indirect_dma source(%dma_start3A_128 : memref<100352x128xf32, #tpu.memory_space<hbm>>) target(%dma_start3A_122 : memref<128x128xf32, #tpu.memory_space<vmem>>) offsets(%dma_start3A_125 : memref<128xi32, #tpu.memory_space<vmem>>) semaphore(%arg8 : memref<!tpu.dma_semaphore, #tpu.memory_space<semaphore_mem>>) {add = true}
    %dma_start3A_129 = arith.constant 0 : i32
    %dma_start3A_130 = arith.constant 3 : i32
    %dma_start3A_131 = arith.constant 0 : i32
    %dma_start3A_132 = arith.constant 0 : i32
    %dma_start3A_133 = arith.constant 0 : i32
    %dma_start3A_134 = tpu.memref_slice %arg6[%dma_start3A_131, %dma_start3A_132, %dma_start3A_133] : memref<4x128x128xf32, #tpu.memory_space<vmem>> -> memref<1x128x128xf32, #tpu.memory_space<vmem>>
    %dma_start3A_135 = tpu.memref_squeeze %dma_start3A_134 : memref<1x128x128xf32, #tpu.memory_space<vmem>> -> memref<128x128xf32, #tpu.memory_space<vmem>>
    %dma_start3A_136 = arith.constant 0 : i32
    %dma_start3A_137 = tpu.memref_slice %arg5[%dma_start3A_129, %dma_start3A_130, %dma_start3A_136] : memref<8x16x128xi32, #tpu.memory_space<vmem>> -> memref<1x1x128xi32, #tpu.memory_space<vmem>>
    %dma_start3A_138 = tpu.memref_squeeze %dma_start3A_137 : memref<1x1x128xi32, #tpu.memory_space<vmem>> -> memref<128xi32, #tpu.memory_space<vmem>>
    %dma_start3A_139 = arith.constant 0 : i32
    %dma_start3A_140 = arith.constant 0 : i32
    %dma_start3A_141 = tpu.memref_slice %arg2[%dma_start3A_139, %dma_start3A_140] : memref<100352x128xf32, #tpu.memory_space<hbm>> -> memref<100352x128xf32, #tpu.memory_space<hbm>>
    tpu.enqueue_indirect_dma source(%dma_start3A_141 : memref<100352x128xf32, #tpu.memory_space<hbm>>) target(%dma_start3A_135 : memref<128x128xf32, #tpu.memory_space<vmem>>) offsets(%dma_start3A_138 : memref<128xi32, #tpu.memory_space<vmem>>) semaphore(%arg8 : memref<!tpu.dma_semaphore, #tpu.memory_space<semaphore_mem>>) {add = true}
    %dma_start3A_142 = arith.constant 0 : i32
    %dma_start3A_143 = arith.constant 5 : i32
    %dma_start3A_144 = arith.constant 1 : i32
    %dma_start3A_145 = arith.constant 0 : i32
    %dma_start3A_146 = arith.constant 0 : i32
    %dma_start3A_147 = tpu.memref_slice %arg6[%dma_start3A_144, %dma_start3A_145, %dma_start3A_146] : memref<4x128x128xf32, #tpu.memory_space<vmem>> -> memref<1x128x128xf32, #tpu.memory_space<vmem>>
    %dma_start3A_148 = tpu.memref_squeeze %dma_start3A_147 : memref<1x128x128xf32, #tpu.memory_space<vmem>> -> memref<128x128xf32, #tpu.memory_space<vmem>>
    %dma_start3A_149 = arith.constant 0 : i32
    %dma_start3A_150 = tpu.memref_slice %arg5[%dma_start3A_142, %dma_start3A_143, %dma_start3A_149] : memref<8x16x128xi32, #tpu.memory_space<vmem>> -> memref<1x1x128xi32, #tpu.memory_space<vmem>>
    %dma_start3A_151 = tpu.memref_squeeze %dma_start3A_150 : memref<1x1x128xi32, #tpu.memory_space<vmem>> -> memref<128xi32, #tpu.memory_space<vmem>>
    %dma_start3A_152 = arith.constant 0 : i32
    %dma_start3A_153 = arith.constant 0 : i32
    %dma_start3A_154 = tpu.memref_slice %arg2[%dma_start3A_152, %dma_start3A_153] : memref<100352x128xf32, #tpu.memory_space<hbm>> -> memref<100352x128xf32, #tpu.memory_space<hbm>>
    tpu.enqueue_indirect_dma source(%dma_start3A_154 : memref<100352x128xf32, #tpu.memory_space<hbm>>) target(%dma_start3A_148 : memref<128x128xf32, #tpu.memory_space<vmem>>) offsets(%dma_start3A_151 : memref<128xi32, #tpu.memory_space<vmem>>) semaphore(%arg8 : memref<!tpu.dma_semaphore, #tpu.memory_space<semaphore_mem>>) {add = true}
    %dma_start3A_155 = arith.constant 0 : i32
    %dma_start3A_156 = arith.constant 6 : i32
    %dma_start3A_157 = arith.constant 1 : i32
    %dma_start3A_158 = arith.constant 0 : i32
    %dma_start3A_159 = arith.constant 0 : i32
    %dma_start3A_160 = tpu.memref_slice %arg6[%dma_start3A_157, %dma_start3A_158, %dma_start3A_159] : memref<4x128x128xf32, #tpu.memory_space<vmem>> -> memref<1x128x128xf32, #tpu.memory_space<vmem>>
    %dma_start3A_161 = tpu.memref_squeeze %dma_start3A_160 : memref<1x128x128xf32, #tpu.memory_space<vmem>> -> memref<128x128xf32, #tpu.memory_space<vmem>>
    %dma_start3A_162 = arith.constant 0 : i32
    %dma_start3A_163 = tpu.memref_slice %arg5[%dma_start3A_155, %dma_start3A_156, %dma_start3A_162] : memref<8x16x128xi32, #tpu.memory_space<vmem>> -> memref<1x1x128xi32, #tpu.memory_space<vmem>>
    %dma_start3A_164 = tpu.memref_squeeze %dma_start3A_163 : memref<1x1x128xi32, #tpu.memory_space<vmem>> -> memref<128xi32, #tpu.memory_space<vmem>>
    %dma_start3A_165 = arith.constant 0 : i32
    %dma_start3A_166 = arith.constant 0 : i32
    %dma_start3A_167 = tpu.memref_slice %arg2[%dma_start3A_165, %dma_start3A_166] : memref<100352x128xf32, #tpu.memory_space<hbm>> -> memref<100352x128xf32, #tpu.memory_space<hbm>>
    tpu.enqueue_indirect_dma source(%dma_start3A_167 : memref<100352x128xf32, #tpu.memory_space<hbm>>) target(%dma_start3A_161 : memref<128x128xf32, #tpu.memory_space<vmem>>) offsets(%dma_start3A_164 : memref<128xi32, #tpu.memory_space<vmem>>) semaphore(%arg8 : memref<!tpu.dma_semaphore, #tpu.memory_space<semaphore_mem>>) {add = true}
    %dma_start3A_168 = arith.constant 0 : i32
    %dma_start3A_169 = arith.constant 7 : i32
    %dma_start3A_170 = arith.constant 1 : i32
    %dma_start3A_171 = arith.constant 0 : i32
    %dma_start3A_172 = arith.constant 0 : i32
    %dma_start3A_173 = tpu.memref_slice %arg6[%dma_start3A_170, %dma_start3A_171, %dma_start3A_172] : memref<4x128x128xf32, #tpu.memory_space<vmem>> -> memref<1x128x128xf32, #tpu.memory_space<vmem>>
    %dma_start3A_174 = tpu.memref_squeeze %dma_start3A_173 : memref<1x128x128xf32, #tpu.memory_space<vmem>> -> memref<128x128xf32, #tpu.memory_space<vmem>>
    %dma_start3A_175 = arith.constant 0 : i32
    %dma_start3A_176 = tpu.memref_slice %arg5[%dma_start3A_168, %dma_start3A_169, %dma_start3A_175] : memref<8x16x128xi32, #tpu.memory_space<vmem>> -> memref<1x1x128xi32, #tpu.memory_space<vmem>>
    %dma_start3A_177 = tpu.memref_squeeze %dma_start3A_176 : memref<1x1x128xi32, #tpu.memory_space<vmem>> -> memref<128xi32, #tpu.memory_space<vmem>>
    %dma_start3A_178 = arith.constant 0 : i32
    %dma_start3A_179 = arith.constant 0 : i32
    %dma_start3A_180 = tpu.memref_slice %arg2[%dma_start3A_178, %dma_start3A_179] : memref<100352x128xf32, #tpu.memory_space<hbm>> -> memref<100352x128xf32, #tpu.memory_space<hbm>>
    tpu.enqueue_indirect_dma source(%dma_start3A_180 : memref<100352x128xf32, #tpu.memory_space<hbm>>) target(%dma_start3A_174 : memref<128x128xf32, #tpu.memory_space<vmem>>) offsets(%dma_start3A_177 : memref<128xi32, #tpu.memory_space<vmem>>) semaphore(%arg8 : memref<!tpu.dma_semaphore, #tpu.memory_space<semaphore_mem>>) {add = true}
    %dma_start3A_181 = arith.constant 0 : i32
    %dma_start3A_182 = arith.constant 9 : i32
    %dma_start3A_183 = arith.constant 2 : i32
    %dma_start3A_184 = arith.constant 0 : i32
    %dma_start3A_185 = arith.constant 0 : i32
    %dma_start3A_186 = tpu.memref_slice %arg6[%dma_start3A_183, %dma_start3A_184, %dma_start3A_185] : memref<4x128x128xf32, #tpu.memory_space<vmem>> -> memref<1x128x128xf32, #tpu.memory_space<vmem>>
    %dma_start3A_187 = tpu.memref_squeeze %dma_start3A_186 : memref<1x128x128xf32, #tpu.memory_space<vmem>> -> memref<128x128xf32, #tpu.memory_space<vmem>>
    %dma_start3A_188 = arith.constant 0 : i32
    %dma_start3A_189 = tpu.memref_slice %arg5[%dma_start3A_181, %dma_start3A_182, %dma_start3A_188] : memref<8x16x128xi32, #tpu.memory_space<vmem>> -> memref<1x1x128xi32, #tpu.memory_space<vmem>>
    %dma_start3A_190 = tpu.memref_squeeze %dma_start3A_189 : memref<1x1x128xi32, #tpu.memory_space<vmem>> -> memref<128xi32, #tpu.memory_space<vmem>>
    %dma_start3A_191 = arith.constant 0 : i32
    %dma_start3A_192 = arith.constant 0 : i32
    %dma_start3A_193 = tpu.memref_slice %arg2[%dma_start3A_191, %dma_start3A_192] : memref<100352x128xf32, #tpu.memory_space<hbm>> -> memref<100352x128xf32, #tpu.memory_space<hbm>>
    tpu.enqueue_indirect_dma source(%dma_start3A_193 : memref<100352x128xf32, #tpu.memory_space<hbm>>) target(%dma_start3A_187 : memref<128x128xf32, #tpu.memory_space<vmem>>) offsets(%dma_start3A_190 : memref<128xi32, #tpu.memory_space<vmem>>) semaphore(%arg8 : memref<!tpu.dma_semaphore, #tpu.memory_space<semaphore_mem>>) {add = true}
    %dma_start3A_194 = arith.constant 0 : i32
    %dma_start3A_195 = arith.constant 10 : i32
    %dma_start3A_196 = arith.constant 2 : i32
    %dma_start3A_197 = arith.constant 0 : i32
    %dma_start3A_198 = arith.constant 0 : i32
    %dma_start3A_199 = tpu.memref_slice %arg6[%dma_start3A_196, %dma_start3A_197, %dma_start3A_198] : memref<4x128x128xf32, #tpu.memory_space<vmem>> -> memref<1x128x128xf32, #tpu.memory_space<vmem>>
    %dma_start3A_200 = tpu.memref_squeeze %dma_start3A_199 : memref<1x128x128xf32, #tpu.memory_space<vmem>> -> memref<128x128xf32, #tpu.memory_space<vmem>>
    %dma_start3A_201 = arith.constant 0 : i32
    %dma_start3A_202 = tpu.memref_slice %arg5[%dma_start3A_194, %dma_start3A_195, %dma_start3A_201] : memref<8x16x128xi32, #tpu.memory_space<vmem>> -> memref<1x1x128xi32, #tpu.memory_space<vmem>>
    %dma_start3A_203 = tpu.memref_squeeze %dma_start3A_202 : memref<1x1x128xi32, #tpu.memory_space<vmem>> -> memref<128xi32, #tpu.memory_space<vmem>>
    %dma_start3A_204 = arith.constant 0 : i32
    %dma_start3A_205 = arith.constant 0 : i32
    %dma_start3A_206 = tpu.memref_slice %arg2[%dma_start3A_204, %dma_start3A_205] : memref<100352x128xf32, #tpu.memory_space<hbm>> -> memref<100352x128xf32, #tpu.memory_space<hbm>>
    tpu.enqueue_indirect_dma source(%dma_start3A_206 : memref<100352x128xf32, #tpu.memory_space<hbm>>) target(%dma_start3A_200 : memref<128x128xf32, #tpu.memory_space<vmem>>) offsets(%dma_start3A_203 : memref<128xi32, #tpu.memory_space<vmem>>) semaphore(%arg8 : memref<!tpu.dma_semaphore, #tpu.memory_space<semaphore_mem>>) {add = true}
    %dma_start3A_207 = arith.constant 0 : i32
    %dma_start3A_208 = arith.constant 11 : i32
    %dma_start3A_209 = arith.constant 2 : i32
    %dma_start3A_210 = arith.constant 0 : i32
    %dma_start3A_211 = arith.constant 0 : i32
    %dma_start3A_212 = tpu.memref_slice %arg6[%dma_start3A_209, %dma_start3A_210, %dma_start3A_211] : memref<4x128x128xf32, #tpu.memory_space<vmem>> -> memref<1x128x128xf32, #tpu.memory_space<vmem>>
    %dma_start3A_213 = tpu.memref_squeeze %dma_start3A_212 : memref<1x128x128xf32, #tpu.memory_space<vmem>> -> memref<128x128xf32, #tpu.memory_space<vmem>>
    %dma_start3A_214 = arith.constant 0 : i32
    %dma_start3A_215 = tpu.memref_slice %arg5[%dma_start3A_207, %dma_start3A_208, %dma_start3A_214] : memref<8x16x128xi32, #tpu.memory_space<vmem>> -> memref<1x1x128xi32, #tpu.memory_space<vmem>>
    %dma_start3A_216 = tpu.memref_squeeze %dma_start3A_215 : memref<1x1x128xi32, #tpu.memory_space<vmem>> -> memref<128xi32, #tpu.memory_space<vmem>>
    %dma_start3A_217 = arith.constant 0 : i32
    %dma_start3A_218 = arith.constant 0 : i32
    %dma_start3A_219 = tpu.memref_slice %arg2[%dma_start3A_217, %dma_start3A_218] : memref<100352x128xf32, #tpu.memory_space<hbm>> -> memref<100352x128xf32, #tpu.memory_space<hbm>>
    tpu.enqueue_indirect_dma source(%dma_start3A_219 : memref<100352x128xf32, #tpu.memory_space<hbm>>) target(%dma_start3A_213 : memref<128x128xf32, #tpu.memory_space<vmem>>) offsets(%dma_start3A_216 : memref<128xi32, #tpu.memory_space<vmem>>) semaphore(%arg8 : memref<!tpu.dma_semaphore, #tpu.memory_space<semaphore_mem>>) {add = true}
    %dma_start3A_220 = arith.constant 0 : i32
    %dma_start3A_221 = arith.constant 13 : i32
    %dma_start3A_222 = arith.constant 3 : i32
    %dma_start3A_223 = arith.constant 0 : i32
    %dma_start3A_224 = arith.constant 0 : i32
    %dma_start3A_225 = tpu.memref_slice %arg6[%dma_start3A_222, %dma_start3A_223, %dma_start3A_224] : memref<4x128x128xf32, #tpu.memory_space<vmem>> -> memref<1x128x128xf32, #tpu.memory_space<vmem>>
    %dma_start3A_226 = tpu.memref_squeeze %dma_start3A_225 : memref<1x128x128xf32, #tpu.memory_space<vmem>> -> memref<128x128xf32, #tpu.memory_space<vmem>>
    %dma_start3A_227 = arith.constant 0 : i32
    %dma_start3A_228 = tpu.memref_slice %arg5[%dma_start3A_220, %dma_start3A_221, %dma_start3A_227] : memref<8x16x128xi32, #tpu.memory_space<vmem>> -> memref<1x1x128xi32, #tpu.memory_space<vmem>>
    %dma_start3A_229 = tpu.memref_squeeze %dma_start3A_228 : memref<1x1x128xi32, #tpu.memory_space<vmem>> -> memref<128xi32, #tpu.memory_space<vmem>>
    %dma_start3A_230 = arith.constant 0 : i32
    %dma_start3A_231 = arith.constant 0 : i32
    %dma_start3A_232 = tpu.memref_slice %arg2[%dma_start3A_230, %dma_start3A_231] : memref<100352x128xf32, #tpu.memory_space<hbm>> -> memref<100352x128xf32, #tpu.memory_space<hbm>>
    tpu.enqueue_indirect_dma source(%dma_start3A_232 : memref<100352x128xf32, #tpu.memory_space<hbm>>) target(%dma_start3A_226 : memref<128x128xf32, #tpu.memory_space<vmem>>) offsets(%dma_start3A_229 : memref<128xi32, #tpu.memory_space<vmem>>) semaphore(%arg8 : memref<!tpu.dma_semaphore, #tpu.memory_space<semaphore_mem>>) {add = true}
    %dma_start3A_233 = arith.constant 0 : i32
    %dma_start3A_234 = arith.constant 14 : i32
    %dma_start3A_235 = arith.constant 3 : i32
    %dma_start3A_236 = arith.constant 0 : i32
    %dma_start3A_237 = arith.constant 0 : i32
    %dma_start3A_238 = tpu.memref_slice %arg6[%dma_start3A_235, %dma_start3A_236, %dma_start3A_237] : memref<4x128x128xf32, #tpu.memory_space<vmem>> -> memref<1x128x128xf32, #tpu.memory_space<vmem>>
    %dma_start3A_239 = tpu.memref_squeeze %dma_start3A_238 : memref<1x128x128xf32, #tpu.memory_space<vmem>> -> memref<128x128xf32, #tpu.memory_space<vmem>>
    %dma_start3A_240 = arith.constant 0 : i32
    %dma_start3A_241 = tpu.memref_slice %arg5[%dma_start3A_233, %dma_start3A_234, %dma_start3A_240] : memref<8x16x128xi32, #tpu.memory_space<vmem>> -> memref<1x1x128xi32, #tpu.memory_space<vmem>>
    %dma_start3A_242 = tpu.memref_squeeze %dma_start3A_241 : memref<1x1x128xi32, #tpu.memory_space<vmem>> -> memref<128xi32, #tpu.memory_space<vmem>>
    %dma_start3A_243 = arith.constant 0 : i32
    %dma_start3A_244 = arith.constant 0 : i32
    %dma_start3A_245 = tpu.memref_slice %arg2[%dma_start3A_243, %dma_start3A_244] : memref<100352x128xf32, #tpu.memory_space<hbm>> -> memref<100352x128xf32, #tpu.memory_space<hbm>>
    tpu.enqueue_indirect_dma source(%dma_start3A_245 : memref<100352x128xf32, #tpu.memory_space<hbm>>) target(%dma_start3A_239 : memref<128x128xf32, #tpu.memory_space<vmem>>) offsets(%dma_start3A_242 : memref<128xi32, #tpu.memory_space<vmem>>) semaphore(%arg8 : memref<!tpu.dma_semaphore, #tpu.memory_space<semaphore_mem>>) {add = true}
    %dma_start3A_246 = arith.constant 0 : i32
    %dma_start3A_247 = arith.constant 15 : i32
    %dma_start3A_248 = arith.constant 3 : i32
    %dma_start3A_249 = arith.constant 0 : i32
    %dma_start3A_250 = arith.constant 0 : i32
    %dma_start3A_251 = tpu.memref_slice %arg6[%dma_start3A_248, %dma_start3A_249, %dma_start3A_250] : memref<4x128x128xf32, #tpu.memory_space<vmem>> -> memref<1x128x128xf32, #tpu.memory_space<vmem>>
    %dma_start3A_252 = tpu.memref_squeeze %dma_start3A_251 : memref<1x128x128xf32, #tpu.memory_space<vmem>> -> memref<128x128xf32, #tpu.memory_space<vmem>>
    %dma_start3A_253 = arith.constant 0 : i32
    %dma_start3A_254 = tpu.memref_slice %arg5[%dma_start3A_246, %dma_start3A_247, %dma_start3A_253] : memref<8x16x128xi32, #tpu.memory_space<vmem>> -> memref<1x1x128xi32, #tpu.memory_space<vmem>>
    %dma_start3A_255 = tpu.memref_squeeze %dma_start3A_254 : memref<1x1x128xi32, #tpu.memory_space<vmem>> -> memref<128xi32, #tpu.memory_space<vmem>>
    %dma_start3A_256 = arith.constant 0 : i32
    %dma_start3A_257 = arith.constant 0 : i32
    %dma_start3A_258 = tpu.memref_slice %arg2[%dma_start3A_256, %dma_start3A_257] : memref<100352x128xf32, #tpu.memory_space<hbm>> -> memref<100352x128xf32, #tpu.memory_space<hbm>>
    tpu.enqueue_indirect_dma source(%dma_start3A_258 : memref<100352x128xf32, #tpu.memory_space<hbm>>) target(%dma_start3A_252 : memref<128x128xf32, #tpu.memory_space<vmem>>) offsets(%dma_start3A_255 : memref<128xi32, #tpu.memory_space<vmem>>) semaphore(%arg8 : memref<!tpu.dma_semaphore, #tpu.memory_space<semaphore_mem>>) {add = true}
    %dma_wait3A_259 = arith.constant 0 : i32
    %dma_wait3A_260 = arith.constant 1 : i32
    %dma_wait3A_261 = arith.constant 0 : i32
    %dma_wait3A_262 = arith.constant 0 : i32
    %dma_wait3A_263 = arith.constant 0 : i32
    %dma_wait3A_264 = tpu.memref_slice %arg6[%dma_wait3A_261, %dma_wait3A_262, %dma_wait3A_263] : memref<4x128x128xf32, #tpu.memory_space<vmem>> -> memref<1x128x128xf32, #tpu.memory_space<vmem>>
    %dma_wait3A_265 = tpu.memref_squeeze %dma_wait3A_264 : memref<1x128x128xf32, #tpu.memory_space<vmem>> -> memref<128x128xf32, #tpu.memory_space<vmem>>
    %dma_wait3A_266 = arith.constant 0 : i32
    %dma_wait3A_267 = tpu.memref_slice %arg5[%dma_wait3A_259, %dma_wait3A_260, %dma_wait3A_266] : memref<8x16x128xi32, #tpu.memory_space<vmem>> -> memref<1x1x128xi32, #tpu.memory_space<vmem>>
    %dma_wait3A_268 = tpu.memref_squeeze %dma_wait3A_267 : memref<1x1x128xi32, #tpu.memory_space<vmem>> -> memref<128xi32, #tpu.memory_space<vmem>>
    %dma_wait3A_269 = arith.constant 0 : i32
    %dma_wait3A_270 = arith.constant 0 : i32
    %dma_wait3A_271 = tpu.memref_slice %arg2[%dma_wait3A_269, %dma_wait3A_270] : memref<100352x128xf32, #tpu.memory_space<hbm>> -> memref<100352x128xf32, #tpu.memory_space<hbm>>
    tpu.wait_indirect_dma semaphore(%arg8 : memref<!tpu.dma_semaphore, #tpu.memory_space<semaphore_mem>>) src(%dma_wait3A_271 : memref<100352x128xf32, #tpu.memory_space<hbm>>) dst(%dma_wait3A_265 : memref<128x128xf32, #tpu.memory_space<vmem>>)
    %dma_wait3A_272 = arith.constant 0 : i32
    %dma_wait3A_273 = arith.constant 2 : i32
    %dma_wait3A_274 = arith.constant 0 : i32
    %dma_wait3A_275 = arith.constant 0 : i32
    %dma_wait3A_276 = arith.constant 0 : i32
    %dma_wait3A_277 = tpu.memref_slice %arg6[%dma_wait3A_274, %dma_wait3A_275, %dma_wait3A_276] : memref<4x128x128xf32, #tpu.memory_space<vmem>> -> memref<1x128x128xf32, #tpu.memory_space<vmem>>
    %dma_wait3A_278 = tpu.memref_squeeze %dma_wait3A_277 : memref<1x128x128xf32, #tpu.memory_space<vmem>> -> memref<128x128xf32, #tpu.memory_space<vmem>>
    %dma_wait3A_279 = arith.constant 0 : i32
    %dma_wait3A_280 = tpu.memref_slice %arg5[%dma_wait3A_272, %dma_wait3A_273, %dma_wait3A_279] : memref<8x16x128xi32, #tpu.memory_space<vmem>> -> memref<1x1x128xi32, #tpu.memory_space<vmem>>
    %dma_wait3A_281 = tpu.memref_squeeze %dma_wait3A_280 : memref<1x1x128xi32, #tpu.memory_space<vmem>> -> memref<128xi32, #tpu.memory_space<vmem>>
    %dma_wait3A_282 = arith.constant 0 : i32
    %dma_wait3A_283 = arith.constant 0 : i32
    %dma_wait3A_284 = tpu.memref_slice %arg2[%dma_wait3A_282, %dma_wait3A_283] : memref<100352x128xf32, #tpu.memory_space<hbm>> -> memref<100352x128xf32, #tpu.memory_space<hbm>>
    tpu.wait_indirect_dma semaphore(%arg8 : memref<!tpu.dma_semaphore, #tpu.memory_space<semaphore_mem>>) src(%dma_wait3A_284 : memref<100352x128xf32, #tpu.memory_space<hbm>>) dst(%dma_wait3A_278 : memref<128x128xf32, #tpu.memory_space<vmem>>)
    %dma_wait3A_285 = arith.constant 0 : i32
    %dma_wait3A_286 = arith.constant 3 : i32
    %dma_wait3A_287 = arith.constant 0 : i32
    %dma_wait3A_288 = arith.constant 0 : i32
    %dma_wait3A_289 = arith.constant 0 : i32
    %dma_wait3A_290 = tpu.memref_slice %arg6[%dma_wait3A_287, %dma_wait3A_288, %dma_wait3A_289] : memref<4x128x128xf32, #tpu.memory_space<vmem>> -> memref<1x128x128xf32, #tpu.memory_space<vmem>>
    %dma_wait3A_291 = tpu.memref_squeeze %dma_wait3A_290 : memref<1x128x128xf32, #tpu.memory_space<vmem>> -> memref<128x128xf32, #tpu.memory_space<vmem>>
    %dma_wait3A_292 = arith.constant 0 : i32
    %dma_wait3A_293 = tpu.memref_slice %arg5[%dma_wait3A_285, %dma_wait3A_286, %dma_wait3A_292] : memref<8x16x128xi32, #tpu.memory_space<vmem>> -> memref<1x1x128xi32, #tpu.memory_space<vmem>>
    %dma_wait3A_294 = tpu.memref_squeeze %dma_wait3A_293 : memref<1x1x128xi32, #tpu.memory_space<vmem>> -> memref<128xi32, #tpu.memory_space<vmem>>
    %dma_wait3A_295 = arith.constant 0 : i32
    %dma_wait3A_296 = arith.constant 0 : i32
    %dma_wait3A_297 = tpu.memref_slice %arg2[%dma_wait3A_295, %dma_wait3A_296] : memref<100352x128xf32, #tpu.memory_space<hbm>> -> memref<100352x128xf32, #tpu.memory_space<hbm>>
    tpu.wait_indirect_dma semaphore(%arg8 : memref<!tpu.dma_semaphore, #tpu.memory_space<semaphore_mem>>) src(%dma_wait3A_297 : memref<100352x128xf32, #tpu.memory_space<hbm>>) dst(%dma_wait3A_291 : memref<128x128xf32, #tpu.memory_space<vmem>>)
    %dma_wait3A_298 = arith.constant 0 : i32
    %dma_wait3A_299 = arith.constant 5 : i32
    %dma_wait3A_300 = arith.constant 1 : i32
    %dma_wait3A_301 = arith.constant 0 : i32
    %dma_wait3A_302 = arith.constant 0 : i32
    %dma_wait3A_303 = tpu.memref_slice %arg6[%dma_wait3A_300, %dma_wait3A_301, %dma_wait3A_302] : memref<4x128x128xf32, #tpu.memory_space<vmem>> -> memref<1x128x128xf32, #tpu.memory_space<vmem>>
    %dma_wait3A_304 = tpu.memref_squeeze %dma_wait3A_303 : memref<1x128x128xf32, #tpu.memory_space<vmem>> -> memref<128x128xf32, #tpu.memory_space<vmem>>
    %dma_wait3A_305 = arith.constant 0 : i32
    %dma_wait3A_306 = tpu.memref_slice %arg5[%dma_wait3A_298, %dma_wait3A_299, %dma_wait3A_305] : memref<8x16x128xi32, #tpu.memory_space<vmem>> -> memref<1x1x128xi32, #tpu.memory_space<vmem>>
    %dma_wait3A_307 = tpu.memref_squeeze %dma_wait3A_306 : memref<1x1x128xi32, #tpu.memory_space<vmem>> -> memref<128xi32, #tpu.memory_space<vmem>>
    %dma_wait3A_308 = arith.constant 0 : i32
    %dma_wait3A_309 = arith.constant 0 : i32
    %dma_wait3A_310 = tpu.memref_slice %arg2[%dma_wait3A_308, %dma_wait3A_309] : memref<100352x128xf32, #tpu.memory_space<hbm>> -> memref<100352x128xf32, #tpu.memory_space<hbm>>
    tpu.wait_indirect_dma semaphore(%arg8 : memref<!tpu.dma_semaphore, #tpu.memory_space<semaphore_mem>>) src(%dma_wait3A_310 : memref<100352x128xf32, #tpu.memory_space<hbm>>) dst(%dma_wait3A_304 : memref<128x128xf32, #tpu.memory_space<vmem>>)
    %dma_wait3A_311 = arith.constant 0 : i32
    %dma_wait3A_312 = arith.constant 6 : i32
    %dma_wait3A_313 = arith.constant 1 : i32
    %dma_wait3A_314 = arith.constant 0 : i32
    %dma_wait3A_315 = arith.constant 0 : i32
    %dma_wait3A_316 = tpu.memref_slice %arg6[%dma_wait3A_313, %dma_wait3A_314, %dma_wait3A_315] : memref<4x128x128xf32, #tpu.memory_space<vmem>> -> memref<1x128x128xf32, #tpu.memory_space<vmem>>
    %dma_wait3A_317 = tpu.memref_squeeze %dma_wait3A_316 : memref<1x128x128xf32, #tpu.memory_space<vmem>> -> memref<128x128xf32, #tpu.memory_space<vmem>>
    %dma_wait3A_318 = arith.constant 0 : i32
    %dma_wait3A_319 = tpu.memref_slice %arg5[%dma_wait3A_311, %dma_wait3A_312, %dma_wait3A_318] : memref<8x16x128xi32, #tpu.memory_space<vmem>> -> memref<1x1x128xi32, #tpu.memory_space<vmem>>
    %dma_wait3A_320 = tpu.memref_squeeze %dma_wait3A_319 : memref<1x1x128xi32, #tpu.memory_space<vmem>> -> memref<128xi32, #tpu.memory_space<vmem>>
    %dma_wait3A_321 = arith.constant 0 : i32
    %dma_wait3A_322 = arith.constant 0 : i32
    %dma_wait3A_323 = tpu.memref_slice %arg2[%dma_wait3A_321, %dma_wait3A_322] : memref<100352x128xf32, #tpu.memory_space<hbm>> -> memref<100352x128xf32, #tpu.memory_space<hbm>>
    tpu.wait_indirect_dma semaphore(%arg8 : memref<!tpu.dma_semaphore, #tpu.memory_space<semaphore_mem>>) src(%dma_wait3A_323 : memref<100352x128xf32, #tpu.memory_space<hbm>>) dst(%dma_wait3A_317 : memref<128x128xf32, #tpu.memory_space<vmem>>)
    %dma_wait3A_324 = arith.constant 0 : i32
    %dma_wait3A_325 = arith.constant 7 : i32
    %dma_wait3A_326 = arith.constant 1 : i32
    %dma_wait3A_327 = arith.constant 0 : i32
    %dma_wait3A_328 = arith.constant 0 : i32
    %dma_wait3A_329 = tpu.memref_slice %arg6[%dma_wait3A_326, %dma_wait3A_327, %dma_wait3A_328] : memref<4x128x128xf32, #tpu.memory_space<vmem>> -> memref<1x128x128xf32, #tpu.memory_space<vmem>>
    %dma_wait3A_330 = tpu.memref_squeeze %dma_wait3A_329 : memref<1x128x128xf32, #tpu.memory_space<vmem>> -> memref<128x128xf32, #tpu.memory_space<vmem>>
    %dma_wait3A_331 = arith.constant 0 : i32
    %dma_wait3A_332 = tpu.memref_slice %arg5[%dma_wait3A_324, %dma_wait3A_325, %dma_wait3A_331] : memref<8x16x128xi32, #tpu.memory_space<vmem>> -> memref<1x1x128xi32, #tpu.memory_space<vmem>>
    %dma_wait3A_333 = tpu.memref_squeeze %dma_wait3A_332 : memref<1x1x128xi32, #tpu.memory_space<vmem>> -> memref<128xi32, #tpu.memory_space<vmem>>
    %dma_wait3A_334 = arith.constant 0 : i32
    %dma_wait3A_335 = arith.constant 0 : i32
    %dma_wait3A_336 = tpu.memref_slice %arg2[%dma_wait3A_334, %dma_wait3A_335] : memref<100352x128xf32, #tpu.memory_space<hbm>> -> memref<100352x128xf32, #tpu.memory_space<hbm>>
    tpu.wait_indirect_dma semaphore(%arg8 : memref<!tpu.dma_semaphore, #tpu.memory_space<semaphore_mem>>) src(%dma_wait3A_336 : memref<100352x128xf32, #tpu.memory_space<hbm>>) dst(%dma_wait3A_330 : memref<128x128xf32, #tpu.memory_space<vmem>>)
    %dma_wait3A_337 = arith.constant 0 : i32
    %dma_wait3A_338 = arith.constant 9 : i32
    %dma_wait3A_339 = arith.constant 2 : i32
    %dma_wait3A_340 = arith.constant 0 : i32
    %dma_wait3A_341 = arith.constant 0 : i32
    %dma_wait3A_342 = tpu.memref_slice %arg6[%dma_wait3A_339, %dma_wait3A_340, %dma_wait3A_341] : memref<4x128x128xf32, #tpu.memory_space<vmem>> -> memref<1x128x128xf32, #tpu.memory_space<vmem>>
    %dma_wait3A_343 = tpu.memref_squeeze %dma_wait3A_342 : memref<1x128x128xf32, #tpu.memory_space<vmem>> -> memref<128x128xf32, #tpu.memory_space<vmem>>
    %dma_wait3A_344 = arith.constant 0 : i32
    %dma_wait3A_345 = tpu.memref_slice %arg5[%dma_wait3A_337, %dma_wait3A_338, %dma_wait3A_344] : memref<8x16x128xi32, #tpu.memory_space<vmem>> -> memref<1x1x128xi32, #tpu.memory_space<vmem>>
    %dma_wait3A_346 = tpu.memref_squeeze %dma_wait3A_345 : memref<1x1x128xi32, #tpu.memory_space<vmem>> -> memref<128xi32, #tpu.memory_space<vmem>>
    %dma_wait3A_347 = arith.constant 0 : i32
    %dma_wait3A_348 = arith.constant 0 : i32
    %dma_wait3A_349 = tpu.memref_slice %arg2[%dma_wait3A_347, %dma_wait3A_348] : memref<100352x128xf32, #tpu.memory_space<hbm>> -> memref<100352x128xf32, #tpu.memory_space<hbm>>
    tpu.wait_indirect_dma semaphore(%arg8 : memref<!tpu.dma_semaphore, #tpu.memory_space<semaphore_mem>>) src(%dma_wait3A_349 : memref<100352x128xf32, #tpu.memory_space<hbm>>) dst(%dma_wait3A_343 : memref<128x128xf32, #tpu.memory_space<vmem>>)
    %dma_wait3A_350 = arith.constant 0 : i32
    %dma_wait3A_351 = arith.constant 10 : i32
    %dma_wait3A_352 = arith.constant 2 : i32
    %dma_wait3A_353 = arith.constant 0 : i32
    %dma_wait3A_354 = arith.constant 0 : i32
    %dma_wait3A_355 = tpu.memref_slice %arg6[%dma_wait3A_352, %dma_wait3A_353, %dma_wait3A_354] : memref<4x128x128xf32, #tpu.memory_space<vmem>> -> memref<1x128x128xf32, #tpu.memory_space<vmem>>
    %dma_wait3A_356 = tpu.memref_squeeze %dma_wait3A_355 : memref<1x128x128xf32, #tpu.memory_space<vmem>> -> memref<128x128xf32, #tpu.memory_space<vmem>>
    %dma_wait3A_357 = arith.constant 0 : i32
    %dma_wait3A_358 = tpu.memref_slice %arg5[%dma_wait3A_350, %dma_wait3A_351, %dma_wait3A_357] : memref<8x16x128xi32, #tpu.memory_space<vmem>> -> memref<1x1x128xi32, #tpu.memory_space<vmem>>
    %dma_wait3A_359 = tpu.memref_squeeze %dma_wait3A_358 : memref<1x1x128xi32, #tpu.memory_space<vmem>> -> memref<128xi32, #tpu.memory_space<vmem>>
    %dma_wait3A_360 = arith.constant 0 : i32
    %dma_wait3A_361 = arith.constant 0 : i32
    %dma_wait3A_362 = tpu.memref_slice %arg2[%dma_wait3A_360, %dma_wait3A_361] : memref<100352x128xf32, #tpu.memory_space<hbm>> -> memref<100352x128xf32, #tpu.memory_space<hbm>>
    tpu.wait_indirect_dma semaphore(%arg8 : memref<!tpu.dma_semaphore, #tpu.memory_space<semaphore_mem>>) src(%dma_wait3A_362 : memref<100352x128xf32, #tpu.memory_space<hbm>>) dst(%dma_wait3A_356 : memref<128x128xf32, #tpu.memory_space<vmem>>)
    %dma_wait3A_363 = arith.constant 0 : i32
    %dma_wait3A_364 = arith.constant 11 : i32
    %dma_wait3A_365 = arith.constant 2 : i32
    %dma_wait3A_366 = arith.constant 0 : i32
    %dma_wait3A_367 = arith.constant 0 : i32
    %dma_wait3A_368 = tpu.memref_slice %arg6[%dma_wait3A_365, %dma_wait3A_366, %dma_wait3A_367] : memref<4x128x128xf32, #tpu.memory_space<vmem>> -> memref<1x128x128xf32, #tpu.memory_space<vmem>>
    %dma_wait3A_369 = tpu.memref_squeeze %dma_wait3A_368 : memref<1x128x128xf32, #tpu.memory_space<vmem>> -> memref<128x128xf32, #tpu.memory_space<vmem>>
    %dma_wait3A_370 = arith.constant 0 : i32
    %dma_wait3A_371 = tpu.memref_slice %arg5[%dma_wait3A_363, %dma_wait3A_364, %dma_wait3A_370] : memref<8x16x128xi32, #tpu.memory_space<vmem>> -> memref<1x1x128xi32, #tpu.memory_space<vmem>>
    %dma_wait3A_372 = tpu.memref_squeeze %dma_wait3A_371 : memref<1x1x128xi32, #tpu.memory_space<vmem>> -> memref<128xi32, #tpu.memory_space<vmem>>
    %dma_wait3A_373 = arith.constant 0 : i32
    %dma_wait3A_374 = arith.constant 0 : i32
    %dma_wait3A_375 = tpu.memref_slice %arg2[%dma_wait3A_373, %dma_wait3A_374] : memref<100352x128xf32, #tpu.memory_space<hbm>> -> memref<100352x128xf32, #tpu.memory_space<hbm>>
    tpu.wait_indirect_dma semaphore(%arg8 : memref<!tpu.dma_semaphore, #tpu.memory_space<semaphore_mem>>) src(%dma_wait3A_375 : memref<100352x128xf32, #tpu.memory_space<hbm>>) dst(%dma_wait3A_369 : memref<128x128xf32, #tpu.memory_space<vmem>>)
    %dma_wait3A_376 = arith.constant 0 : i32
    %dma_wait3A_377 = arith.constant 13 : i32
    %dma_wait3A_378 = arith.constant 3 : i32
    %dma_wait3A_379 = arith.constant 0 : i32
    %dma_wait3A_380 = arith.constant 0 : i32
    %dma_wait3A_381 = tpu.memref_slice %arg6[%dma_wait3A_378, %dma_wait3A_379, %dma_wait3A_380] : memref<4x128x128xf32, #tpu.memory_space<vmem>> -> memref<1x128x128xf32, #tpu.memory_space<vmem>>
    %dma_wait3A_382 = tpu.memref_squeeze %dma_wait3A_381 : memref<1x128x128xf32, #tpu.memory_space<vmem>> -> memref<128x128xf32, #tpu.memory_space<vmem>>
    %dma_wait3A_383 = arith.constant 0 : i32
    %dma_wait3A_384 = tpu.memref_slice %arg5[%dma_wait3A_376, %dma_wait3A_377, %dma_wait3A_383] : memref<8x16x128xi32, #tpu.memory_space<vmem>> -> memref<1x1x128xi32, #tpu.memory_space<vmem>>
    %dma_wait3A_385 = tpu.memref_squeeze %dma_wait3A_384 : memref<1x1x128xi32, #tpu.memory_space<vmem>> -> memref<128xi32, #tpu.memory_space<vmem>>
    %dma_wait3A_386 = arith.constant 0 : i32
    %dma_wait3A_387 = arith.constant 0 : i32
    %dma_wait3A_388 = tpu.memref_slice %arg2[%dma_wait3A_386, %dma_wait3A_387] : memref<100352x128xf32, #tpu.memory_space<hbm>> -> memref<100352x128xf32, #tpu.memory_space<hbm>>
    tpu.wait_indirect_dma semaphore(%arg8 : memref<!tpu.dma_semaphore, #tpu.memory_space<semaphore_mem>>) src(%dma_wait3A_388 : memref<100352x128xf32, #tpu.memory_space<hbm>>) dst(%dma_wait3A_382 : memref<128x128xf32, #tpu.memory_space<vmem>>)
    %dma_wait3A_389 = arith.constant 0 : i32
    %dma_wait3A_390 = arith.constant 14 : i32
    %dma_wait3A_391 = arith.constant 3 : i32
    %dma_wait3A_392 = arith.constant 0 : i32
    %dma_wait3A_393 = arith.constant 0 : i32
    %dma_wait3A_394 = tpu.memref_slice %arg6[%dma_wait3A_391, %dma_wait3A_392, %dma_wait3A_393] : memref<4x128x128xf32, #tpu.memory_space<vmem>> -> memref<1x128x128xf32, #tpu.memory_space<vmem>>
    %dma_wait3A_395 = tpu.memref_squeeze %dma_wait3A_394 : memref<1x128x128xf32, #tpu.memory_space<vmem>> -> memref<128x128xf32, #tpu.memory_space<vmem>>
    %dma_wait3A_396 = arith.constant 0 : i32
    %dma_wait3A_397 = tpu.memref_slice %arg5[%dma_wait3A_389, %dma_wait3A_390, %dma_wait3A_396] : memref<8x16x128xi32, #tpu.memory_space<vmem>> -> memref<1x1x128xi32, #tpu.memory_space<vmem>>
    %dma_wait3A_398 = tpu.memref_squeeze %dma_wait3A_397 : memref<1x1x128xi32, #tpu.memory_space<vmem>> -> memref<128xi32, #tpu.memory_space<vmem>>
    %dma_wait3A_399 = arith.constant 0 : i32
    %dma_wait3A_400 = arith.constant 0 : i32
    %dma_wait3A_401 = tpu.memref_slice %arg2[%dma_wait3A_399, %dma_wait3A_400] : memref<100352x128xf32, #tpu.memory_space<hbm>> -> memref<100352x128xf32, #tpu.memory_space<hbm>>
    tpu.wait_indirect_dma semaphore(%arg8 : memref<!tpu.dma_semaphore, #tpu.memory_space<semaphore_mem>>) src(%dma_wait3A_401 : memref<100352x128xf32, #tpu.memory_space<hbm>>) dst(%dma_wait3A_395 : memref<128x128xf32, #tpu.memory_space<vmem>>)
    %dma_wait3A_402 = arith.constant 0 : i32
    %dma_wait3A_403 = arith.constant 15 : i32
    %dma_wait3A_404 = arith.constant 3 : i32
    %dma_wait3A_405 = arith.constant 0 : i32
    %dma_wait3A_406 = arith.constant 0 : i32
    %dma_wait3A_407 = tpu.memref_slice %arg6[%dma_wait3A_404, %dma_wait3A_405, %dma_wait3A_406] : memref<4x128x128xf32, #tpu.memory_space<vmem>> -> memref<1x128x128xf32, #tpu.memory_space<vmem>>
    %dma_wait3A_408 = tpu.memref_squeeze %dma_wait3A_407 : memref<1x128x128xf32, #tpu.memory_space<vmem>> -> memref<128x128xf32, #tpu.memory_space<vmem>>
    %dma_wait3A_409 = arith.constant 0 : i32
    %dma_wait3A_410 = tpu.memref_slice %arg5[%dma_wait3A_402, %dma_wait3A_403, %dma_wait3A_409] : memref<8x16x128xi32, #tpu.memory_space<vmem>> -> memref<1x1x128xi32, #tpu.memory_space<vmem>>
    %dma_wait3A_411 = tpu.memref_squeeze %dma_wait3A_410 : memref<1x1x128xi32, #tpu.memory_space<vmem>> -> memref<128xi32, #tpu.memory_space<vmem>>
    %dma_wait3A_412 = arith.constant 0 : i32
    %dma_wait3A_413 = arith.constant 0 : i32
    %dma_wait3A_414 = tpu.memref_slice %arg2[%dma_wait3A_412, %dma_wait3A_413] : memref<100352x128xf32, #tpu.memory_space<hbm>> -> memref<100352x128xf32, #tpu.memory_space<hbm>>
    tpu.wait_indirect_dma semaphore(%arg8 : memref<!tpu.dma_semaphore, #tpu.memory_space<semaphore_mem>>) src(%dma_wait3A_414 : memref<100352x128xf32, #tpu.memory_space<hbm>>) dst(%dma_wait3A_408 : memref<128x128xf32, #tpu.memory_space<vmem>>)
    %scan3A = arith.constant 0 : i32
    %scan3A_415 = arith.constant 0 : i32
    %scan3A_416 = arith.constant 128 : i32
    %scan3A_417 = arith.addi %scan3A_415, %scan3A_416 : i32
    %scan3A_418 = arith.constant 1 : i32
    scf.for %scan3A_3406 = %scan3A_415 to %scan3A_417 step %scan3A_418  : i32 {
      %get3A = arith.constant 0 : i32
      %get3A_3407 = arith.index_cast %get3A : i32 to index
      %get3A_3408 = arith.index_cast %scan3A_3406 : i32 to index
      %get3A_3409 = arith.constant 0 : index
      %get3A_3410 = tpu.vector_load %arg6[%get3A_3407, %get3A_3408, %get3A_3409] {strides = array<i32>} : memref<4x128x128xf32, #tpu.memory_space<vmem>>, vector<1x1x16xf32>,
      %get3A_3411 = vector.shape_cast %get3A_3410 : vector<1x1x16xf32> to vector<16xf32>
      %get3A_3412 = arith.constant 1 : i32
      %get3A_3413 = arith.index_cast %get3A_3412 : i32 to index
      %get3A_3414 = arith.index_cast %scan3A_3406 : i32 to index
      %get3A_3415 = arith.constant 32 : index
      %get3A_3416 = tpu.vector_load %arg6[%get3A_3413, %get3A_3414, %get3A_3415] {strides = array<i32>} : memref<4x128x128xf32, #tpu.memory_space<vmem>>, vector<1x1x16xf32>,
      %get3A_3417 = vector.shape_cast %get3A_3416 : vector<1x1x16xf32> to vector<16xf32>
      %add3A_3418 = arith.addf %get3A_3411, %get3A_3417 : vector<16xf32>
      %get3A_3419 = arith.constant 2 : i32
      %get3A_3420 = arith.index_cast %get3A_3419 : i32 to index
      %get3A_3421 = arith.index_cast %scan3A_3406 : i32 to index
      %get3A_3422 = arith.constant 64 : index
      %get3A_3423 = tpu.vector_load %arg6[%get3A_3420, %get3A_3421, %get3A_3422] {strides = array<i32>} : memref<4x128x128xf32, #tpu.memory_space<vmem>>, vector<1x1x16xf32>,
      %get3A_3424 = vector.shape_cast %get3A_3423 : vector<1x1x16xf32> to vector<16xf32>
      %get3A_3425 = arith.constant 3 : i32
      %get3A_3426 = arith.index_cast %get3A_3425 : i32 to index
      %get3A_3427 = arith.index_cast %scan3A_3406 : i32 to index
      %get3A_3428 = arith.constant 96 : index
      %get3A_3429 = tpu.vector_load %arg6[%get3A_3426, %get3A_3427, %get3A_3428] {strides = array<i32>} : memref<4x128x128xf32, #tpu.memory_space<vmem>>, vector<1x1x16xf32>,
      %get3A_3430 = vector.shape_cast %get3A_3429 : vector<1x1x16xf32> to vector<16xf32>
      %add3A_3431 = arith.addf %get3A_3424, %get3A_3430 : vector<16xf32>
      %add3A_3432 = arith.addf %add3A_3418, %add3A_3431 : vector<16xf32>
      %swap3A = arith.index_cast %scan3A_3406 : i32 to index
      %swap3A_3433 = arith.constant 0 : index
      %swap3A_3434 = tpu.vector_load %arg7[%swap3A, %swap3A_3433] {strides = array<i32>} : memref<128x16xf32, #tpu.memory_space<vmem>>, vector<1x16xf32>,
      %swap3A_3435 = vector.shape_cast %swap3A_3434 : vector<1x16xf32> to vector<16xf32>
      %swap3A_3436 = vector.shape_cast %add3A_3432 : vector<16xf32> to vector<1x16xf32>
      tpu.vector_store %arg7[%swap3A, %swap3A_3433], %swap3A_3436 {strides = array<i32>} : memref<128x16xf32, #tpu.memory_space<vmem>>, vector<1x16xf32>,
    }
    %scan3A_419 = arith.constant 128 : i32
    %mul3A_420 = arith.constant 1024 : i32
    %mul3A_421 = arith.muli %add3A, %mul3A_420 : i32
    %add3A_422 = arith.constant 0 : i32
    %add3A_423 = arith.addi %mul3A_421, %add3A_422 : i32
    "tpu.region"() ({
      %run_scoped3A = tpu.sem_alloc : memref<!tpu.dma_semaphore, #tpu.memory_space<semaphore_mem>>
      %dma_start3A_3406 = arith.constant 0 : i32
      %dma_start3A_3407 = tpu.memref_slice %arg4[%add3A_423, %dma_start3A_3406] : memref<32768x16xf32, #tpu.memory_space<hbm>> -> memref<128x16xf32, #tpu.memory_space<hbm>>
      %dma_start3A_3408 = arith.constant 0 : i32
      %dma_start3A_3409 = tpu.memref_slice %arg4[%add3A_423, %dma_start3A_3408] : memref<32768x16xf32, #tpu.memory_space<hbm>> -> memref<128x16xf32, #tpu.memory_space<hbm>>
      tpu.enqueue_dma source(%arg7 : memref<128x16xf32, #tpu.memory_space<vmem>>) target(%dma_start3A_3409 : memref<128x16xf32, #tpu.memory_space<hbm>>) target_semaphore(%run_scoped3A : memref<!tpu.dma_semaphore, #tpu.memory_space<semaphore_mem>>)
      %dma_wait3A_3410 = arith.constant 0 : i32
      %dma_wait3A_3411 = tpu.memref_slice %arg4[%add3A_423, %dma_wait3A_3410] : memref<32768x16xf32, #tpu.memory_space<hbm>> -> memref<128x16xf32, #tpu.memory_space<hbm>>
      %dma_wait3A_3412 = arith.constant 0 : i32
      %dma_wait3A_3413 = tpu.memref_slice %arg4[%add3A_423, %dma_wait3A_3412] : memref<32768x16xf32, #tpu.memory_space<hbm>> -> memref<128x16xf32, #tpu.memory_space<hbm>>
      tpu.wait_dma2 semaphore(%run_scoped3A : memref<!tpu.dma_semaphore, #tpu.memory_space<semaphore_mem>>) src(%arg7 : memref<128x16xf32, #tpu.memory_space<vmem>>) dst(%dma_wait3A_3413 : memref<128x16xf32, #tpu.memory_space<hbm>>)
      tpu.yield
    }) : () -> ()
    %dma_start3A_424 = arith.constant 1 : i32
    %dma_start3A_425 = arith.constant 0 : i32
    %dma_start3A_426 = arith.constant 0 : i32
    %dma_start3A_427 = arith.constant 0 : i32
    %dma_start3A_428 = arith.constant 0 : i32
    %dma_start3A_429 = tpu.memref_slice %arg6[%dma_start3A_426, %dma_start3A_427, %dma_start3A_428] : memref<4x128x128xf32, #tpu.memory_space<vmem>> -> memref<1x128x128xf32, #tpu.memory_space<vmem>>
    %dma_start3A_430 = tpu.memref_squeeze %dma_start3A_429 : memref<1x128x128xf32, #tpu.memory_space<vmem>> -> memref<128x128xf32, #tpu.memory_space<vmem>>
    %dma_start3A_431 = arith.constant 0 : i32
    %dma_start3A_432 = tpu.memref_slice %arg5[%dma_start3A_424, %dma_start3A_425, %dma_start3A_431] : memref<8x16x128xi32, #tpu.memory_space<vmem>> -> memref<1x1x128xi32, #tpu.memory_space<vmem>>
    %dma_start3A_433 = tpu.memref_squeeze %dma_start3A_432 : memref<1x1x128xi32, #tpu.memory_space<vmem>> -> memref<128xi32, #tpu.memory_space<vmem>>
    %dma_start3A_434 = arith.constant 0 : i32
    %dma_start3A_435 = arith.constant 0 : i32
    %dma_start3A_436 = tpu.memref_slice %arg2[%dma_start3A_434, %dma_start3A_435] : memref<100352x128xf32, #tpu.memory_space<hbm>> -> memref<100352x128xf32, #tpu.memory_space<hbm>>
    tpu.enqueue_indirect_dma source(%dma_start3A_436 : memref<100352x128xf32, #tpu.memory_space<hbm>>) target(%dma_start3A_430 : memref<128x128xf32, #tpu.memory_space<vmem>>) offsets(%dma_start3A_433 : memref<128xi32, #tpu.memory_space<vmem>>) semaphore(%arg8 : memref<!tpu.dma_semaphore, #tpu.memory_space<semaphore_mem>>)
    %dma_start3A_437 = arith.constant 1 : i32
    %dma_start3A_438 = arith.constant 4 : i32
    %dma_start3A_439 = arith.constant 1 : i32
    %dma_start3A_440 = arith.constant 0 : i32
    %dma_start3A_441 = arith.constant 0 : i32
    %dma_start3A_442 = tpu.memref_slice %arg6[%dma_start3A_439, %dma_start3A_440, %dma_start3A_441] : memref<4x128x128xf32, #tpu.memory_space<vmem>> -> memref<1x128x128xf32, #tpu.memory_space<vmem>>
    %dma_start3A_443 = tpu.memref_squeeze %dma_start3A_442 : memref<1x128x128xf32, #tpu.memory_space<vmem>> -> memref<128x128xf32, #tpu.memory_space<vmem>>
    %dma_start3A_444 = arith.constant 0 : i32
    %dma_start3A_445 = tpu.memref_slice %arg5[%dma_start3A_437, %dma_start3A_438, %dma_start3A_444] : memref<8x16x128xi32, #tpu.memory_space<vmem>> -> memref<1x1x128xi32, #tpu.memory_space<vmem>>
    %dma_start3A_446 = tpu.memref_squeeze %dma_start3A_445 : memref<1x1x128xi32, #tpu.memory_space<vmem>> -> memref<128xi32, #tpu.memory_space<vmem>>
    %dma_start3A_447 = arith.constant 0 : i32
    %dma_start3A_448 = arith.constant 0 : i32
    %dma_start3A_449 = tpu.memref_slice %arg2[%dma_start3A_447, %dma_start3A_448] : memref<100352x128xf32, #tpu.memory_space<hbm>> -> memref<100352x128xf32, #tpu.memory_space<hbm>>
    tpu.enqueue_indirect_dma source(%dma_start3A_449 : memref<100352x128xf32, #tpu.memory_space<hbm>>) target(%dma_start3A_443 : memref<128x128xf32, #tpu.memory_space<vmem>>) offsets(%dma_start3A_446 : memref<128xi32, #tpu.memory_space<vmem>>) semaphore(%arg8 : memref<!tpu.dma_semaphore, #tpu.memory_space<semaphore_mem>>)
    %dma_start3A_450 = arith.constant 1 : i32
    %dma_start3A_451 = arith.constant 8 : i32
    %dma_start3A_452 = arith.constant 2 : i32
    %dma_start3A_453 = arith.constant 0 : i32
    %dma_start3A_454 = arith.constant 0 : i32
    %dma_start3A_455 = tpu.memref_slice %arg6[%dma_start3A_452, %dma_start3A_453, %dma_start3A_454] : memref<4x128x128xf32, #tpu.memory_space<vmem>> -> memref<1x128x128xf32, #tpu.memory_space<vmem>>
    %dma_start3A_456 = tpu.memref_squeeze %dma_start3A_455 : memref<1x128x128xf32, #tpu.memory_space<vmem>> -> memref<128x128xf32, #tpu.memory_space<vmem>>
    %dma_start3A_457 = arith.constant 0 : i32
    %dma_start3A_458 = tpu.memref_slice %arg5[%dma_start3A_450, %dma_start3A_451, %dma_start3A_457] : memref<8x16x128xi32, #tpu.memory_space<vmem>> -> memref<1x1x128xi32, #tpu.memory_space<vmem>>
    %dma_start3A_459 = tpu.memref_squeeze %dma_start3A_458 : memref<1x1x128xi32, #tpu.memory_space<vmem>> -> memref<128xi32, #tpu.memory_space<vmem>>
    %dma_start3A_460 = arith.constant 0 : i32
    %dma_start3A_461 = arith.constant 0 : i32
    %dma_start3A_462 = tpu.memref_slice %arg2[%dma_start3A_460, %dma_start3A_461] : memref<100352x128xf32, #tpu.memory_space<hbm>> -> memref<100352x128xf32, #tpu.memory_space<hbm>>
    tpu.enqueue_indirect_dma source(%dma_start3A_462 : memref<100352x128xf32, #tpu.memory_space<hbm>>) target(%dma_start3A_456 : memref<128x128xf32, #tpu.memory_space<vmem>>) offsets(%dma_start3A_459 : memref<128xi32, #tpu.memory_space<vmem>>) semaphore(%arg8 : memref<!tpu.dma_semaphore, #tpu.memory_space<semaphore_mem>>)
    %dma_start3A_463 = arith.constant 1 : i32
    %dma_start3A_464 = arith.constant 12 : i32
    %dma_start3A_465 = arith.constant 3 : i32
    %dma_start3A_466 = arith.constant 0 : i32
    %dma_start3A_467 = arith.constant 0 : i32
    %dma_start3A_468 = tpu.memref_slice %arg6[%dma_start3A_465, %dma_start3A_466, %dma_start3A_467] : memref<4x128x128xf32, #tpu.memory_space<vmem>> -> memref<1x128x128xf32, #tpu.memory_space<vmem>>
    %dma_start3A_469 = tpu.memref_squeeze %dma_start3A_468 : memref<1x128x128xf32, #tpu.memory_space<vmem>> -> memref<128x128xf32, #tpu.memory_space<vmem>>
    %dma_start3A_470 = arith.constant 0 : i32
    %dma_start3A_471 = tpu.memref_slice %arg5[%dma_start3A_463, %dma_start3A_464, %dma_start3A_470] : memref<8x16x128xi32, #tpu.memory_space<vmem>> -> memref<1x1x128xi32, #tpu.memory_space<vmem>>
    %dma_start3A_472 = tpu.memref_squeeze %dma_start3A_471 : memref<1x1x128xi32, #tpu.memory_space<vmem>> -> memref<128xi32, #tpu.memory_space<vmem>>
    %dma_start3A_473 = arith.constant 0 : i32
    %dma_start3A_474 = arith.constant 0 : i32
    %dma_start3A_475 = tpu.memref_slice %arg2[%dma_start3A_473, %dma_start3A_474] : memref<100352x128xf32, #tpu.memory_space<hbm>> -> memref<100352x128xf32, #tpu.memory_space<hbm>>
    tpu.enqueue_indirect_dma source(%dma_start3A_475 : memref<100352x128xf32, #tpu.memory_space<hbm>>) target(%dma_start3A_469 : memref<128x128xf32, #tpu.memory_space<vmem>>) offsets(%dma_start3A_472 : memref<128xi32, #tpu.memory_space<vmem>>) semaphore(%arg8 : memref<!tpu.dma_semaphore, #tpu.memory_space<semaphore_mem>>)
    %dma_wait3A_476 = arith.constant 1 : i32
    %dma_wait3A_477 = arith.constant 0 : i32
    %dma_wait3A_478 = arith.constant 0 : i32
    %dma_wait3A_479 = arith.constant 0 : i32
    %dma_wait3A_480 = arith.constant 0 : i32
    %dma_wait3A_481 = tpu.memref_slice %arg6[%dma_wait3A_478, %dma_wait3A_479, %dma_wait3A_480] : memref<4x128x128xf32, #tpu.memory_space<vmem>> -> memref<1x128x128xf32, #tpu.memory_space<vmem>>
    %dma_wait3A_482 = tpu.memref_squeeze %dma_wait3A_481 : memref<1x128x128xf32, #tpu.memory_space<vmem>> -> memref<128x128xf32, #tpu.memory_space<vmem>>
    %dma_wait3A_483 = arith.constant 0 : i32
    %dma_wait3A_484 = tpu.memref_slice %arg5[%dma_wait3A_476, %dma_wait3A_477, %dma_wait3A_483] : memref<8x16x128xi32, #tpu.memory_space<vmem>> -> memref<1x1x128xi32, #tpu.memory_space<vmem>>
    %dma_wait3A_485 = tpu.memref_squeeze %dma_wait3A_484 : memref<1x1x128xi32, #tpu.memory_space<vmem>> -> memref<128xi32, #tpu.memory_space<vmem>>
    %dma_wait3A_486 = arith.constant 0 : i32
    %dma_wait3A_487 = arith.constant 0 : i32
    %dma_wait3A_488 = tpu.memref_slice %arg2[%dma_wait3A_486, %dma_wait3A_487] : memref<100352x128xf32, #tpu.memory_space<hbm>> -> memref<100352x128xf32, #tpu.memory_space<hbm>>
    tpu.wait_indirect_dma semaphore(%arg8 : memref<!tpu.dma_semaphore, #tpu.memory_space<semaphore_mem>>) src(%dma_wait3A_488 : memref<100352x128xf32, #tpu.memory_space<hbm>>) dst(%dma_wait3A_482 : memref<128x128xf32, #tpu.memory_space<vmem>>)
    %dma_wait3A_489 = arith.constant 1 : i32
    %dma_wait3A_490 = arith.constant 4 : i32
    %dma_wait3A_491 = arith.constant 1 : i32
    %dma_wait3A_492 = arith.constant 0 : i32
    %dma_wait3A_493 = arith.constant 0 : i32
    %dma_wait3A_494 = tpu.memref_slice %arg6[%dma_wait3A_491, %dma_wait3A_492, %dma_wait3A_493] : memref<4x128x128xf32, #tpu.memory_space<vmem>> -> memref<1x128x128xf32, #tpu.memory_space<vmem>>
    %dma_wait3A_495 = tpu.memref_squeeze %dma_wait3A_494 : memref<1x128x128xf32, #tpu.memory_space<vmem>> -> memref<128x128xf32, #tpu.memory_space<vmem>>
    %dma_wait3A_496 = arith.constant 0 : i32
    %dma_wait3A_497 = tpu.memref_slice %arg5[%dma_wait3A_489, %dma_wait3A_490, %dma_wait3A_496] : memref<8x16x128xi32, #tpu.memory_space<vmem>> -> memref<1x1x128xi32, #tpu.memory_space<vmem>>
    %dma_wait3A_498 = tpu.memref_squeeze %dma_wait3A_497 : memref<1x1x128xi32, #tpu.memory_space<vmem>> -> memref<128xi32, #tpu.memory_space<vmem>>
    %dma_wait3A_499 = arith.constant 0 : i32
    %dma_wait3A_500 = arith.constant 0 : i32
    %dma_wait3A_501 = tpu.memref_slice %arg2[%dma_wait3A_499, %dma_wait3A_500] : memref<100352x128xf32, #tpu.memory_space<hbm>> -> memref<100352x128xf32, #tpu.memory_space<hbm>>
    tpu.wait_indirect_dma semaphore(%arg8 : memref<!tpu.dma_semaphore, #tpu.memory_space<semaphore_mem>>) src(%dma_wait3A_501 : memref<100352x128xf32, #tpu.memory_space<hbm>>) dst(%dma_wait3A_495 : memref<128x128xf32, #tpu.memory_space<vmem>>)
    %dma_wait3A_502 = arith.constant 1 : i32
    %dma_wait3A_503 = arith.constant 8 : i32
    %dma_wait3A_504 = arith.constant 2 : i32
    %dma_wait3A_505 = arith.constant 0 : i32
    %dma_wait3A_506 = arith.constant 0 : i32
    %dma_wait3A_507 = tpu.memref_slice %arg6[%dma_wait3A_504, %dma_wait3A_505, %dma_wait3A_506] : memref<4x128x128xf32, #tpu.memory_space<vmem>> -> memref<1x128x128xf32, #tpu.memory_space<vmem>>
    %dma_wait3A_508 = tpu.memref_squeeze %dma_wait3A_507 : memref<1x128x128xf32, #tpu.memory_space<vmem>> -> memref<128x128xf32, #tpu.memory_space<vmem>>
    %dma_wait3A_509 = arith.constant 0 : i32
    %dma_wait3A_510 = tpu.memref_slice %arg5[%dma_wait3A_502, %dma_wait3A_503, %dma_wait3A_509] : memref<8x16x128xi32, #tpu.memory_space<vmem>> -> memref<1x1x128xi32, #tpu.memory_space<vmem>>
    %dma_wait3A_511 = tpu.memref_squeeze %dma_wait3A_510 : memref<1x1x128xi32, #tpu.memory_space<vmem>> -> memref<128xi32, #tpu.memory_space<vmem>>
    %dma_wait3A_512 = arith.constant 0 : i32
    %dma_wait3A_513 = arith.constant 0 : i32
    %dma_wait3A_514 = tpu.memref_slice %arg2[%dma_wait3A_512, %dma_wait3A_513] : memref<100352x128xf32, #tpu.memory_space<hbm>> -> memref<100352x128xf32, #tpu.memory_space<hbm>>
    tpu.wait_indirect_dma semaphore(%arg8 : memref<!tpu.dma_semaphore, #tpu.memory_space<semaphore_mem>>) src(%dma_wait3A_514 : memref<100352x128xf32, #tpu.memory_space<hbm>>) dst(%dma_wait3A_508 : memref<128x128xf32, #tpu.memory_space<vmem>>)
    %dma_wait3A_515 = arith.constant 1 : i32
    %dma_wait3A_516 = arith.constant 12 : i32
    %dma_wait3A_517 = arith.constant 3 : i32
    %dma_wait3A_518 = arith.constant 0 : i32
    %dma_wait3A_519 = arith.constant 0 : i32
    %dma_wait3A_520 = tpu.memref_slice %arg6[%dma_wait3A_517, %dma_wait3A_518, %dma_wait3A_519] : memref<4x128x128xf32, #tpu.memory_space<vmem>> -> memref<1x128x128xf32, #tpu.memory_space<vmem>>
    %dma_wait3A_521 = tpu.memref_squeeze %dma_wait3A_520 : memref<1x128x128xf32, #tpu.memory_space<vmem>> -> memref<128x128xf32, #tpu.memory_space<vmem>>
    %dma_wait3A_522 = arith.constant 0 : i32
    %dma_wait3A_523 = tpu.memref_slice %arg5[%dma_wait3A_515, %dma_wait3A_516, %dma_wait3A_522] : memref<8x16x128xi32, #tpu.memory_space<vmem>> -> memref<1x1x128xi32, #tpu.memory_space<vmem>>
    %dma_wait3A_524 = tpu.memref_squeeze %dma_wait3A_523 : memref<1x1x128xi32, #tpu.memory_space<vmem>> -> memref<128xi32, #tpu.memory_space<vmem>>
    %dma_wait3A_525 = arith.constant 0 : i32
    %dma_wait3A_526 = arith.constant 0 : i32
    %dma_wait3A_527 = tpu.memref_slice %arg2[%dma_wait3A_525, %dma_wait3A_526] : memref<100352x128xf32, #tpu.memory_space<hbm>> -> memref<100352x128xf32, #tpu.memory_space<hbm>>
    tpu.wait_indirect_dma semaphore(%arg8 : memref<!tpu.dma_semaphore, #tpu.memory_space<semaphore_mem>>) src(%dma_wait3A_527 : memref<100352x128xf32, #tpu.memory_space<hbm>>) dst(%dma_wait3A_521 : memref<128x128xf32, #tpu.memory_space<vmem>>)
    %dma_start3A_528 = arith.constant 1 : i32
    %dma_start3A_529 = arith.constant 1 : i32
    %dma_start3A_530 = arith.constant 0 : i32
    %dma_start3A_531 = arith.constant 0 : i32
    %dma_start3A_532 = arith.constant 0 : i32
    %dma_start3A_533 = tpu.memref_slice %arg6[%dma_start3A_530, %dma_start3A_531, %dma_start3A_532] : memref<4x128x128xf32, #tpu.memory_space<vmem>> -> memref<1x128x128xf32, #tpu.memory_space<vmem>>
    %dma_start3A_534 = tpu.memref_squeeze %dma_start3A_533 : memref<1x128x128xf32, #tpu.memory_space<vmem>> -> memref<128x128xf32, #tpu.memory_space<vmem>>
    %dma_start3A_535 = arith.constant 0 : i32
    %dma_start3A_536 = tpu.memref_slice %arg5[%dma_start3A_528, %dma_start3A_529, %dma_start3A_535] : memref<8x16x128xi32, #tpu.memory_space<vmem>> -> memref<1x1x128xi32, #tpu.memory_space<vmem>>
    %dma_start3A_537 = tpu.memref_squeeze %dma_start3A_536 : memref<1x1x128xi32, #tpu.memory_space<vmem>> -> memref<128xi32, #tpu.memory_space<vmem>>
    %dma_start3A_538 = arith.constant 0 : i32
    %dma_start3A_539 = arith.constant 0 : i32
    %dma_start3A_540 = tpu.memref_slice %arg2[%dma_start3A_538, %dma_start3A_539] : memref<100352x128xf32, #tpu.memory_space<hbm>> -> memref<100352x128xf32, #tpu.memory_space<hbm>>
    tpu.enqueue_indirect_dma source(%dma_start3A_540 : memref<100352x128xf32, #tpu.memory_space<hbm>>) target(%dma_start3A_534 : memref<128x128xf32, #tpu.memory_space<vmem>>) offsets(%dma_start3A_537 : memref<128xi32, #tpu.memory_space<vmem>>) semaphore(%arg8 : memref<!tpu.dma_semaphore, #tpu.memory_space<semaphore_mem>>) {add = true}
    %dma_start3A_541 = arith.constant 1 : i32
    %dma_start3A_542 = arith.constant 2 : i32
    %dma_start3A_543 = arith.constant 0 : i32
    %dma_start3A_544 = arith.constant 0 : i32
    %dma_start3A_545 = arith.constant 0 : i32
    %dma_start3A_546 = tpu.memref_slice %arg6[%dma_start3A_543, %dma_start3A_544, %dma_start3A_545] : memref<4x128x128xf32, #tpu.memory_space<vmem>> -> memref<1x128x128xf32, #tpu.memory_space<vmem>>
    %dma_start3A_547 = tpu.memref_squeeze %dma_start3A_546 : memref<1x128x128xf32, #tpu.memory_space<vmem>> -> memref<128x128xf32, #tpu.memory_space<vmem>>
    %dma_start3A_548 = arith.constant 0 : i32
    %dma_start3A_549 = tpu.memref_slice %arg5[%dma_start3A_541, %dma_start3A_542, %dma_start3A_548] : memref<8x16x128xi32, #tpu.memory_space<vmem>> -> memref<1x1x128xi32, #tpu.memory_space<vmem>>
    %dma_start3A_550 = tpu.memref_squeeze %dma_start3A_549 : memref<1x1x128xi32, #tpu.memory_space<vmem>> -> memref<128xi32, #tpu.memory_space<vmem>>
    %dma_start3A_551 = arith.constant 0 : i32
    %dma_start3A_552 = arith.constant 0 : i32
    %dma_start3A_553 = tpu.memref_slice %arg2[%dma_start3A_551, %dma_start3A_552] : memref<100352x128xf32, #tpu.memory_space<hbm>> -> memref<100352x128xf32, #tpu.memory_space<hbm>>
    tpu.enqueue_indirect_dma source(%dma_start3A_553 : memref<100352x128xf32, #tpu.memory_space<hbm>>) target(%dma_start3A_547 : memref<128x128xf32, #tpu.memory_space<vmem>>) offsets(%dma_start3A_550 : memref<128xi32, #tpu.memory_space<vmem>>) semaphore(%arg8 : memref<!tpu.dma_semaphore, #tpu.memory_space<semaphore_mem>>) {add = true}
    %dma_start3A_554 = arith.constant 1 : i32
    %dma_start3A_555 = arith.constant 3 : i32
    %dma_start3A_556 = arith.constant 0 : i32
    %dma_start3A_557 = arith.constant 0 : i32
    %dma_start3A_558 = arith.constant 0 : i32
    %dma_start3A_559 = tpu.memref_slice %arg6[%dma_start3A_556, %dma_start3A_557, %dma_start3A_558] : memref<4x128x128xf32, #tpu.memory_space<vmem>> -> memref<1x128x128xf32, #tpu.memory_space<vmem>>
    %dma_start3A_560 = tpu.memref_squeeze %dma_start3A_559 : memref<1x128x128xf32, #tpu.memory_space<vmem>> -> memref<128x128xf32, #tpu.memory_space<vmem>>
    %dma_start3A_561 = arith.constant 0 : i32
    %dma_start3A_562 = tpu.memref_slice %arg5[%dma_start3A_554, %dma_start3A_555, %dma_start3A_561] : memref<8x16x128xi32, #tpu.memory_space<vmem>> -> memref<1x1x128xi32, #tpu.memory_space<vmem>>
    %dma_start3A_563 = tpu.memref_squeeze %dma_start3A_562 : memref<1x1x128xi32, #tpu.memory_space<vmem>> -> memref<128xi32, #tpu.memory_space<vmem>>
    %dma_start3A_564 = arith.constant 0 : i32
    %dma_start3A_565 = arith.constant 0 : i32
    %dma_start3A_566 = tpu.memref_slice %arg2[%dma_start3A_564, %dma_start3A_565] : memref<100352x128xf32, #tpu.memory_space<hbm>> -> memref<100352x128xf32, #tpu.memory_space<hbm>>
    tpu.enqueue_indirect_dma source(%dma_start3A_566 : memref<100352x128xf32, #tpu.memory_space<hbm>>) target(%dma_start3A_560 : memref<128x128xf32, #tpu.memory_space<vmem>>) offsets(%dma_start3A_563 : memref<128xi32, #tpu.memory_space<vmem>>) semaphore(%arg8 : memref<!tpu.dma_semaphore, #tpu.memory_space<semaphore_mem>>) {add = true}
    %dma_start3A_567 = arith.constant 1 : i32
    %dma_start3A_568 = arith.constant 5 : i32
    %dma_start3A_569 = arith.constant 1 : i32
    %dma_start3A_570 = arith.constant 0 : i32
    %dma_start3A_571 = arith.constant 0 : i32
    %dma_start3A_572 = tpu.memref_slice %arg6[%dma_start3A_569, %dma_start3A_570, %dma_start3A_571] : memref<4x128x128xf32, #tpu.memory_space<vmem>> -> memref<1x128x128xf32, #tpu.memory_space<vmem>>
    %dma_start3A_573 = tpu.memref_squeeze %dma_start3A_572 : memref<1x128x128xf32, #tpu.memory_space<vmem>> -> memref<128x128xf32, #tpu.memory_space<vmem>>
    %dma_start3A_574 = arith.constant 0 : i32
    %dma_start3A_575 = tpu.memref_slice %arg5[%dma_start3A_567, %dma_start3A_568, %dma_start3A_574] : memref<8x16x128xi32, #tpu.memory_space<vmem>> -> memref<1x1x128xi32, #tpu.memory_space<vmem>>
    %dma_start3A_576 = tpu.memref_squeeze %dma_start3A_575 : memref<1x1x128xi32, #tpu.memory_space<vmem>> -> memref<128xi32, #tpu.memory_space<vmem>>
    %dma_start3A_577 = arith.constant 0 : i32
    %dma_start3A_578 = arith.constant 0 : i32
    %dma_start3A_579 = tpu.memref_slice %arg2[%dma_start3A_577, %dma_start3A_578] : memref<100352x128xf32, #tpu.memory_space<hbm>> -> memref<100352x128xf32, #tpu.memory_space<hbm>>
    tpu.enqueue_indirect_dma source(%dma_start3A_579 : memref<100352x128xf32, #tpu.memory_space<hbm>>) target(%dma_start3A_573 : memref<128x128xf32, #tpu.memory_space<vmem>>) offsets(%dma_start3A_576 : memref<128xi32, #tpu.memory_space<vmem>>) semaphore(%arg8 : memref<!tpu.dma_semaphore, #tpu.memory_space<semaphore_mem>>) {add = true}
    %dma_start3A_580 = arith.constant 1 : i32
    %dma_start3A_581 = arith.constant 6 : i32
    %dma_start3A_582 = arith.constant 1 : i32
    %dma_start3A_583 = arith.constant 0 : i32
    %dma_start3A_584 = arith.constant 0 : i32
    %dma_start3A_585 = tpu.memref_slice %arg6[%dma_start3A_582, %dma_start3A_583, %dma_start3A_584] : memref<4x128x128xf32, #tpu.memory_space<vmem>> -> memref<1x128x128xf32, #tpu.memory_space<vmem>>
    %dma_start3A_586 = tpu.memref_squeeze %dma_start3A_585 : memref<1x128x128xf32, #tpu.memory_space<vmem>> -> memref<128x128xf32, #tpu.memory_space<vmem>>
    %dma_start3A_587 = arith.constant 0 : i32
    %dma_start3A_588 = tpu.memref_slice %arg5[%dma_start3A_580, %dma_start3A_581, %dma_start3A_587] : memref<8x16x128xi32, #tpu.memory_space<vmem>> -> memref<1x1x128xi32, #tpu.memory_space<vmem>>
    %dma_start3A_589 = tpu.memref_squeeze %dma_start3A_588 : memref<1x1x128xi32, #tpu.memory_space<vmem>> -> memref<128xi32, #tpu.memory_space<vmem>>
    %dma_start3A_590 = arith.constant 0 : i32
    %dma_start3A_591 = arith.constant 0 : i32
    %dma_start3A_592 = tpu.memref_slice %arg2[%dma_start3A_590, %dma_start3A_591] : memref<100352x128xf32, #tpu.memory_space<hbm>> -> memref<100352x128xf32, #tpu.memory_space<hbm>>
    tpu.enqueue_indirect_dma source(%dma_start3A_592 : memref<100352x128xf32, #tpu.memory_space<hbm>>) target(%dma_start3A_586 : memref<128x128xf32, #tpu.memory_space<vmem>>) offsets(%dma_start3A_589 : memref<128xi32, #tpu.memory_space<vmem>>) semaphore(%arg8 : memref<!tpu.dma_semaphore, #tpu.memory_space<semaphore_mem>>) {add = true}
    %dma_start3A_593 = arith.constant 1 : i32
    %dma_start3A_594 = arith.constant 7 : i32
    %dma_start3A_595 = arith.constant 1 : i32
    %dma_start3A_596 = arith.constant 0 : i32
    %dma_start3A_597 = arith.constant 0 : i32
    %dma_start3A_598 = tpu.memref_slice %arg6[%dma_start3A_595, %dma_start3A_596, %dma_start3A_597] : memref<4x128x128xf32, #tpu.memory_space<vmem>> -> memref<1x128x128xf32, #tpu.memory_space<vmem>>
    %dma_start3A_599 = tpu.memref_squeeze %dma_start3A_598 : memref<1x128x128xf32, #tpu.memory_space<vmem>> -> memref<128x128xf32, #tpu.memory_space<vmem>>
    %dma_start3A_600 = arith.constant 0 : i32
    %dma_start3A_601 = tpu.memref_slice %arg5[%dma_start3A_593, %dma_start3A_594, %dma_start3A_600] : memref<8x16x128xi32, #tpu.memory_space<vmem>> -> memref<1x1x128xi32, #tpu.memory_space<vmem>>
    %dma_start3A_602 = tpu.memref_squeeze %dma_start3A_601 : memref<1x1x128xi32, #tpu.memory_space<vmem>> -> memref<128xi32, #tpu.memory_space<vmem>>
    %dma_start3A_603 = arith.constant 0 : i32
    %dma_start3A_604 = arith.constant 0 : i32
    %dma_start3A_605 = tpu.memref_slice %arg2[%dma_start3A_603, %dma_start3A_604] : memref<100352x128xf32, #tpu.memory_space<hbm>> -> memref<100352x128xf32, #tpu.memory_space<hbm>>
    tpu.enqueue_indirect_dma source(%dma_start3A_605 : memref<100352x128xf32, #tpu.memory_space<hbm>>) target(%dma_start3A_599 : memref<128x128xf32, #tpu.memory_space<vmem>>) offsets(%dma_start3A_602 : memref<128xi32, #tpu.memory_space<vmem>>) semaphore(%arg8 : memref<!tpu.dma_semaphore, #tpu.memory_space<semaphore_mem>>) {add = true}
    %dma_start3A_606 = arith.constant 1 : i32
    %dma_start3A_607 = arith.constant 9 : i32
    %dma_start3A_608 = arith.constant 2 : i32
    %dma_start3A_609 = arith.constant 0 : i32
    %dma_start3A_610 = arith.constant 0 : i32
    %dma_start3A_611 = tpu.memref_slice %arg6[%dma_start3A_608, %dma_start3A_609, %dma_start3A_610] : memref<4x128x128xf32, #tpu.memory_space<vmem>> -> memref<1x128x128xf32, #tpu.memory_space<vmem>>
    %dma_start3A_612 = tpu.memref_squeeze %dma_start3A_611 : memref<1x128x128xf32, #tpu.memory_space<vmem>> -> memref<128x128xf32, #tpu.memory_space<vmem>>
    %dma_start3A_613 = arith.constant 0 : i32
    %dma_start3A_614 = tpu.memref_slice %arg5[%dma_start3A_606, %dma_start3A_607, %dma_start3A_613] : memref<8x16x128xi32, #tpu.memory_space<vmem>> -> memref<1x1x128xi32, #tpu.memory_space<vmem>>
    %dma_start3A_615 = tpu.memref_squeeze %dma_start3A_614 : memref<1x1x128xi32, #tpu.memory_space<vmem>> -> memref<128xi32, #tpu.memory_space<vmem>>
    %dma_start3A_616 = arith.constant 0 : i32
    %dma_start3A_617 = arith.constant 0 : i32
    %dma_start3A_618 = tpu.memref_slice %arg2[%dma_start3A_616, %dma_start3A_617] : memref<100352x128xf32, #tpu.memory_space<hbm>> -> memref<100352x128xf32, #tpu.memory_space<hbm>>
    tpu.enqueue_indirect_dma source(%dma_start3A_618 : memref<100352x128xf32, #tpu.memory_space<hbm>>) target(%dma_start3A_612 : memref<128x128xf32, #tpu.memory_space<vmem>>) offsets(%dma_start3A_615 : memref<128xi32, #tpu.memory_space<vmem>>) semaphore(%arg8 : memref<!tpu.dma_semaphore, #tpu.memory_space<semaphore_mem>>) {add = true}
    %dma_start3A_619 = arith.constant 1 : i32
    %dma_start3A_620 = arith.constant 10 : i32
    %dma_start3A_621 = arith.constant 2 : i32
    %dma_start3A_622 = arith.constant 0 : i32
    %dma_start3A_623 = arith.constant 0 : i32
    %dma_start3A_624 = tpu.memref_slice %arg6[%dma_start3A_621, %dma_start3A_622, %dma_start3A_623] : memref<4x128x128xf32, #tpu.memory_space<vmem>> -> memref<1x128x128xf32, #tpu.memory_space<vmem>>
    %dma_start3A_625 = tpu.memref_squeeze %dma_start3A_624 : memref<1x128x128xf32, #tpu.memory_space<vmem>> -> memref<128x128xf32, #tpu.memory_space<vmem>>
    %dma_start3A_626 = arith.constant 0 : i32
    %dma_start3A_627 = tpu.memref_slice %arg5[%dma_start3A_619, %dma_start3A_620, %dma_start3A_626] : memref<8x16x128xi32, #tpu.memory_space<vmem>> -> memref<1x1x128xi32, #tpu.memory_space<vmem>>
    %dma_start3A_628 = tpu.memref_squeeze %dma_start3A_627 : memref<1x1x128xi32, #tpu.memory_space<vmem>> -> memref<128xi32, #tpu.memory_space<vmem>>
    %dma_start3A_629 = arith.constant 0 : i32
    %dma_start3A_630 = arith.constant 0 : i32
    %dma_start3A_631 = tpu.memref_slice %arg2[%dma_start3A_629, %dma_start3A_630] : memref<100352x128xf32, #tpu.memory_space<hbm>> -> memref<100352x128xf32, #tpu.memory_space<hbm>>
    tpu.enqueue_indirect_dma source(%dma_start3A_631 : memref<100352x128xf32, #tpu.memory_space<hbm>>) target(%dma_start3A_625 : memref<128x128xf32, #tpu.memory_space<vmem>>) offsets(%dma_start3A_628 : memref<128xi32, #tpu.memory_space<vmem>>) semaphore(%arg8 : memref<!tpu.dma_semaphore, #tpu.memory_space<semaphore_mem>>) {add = true}
    %dma_start3A_632 = arith.constant 1 : i32
    %dma_start3A_633 = arith.constant 11 : i32
    %dma_start3A_634 = arith.constant 2 : i32
    %dma_start3A_635 = arith.constant 0 : i32
    %dma_start3A_636 = arith.constant 0 : i32
    %dma_start3A_637 = tpu.memref_slice %arg6[%dma_start3A_634, %dma_start3A_635, %dma_start3A_636] : memref<4x128x128xf32, #tpu.memory_space<vmem>> -> memref<1x128x128xf32, #tpu.memory_space<vmem>>
    %dma_start3A_638 = tpu.memref_squeeze %dma_start3A_637 : memref<1x128x128xf32, #tpu.memory_space<vmem>> -> memref<128x128xf32, #tpu.memory_space<vmem>>
    %dma_start3A_639 = arith.constant 0 : i32
    %dma_start3A_640 = tpu.memref_slice %arg5[%dma_start3A_632, %dma_start3A_633, %dma_start3A_639] : memref<8x16x128xi32, #tpu.memory_space<vmem>> -> memref<1x1x128xi32, #tpu.memory_space<vmem>>
    %dma_start3A_641 = tpu.memref_squeeze %dma_start3A_640 : memref<1x1x128xi32, #tpu.memory_space<vmem>> -> memref<128xi32, #tpu.memory_space<vmem>>
    %dma_start3A_642 = arith.constant 0 : i32
    %dma_start3A_643 = arith.constant 0 : i32
    %dma_start3A_644 = tpu.memref_slice %arg2[%dma_start3A_642, %dma_start3A_643] : memref<100352x128xf32, #tpu.memory_space<hbm>> -> memref<100352x128xf32, #tpu.memory_space<hbm>>
    tpu.enqueue_indirect_dma source(%dma_start3A_644 : memref<100352x128xf32, #tpu.memory_space<hbm>>) target(%dma_start3A_638 : memref<128x128xf32, #tpu.memory_space<vmem>>) offsets(%dma_start3A_641 : memref<128xi32, #tpu.memory_space<vmem>>) semaphore(%arg8 : memref<!tpu.dma_semaphore, #tpu.memory_space<semaphore_mem>>) {add = true}
    %dma_start3A_645 = arith.constant 1 : i32
    %dma_start3A_646 = arith.constant 13 : i32
    %dma_start3A_647 = arith.constant 3 : i32
    %dma_start3A_648 = arith.constant 0 : i32
    %dma_start3A_649 = arith.constant 0 : i32
    %dma_start3A_650 = tpu.memref_slice %arg6[%dma_start3A_647, %dma_start3A_648, %dma_start3A_649] : memref<4x128x128xf32, #tpu.memory_space<vmem>> -> memref<1x128x128xf32, #tpu.memory_space<vmem>>
    %dma_start3A_651 = tpu.memref_squeeze %dma_start3A_650 : memref<1x128x128xf32, #tpu.memory_space<vmem>> -> memref<128x128xf32, #tpu.memory_space<vmem>>
    %dma_start3A_652 = arith.constant 0 : i32
    %dma_start3A_653 = tpu.memref_slice %arg5[%dma_start3A_645, %dma_start3A_646, %dma_start3A_652] : memref<8x16x128xi32, #tpu.memory_space<vmem>> -> memref<1x1x128xi32, #tpu.memory_space<vmem>>
    %dma_start3A_654 = tpu.memref_squeeze %dma_start3A_653 : memref<1x1x128xi32, #tpu.memory_space<vmem>> -> memref<128xi32, #tpu.memory_space<vmem>>
    %dma_start3A_655 = arith.constant 0 : i32
    %dma_start3A_656 = arith.constant 0 : i32
    %dma_start3A_657 = tpu.memref_slice %arg2[%dma_start3A_655, %dma_start3A_656] : memref<100352x128xf32, #tpu.memory_space<hbm>> -> memref<100352x128xf32, #tpu.memory_space<hbm>>
    tpu.enqueue_indirect_dma source(%dma_start3A_657 : memref<100352x128xf32, #tpu.memory_space<hbm>>) target(%dma_start3A_651 : memref<128x128xf32, #tpu.memory_space<vmem>>) offsets(%dma_start3A_654 : memref<128xi32, #tpu.memory_space<vmem>>) semaphore(%arg8 : memref<!tpu.dma_semaphore, #tpu.memory_space<semaphore_mem>>) {add = true}
    %dma_start3A_658 = arith.constant 1 : i32
    %dma_start3A_659 = arith.constant 14 : i32
    %dma_start3A_660 = arith.constant 3 : i32
    %dma_start3A_661 = arith.constant 0 : i32
    %dma_start3A_662 = arith.constant 0 : i32
    %dma_start3A_663 = tpu.memref_slice %arg6[%dma_start3A_660, %dma_start3A_661, %dma_start3A_662] : memref<4x128x128xf32, #tpu.memory_space<vmem>> -> memref<1x128x128xf32, #tpu.memory_space<vmem>>
    %dma_start3A_664 = tpu.memref_squeeze %dma_start3A_663 : memref<1x128x128xf32, #tpu.memory_space<vmem>> -> memref<128x128xf32, #tpu.memory_space<vmem>>
    %dma_start3A_665 = arith.constant 0 : i32
    %dma_start3A_666 = tpu.memref_slice %arg5[%dma_start3A_658, %dma_start3A_659, %dma_start3A_665] : memref<8x16x128xi32, #tpu.memory_space<vmem>> -> memref<1x1x128xi32, #tpu.memory_space<vmem>>
    %dma_start3A_667 = tpu.memref_squeeze %dma_start3A_666 : memref<1x1x128xi32, #tpu.memory_space<vmem>> -> memref<128xi32, #tpu.memory_space<vmem>>
    %dma_start3A_668 = arith.constant 0 : i32
    %dma_start3A_669 = arith.constant 0 : i32
    %dma_start3A_670 = tpu.memref_slice %arg2[%dma_start3A_668, %dma_start3A_669] : memref<100352x128xf32, #tpu.memory_space<hbm>> -> memref<100352x128xf32, #tpu.memory_space<hbm>>
    tpu.enqueue_indirect_dma source(%dma_start3A_670 : memref<100352x128xf32, #tpu.memory_space<hbm>>) target(%dma_start3A_664 : memref<128x128xf32, #tpu.memory_space<vmem>>) offsets(%dma_start3A_667 : memref<128xi32, #tpu.memory_space<vmem>>) semaphore(%arg8 : memref<!tpu.dma_semaphore, #tpu.memory_space<semaphore_mem>>) {add = true}
    %dma_start3A_671 = arith.constant 1 : i32
    %dma_start3A_672 = arith.constant 15 : i32
    %dma_start3A_673 = arith.constant 3 : i32
    %dma_start3A_674 = arith.constant 0 : i32
    %dma_start3A_675 = arith.constant 0 : i32
    %dma_start3A_676 = tpu.memref_slice %arg6[%dma_start3A_673, %dma_start3A_674, %dma_start3A_675] : memref<4x128x128xf32, #tpu.memory_space<vmem>> -> memref<1x128x128xf32, #tpu.memory_space<vmem>>
    %dma_start3A_677 = tpu.memref_squeeze %dma_start3A_676 : memref<1x128x128xf32, #tpu.memory_space<vmem>> -> memref<128x128xf32, #tpu.memory_space<vmem>>
    %dma_start3A_678 = arith.constant 0 : i32
    %dma_start3A_679 = tpu.memref_slice %arg5[%dma_start3A_671, %dma_start3A_672, %dma_start3A_678] : memref<8x16x128xi32, #tpu.memory_space<vmem>> -> memref<1x1x128xi32, #tpu.memory_space<vmem>>
    %dma_start3A_680 = tpu.memref_squeeze %dma_start3A_679 : memref<1x1x128xi32, #tpu.memory_space<vmem>> -> memref<128xi32, #tpu.memory_space<vmem>>
    %dma_start3A_681 = arith.constant 0 : i32
    %dma_start3A_682 = arith.constant 0 : i32
    %dma_start3A_683 = tpu.memref_slice %arg2[%dma_start3A_681, %dma_start3A_682] : memref<100352x128xf32, #tpu.memory_space<hbm>> -> memref<100352x128xf32, #tpu.memory_space<hbm>>
    tpu.enqueue_indirect_dma source(%dma_start3A_683 : memref<100352x128xf32, #tpu.memory_space<hbm>>) target(%dma_start3A_677 : memref<128x128xf32, #tpu.memory_space<vmem>>) offsets(%dma_start3A_680 : memref<128xi32, #tpu.memory_space<vmem>>) semaphore(%arg8 : memref<!tpu.dma_semaphore, #tpu.memory_space<semaphore_mem>>) {add = true}
    %dma_wait3A_684 = arith.constant 1 : i32
    %dma_wait3A_685 = arith.constant 1 : i32
    %dma_wait3A_686 = arith.constant 0 : i32
    %dma_wait3A_687 = arith.constant 0 : i32
    %dma_wait3A_688 = arith.constant 0 : i32
    %dma_wait3A_689 = tpu.memref_slice %arg6[%dma_wait3A_686, %dma_wait3A_687, %dma_wait3A_688] : memref<4x128x128xf32, #tpu.memory_space<vmem>> -> memref<1x128x128xf32, #tpu.memory_space<vmem>>
    %dma_wait3A_690 = tpu.memref_squeeze %dma_wait3A_689 : memref<1x128x128xf32, #tpu.memory_space<vmem>> -> memref<128x128xf32, #tpu.memory_space<vmem>>
    %dma_wait3A_691 = arith.constant 0 : i32
    %dma_wait3A_692 = tpu.memref_slice %arg5[%dma_wait3A_684, %dma_wait3A_685, %dma_wait3A_691] : memref<8x16x128xi32, #tpu.memory_space<vmem>> -> memref<1x1x128xi32, #tpu.memory_space<vmem>>
    %dma_wait3A_693 = tpu.memref_squeeze %dma_wait3A_692 : memref<1x1x128xi32, #tpu.memory_space<vmem>> -> memref<128xi32, #tpu.memory_space<vmem>>
    %dma_wait3A_694 = arith.constant 0 : i32
    %dma_wait3A_695 = arith.constant 0 : i32
    %dma_wait3A_696 = tpu.memref_slice %arg2[%dma_wait3A_694, %dma_wait3A_695] : memref<100352x128xf32, #tpu.memory_space<hbm>> -> memref<100352x128xf32, #tpu.memory_space<hbm>>
    tpu.wait_indirect_dma semaphore(%arg8 : memref<!tpu.dma_semaphore, #tpu.memory_space<semaphore_mem>>) src(%dma_wait3A_696 : memref<100352x128xf32, #tpu.memory_space<hbm>>) dst(%dma_wait3A_690 : memref<128x128xf32, #tpu.memory_space<vmem>>)
    %dma_wait3A_697 = arith.constant 1 : i32
    %dma_wait3A_698 = arith.constant 2 : i32
    %dma_wait3A_699 = arith.constant 0 : i32
    %dma_wait3A_700 = arith.constant 0 : i32
    %dma_wait3A_701 = arith.constant 0 : i32
    %dma_wait3A_702 = tpu.memref_slice %arg6[%dma_wait3A_699, %dma_wait3A_700, %dma_wait3A_701] : memref<4x128x128xf32, #tpu.memory_space<vmem>> -> memref<1x128x128xf32, #tpu.memory_space<vmem>>
    %dma_wait3A_703 = tpu.memref_squeeze %dma_wait3A_702 : memref<1x128x128xf32, #tpu.memory_space<vmem>> -> memref<128x128xf32, #tpu.memory_space<vmem>>
    %dma_wait3A_704 = arith.constant 0 : i32
    %dma_wait3A_705 = tpu.memref_slice %arg5[%dma_wait3A_697, %dma_wait3A_698, %dma_wait3A_704] : memref<8x16x128xi32, #tpu.memory_space<vmem>> -> memref<1x1x128xi32, #tpu.memory_space<vmem>>
    %dma_wait3A_706 = tpu.memref_squeeze %dma_wait3A_705 : memref<1x1x128xi32, #tpu.memory_space<vmem>> -> memref<128xi32, #tpu.memory_space<vmem>>
    %dma_wait3A_707 = arith.constant 0 : i32
    %dma_wait3A_708 = arith.constant 0 : i32
    %dma_wait3A_709 = tpu.memref_slice %arg2[%dma_wait3A_707, %dma_wait3A_708] : memref<100352x128xf32, #tpu.memory_space<hbm>> -> memref<100352x128xf32, #tpu.memory_space<hbm>>
    tpu.wait_indirect_dma semaphore(%arg8 : memref<!tpu.dma_semaphore, #tpu.memory_space<semaphore_mem>>) src(%dma_wait3A_709 : memref<100352x128xf32, #tpu.memory_space<hbm>>) dst(%dma_wait3A_703 : memref<128x128xf32, #tpu.memory_space<vmem>>)
    %dma_wait3A_710 = arith.constant 1 : i32
    %dma_wait3A_711 = arith.constant 3 : i32
    %dma_wait3A_712 = arith.constant 0 : i32
    %dma_wait3A_713 = arith.constant 0 : i32
    %dma_wait3A_714 = arith.constant 0 : i32
    %dma_wait3A_715 = tpu.memref_slice %arg6[%dma_wait3A_712, %dma_wait3A_713, %dma_wait3A_714] : memref<4x128x128xf32, #tpu.memory_space<vmem>> -> memref<1x128x128xf32, #tpu.memory_space<vmem>>
    %dma_wait3A_716 = tpu.memref_squeeze %dma_wait3A_715 : memref<1x128x128xf32, #tpu.memory_space<vmem>> -> memref<128x128xf32, #tpu.memory_space<vmem>>
    %dma_wait3A_717 = arith.constant 0 : i32
    %dma_wait3A_718 = tpu.memref_slice %arg5[%dma_wait3A_710, %dma_wait3A_711, %dma_wait3A_717] : memref<8x16x128xi32, #tpu.memory_space<vmem>> -> memref<1x1x128xi32, #tpu.memory_space<vmem>>
    %dma_wait3A_719 = tpu.memref_squeeze %dma_wait3A_718 : memref<1x1x128xi32, #tpu.memory_space<vmem>> -> memref<128xi32, #tpu.memory_space<vmem>>
    %dma_wait3A_720 = arith.constant 0 : i32
    %dma_wait3A_721 = arith.constant 0 : i32
    %dma_wait3A_722 = tpu.memref_slice %arg2[%dma_wait3A_720, %dma_wait3A_721] : memref<100352x128xf32, #tpu.memory_space<hbm>> -> memref<100352x128xf32, #tpu.memory_space<hbm>>
    tpu.wait_indirect_dma semaphore(%arg8 : memref<!tpu.dma_semaphore, #tpu.memory_space<semaphore_mem>>) src(%dma_wait3A_722 : memref<100352x128xf32, #tpu.memory_space<hbm>>) dst(%dma_wait3A_716 : memref<128x128xf32, #tpu.memory_space<vmem>>)
    %dma_wait3A_723 = arith.constant 1 : i32
    %dma_wait3A_724 = arith.constant 5 : i32
    %dma_wait3A_725 = arith.constant 1 : i32
    %dma_wait3A_726 = arith.constant 0 : i32
    %dma_wait3A_727 = arith.constant 0 : i32
    %dma_wait3A_728 = tpu.memref_slice %arg6[%dma_wait3A_725, %dma_wait3A_726, %dma_wait3A_727] : memref<4x128x128xf32, #tpu.memory_space<vmem>> -> memref<1x128x128xf32, #tpu.memory_space<vmem>>
    %dma_wait3A_729 = tpu.memref_squeeze %dma_wait3A_728 : memref<1x128x128xf32, #tpu.memory_space<vmem>> -> memref<128x128xf32, #tpu.memory_space<vmem>>
    %dma_wait3A_730 = arith.constant 0 : i32
    %dma_wait3A_731 = tpu.memref_slice %arg5[%dma_wait3A_723, %dma_wait3A_724, %dma_wait3A_730] : memref<8x16x128xi32, #tpu.memory_space<vmem>> -> memref<1x1x128xi32, #tpu.memory_space<vmem>>
    %dma_wait3A_732 = tpu.memref_squeeze %dma_wait3A_731 : memref<1x1x128xi32, #tpu.memory_space<vmem>> -> memref<128xi32, #tpu.memory_space<vmem>>
    %dma_wait3A_733 = arith.constant 0 : i32
    %dma_wait3A_734 = arith.constant 0 : i32
    %dma_wait3A_735 = tpu.memref_slice %arg2[%dma_wait3A_733, %dma_wait3A_734] : memref<100352x128xf32, #tpu.memory_space<hbm>> -> memref<100352x128xf32, #tpu.memory_space<hbm>>
    tpu.wait_indirect_dma semaphore(%arg8 : memref<!tpu.dma_semaphore, #tpu.memory_space<semaphore_mem>>) src(%dma_wait3A_735 : memref<100352x128xf32, #tpu.memory_space<hbm>>) dst(%dma_wait3A_729 : memref<128x128xf32, #tpu.memory_space<vmem>>)
    %dma_wait3A_736 = arith.constant 1 : i32
    %dma_wait3A_737 = arith.constant 6 : i32
    %dma_wait3A_738 = arith.constant 1 : i32
    %dma_wait3A_739 = arith.constant 0 : i32
    %dma_wait3A_740 = arith.constant 0 : i32
    %dma_wait3A_741 = tpu.memref_slice %arg6[%dma_wait3A_738, %dma_wait3A_739, %dma_wait3A_740] : memref<4x128x128xf32, #tpu.memory_space<vmem>> -> memref<1x128x128xf32, #tpu.memory_space<vmem>>
    %dma_wait3A_742 = tpu.memref_squeeze %dma_wait3A_741 : memref<1x128x128xf32, #tpu.memory_space<vmem>> -> memref<128x128xf32, #tpu.memory_space<vmem>>
    %dma_wait3A_743 = arith.constant 0 : i32
    %dma_wait3A_744 = tpu.memref_slice %arg5[%dma_wait3A_736, %dma_wait3A_737, %dma_wait3A_743] : memref<8x16x128xi32, #tpu.memory_space<vmem>> -> memref<1x1x128xi32, #tpu.memory_space<vmem>>
    %dma_wait3A_745 = tpu.memref_squeeze %dma_wait3A_744 : memref<1x1x128xi32, #tpu.memory_space<vmem>> -> memref<128xi32, #tpu.memory_space<vmem>>
    %dma_wait3A_746 = arith.constant 0 : i32
    %dma_wait3A_747 = arith.constant 0 : i32
    %dma_wait3A_748 = tpu.memref_slice %arg2[%dma_wait3A_746, %dma_wait3A_747] : memref<100352x128xf32, #tpu.memory_space<hbm>> -> memref<100352x128xf32, #tpu.memory_space<hbm>>
    tpu.wait_indirect_dma semaphore(%arg8 : memref<!tpu.dma_semaphore, #tpu.memory_space<semaphore_mem>>) src(%dma_wait3A_748 : memref<100352x128xf32, #tpu.memory_space<hbm>>) dst(%dma_wait3A_742 : memref<128x128xf32, #tpu.memory_space<vmem>>)
    %dma_wait3A_749 = arith.constant 1 : i32
    %dma_wait3A_750 = arith.constant 7 : i32
    %dma_wait3A_751 = arith.constant 1 : i32
    %dma_wait3A_752 = arith.constant 0 : i32
    %dma_wait3A_753 = arith.constant 0 : i32
    %dma_wait3A_754 = tpu.memref_slice %arg6[%dma_wait3A_751, %dma_wait3A_752, %dma_wait3A_753] : memref<4x128x128xf32, #tpu.memory_space<vmem>> -> memref<1x128x128xf32, #tpu.memory_space<vmem>>
    %dma_wait3A_755 = tpu.memref_squeeze %dma_wait3A_754 : memref<1x128x128xf32, #tpu.memory_space<vmem>> -> memref<128x128xf32, #tpu.memory_space<vmem>>
    %dma_wait3A_756 = arith.constant 0 : i32
    %dma_wait3A_757 = tpu.memref_slice %arg5[%dma_wait3A_749, %dma_wait3A_750, %dma_wait3A_756] : memref<8x16x128xi32, #tpu.memory_space<vmem>> -> memref<1x1x128xi32, #tpu.memory_space<vmem>>
    %dma_wait3A_758 = tpu.memref_squeeze %dma_wait3A_757 : memref<1x1x128xi32, #tpu.memory_space<vmem>> -> memref<128xi32, #tpu.memory_space<vmem>>
    %dma_wait3A_759 = arith.constant 0 : i32
    %dma_wait3A_760 = arith.constant 0 : i32
    %dma_wait3A_761 = tpu.memref_slice %arg2[%dma_wait3A_759, %dma_wait3A_760] : memref<100352x128xf32, #tpu.memory_space<hbm>> -> memref<100352x128xf32, #tpu.memory_space<hbm>>
    tpu.wait_indirect_dma semaphore(%arg8 : memref<!tpu.dma_semaphore, #tpu.memory_space<semaphore_mem>>) src(%dma_wait3A_761 : memref<100352x128xf32, #tpu.memory_space<hbm>>) dst(%dma_wait3A_755 : memref<128x128xf32, #tpu.memory_space<vmem>>)
    %dma_wait3A_762 = arith.constant 1 : i32
    %dma_wait3A_763 = arith.constant 9 : i32
    %dma_wait3A_764 = arith.constant 2 : i32
    %dma_wait3A_765 = arith.constant 0 : i32
    %dma_wait3A_766 = arith.constant 0 : i32
    %dma_wait3A_767 = tpu.memref_slice %arg6[%dma_wait3A_764, %dma_wait3A_765, %dma_wait3A_766] : memref<4x128x128xf32, #tpu.memory_space<vmem>> -> memref<1x128x128xf32, #tpu.memory_space<vmem>>
    %dma_wait3A_768 = tpu.memref_squeeze %dma_wait3A_767 : memref<1x128x128xf32, #tpu.memory_space<vmem>> -> memref<128x128xf32, #tpu.memory_space<vmem>>
    %dma_wait3A_769 = arith.constant 0 : i32
    %dma_wait3A_770 = tpu.memref_slice %arg5[%dma_wait3A_762, %dma_wait3A_763, %dma_wait3A_769] : memref<8x16x128xi32, #tpu.memory_space<vmem>> -> memref<1x1x128xi32, #tpu.memory_space<vmem>>
    %dma_wait3A_771 = tpu.memref_squeeze %dma_wait3A_770 : memref<1x1x128xi32, #tpu.memory_space<vmem>> -> memref<128xi32, #tpu.memory_space<vmem>>
    %dma_wait3A_772 = arith.constant 0 : i32
    %dma_wait3A_773 = arith.constant 0 : i32
    %dma_wait3A_774 = tpu.memref_slice %arg2[%dma_wait3A_772, %dma_wait3A_773] : memref<100352x128xf32, #tpu.memory_space<hbm>> -> memref<100352x128xf32, #tpu.memory_space<hbm>>
    tpu.wait_indirect_dma semaphore(%arg8 : memref<!tpu.dma_semaphore, #tpu.memory_space<semaphore_mem>>) src(%dma_wait3A_774 : memref<100352x128xf32, #tpu.memory_space<hbm>>) dst(%dma_wait3A_768 : memref<128x128xf32, #tpu.memory_space<vmem>>)
    %dma_wait3A_775 = arith.constant 1 : i32
    %dma_wait3A_776 = arith.constant 10 : i32
    %dma_wait3A_777 = arith.constant 2 : i32
    %dma_wait3A_778 = arith.constant 0 : i32
    %dma_wait3A_779 = arith.constant 0 : i32
    %dma_wait3A_780 = tpu.memref_slice %arg6[%dma_wait3A_777, %dma_wait3A_778, %dma_wait3A_779] : memref<4x128x128xf32, #tpu.memory_space<vmem>> -> memref<1x128x128xf32, #tpu.memory_space<vmem>>
    %dma_wait3A_781 = tpu.memref_squeeze %dma_wait3A_780 : memref<1x128x128xf32, #tpu.memory_space<vmem>> -> memref<128x128xf32, #tpu.memory_space<vmem>>
    %dma_wait3A_782 = arith.constant 0 : i32
    %dma_wait3A_783 = tpu.memref_slice %arg5[%dma_wait3A_775, %dma_wait3A_776, %dma_wait3A_782] : memref<8x16x128xi32, #tpu.memory_space<vmem>> -> memref<1x1x128xi32, #tpu.memory_space<vmem>>
    %dma_wait3A_784 = tpu.memref_squeeze %dma_wait3A_783 : memref<1x1x128xi32, #tpu.memory_space<vmem>> -> memref<128xi32, #tpu.memory_space<vmem>>
    %dma_wait3A_785 = arith.constant 0 : i32
    %dma_wait3A_786 = arith.constant 0 : i32
    %dma_wait3A_787 = tpu.memref_slice %arg2[%dma_wait3A_785, %dma_wait3A_786] : memref<100352x128xf32, #tpu.memory_space<hbm>> -> memref<100352x128xf32, #tpu.memory_space<hbm>>
    tpu.wait_indirect_dma semaphore(%arg8 : memref<!tpu.dma_semaphore, #tpu.memory_space<semaphore_mem>>) src(%dma_wait3A_787 : memref<100352x128xf32, #tpu.memory_space<hbm>>) dst(%dma_wait3A_781 : memref<128x128xf32, #tpu.memory_space<vmem>>)
    %dma_wait3A_788 = arith.constant 1 : i32
    %dma_wait3A_789 = arith.constant 11 : i32
    %dma_wait3A_790 = arith.constant 2 : i32
    %dma_wait3A_791 = arith.constant 0 : i32
    %dma_wait3A_792 = arith.constant 0 : i32
    %dma_wait3A_793 = tpu.memref_slice %arg6[%dma_wait3A_790, %dma_wait3A_791, %dma_wait3A_792] : memref<4x128x128xf32, #tpu.memory_space<vmem>> -> memref<1x128x128xf32, #tpu.memory_space<vmem>>
    %dma_wait3A_794 = tpu.memref_squeeze %dma_wait3A_793 : memref<1x128x128xf32, #tpu.memory_space<vmem>> -> memref<128x128xf32, #tpu.memory_space<vmem>>
    %dma_wait3A_795 = arith.constant 0 : i32
    %dma_wait3A_796 = tpu.memref_slice %arg5[%dma_wait3A_788, %dma_wait3A_789, %dma_wait3A_795] : memref<8x16x128xi32, #tpu.memory_space<vmem>> -> memref<1x1x128xi32, #tpu.memory_space<vmem>>
    %dma_wait3A_797 = tpu.memref_squeeze %dma_wait3A_796 : memref<1x1x128xi32, #tpu.memory_space<vmem>> -> memref<128xi32, #tpu.memory_space<vmem>>
    %dma_wait3A_798 = arith.constant 0 : i32
    %dma_wait3A_799 = arith.constant 0 : i32
    %dma_wait3A_800 = tpu.memref_slice %arg2[%dma_wait3A_798, %dma_wait3A_799] : memref<100352x128xf32, #tpu.memory_space<hbm>> -> memref<100352x128xf32, #tpu.memory_space<hbm>>
    tpu.wait_indirect_dma semaphore(%arg8 : memref<!tpu.dma_semaphore, #tpu.memory_space<semaphore_mem>>) src(%dma_wait3A_800 : memref<100352x128xf32, #tpu.memory_space<hbm>>) dst(%dma_wait3A_794 : memref<128x128xf32, #tpu.memory_space<vmem>>)
    %dma_wait3A_801 = arith.constant 1 : i32
    %dma_wait3A_802 = arith.constant 13 : i32
    %dma_wait3A_803 = arith.constant 3 : i32
    %dma_wait3A_804 = arith.constant 0 : i32
    %dma_wait3A_805 = arith.constant 0 : i32
    %dma_wait3A_806 = tpu.memref_slice %arg6[%dma_wait3A_803, %dma_wait3A_804, %dma_wait3A_805] : memref<4x128x128xf32, #tpu.memory_space<vmem>> -> memref<1x128x128xf32, #tpu.memory_space<vmem>>
    %dma_wait3A_807 = tpu.memref_squeeze %dma_wait3A_806 : memref<1x128x128xf32, #tpu.memory_space<vmem>> -> memref<128x128xf32, #tpu.memory_space<vmem>>
    %dma_wait3A_808 = arith.constant 0 : i32
    %dma_wait3A_809 = tpu.memref_slice %arg5[%dma_wait3A_801, %dma_wait3A_802, %dma_wait3A_808] : memref<8x16x128xi32, #tpu.memory_space<vmem>> -> memref<1x1x128xi32, #tpu.memory_space<vmem>>
    %dma_wait3A_810 = tpu.memref_squeeze %dma_wait3A_809 : memref<1x1x128xi32, #tpu.memory_space<vmem>> -> memref<128xi32, #tpu.memory_space<vmem>>
    %dma_wait3A_811 = arith.constant 0 : i32
    %dma_wait3A_812 = arith.constant 0 : i32
    %dma_wait3A_813 = tpu.memref_slice %arg2[%dma_wait3A_811, %dma_wait3A_812] : memref<100352x128xf32, #tpu.memory_space<hbm>> -> memref<100352x128xf32, #tpu.memory_space<hbm>>
    tpu.wait_indirect_dma semaphore(%arg8 : memref<!tpu.dma_semaphore, #tpu.memory_space<semaphore_mem>>) src(%dma_wait3A_813 : memref<100352x128xf32, #tpu.memory_space<hbm>>) dst(%dma_wait3A_807 : memref<128x128xf32, #tpu.memory_space<vmem>>)
    %dma_wait3A_814 = arith.constant 1 : i32
    %dma_wait3A_815 = arith.constant 14 : i32
    %dma_wait3A_816 = arith.constant 3 : i32
    %dma_wait3A_817 = arith.constant 0 : i32
    %dma_wait3A_818 = arith.constant 0 : i32
    %dma_wait3A_819 = tpu.memref_slice %arg6[%dma_wait3A_816, %dma_wait3A_817, %dma_wait3A_818] : memref<4x128x128xf32, #tpu.memory_space<vmem>> -> memref<1x128x128xf32, #tpu.memory_space<vmem>>
    %dma_wait3A_820 = tpu.memref_squeeze %dma_wait3A_819 : memref<1x128x128xf32, #tpu.memory_space<vmem>> -> memref<128x128xf32, #tpu.memory_space<vmem>>
    %dma_wait3A_821 = arith.constant 0 : i32
    %dma_wait3A_822 = tpu.memref_slice %arg5[%dma_wait3A_814, %dma_wait3A_815, %dma_wait3A_821] : memref<8x16x128xi32, #tpu.memory_space<vmem>> -> memref<1x1x128xi32, #tpu.memory_space<vmem>>
    %dma_wait3A_823 = tpu.memref_squeeze %dma_wait3A_822 : memref<1x1x128xi32, #tpu.memory_space<vmem>> -> memref<128xi32, #tpu.memory_space<vmem>>
    %dma_wait3A_824 = arith.constant 0 : i32
    %dma_wait3A_825 = arith.constant 0 : i32
    %dma_wait3A_826 = tpu.memref_slice %arg2[%dma_wait3A_824, %dma_wait3A_825] : memref<100352x128xf32, #tpu.memory_space<hbm>> -> memref<100352x128xf32, #tpu.memory_space<hbm>>
    tpu.wait_indirect_dma semaphore(%arg8 : memref<!tpu.dma_semaphore, #tpu.memory_space<semaphore_mem>>) src(%dma_wait3A_826 : memref<100352x128xf32, #tpu.memory_space<hbm>>) dst(%dma_wait3A_820 : memref<128x128xf32, #tpu.memory_space<vmem>>)
    %dma_wait3A_827 = arith.constant 1 : i32
    %dma_wait3A_828 = arith.constant 15 : i32
    %dma_wait3A_829 = arith.constant 3 : i32
    %dma_wait3A_830 = arith.constant 0 : i32
    %dma_wait3A_831 = arith.constant 0 : i32
    %dma_wait3A_832 = tpu.memref_slice %arg6[%dma_wait3A_829, %dma_wait3A_830, %dma_wait3A_831] : memref<4x128x128xf32, #tpu.memory_space<vmem>> -> memref<1x128x128xf32, #tpu.memory_space<vmem>>
    %dma_wait3A_833 = tpu.memref_squeeze %dma_wait3A_832 : memref<1x128x128xf32, #tpu.memory_space<vmem>> -> memref<128x128xf32, #tpu.memory_space<vmem>>
    %dma_wait3A_834 = arith.constant 0 : i32
    %dma_wait3A_835 = tpu.memref_slice %arg5[%dma_wait3A_827, %dma_wait3A_828, %dma_wait3A_834] : memref<8x16x128xi32, #tpu.memory_space<vmem>> -> memref<1x1x128xi32, #tpu.memory_space<vmem>>
    %dma_wait3A_836 = tpu.memref_squeeze %dma_wait3A_835 : memref<1x1x128xi32, #tpu.memory_space<vmem>> -> memref<128xi32, #tpu.memory_space<vmem>>
    %dma_wait3A_837 = arith.constant 0 : i32
    %dma_wait3A_838 = arith.constant 0 : i32
    %dma_wait3A_839 = tpu.memref_slice %arg2[%dma_wait3A_837, %dma_wait3A_838] : memref<100352x128xf32, #tpu.memory_space<hbm>> -> memref<100352x128xf32, #tpu.memory_space<hbm>>
    tpu.wait_indirect_dma semaphore(%arg8 : memref<!tpu.dma_semaphore, #tpu.memory_space<semaphore_mem>>) src(%dma_wait3A_839 : memref<100352x128xf32, #tpu.memory_space<hbm>>) dst(%dma_wait3A_833 : memref<128x128xf32, #tpu.memory_space<vmem>>)
    %scan3A_840 = arith.constant 0 : i32
    %scan3A_841 = arith.constant 0 : i32
    %scan3A_842 = arith.constant 128 : i32
    %scan3A_843 = arith.addi %scan3A_841, %scan3A_842 : i32
    %scan3A_844 = arith.constant 1 : i32
    scf.for %scan3A_3406 = %scan3A_841 to %scan3A_843 step %scan3A_844  : i32 {
      %get3A = arith.constant 0 : i32
      %get3A_3407 = arith.index_cast %get3A : i32 to index
      %get3A_3408 = arith.index_cast %scan3A_3406 : i32 to index
      %get3A_3409 = arith.constant 0 : index
      %get3A_3410 = tpu.vector_load %arg6[%get3A_3407, %get3A_3408, %get3A_3409] {strides = array<i32>} : memref<4x128x128xf32, #tpu.memory_space<vmem>>, vector<1x1x16xf32>,
      %get3A_3411 = vector.shape_cast %get3A_3410 : vector<1x1x16xf32> to vector<16xf32>
      %get3A_3412 = arith.constant 1 : i32
      %get3A_3413 = arith.index_cast %get3A_3412 : i32 to index
      %get3A_3414 = arith.index_cast %scan3A_3406 : i32 to index
      %get3A_3415 = arith.constant 32 : index
      %get3A_3416 = tpu.vector_load %arg6[%get3A_3413, %get3A_3414, %get3A_3415] {strides = array<i32>} : memref<4x128x128xf32, #tpu.memory_space<vmem>>, vector<1x1x16xf32>,
      %get3A_3417 = vector.shape_cast %get3A_3416 : vector<1x1x16xf32> to vector<16xf32>
      %add3A_3418 = arith.addf %get3A_3411, %get3A_3417 : vector<16xf32>
      %get3A_3419 = arith.constant 2 : i32
      %get3A_3420 = arith.index_cast %get3A_3419 : i32 to index
      %get3A_3421 = arith.index_cast %scan3A_3406 : i32 to index
      %get3A_3422 = arith.constant 64 : index
      %get3A_3423 = tpu.vector_load %arg6[%get3A_3420, %get3A_3421, %get3A_3422] {strides = array<i32>} : memref<4x128x128xf32, #tpu.memory_space<vmem>>, vector<1x1x16xf32>,
      %get3A_3424 = vector.shape_cast %get3A_3423 : vector<1x1x16xf32> to vector<16xf32>
      %get3A_3425 = arith.constant 3 : i32
      %get3A_3426 = arith.index_cast %get3A_3425 : i32 to index
      %get3A_3427 = arith.index_cast %scan3A_3406 : i32 to index
      %get3A_3428 = arith.constant 96 : index
      %get3A_3429 = tpu.vector_load %arg6[%get3A_3426, %get3A_3427, %get3A_3428] {strides = array<i32>} : memref<4x128x128xf32, #tpu.memory_space<vmem>>, vector<1x1x16xf32>,
      %get3A_3430 = vector.shape_cast %get3A_3429 : vector<1x1x16xf32> to vector<16xf32>
      %add3A_3431 = arith.addf %get3A_3424, %get3A_3430 : vector<16xf32>
      %add3A_3432 = arith.addf %add3A_3418, %add3A_3431 : vector<16xf32>
      %swap3A = arith.index_cast %scan3A_3406 : i32 to index
      %swap3A_3433 = arith.constant 0 : index
      %swap3A_3434 = tpu.vector_load %arg7[%swap3A, %swap3A_3433] {strides = array<i32>} : memref<128x16xf32, #tpu.memory_space<vmem>>, vector<1x16xf32>,
      %swap3A_3435 = vector.shape_cast %swap3A_3434 : vector<1x16xf32> to vector<16xf32>
      %swap3A_3436 = vector.shape_cast %add3A_3432 : vector<16xf32> to vector<1x16xf32>
      tpu.vector_store %arg7[%swap3A, %swap3A_3433], %swap3A_3436 {strides = array<i32>} : memref<128x16xf32, #tpu.memory_space<vmem>>, vector<1x16xf32>,
    }
    %scan3A_845 = arith.constant 128 : i32
    %mul3A_846 = arith.constant 1024 : i32
    %mul3A_847 = arith.muli %add3A, %mul3A_846 : i32
    %add3A_848 = arith.constant 128 : i32
    %add3A_849 = arith.addi %mul3A_847, %add3A_848 : i32
    "tpu.region"() ({
      %run_scoped3A = tpu.sem_alloc : memref<!tpu.dma_semaphore, #tpu.memory_space<semaphore_mem>>
      %dma_start3A_3406 = arith.constant 0 : i32
      %dma_start3A_3407 = tpu.memref_slice %arg4[%add3A_849, %dma_start3A_3406] : memref<32768x16xf32, #tpu.memory_space<hbm>> -> memref<128x16xf32, #tpu.memory_space<hbm>>
      %dma_start3A_3408 = arith.constant 0 : i32
      %dma_start3A_3409 = tpu.memref_slice %arg4[%add3A_849, %dma_start3A_3408] : memref<32768x16xf32, #tpu.memory_space<hbm>> -> memref<128x16xf32, #tpu.memory_space<hbm>>
      tpu.enqueue_dma source(%arg7 : memref<128x16xf32, #tpu.memory_space<vmem>>) target(%dma_start3A_3409 : memref<128x16xf32, #tpu.memory_space<hbm>>) target_semaphore(%run_scoped3A : memref<!tpu.dma_semaphore, #tpu.memory_space<semaphore_mem>>)
      %dma_wait3A_3410 = arith.constant 0 : i32
      %dma_wait3A_3411 = tpu.memref_slice %arg4[%add3A_849, %dma_wait3A_3410] : memref<32768x16xf32, #tpu.memory_space<hbm>> -> memref<128x16xf32, #tpu.memory_space<hbm>>
      %dma_wait3A_3412 = arith.constant 0 : i32
      %dma_wait3A_3413 = tpu.memref_slice %arg4[%add3A_849, %dma_wait3A_3412] : memref<32768x16xf32, #tpu.memory_space<hbm>> -> memref<128x16xf32, #tpu.memory_space<hbm>>
      tpu.wait_dma2 semaphore(%run_scoped3A : memref<!tpu.dma_semaphore, #tpu.memory_space<semaphore_mem>>) src(%arg7 : memref<128x16xf32, #tpu.memory_space<vmem>>) dst(%dma_wait3A_3413 : memref<128x16xf32, #tpu.memory_space<hbm>>)
      tpu.yield
    }) : () -> ()
    %dma_start3A_850 = arith.constant 2 : i32
    %dma_start3A_851 = arith.constant 0 : i32
    %dma_start3A_852 = arith.constant 0 : i32
    %dma_start3A_853 = arith.constant 0 : i32
    %dma_start3A_854 = arith.constant 0 : i32
    %dma_start3A_855 = tpu.memref_slice %arg6[%dma_start3A_852, %dma_start3A_853, %dma_start3A_854] : memref<4x128x128xf32, #tpu.memory_space<vmem>> -> memref<1x128x128xf32, #tpu.memory_space<vmem>>
    %dma_start3A_856 = tpu.memref_squeeze %dma_start3A_855 : memref<1x128x128xf32, #tpu.memory_space<vmem>> -> memref<128x128xf32, #tpu.memory_space<vmem>>
    %dma_start3A_857 = arith.constant 0 : i32
    %dma_start3A_858 = tpu.memref_slice %arg5[%dma_start3A_850, %dma_start3A_851, %dma_start3A_857] : memref<8x16x128xi32, #tpu.memory_space<vmem>> -> memref<1x1x128xi32, #tpu.memory_space<vmem>>
    %dma_start3A_859 = tpu.memref_squeeze %dma_start3A_858 : memref<1x1x128xi32, #tpu.memory_space<vmem>> -> memref<128xi32, #tpu.memory_space<vmem>>
    %dma_start3A_860 = arith.constant 0 : i32
    %dma_start3A_861 = arith.constant 0 : i32
    %dma_start3A_862 = tpu.memref_slice %arg2[%dma_start3A_860, %dma_start3A_861] : memref<100352x128xf32, #tpu.memory_space<hbm>> -> memref<100352x128xf32, #tpu.memory_space<hbm>>
    tpu.enqueue_indirect_dma source(%dma_start3A_862 : memref<100352x128xf32, #tpu.memory_space<hbm>>) target(%dma_start3A_856 : memref<128x128xf32, #tpu.memory_space<vmem>>) offsets(%dma_start3A_859 : memref<128xi32, #tpu.memory_space<vmem>>) semaphore(%arg8 : memref<!tpu.dma_semaphore, #tpu.memory_space<semaphore_mem>>)
    %dma_start3A_863 = arith.constant 2 : i32
    %dma_start3A_864 = arith.constant 4 : i32
    %dma_start3A_865 = arith.constant 1 : i32
    %dma_start3A_866 = arith.constant 0 : i32
    %dma_start3A_867 = arith.constant 0 : i32
    %dma_start3A_868 = tpu.memref_slice %arg6[%dma_start3A_865, %dma_start3A_866, %dma_start3A_867] : memref<4x128x128xf32, #tpu.memory_space<vmem>> -> memref<1x128x128xf32, #tpu.memory_space<vmem>>
    %dma_start3A_869 = tpu.memref_squeeze %dma_start3A_868 : memref<1x128x128xf32, #tpu.memory_space<vmem>> -> memref<128x128xf32, #tpu.memory_space<vmem>>
    %dma_start3A_870 = arith.constant 0 : i32
    %dma_start3A_871 = tpu.memref_slice %arg5[%dma_start3A_863, %dma_start3A_864, %dma_start3A_870] : memref<8x16x128xi32, #tpu.memory_space<vmem>> -> memref<1x1x128xi32, #tpu.memory_space<vmem>>
    %dma_start3A_872 = tpu.memref_squeeze %dma_start3A_871 : memref<1x1x128xi32, #tpu.memory_space<vmem>> -> memref<128xi32, #tpu.memory_space<vmem>>
    %dma_start3A_873 = arith.constant 0 : i32
    %dma_start3A_874 = arith.constant 0 : i32
    %dma_start3A_875 = tpu.memref_slice %arg2[%dma_start3A_873, %dma_start3A_874] : memref<100352x128xf32, #tpu.memory_space<hbm>> -> memref<100352x128xf32, #tpu.memory_space<hbm>>
    tpu.enqueue_indirect_dma source(%dma_start3A_875 : memref<100352x128xf32, #tpu.memory_space<hbm>>) target(%dma_start3A_869 : memref<128x128xf32, #tpu.memory_space<vmem>>) offsets(%dma_start3A_872 : memref<128xi32, #tpu.memory_space<vmem>>) semaphore(%arg8 : memref<!tpu.dma_semaphore, #tpu.memory_space<semaphore_mem>>)
    %dma_start3A_876 = arith.constant 2 : i32
    %dma_start3A_877 = arith.constant 8 : i32
    %dma_start3A_878 = arith.constant 2 : i32
    %dma_start3A_879 = arith.constant 0 : i32
    %dma_start3A_880 = arith.constant 0 : i32
    %dma_start3A_881 = tpu.memref_slice %arg6[%dma_start3A_878, %dma_start3A_879, %dma_start3A_880] : memref<4x128x128xf32, #tpu.memory_space<vmem>> -> memref<1x128x128xf32, #tpu.memory_space<vmem>>
    %dma_start3A_882 = tpu.memref_squeeze %dma_start3A_881 : memref<1x128x128xf32, #tpu.memory_space<vmem>> -> memref<128x128xf32, #tpu.memory_space<vmem>>
    %dma_start3A_883 = arith.constant 0 : i32
    %dma_start3A_884 = tpu.memref_slice %arg5[%dma_start3A_876, %dma_start3A_877, %dma_start3A_883] : memref<8x16x128xi32, #tpu.memory_space<vmem>> -> memref<1x1x128xi32, #tpu.memory_space<vmem>>
    %dma_start3A_885 = tpu.memref_squeeze %dma_start3A_884 : memref<1x1x128xi32, #tpu.memory_space<vmem>> -> memref<128xi32, #tpu.memory_space<vmem>>
    %dma_start3A_886 = arith.constant 0 : i32
    %dma_start3A_887 = arith.constant 0 : i32
    %dma_start3A_888 = tpu.memref_slice %arg2[%dma_start3A_886, %dma_start3A_887] : memref<100352x128xf32, #tpu.memory_space<hbm>> -> memref<100352x128xf32, #tpu.memory_space<hbm>>
    tpu.enqueue_indirect_dma source(%dma_start3A_888 : memref<100352x128xf32, #tpu.memory_space<hbm>>) target(%dma_start3A_882 : memref<128x128xf32, #tpu.memory_space<vmem>>) offsets(%dma_start3A_885 : memref<128xi32, #tpu.memory_space<vmem>>) semaphore(%arg8 : memref<!tpu.dma_semaphore, #tpu.memory_space<semaphore_mem>>)
    %dma_start3A_889 = arith.constant 2 : i32
    %dma_start3A_890 = arith.constant 12 : i32
    %dma_start3A_891 = arith.constant 3 : i32
    %dma_start3A_892 = arith.constant 0 : i32
    %dma_start3A_893 = arith.constant 0 : i32
    %dma_start3A_894 = tpu.memref_slice %arg6[%dma_start3A_891, %dma_start3A_892, %dma_start3A_893] : memref<4x128x128xf32, #tpu.memory_space<vmem>> -> memref<1x128x128xf32, #tpu.memory_space<vmem>>
    %dma_start3A_895 = tpu.memref_squeeze %dma_start3A_894 : memref<1x128x128xf32, #tpu.memory_space<vmem>> -> memref<128x128xf32, #tpu.memory_space<vmem>>
    %dma_start3A_896 = arith.constant 0 : i32
    %dma_start3A_897 = tpu.memref_slice %arg5[%dma_start3A_889, %dma_start3A_890, %dma_start3A_896] : memref<8x16x128xi32, #tpu.memory_space<vmem>> -> memref<1x1x128xi32, #tpu.memory_space<vmem>>
    %dma_start3A_898 = tpu.memref_squeeze %dma_start3A_897 : memref<1x1x128xi32, #tpu.memory_space<vmem>> -> memref<128xi32, #tpu.memory_space<vmem>>
    %dma_start3A_899 = arith.constant 0 : i32
    %dma_start3A_900 = arith.constant 0 : i32
    %dma_start3A_901 = tpu.memref_slice %arg2[%dma_start3A_899, %dma_start3A_900] : memref<100352x128xf32, #tpu.memory_space<hbm>> -> memref<100352x128xf32, #tpu.memory_space<hbm>>
    tpu.enqueue_indirect_dma source(%dma_start3A_901 : memref<100352x128xf32, #tpu.memory_space<hbm>>) target(%dma_start3A_895 : memref<128x128xf32, #tpu.memory_space<vmem>>) offsets(%dma_start3A_898 : memref<128xi32, #tpu.memory_space<vmem>>) semaphore(%arg8 : memref<!tpu.dma_semaphore, #tpu.memory_space<semaphore_mem>>)
    %dma_wait3A_902 = arith.constant 2 : i32
    %dma_wait3A_903 = arith.constant 0 : i32
    %dma_wait3A_904 = arith.constant 0 : i32
    %dma_wait3A_905 = arith.constant 0 : i32
    %dma_wait3A_906 = arith.constant 0 : i32
    %dma_wait3A_907 = tpu.memref_slice %arg6[%dma_wait3A_904, %dma_wait3A_905, %dma_wait3A_906] : memref<4x128x128xf32, #tpu.memory_space<vmem>> -> memref<1x128x128xf32, #tpu.memory_space<vmem>>
    %dma_wait3A_908 = tpu.memref_squeeze %dma_wait3A_907 : memref<1x128x128xf32, #tpu.memory_space<vmem>> -> memref<128x128xf32, #tpu.memory_space<vmem>>
    %dma_wait3A_909 = arith.constant 0 : i32
    %dma_wait3A_910 = tpu.memref_slice %arg5[%dma_wait3A_902, %dma_wait3A_903, %dma_wait3A_909] : memref<8x16x128xi32, #tpu.memory_space<vmem>> -> memref<1x1x128xi32, #tpu.memory_space<vmem>>
    %dma_wait3A_911 = tpu.memref_squeeze %dma_wait3A_910 : memref<1x1x128xi32, #tpu.memory_space<vmem>> -> memref<128xi32, #tpu.memory_space<vmem>>
    %dma_wait3A_912 = arith.constant 0 : i32
    %dma_wait3A_913 = arith.constant 0 : i32
    %dma_wait3A_914 = tpu.memref_slice %arg2[%dma_wait3A_912, %dma_wait3A_913] : memref<100352x128xf32, #tpu.memory_space<hbm>> -> memref<100352x128xf32, #tpu.memory_space<hbm>>
    tpu.wait_indirect_dma semaphore(%arg8 : memref<!tpu.dma_semaphore, #tpu.memory_space<semaphore_mem>>) src(%dma_wait3A_914 : memref<100352x128xf32, #tpu.memory_space<hbm>>) dst(%dma_wait3A_908 : memref<128x128xf32, #tpu.memory_space<vmem>>)
    %dma_wait3A_915 = arith.constant 2 : i32
    %dma_wait3A_916 = arith.constant 4 : i32
    %dma_wait3A_917 = arith.constant 1 : i32
    %dma_wait3A_918 = arith.constant 0 : i32
    %dma_wait3A_919 = arith.constant 0 : i32
    %dma_wait3A_920 = tpu.memref_slice %arg6[%dma_wait3A_917, %dma_wait3A_918, %dma_wait3A_919] : memref<4x128x128xf32, #tpu.memory_space<vmem>> -> memref<1x128x128xf32, #tpu.memory_space<vmem>>
    %dma_wait3A_921 = tpu.memref_squeeze %dma_wait3A_920 : memref<1x128x128xf32, #tpu.memory_space<vmem>> -> memref<128x128xf32, #tpu.memory_space<vmem>>
    %dma_wait3A_922 = arith.constant 0 : i32
    %dma_wait3A_923 = tpu.memref_slice %arg5[%dma_wait3A_915, %dma_wait3A_916, %dma_wait3A_922] : memref<8x16x128xi32, #tpu.memory_space<vmem>> -> memref<1x1x128xi32, #tpu.memory_space<vmem>>
    %dma_wait3A_924 = tpu.memref_squeeze %dma_wait3A_923 : memref<1x1x128xi32, #tpu.memory_space<vmem>> -> memref<128xi32, #tpu.memory_space<vmem>>
    %dma_wait3A_925 = arith.constant 0 : i32
    %dma_wait3A_926 = arith.constant 0 : i32
    %dma_wait3A_927 = tpu.memref_slice %arg2[%dma_wait3A_925, %dma_wait3A_926] : memref<100352x128xf32, #tpu.memory_space<hbm>> -> memref<100352x128xf32, #tpu.memory_space<hbm>>
    tpu.wait_indirect_dma semaphore(%arg8 : memref<!tpu.dma_semaphore, #tpu.memory_space<semaphore_mem>>) src(%dma_wait3A_927 : memref<100352x128xf32, #tpu.memory_space<hbm>>) dst(%dma_wait3A_921 : memref<128x128xf32, #tpu.memory_space<vmem>>)
    %dma_wait3A_928 = arith.constant 2 : i32
    %dma_wait3A_929 = arith.constant 8 : i32
    %dma_wait3A_930 = arith.constant 2 : i32
    %dma_wait3A_931 = arith.constant 0 : i32
    %dma_wait3A_932 = arith.constant 0 : i32
    %dma_wait3A_933 = tpu.memref_slice %arg6[%dma_wait3A_930, %dma_wait3A_931, %dma_wait3A_932] : memref<4x128x128xf32, #tpu.memory_space<vmem>> -> memref<1x128x128xf32, #tpu.memory_space<vmem>>
    %dma_wait3A_934 = tpu.memref_squeeze %dma_wait3A_933 : memref<1x128x128xf32, #tpu.memory_space<vmem>> -> memref<128x128xf32, #tpu.memory_space<vmem>>
    %dma_wait3A_935 = arith.constant 0 : i32
    %dma_wait3A_936 = tpu.memref_slice %arg5[%dma_wait3A_928, %dma_wait3A_929, %dma_wait3A_935] : memref<8x16x128xi32, #tpu.memory_space<vmem>> -> memref<1x1x128xi32, #tpu.memory_space<vmem>>
    %dma_wait3A_937 = tpu.memref_squeeze %dma_wait3A_936 : memref<1x1x128xi32, #tpu.memory_space<vmem>> -> memref<128xi32, #tpu.memory_space<vmem>>
    %dma_wait3A_938 = arith.constant 0 : i32
    %dma_wait3A_939 = arith.constant 0 : i32
    %dma_wait3A_940 = tpu.memref_slice %arg2[%dma_wait3A_938, %dma_wait3A_939] : memref<100352x128xf32, #tpu.memory_space<hbm>> -> memref<100352x128xf32, #tpu.memory_space<hbm>>
    tpu.wait_indirect_dma semaphore(%arg8 : memref<!tpu.dma_semaphore, #tpu.memory_space<semaphore_mem>>) src(%dma_wait3A_940 : memref<100352x128xf32, #tpu.memory_space<hbm>>) dst(%dma_wait3A_934 : memref<128x128xf32, #tpu.memory_space<vmem>>)
    %dma_wait3A_941 = arith.constant 2 : i32
    %dma_wait3A_942 = arith.constant 12 : i32
    %dma_wait3A_943 = arith.constant 3 : i32
    %dma_wait3A_944 = arith.constant 0 : i32
    %dma_wait3A_945 = arith.constant 0 : i32
    %dma_wait3A_946 = tpu.memref_slice %arg6[%dma_wait3A_943, %dma_wait3A_944, %dma_wait3A_945] : memref<4x128x128xf32, #tpu.memory_space<vmem>> -> memref<1x128x128xf32, #tpu.memory_space<vmem>>
    %dma_wait3A_947 = tpu.memref_squeeze %dma_wait3A_946 : memref<1x128x128xf32, #tpu.memory_space<vmem>> -> memref<128x128xf32, #tpu.memory_space<vmem>>
    %dma_wait3A_948 = arith.constant 0 : i32
    %dma_wait3A_949 = tpu.memref_slice %arg5[%dma_wait3A_941, %dma_wait3A_942, %dma_wait3A_948] : memref<8x16x128xi32, #tpu.memory_space<vmem>> -> memref<1x1x128xi32, #tpu.memory_space<vmem>>
    %dma_wait3A_950 = tpu.memref_squeeze %dma_wait3A_949 : memref<1x1x128xi32, #tpu.memory_space<vmem>> -> memref<128xi32, #tpu.memory_space<vmem>>
    %dma_wait3A_951 = arith.constant 0 : i32
    %dma_wait3A_952 = arith.constant 0 : i32
    %dma_wait3A_953 = tpu.memref_slice %arg2[%dma_wait3A_951, %dma_wait3A_952] : memref<100352x128xf32, #tpu.memory_space<hbm>> -> memref<100352x128xf32, #tpu.memory_space<hbm>>
    tpu.wait_indirect_dma semaphore(%arg8 : memref<!tpu.dma_semaphore, #tpu.memory_space<semaphore_mem>>) src(%dma_wait3A_953 : memref<100352x128xf32, #tpu.memory_space<hbm>>) dst(%dma_wait3A_947 : memref<128x128xf32, #tpu.memory_space<vmem>>)
    %dma_start3A_954 = arith.constant 2 : i32
    %dma_start3A_955 = arith.constant 1 : i32
    %dma_start3A_956 = arith.constant 0 : i32
    %dma_start3A_957 = arith.constant 0 : i32
    %dma_start3A_958 = arith.constant 0 : i32
    %dma_start3A_959 = tpu.memref_slice %arg6[%dma_start3A_956, %dma_start3A_957, %dma_start3A_958] : memref<4x128x128xf32, #tpu.memory_space<vmem>> -> memref<1x128x128xf32, #tpu.memory_space<vmem>>
    %dma_start3A_960 = tpu.memref_squeeze %dma_start3A_959 : memref<1x128x128xf32, #tpu.memory_space<vmem>> -> memref<128x128xf32, #tpu.memory_space<vmem>>
    %dma_start3A_961 = arith.constant 0 : i32
    %dma_start3A_962 = tpu.memref_slice %arg5[%dma_start3A_954, %dma_start3A_955, %dma_start3A_961] : memref<8x16x128xi32, #tpu.memory_space<vmem>> -> memref<1x1x128xi32, #tpu.memory_space<vmem>>
    %dma_start3A_963 = tpu.memref_squeeze %dma_start3A_962 : memref<1x1x128xi32, #tpu.memory_space<vmem>> -> memref<128xi32, #tpu.memory_space<vmem>>
    %dma_start3A_964 = arith.constant 0 : i32
    %dma_start3A_965 = arith.constant 0 : i32
    %dma_start3A_966 = tpu.memref_slice %arg2[%dma_start3A_964, %dma_start3A_965] : memref<100352x128xf32, #tpu.memory_space<hbm>> -> memref<100352x128xf32, #tpu.memory_space<hbm>>
    tpu.enqueue_indirect_dma source(%dma_start3A_966 : memref<100352x128xf32, #tpu.memory_space<hbm>>) target(%dma_start3A_960 : memref<128x128xf32, #tpu.memory_space<vmem>>) offsets(%dma_start3A_963 : memref<128xi32, #tpu.memory_space<vmem>>) semaphore(%arg8 : memref<!tpu.dma_semaphore, #tpu.memory_space<semaphore_mem>>) {add = true}
    %dma_start3A_967 = arith.constant 2 : i32
    %dma_start3A_968 = arith.constant 2 : i32
    %dma_start3A_969 = arith.constant 0 : i32
    %dma_start3A_970 = arith.constant 0 : i32
    %dma_start3A_971 = arith.constant 0 : i32
    %dma_start3A_972 = tpu.memref_slice %arg6[%dma_start3A_969, %dma_start3A_970, %dma_start3A_971] : memref<4x128x128xf32, #tpu.memory_space<vmem>> -> memref<1x128x128xf32, #tpu.memory_space<vmem>>
    %dma_start3A_973 = tpu.memref_squeeze %dma_start3A_972 : memref<1x128x128xf32, #tpu.memory_space<vmem>> -> memref<128x128xf32, #tpu.memory_space<vmem>>
    %dma_start3A_974 = arith.constant 0 : i32
    %dma_start3A_975 = tpu.memref_slice %arg5[%dma_start3A_967, %dma_start3A_968, %dma_start3A_974] : memref<8x16x128xi32, #tpu.memory_space<vmem>> -> memref<1x1x128xi32, #tpu.memory_space<vmem>>
    %dma_start3A_976 = tpu.memref_squeeze %dma_start3A_975 : memref<1x1x128xi32, #tpu.memory_space<vmem>> -> memref<128xi32, #tpu.memory_space<vmem>>
    %dma_start3A_977 = arith.constant 0 : i32
    %dma_start3A_978 = arith.constant 0 : i32
    %dma_start3A_979 = tpu.memref_slice %arg2[%dma_start3A_977, %dma_start3A_978] : memref<100352x128xf32, #tpu.memory_space<hbm>> -> memref<100352x128xf32, #tpu.memory_space<hbm>>
    tpu.enqueue_indirect_dma source(%dma_start3A_979 : memref<100352x128xf32, #tpu.memory_space<hbm>>) target(%dma_start3A_973 : memref<128x128xf32, #tpu.memory_space<vmem>>) offsets(%dma_start3A_976 : memref<128xi32, #tpu.memory_space<vmem>>) semaphore(%arg8 : memref<!tpu.dma_semaphore, #tpu.memory_space<semaphore_mem>>) {add = true}
    %dma_start3A_980 = arith.constant 2 : i32
    %dma_start3A_981 = arith.constant 3 : i32
    %dma_start3A_982 = arith.constant 0 : i32
    %dma_start3A_983 = arith.constant 0 : i32
    %dma_start3A_984 = arith.constant 0 : i32
    %dma_start3A_985 = tpu.memref_slice %arg6[%dma_start3A_982, %dma_start3A_983, %dma_start3A_984] : memref<4x128x128xf32, #tpu.memory_space<vmem>> -> memref<1x128x128xf32, #tpu.memory_space<vmem>>
    %dma_start3A_986 = tpu.memref_squeeze %dma_start3A_985 : memref<1x128x128xf32, #tpu.memory_space<vmem>> -> memref<128x128xf32, #tpu.memory_space<vmem>>
    %dma_start3A_987 = arith.constant 0 : i32
    %dma_start3A_988 = tpu.memref_slice %arg5[%dma_start3A_980, %dma_start3A_981, %dma_start3A_987] : memref<8x16x128xi32, #tpu.memory_space<vmem>> -> memref<1x1x128xi32, #tpu.memory_space<vmem>>
    %dma_start3A_989 = tpu.memref_squeeze %dma_start3A_988 : memref<1x1x128xi32, #tpu.memory_space<vmem>> -> memref<128xi32, #tpu.memory_space<vmem>>
    %dma_start3A_990 = arith.constant 0 : i32
    %dma_start3A_991 = arith.constant 0 : i32
    %dma_start3A_992 = tpu.memref_slice %arg2[%dma_start3A_990, %dma_start3A_991] : memref<100352x128xf32, #tpu.memory_space<hbm>> -> memref<100352x128xf32, #tpu.memory_space<hbm>>
    tpu.enqueue_indirect_dma source(%dma_start3A_992 : memref<100352x128xf32, #tpu.memory_space<hbm>>) target(%dma_start3A_986 : memref<128x128xf32, #tpu.memory_space<vmem>>) offsets(%dma_start3A_989 : memref<128xi32, #tpu.memory_space<vmem>>) semaphore(%arg8 : memref<!tpu.dma_semaphore, #tpu.memory_space<semaphore_mem>>) {add = true}
    %dma_start3A_993 = arith.constant 2 : i32
    %dma_start3A_994 = arith.constant 5 : i32
    %dma_start3A_995 = arith.constant 1 : i32
    %dma_start3A_996 = arith.constant 0 : i32
    %dma_start3A_997 = arith.constant 0 : i32
    %dma_start3A_998 = tpu.memref_slice %arg6[%dma_start3A_995, %dma_start3A_996, %dma_start3A_997] : memref<4x128x128xf32, #tpu.memory_space<vmem>> -> memref<1x128x128xf32, #tpu.memory_space<vmem>>
    %dma_start3A_999 = tpu.memref_squeeze %dma_start3A_998 : memref<1x128x128xf32, #tpu.memory_space<vmem>> -> memref<128x128xf32, #tpu.memory_space<vmem>>
    %dma_start3A_1000 = arith.constant 0 : i32
    %dma_start3A_1001 = tpu.memref_slice %arg5[%dma_start3A_993, %dma_start3A_994, %dma_start3A_1000] : memref<8x16x128xi32, #tpu.memory_space<vmem>> -> memref<1x1x128xi32, #tpu.memory_space<vmem>>
    %dma_start3A_1002 = tpu.memref_squeeze %dma_start3A_1001 : memref<1x1x128xi32, #tpu.memory_space<vmem>> -> memref<128xi32, #tpu.memory_space<vmem>>
    %dma_start3A_1003 = arith.constant 0 : i32
    %dma_start3A_1004 = arith.constant 0 : i32
    %dma_start3A_1005 = tpu.memref_slice %arg2[%dma_start3A_1003, %dma_start3A_1004] : memref<100352x128xf32, #tpu.memory_space<hbm>> -> memref<100352x128xf32, #tpu.memory_space<hbm>>
    tpu.enqueue_indirect_dma source(%dma_start3A_1005 : memref<100352x128xf32, #tpu.memory_space<hbm>>) target(%dma_start3A_999 : memref<128x128xf32, #tpu.memory_space<vmem>>) offsets(%dma_start3A_1002 : memref<128xi32, #tpu.memory_space<vmem>>) semaphore(%arg8 : memref<!tpu.dma_semaphore, #tpu.memory_space<semaphore_mem>>) {add = true}
    %dma_start3A_1006 = arith.constant 2 : i32
    %dma_start3A_1007 = arith.constant 6 : i32
    %dma_start3A_1008 = arith.constant 1 : i32
    %dma_start3A_1009 = arith.constant 0 : i32
    %dma_start3A_1010 = arith.constant 0 : i32
    %dma_start3A_1011 = tpu.memref_slice %arg6[%dma_start3A_1008, %dma_start3A_1009, %dma_start3A_1010] : memref<4x128x128xf32, #tpu.memory_space<vmem>> -> memref<1x128x128xf32, #tpu.memory_space<vmem>>
    %dma_start3A_1012 = tpu.memref_squeeze %dma_start3A_1011 : memref<1x128x128xf32, #tpu.memory_space<vmem>> -> memref<128x128xf32, #tpu.memory_space<vmem>>
    %dma_start3A_1013 = arith.constant 0 : i32
    %dma_start3A_1014 = tpu.memref_slice %arg5[%dma_start3A_1006, %dma_start3A_1007, %dma_start3A_1013] : memref<8x16x128xi32, #tpu.memory_space<vmem>> -> memref<1x1x128xi32, #tpu.memory_space<vmem>>
    %dma_start3A_1015 = tpu.memref_squeeze %dma_start3A_1014 : memref<1x1x128xi32, #tpu.memory_space<vmem>> -> memref<128xi32, #tpu.memory_space<vmem>>
    %dma_start3A_1016 = arith.constant 0 : i32
    %dma_start3A_1017 = arith.constant 0 : i32
    %dma_start3A_1018 = tpu.memref_slice %arg2[%dma_start3A_1016, %dma_start3A_1017] : memref<100352x128xf32, #tpu.memory_space<hbm>> -> memref<100352x128xf32, #tpu.memory_space<hbm>>
    tpu.enqueue_indirect_dma source(%dma_start3A_1018 : memref<100352x128xf32, #tpu.memory_space<hbm>>) target(%dma_start3A_1012 : memref<128x128xf32, #tpu.memory_space<vmem>>) offsets(%dma_start3A_1015 : memref<128xi32, #tpu.memory_space<vmem>>) semaphore(%arg8 : memref<!tpu.dma_semaphore, #tpu.memory_space<semaphore_mem>>) {add = true}
    %dma_start3A_1019 = arith.constant 2 : i32
    %dma_start3A_1020 = arith.constant 7 : i32
    %dma_start3A_1021 = arith.constant 1 : i32
    %dma_start3A_1022 = arith.constant 0 : i32
    %dma_start3A_1023 = arith.constant 0 : i32
    %dma_start3A_1024 = tpu.memref_slice %arg6[%dma_start3A_1021, %dma_start3A_1022, %dma_start3A_1023] : memref<4x128x128xf32, #tpu.memory_space<vmem>> -> memref<1x128x128xf32, #tpu.memory_space<vmem>>
    %dma_start3A_1025 = tpu.memref_squeeze %dma_start3A_1024 : memref<1x128x128xf32, #tpu.memory_space<vmem>> -> memref<128x128xf32, #tpu.memory_space<vmem>>
    %dma_start3A_1026 = arith.constant 0 : i32
    %dma_start3A_1027 = tpu.memref_slice %arg5[%dma_start3A_1019, %dma_start3A_1020, %dma_start3A_1026] : memref<8x16x128xi32, #tpu.memory_space<vmem>> -> memref<1x1x128xi32, #tpu.memory_space<vmem>>
    %dma_start3A_1028 = tpu.memref_squeeze %dma_start3A_1027 : memref<1x1x128xi32, #tpu.memory_space<vmem>> -> memref<128xi32, #tpu.memory_space<vmem>>
    %dma_start3A_1029 = arith.constant 0 : i32
    %dma_start3A_1030 = arith.constant 0 : i32
    %dma_start3A_1031 = tpu.memref_slice %arg2[%dma_start3A_1029, %dma_start3A_1030] : memref<100352x128xf32, #tpu.memory_space<hbm>> -> memref<100352x128xf32, #tpu.memory_space<hbm>>
    tpu.enqueue_indirect_dma source(%dma_start3A_1031 : memref<100352x128xf32, #tpu.memory_space<hbm>>) target(%dma_start3A_1025 : memref<128x128xf32, #tpu.memory_space<vmem>>) offsets(%dma_start3A_1028 : memref<128xi32, #tpu.memory_space<vmem>>) semaphore(%arg8 : memref<!tpu.dma_semaphore, #tpu.memory_space<semaphore_mem>>) {add = true}
    %dma_start3A_1032 = arith.constant 2 : i32
    %dma_start3A_1033 = arith.constant 9 : i32
    %dma_start3A_1034 = arith.constant 2 : i32
    %dma_start3A_1035 = arith.constant 0 : i32
    %dma_start3A_1036 = arith.constant 0 : i32
    %dma_start3A_1037 = tpu.memref_slice %arg6[%dma_start3A_1034, %dma_start3A_1035, %dma_start3A_1036] : memref<4x128x128xf32, #tpu.memory_space<vmem>> -> memref<1x128x128xf32, #tpu.memory_space<vmem>>
    %dma_start3A_1038 = tpu.memref_squeeze %dma_start3A_1037 : memref<1x128x128xf32, #tpu.memory_space<vmem>> -> memref<128x128xf32, #tpu.memory_space<vmem>>
    %dma_start3A_1039 = arith.constant 0 : i32
    %dma_start3A_1040 = tpu.memref_slice %arg5[%dma_start3A_1032, %dma_start3A_1033, %dma_start3A_1039] : memref<8x16x128xi32, #tpu.memory_space<vmem>> -> memref<1x1x128xi32, #tpu.memory_space<vmem>>
    %dma_start3A_1041 = tpu.memref_squeeze %dma_start3A_1040 : memref<1x1x128xi32, #tpu.memory_space<vmem>> -> memref<128xi32, #tpu.memory_space<vmem>>
    %dma_start3A_1042 = arith.constant 0 : i32
    %dma_start3A_1043 = arith.constant 0 : i32
    %dma_start3A_1044 = tpu.memref_slice %arg2[%dma_start3A_1042, %dma_start3A_1043] : memref<100352x128xf32, #tpu.memory_space<hbm>> -> memref<100352x128xf32, #tpu.memory_space<hbm>>
    tpu.enqueue_indirect_dma source(%dma_start3A_1044 : memref<100352x128xf32, #tpu.memory_space<hbm>>) target(%dma_start3A_1038 : memref<128x128xf32, #tpu.memory_space<vmem>>) offsets(%dma_start3A_1041 : memref<128xi32, #tpu.memory_space<vmem>>) semaphore(%arg8 : memref<!tpu.dma_semaphore, #tpu.memory_space<semaphore_mem>>) {add = true}
    %dma_start3A_1045 = arith.constant 2 : i32
    %dma_start3A_1046 = arith.constant 10 : i32
    %dma_start3A_1047 = arith.constant 2 : i32
    %dma_start3A_1048 = arith.constant 0 : i32
    %dma_start3A_1049 = arith.constant 0 : i32
    %dma_start3A_1050 = tpu.memref_slice %arg6[%dma_start3A_1047, %dma_start3A_1048, %dma_start3A_1049] : memref<4x128x128xf32, #tpu.memory_space<vmem>> -> memref<1x128x128xf32, #tpu.memory_space<vmem>>
    %dma_start3A_1051 = tpu.memref_squeeze %dma_start3A_1050 : memref<1x128x128xf32, #tpu.memory_space<vmem>> -> memref<128x128xf32, #tpu.memory_space<vmem>>
    %dma_start3A_1052 = arith.constant 0 : i32
    %dma_start3A_1053 = tpu.memref_slice %arg5[%dma_start3A_1045, %dma_start3A_1046, %dma_start3A_1052] : memref<8x16x128xi32, #tpu.memory_space<vmem>> -> memref<1x1x128xi32, #tpu.memory_space<vmem>>
    %dma_start3A_1054 = tpu.memref_squeeze %dma_start3A_1053 : memref<1x1x128xi32, #tpu.memory_space<vmem>> -> memref<128xi32, #tpu.memory_space<vmem>>
    %dma_start3A_1055 = arith.constant 0 : i32
    %dma_start3A_1056 = arith.constant 0 : i32
    %dma_start3A_1057 = tpu.memref_slice %arg2[%dma_start3A_1055, %dma_start3A_1056] : memref<100352x128xf32, #tpu.memory_space<hbm>> -> memref<100352x128xf32, #tpu.memory_space<hbm>>
    tpu.enqueue_indirect_dma source(%dma_start3A_1057 : memref<100352x128xf32, #tpu.memory_space<hbm>>) target(%dma_start3A_1051 : memref<128x128xf32, #tpu.memory_space<vmem>>) offsets(%dma_start3A_1054 : memref<128xi32, #tpu.memory_space<vmem>>) semaphore(%arg8 : memref<!tpu.dma_semaphore, #tpu.memory_space<semaphore_mem>>) {add = true}
    %dma_start3A_1058 = arith.constant 2 : i32
    %dma_start3A_1059 = arith.constant 11 : i32
    %dma_start3A_1060 = arith.constant 2 : i32
    %dma_start3A_1061 = arith.constant 0 : i32
    %dma_start3A_1062 = arith.constant 0 : i32
    %dma_start3A_1063 = tpu.memref_slice %arg6[%dma_start3A_1060, %dma_start3A_1061, %dma_start3A_1062] : memref<4x128x128xf32, #tpu.memory_space<vmem>> -> memref<1x128x128xf32, #tpu.memory_space<vmem>>
    %dma_start3A_1064 = tpu.memref_squeeze %dma_start3A_1063 : memref<1x128x128xf32, #tpu.memory_space<vmem>> -> memref<128x128xf32, #tpu.memory_space<vmem>>
    %dma_start3A_1065 = arith.constant 0 : i32
    %dma_start3A_1066 = tpu.memref_slice %arg5[%dma_start3A_1058, %dma_start3A_1059, %dma_start3A_1065] : memref<8x16x128xi32, #tpu.memory_space<vmem>> -> memref<1x1x128xi32, #tpu.memory_space<vmem>>
    %dma_start3A_1067 = tpu.memref_squeeze %dma_start3A_1066 : memref<1x1x128xi32, #tpu.memory_space<vmem>> -> memref<128xi32, #tpu.memory_space<vmem>>
    %dma_start3A_1068 = arith.constant 0 : i32
    %dma_start3A_1069 = arith.constant 0 : i32
    %dma_start3A_1070 = tpu.memref_slice %arg2[%dma_start3A_1068, %dma_start3A_1069] : memref<100352x128xf32, #tpu.memory_space<hbm>> -> memref<100352x128xf32, #tpu.memory_space<hbm>>
    tpu.enqueue_indirect_dma source(%dma_start3A_1070 : memref<100352x128xf32, #tpu.memory_space<hbm>>) target(%dma_start3A_1064 : memref<128x128xf32, #tpu.memory_space<vmem>>) offsets(%dma_start3A_1067 : memref<128xi32, #tpu.memory_space<vmem>>) semaphore(%arg8 : memref<!tpu.dma_semaphore, #tpu.memory_space<semaphore_mem>>) {add = true}
    %dma_start3A_1071 = arith.constant 2 : i32
    %dma_start3A_1072 = arith.constant 13 : i32
    %dma_start3A_1073 = arith.constant 3 : i32
    %dma_start3A_1074 = arith.constant 0 : i32
    %dma_start3A_1075 = arith.constant 0 : i32
    %dma_start3A_1076 = tpu.memref_slice %arg6[%dma_start3A_1073, %dma_start3A_1074, %dma_start3A_1075] : memref<4x128x128xf32, #tpu.memory_space<vmem>> -> memref<1x128x128xf32, #tpu.memory_space<vmem>>
    %dma_start3A_1077 = tpu.memref_squeeze %dma_start3A_1076 : memref<1x128x128xf32, #tpu.memory_space<vmem>> -> memref<128x128xf32, #tpu.memory_space<vmem>>
    %dma_start3A_1078 = arith.constant 0 : i32
    %dma_start3A_1079 = tpu.memref_slice %arg5[%dma_start3A_1071, %dma_start3A_1072, %dma_start3A_1078] : memref<8x16x128xi32, #tpu.memory_space<vmem>> -> memref<1x1x128xi32, #tpu.memory_space<vmem>>
    %dma_start3A_1080 = tpu.memref_squeeze %dma_start3A_1079 : memref<1x1x128xi32, #tpu.memory_space<vmem>> -> memref<128xi32, #tpu.memory_space<vmem>>
    %dma_start3A_1081 = arith.constant 0 : i32
    %dma_start3A_1082 = arith.constant 0 : i32
    %dma_start3A_1083 = tpu.memref_slice %arg2[%dma_start3A_1081, %dma_start3A_1082] : memref<100352x128xf32, #tpu.memory_space<hbm>> -> memref<100352x128xf32, #tpu.memory_space<hbm>>
    tpu.enqueue_indirect_dma source(%dma_start3A_1083 : memref<100352x128xf32, #tpu.memory_space<hbm>>) target(%dma_start3A_1077 : memref<128x128xf32, #tpu.memory_space<vmem>>) offsets(%dma_start3A_1080 : memref<128xi32, #tpu.memory_space<vmem>>) semaphore(%arg8 : memref<!tpu.dma_semaphore, #tpu.memory_space<semaphore_mem>>) {add = true}
    %dma_start3A_1084 = arith.constant 2 : i32
    %dma_start3A_1085 = arith.constant 14 : i32
    %dma_start3A_1086 = arith.constant 3 : i32
    %dma_start3A_1087 = arith.constant 0 : i32
    %dma_start3A_1088 = arith.constant 0 : i32
    %dma_start3A_1089 = tpu.memref_slice %arg6[%dma_start3A_1086, %dma_start3A_1087, %dma_start3A_1088] : memref<4x128x128xf32, #tpu.memory_space<vmem>> -> memref<1x128x128xf32, #tpu.memory_space<vmem>>
    %dma_start3A_1090 = tpu.memref_squeeze %dma_start3A_1089 : memref<1x128x128xf32, #tpu.memory_space<vmem>> -> memref<128x128xf32, #tpu.memory_space<vmem>>
    %dma_start3A_1091 = arith.constant 0 : i32
    %dma_start3A_1092 = tpu.memref_slice %arg5[%dma_start3A_1084, %dma_start3A_1085, %dma_start3A_1091] : memref<8x16x128xi32, #tpu.memory_space<vmem>> -> memref<1x1x128xi32, #tpu.memory_space<vmem>>
    %dma_start3A_1093 = tpu.memref_squeeze %dma_start3A_1092 : memref<1x1x128xi32, #tpu.memory_space<vmem>> -> memref<128xi32, #tpu.memory_space<vmem>>
    %dma_start3A_1094 = arith.constant 0 : i32
    %dma_start3A_1095 = arith.constant 0 : i32
    %dma_start3A_1096 = tpu.memref_slice %arg2[%dma_start3A_1094, %dma_start3A_1095] : memref<100352x128xf32, #tpu.memory_space<hbm>> -> memref<100352x128xf32, #tpu.memory_space<hbm>>
    tpu.enqueue_indirect_dma source(%dma_start3A_1096 : memref<100352x128xf32, #tpu.memory_space<hbm>>) target(%dma_start3A_1090 : memref<128x128xf32, #tpu.memory_space<vmem>>) offsets(%dma_start3A_1093 : memref<128xi32, #tpu.memory_space<vmem>>) semaphore(%arg8 : memref<!tpu.dma_semaphore, #tpu.memory_space<semaphore_mem>>) {add = true}
    %dma_start3A_1097 = arith.constant 2 : i32
    %dma_start3A_1098 = arith.constant 15 : i32
    %dma_start3A_1099 = arith.constant 3 : i32
    %dma_start3A_1100 = arith.constant 0 : i32
    %dma_start3A_1101 = arith.constant 0 : i32
    %dma_start3A_1102 = tpu.memref_slice %arg6[%dma_start3A_1099, %dma_start3A_1100, %dma_start3A_1101] : memref<4x128x128xf32, #tpu.memory_space<vmem>> -> memref<1x128x128xf32, #tpu.memory_space<vmem>>
    %dma_start3A_1103 = tpu.memref_squeeze %dma_start3A_1102 : memref<1x128x128xf32, #tpu.memory_space<vmem>> -> memref<128x128xf32, #tpu.memory_space<vmem>>
    %dma_start3A_1104 = arith.constant 0 : i32
    %dma_start3A_1105 = tpu.memref_slice %arg5[%dma_start3A_1097, %dma_start3A_1098, %dma_start3A_1104] : memref<8x16x128xi32, #tpu.memory_space<vmem>> -> memref<1x1x128xi32, #tpu.memory_space<vmem>>
    %dma_start3A_1106 = tpu.memref_squeeze %dma_start3A_1105 : memref<1x1x128xi32, #tpu.memory_space<vmem>> -> memref<128xi32, #tpu.memory_space<vmem>>
    %dma_start3A_1107 = arith.constant 0 : i32
    %dma_start3A_1108 = arith.constant 0 : i32
    %dma_start3A_1109 = tpu.memref_slice %arg2[%dma_start3A_1107, %dma_start3A_1108] : memref<100352x128xf32, #tpu.memory_space<hbm>> -> memref<100352x128xf32, #tpu.memory_space<hbm>>
    tpu.enqueue_indirect_dma source(%dma_start3A_1109 : memref<100352x128xf32, #tpu.memory_space<hbm>>) target(%dma_start3A_1103 : memref<128x128xf32, #tpu.memory_space<vmem>>) offsets(%dma_start3A_1106 : memref<128xi32, #tpu.memory_space<vmem>>) semaphore(%arg8 : memref<!tpu.dma_semaphore, #tpu.memory_space<semaphore_mem>>) {add = true}
    %dma_wait3A_1110 = arith.constant 2 : i32
    %dma_wait3A_1111 = arith.constant 1 : i32
    %dma_wait3A_1112 = arith.constant 0 : i32
    %dma_wait3A_1113 = arith.constant 0 : i32
    %dma_wait3A_1114 = arith.constant 0 : i32
    %dma_wait3A_1115 = tpu.memref_slice %arg6[%dma_wait3A_1112, %dma_wait3A_1113, %dma_wait3A_1114] : memref<4x128x128xf32, #tpu.memory_space<vmem>> -> memref<1x128x128xf32, #tpu.memory_space<vmem>>
    %dma_wait3A_1116 = tpu.memref_squeeze %dma_wait3A_1115 : memref<1x128x128xf32, #tpu.memory_space<vmem>> -> memref<128x128xf32, #tpu.memory_space<vmem>>
    %dma_wait3A_1117 = arith.constant 0 : i32
    %dma_wait3A_1118 = tpu.memref_slice %arg5[%dma_wait3A_1110, %dma_wait3A_1111, %dma_wait3A_1117] : memref<8x16x128xi32, #tpu.memory_space<vmem>> -> memref<1x1x128xi32, #tpu.memory_space<vmem>>
    %dma_wait3A_1119 = tpu.memref_squeeze %dma_wait3A_1118 : memref<1x1x128xi32, #tpu.memory_space<vmem>> -> memref<128xi32, #tpu.memory_space<vmem>>
    %dma_wait3A_1120 = arith.constant 0 : i32
    %dma_wait3A_1121 = arith.constant 0 : i32
    %dma_wait3A_1122 = tpu.memref_slice %arg2[%dma_wait3A_1120, %dma_wait3A_1121] : memref<100352x128xf32, #tpu.memory_space<hbm>> -> memref<100352x128xf32, #tpu.memory_space<hbm>>
    tpu.wait_indirect_dma semaphore(%arg8 : memref<!tpu.dma_semaphore, #tpu.memory_space<semaphore_mem>>) src(%dma_wait3A_1122 : memref<100352x128xf32, #tpu.memory_space<hbm>>) dst(%dma_wait3A_1116 : memref<128x128xf32, #tpu.memory_space<vmem>>)
    %dma_wait3A_1123 = arith.constant 2 : i32
    %dma_wait3A_1124 = arith.constant 2 : i32
    %dma_wait3A_1125 = arith.constant 0 : i32
    %dma_wait3A_1126 = arith.constant 0 : i32
    %dma_wait3A_1127 = arith.constant 0 : i32
    %dma_wait3A_1128 = tpu.memref_slice %arg6[%dma_wait3A_1125, %dma_wait3A_1126, %dma_wait3A_1127] : memref<4x128x128xf32, #tpu.memory_space<vmem>> -> memref<1x128x128xf32, #tpu.memory_space<vmem>>
    %dma_wait3A_1129 = tpu.memref_squeeze %dma_wait3A_1128 : memref<1x128x128xf32, #tpu.memory_space<vmem>> -> memref<128x128xf32, #tpu.memory_space<vmem>>
    %dma_wait3A_1130 = arith.constant 0 : i32
    %dma_wait3A_1131 = tpu.memref_slice %arg5[%dma_wait3A_1123, %dma_wait3A_1124, %dma_wait3A_1130] : memref<8x16x128xi32, #tpu.memory_space<vmem>> -> memref<1x1x128xi32, #tpu.memory_space<vmem>>
    %dma_wait3A_1132 = tpu.memref_squeeze %dma_wait3A_1131 : memref<1x1x128xi32, #tpu.memory_space<vmem>> -> memref<128xi32, #tpu.memory_space<vmem>>
    %dma_wait3A_1133 = arith.constant 0 : i32
    %dma_wait3A_1134 = arith.constant 0 : i32
    %dma_wait3A_1135 = tpu.memref_slice %arg2[%dma_wait3A_1133, %dma_wait3A_1134] : memref<100352x128xf32, #tpu.memory_space<hbm>> -> memref<100352x128xf32, #tpu.memory_space<hbm>>
    tpu.wait_indirect_dma semaphore(%arg8 : memref<!tpu.dma_semaphore, #tpu.memory_space<semaphore_mem>>) src(%dma_wait3A_1135 : memref<100352x128xf32, #tpu.memory_space<hbm>>) dst(%dma_wait3A_1129 : memref<128x128xf32, #tpu.memory_space<vmem>>)
    %dma_wait3A_1136 = arith.constant 2 : i32
    %dma_wait3A_1137 = arith.constant 3 : i32
    %dma_wait3A_1138 = arith.constant 0 : i32
    %dma_wait3A_1139 = arith.constant 0 : i32
    %dma_wait3A_1140 = arith.constant 0 : i32
    %dma_wait3A_1141 = tpu.memref_slice %arg6[%dma_wait3A_1138, %dma_wait3A_1139, %dma_wait3A_1140] : memref<4x128x128xf32, #tpu.memory_space<vmem>> -> memref<1x128x128xf32, #tpu.memory_space<vmem>>
    %dma_wait3A_1142 = tpu.memref_squeeze %dma_wait3A_1141 : memref<1x128x128xf32, #tpu.memory_space<vmem>> -> memref<128x128xf32, #tpu.memory_space<vmem>>
    %dma_wait3A_1143 = arith.constant 0 : i32
    %dma_wait3A_1144 = tpu.memref_slice %arg5[%dma_wait3A_1136, %dma_wait3A_1137, %dma_wait3A_1143] : memref<8x16x128xi32, #tpu.memory_space<vmem>> -> memref<1x1x128xi32, #tpu.memory_space<vmem>>
    %dma_wait3A_1145 = tpu.memref_squeeze %dma_wait3A_1144 : memref<1x1x128xi32, #tpu.memory_space<vmem>> -> memref<128xi32, #tpu.memory_space<vmem>>
    %dma_wait3A_1146 = arith.constant 0 : i32
    %dma_wait3A_1147 = arith.constant 0 : i32
    %dma_wait3A_1148 = tpu.memref_slice %arg2[%dma_wait3A_1146, %dma_wait3A_1147] : memref<100352x128xf32, #tpu.memory_space<hbm>> -> memref<100352x128xf32, #tpu.memory_space<hbm>>
    tpu.wait_indirect_dma semaphore(%arg8 : memref<!tpu.dma_semaphore, #tpu.memory_space<semaphore_mem>>) src(%dma_wait3A_1148 : memref<100352x128xf32, #tpu.memory_space<hbm>>) dst(%dma_wait3A_1142 : memref<128x128xf32, #tpu.memory_space<vmem>>)
    %dma_wait3A_1149 = arith.constant 2 : i32
    %dma_wait3A_1150 = arith.constant 5 : i32
    %dma_wait3A_1151 = arith.constant 1 : i32
    %dma_wait3A_1152 = arith.constant 0 : i32
    %dma_wait3A_1153 = arith.constant 0 : i32
    %dma_wait3A_1154 = tpu.memref_slice %arg6[%dma_wait3A_1151, %dma_wait3A_1152, %dma_wait3A_1153] : memref<4x128x128xf32, #tpu.memory_space<vmem>> -> memref<1x128x128xf32, #tpu.memory_space<vmem>>
    %dma_wait3A_1155 = tpu.memref_squeeze %dma_wait3A_1154 : memref<1x128x128xf32, #tpu.memory_space<vmem>> -> memref<128x128xf32, #tpu.memory_space<vmem>>
    %dma_wait3A_1156 = arith.constant 0 : i32
    %dma_wait3A_1157 = tpu.memref_slice %arg5[%dma_wait3A_1149, %dma_wait3A_1150, %dma_wait3A_1156] : memref<8x16x128xi32, #tpu.memory_space<vmem>> -> memref<1x1x128xi32, #tpu.memory_space<vmem>>
    %dma_wait3A_1158 = tpu.memref_squeeze %dma_wait3A_1157 : memref<1x1x128xi32, #tpu.memory_space<vmem>> -> memref<128xi32, #tpu.memory_space<vmem>>
    %dma_wait3A_1159 = arith.constant 0 : i32
    %dma_wait3A_1160 = arith.constant 0 : i32
    %dma_wait3A_1161 = tpu.memref_slice %arg2[%dma_wait3A_1159, %dma_wait3A_1160] : memref<100352x128xf32, #tpu.memory_space<hbm>> -> memref<100352x128xf32, #tpu.memory_space<hbm>>
    tpu.wait_indirect_dma semaphore(%arg8 : memref<!tpu.dma_semaphore, #tpu.memory_space<semaphore_mem>>) src(%dma_wait3A_1161 : memref<100352x128xf32, #tpu.memory_space<hbm>>) dst(%dma_wait3A_1155 : memref<128x128xf32, #tpu.memory_space<vmem>>)
    %dma_wait3A_1162 = arith.constant 2 : i32
    %dma_wait3A_1163 = arith.constant 6 : i32
    %dma_wait3A_1164 = arith.constant 1 : i32
    %dma_wait3A_1165 = arith.constant 0 : i32
    %dma_wait3A_1166 = arith.constant 0 : i32
    %dma_wait3A_1167 = tpu.memref_slice %arg6[%dma_wait3A_1164, %dma_wait3A_1165, %dma_wait3A_1166] : memref<4x128x128xf32, #tpu.memory_space<vmem>> -> memref<1x128x128xf32, #tpu.memory_space<vmem>>
    %dma_wait3A_1168 = tpu.memref_squeeze %dma_wait3A_1167 : memref<1x128x128xf32, #tpu.memory_space<vmem>> -> memref<128x128xf32, #tpu.memory_space<vmem>>
    %dma_wait3A_1169 = arith.constant 0 : i32
    %dma_wait3A_1170 = tpu.memref_slice %arg5[%dma_wait3A_1162, %dma_wait3A_1163, %dma_wait3A_1169] : memref<8x16x128xi32, #tpu.memory_space<vmem>> -> memref<1x1x128xi32, #tpu.memory_space<vmem>>
    %dma_wait3A_1171 = tpu.memref_squeeze %dma_wait3A_1170 : memref<1x1x128xi32, #tpu.memory_space<vmem>> -> memref<128xi32, #tpu.memory_space<vmem>>
    %dma_wait3A_1172 = arith.constant 0 : i32
    %dma_wait3A_1173 = arith.constant 0 : i32
    %dma_wait3A_1174 = tpu.memref_slice %arg2[%dma_wait3A_1172, %dma_wait3A_1173] : memref<100352x128xf32, #tpu.memory_space<hbm>> -> memref<100352x128xf32, #tpu.memory_space<hbm>>
    tpu.wait_indirect_dma semaphore(%arg8 : memref<!tpu.dma_semaphore, #tpu.memory_space<semaphore_mem>>) src(%dma_wait3A_1174 : memref<100352x128xf32, #tpu.memory_space<hbm>>) dst(%dma_wait3A_1168 : memref<128x128xf32, #tpu.memory_space<vmem>>)
    %dma_wait3A_1175 = arith.constant 2 : i32
    %dma_wait3A_1176 = arith.constant 7 : i32
    %dma_wait3A_1177 = arith.constant 1 : i32
    %dma_wait3A_1178 = arith.constant 0 : i32
    %dma_wait3A_1179 = arith.constant 0 : i32
    %dma_wait3A_1180 = tpu.memref_slice %arg6[%dma_wait3A_1177, %dma_wait3A_1178, %dma_wait3A_1179] : memref<4x128x128xf32, #tpu.memory_space<vmem>> -> memref<1x128x128xf32, #tpu.memory_space<vmem>>
    %dma_wait3A_1181 = tpu.memref_squeeze %dma_wait3A_1180 : memref<1x128x128xf32, #tpu.memory_space<vmem>> -> memref<128x128xf32, #tpu.memory_space<vmem>>
    %dma_wait3A_1182 = arith.constant 0 : i32
    %dma_wait3A_1183 = tpu.memref_slice %arg5[%dma_wait3A_1175, %dma_wait3A_1176, %dma_wait3A_1182] : memref<8x16x128xi32, #tpu.memory_space<vmem>> -> memref<1x1x128xi32, #tpu.memory_space<vmem>>
    %dma_wait3A_1184 = tpu.memref_squeeze %dma_wait3A_1183 : memref<1x1x128xi32, #tpu.memory_space<vmem>> -> memref<128xi32, #tpu.memory_space<vmem>>
    %dma_wait3A_1185 = arith.constant 0 : i32
    %dma_wait3A_1186 = arith.constant 0 : i32
    %dma_wait3A_1187 = tpu.memref_slice %arg2[%dma_wait3A_1185, %dma_wait3A_1186] : memref<100352x128xf32, #tpu.memory_space<hbm>> -> memref<100352x128xf32, #tpu.memory_space<hbm>>
    tpu.wait_indirect_dma semaphore(%arg8 : memref<!tpu.dma_semaphore, #tpu.memory_space<semaphore_mem>>) src(%dma_wait3A_1187 : memref<100352x128xf32, #tpu.memory_space<hbm>>) dst(%dma_wait3A_1181 : memref<128x128xf32, #tpu.memory_space<vmem>>)
    %dma_wait3A_1188 = arith.constant 2 : i32
    %dma_wait3A_1189 = arith.constant 9 : i32
    %dma_wait3A_1190 = arith.constant 2 : i32
    %dma_wait3A_1191 = arith.constant 0 : i32
    %dma_wait3A_1192 = arith.constant 0 : i32
    %dma_wait3A_1193 = tpu.memref_slice %arg6[%dma_wait3A_1190, %dma_wait3A_1191, %dma_wait3A_1192] : memref<4x128x128xf32, #tpu.memory_space<vmem>> -> memref<1x128x128xf32, #tpu.memory_space<vmem>>
    %dma_wait3A_1194 = tpu.memref_squeeze %dma_wait3A_1193 : memref<1x128x128xf32, #tpu.memory_space<vmem>> -> memref<128x128xf32, #tpu.memory_space<vmem>>
    %dma_wait3A_1195 = arith.constant 0 : i32
    %dma_wait3A_1196 = tpu.memref_slice %arg5[%dma_wait3A_1188, %dma_wait3A_1189, %dma_wait3A_1195] : memref<8x16x128xi32, #tpu.memory_space<vmem>> -> memref<1x1x128xi32, #tpu.memory_space<vmem>>
    %dma_wait3A_1197 = tpu.memref_squeeze %dma_wait3A_1196 : memref<1x1x128xi32, #tpu.memory_space<vmem>> -> memref<128xi32, #tpu.memory_space<vmem>>
    %dma_wait3A_1198 = arith.constant 0 : i32
    %dma_wait3A_1199 = arith.constant 0 : i32
    %dma_wait3A_1200 = tpu.memref_slice %arg2[%dma_wait3A_1198, %dma_wait3A_1199] : memref<100352x128xf32, #tpu.memory_space<hbm>> -> memref<100352x128xf32, #tpu.memory_space<hbm>>
    tpu.wait_indirect_dma semaphore(%arg8 : memref<!tpu.dma_semaphore, #tpu.memory_space<semaphore_mem>>) src(%dma_wait3A_1200 : memref<100352x128xf32, #tpu.memory_space<hbm>>) dst(%dma_wait3A_1194 : memref<128x128xf32, #tpu.memory_space<vmem>>)
    %dma_wait3A_1201 = arith.constant 2 : i32
    %dma_wait3A_1202 = arith.constant 10 : i32
    %dma_wait3A_1203 = arith.constant 2 : i32
    %dma_wait3A_1204 = arith.constant 0 : i32
    %dma_wait3A_1205 = arith.constant 0 : i32
    %dma_wait3A_1206 = tpu.memref_slice %arg6[%dma_wait3A_1203, %dma_wait3A_1204, %dma_wait3A_1205] : memref<4x128x128xf32, #tpu.memory_space<vmem>> -> memref<1x128x128xf32, #tpu.memory_space<vmem>>
    %dma_wait3A_1207 = tpu.memref_squeeze %dma_wait3A_1206 : memref<1x128x128xf32, #tpu.memory_space<vmem>> -> memref<128x128xf32, #tpu.memory_space<vmem>>
    %dma_wait3A_1208 = arith.constant 0 : i32
    %dma_wait3A_1209 = tpu.memref_slice %arg5[%dma_wait3A_1201, %dma_wait3A_1202, %dma_wait3A_1208] : memref<8x16x128xi32, #tpu.memory_space<vmem>> -> memref<1x1x128xi32, #tpu.memory_space<vmem>>
    %dma_wait3A_1210 = tpu.memref_squeeze %dma_wait3A_1209 : memref<1x1x128xi32, #tpu.memory_space<vmem>> -> memref<128xi32, #tpu.memory_space<vmem>>
    %dma_wait3A_1211 = arith.constant 0 : i32
    %dma_wait3A_1212 = arith.constant 0 : i32
    %dma_wait3A_1213 = tpu.memref_slice %arg2[%dma_wait3A_1211, %dma_wait3A_1212] : memref<100352x128xf32, #tpu.memory_space<hbm>> -> memref<100352x128xf32, #tpu.memory_space<hbm>>
    tpu.wait_indirect_dma semaphore(%arg8 : memref<!tpu.dma_semaphore, #tpu.memory_space<semaphore_mem>>) src(%dma_wait3A_1213 : memref<100352x128xf32, #tpu.memory_space<hbm>>) dst(%dma_wait3A_1207 : memref<128x128xf32, #tpu.memory_space<vmem>>)
    %dma_wait3A_1214 = arith.constant 2 : i32
    %dma_wait3A_1215 = arith.constant 11 : i32
    %dma_wait3A_1216 = arith.constant 2 : i32
    %dma_wait3A_1217 = arith.constant 0 : i32
    %dma_wait3A_1218 = arith.constant 0 : i32
    %dma_wait3A_1219 = tpu.memref_slice %arg6[%dma_wait3A_1216, %dma_wait3A_1217, %dma_wait3A_1218] : memref<4x128x128xf32, #tpu.memory_space<vmem>> -> memref<1x128x128xf32, #tpu.memory_space<vmem>>
    %dma_wait3A_1220 = tpu.memref_squeeze %dma_wait3A_1219 : memref<1x128x128xf32, #tpu.memory_space<vmem>> -> memref<128x128xf32, #tpu.memory_space<vmem>>
    %dma_wait3A_1221 = arith.constant 0 : i32
    %dma_wait3A_1222 = tpu.memref_slice %arg5[%dma_wait3A_1214, %dma_wait3A_1215, %dma_wait3A_1221] : memref<8x16x128xi32, #tpu.memory_space<vmem>> -> memref<1x1x128xi32, #tpu.memory_space<vmem>>
    %dma_wait3A_1223 = tpu.memref_squeeze %dma_wait3A_1222 : memref<1x1x128xi32, #tpu.memory_space<vmem>> -> memref<128xi32, #tpu.memory_space<vmem>>
    %dma_wait3A_1224 = arith.constant 0 : i32
    %dma_wait3A_1225 = arith.constant 0 : i32
    %dma_wait3A_1226 = tpu.memref_slice %arg2[%dma_wait3A_1224, %dma_wait3A_1225] : memref<100352x128xf32, #tpu.memory_space<hbm>> -> memref<100352x128xf32, #tpu.memory_space<hbm>>
    tpu.wait_indirect_dma semaphore(%arg8 : memref<!tpu.dma_semaphore, #tpu.memory_space<semaphore_mem>>) src(%dma_wait3A_1226 : memref<100352x128xf32, #tpu.memory_space<hbm>>) dst(%dma_wait3A_1220 : memref<128x128xf32, #tpu.memory_space<vmem>>)
    %dma_wait3A_1227 = arith.constant 2 : i32
    %dma_wait3A_1228 = arith.constant 13 : i32
    %dma_wait3A_1229 = arith.constant 3 : i32
    %dma_wait3A_1230 = arith.constant 0 : i32
    %dma_wait3A_1231 = arith.constant 0 : i32
    %dma_wait3A_1232 = tpu.memref_slice %arg6[%dma_wait3A_1229, %dma_wait3A_1230, %dma_wait3A_1231] : memref<4x128x128xf32, #tpu.memory_space<vmem>> -> memref<1x128x128xf32, #tpu.memory_space<vmem>>
    %dma_wait3A_1233 = tpu.memref_squeeze %dma_wait3A_1232 : memref<1x128x128xf32, #tpu.memory_space<vmem>> -> memref<128x128xf32, #tpu.memory_space<vmem>>
    %dma_wait3A_1234 = arith.constant 0 : i32
    %dma_wait3A_1235 = tpu.memref_slice %arg5[%dma_wait3A_1227, %dma_wait3A_1228, %dma_wait3A_1234] : memref<8x16x128xi32, #tpu.memory_space<vmem>> -> memref<1x1x128xi32, #tpu.memory_space<vmem>>
    %dma_wait3A_1236 = tpu.memref_squeeze %dma_wait3A_1235 : memref<1x1x128xi32, #tpu.memory_space<vmem>> -> memref<128xi32, #tpu.memory_space<vmem>>
    %dma_wait3A_1237 = arith.constant 0 : i32
    %dma_wait3A_1238 = arith.constant 0 : i32
    %dma_wait3A_1239 = tpu.memref_slice %arg2[%dma_wait3A_1237, %dma_wait3A_1238] : memref<100352x128xf32, #tpu.memory_space<hbm>> -> memref<100352x128xf32, #tpu.memory_space<hbm>>
    tpu.wait_indirect_dma semaphore(%arg8 : memref<!tpu.dma_semaphore, #tpu.memory_space<semaphore_mem>>) src(%dma_wait3A_1239 : memref<100352x128xf32, #tpu.memory_space<hbm>>) dst(%dma_wait3A_1233 : memref<128x128xf32, #tpu.memory_space<vmem>>)
    %dma_wait3A_1240 = arith.constant 2 : i32
    %dma_wait3A_1241 = arith.constant 14 : i32
    %dma_wait3A_1242 = arith.constant 3 : i32
    %dma_wait3A_1243 = arith.constant 0 : i32
    %dma_wait3A_1244 = arith.constant 0 : i32
    %dma_wait3A_1245 = tpu.memref_slice %arg6[%dma_wait3A_1242, %dma_wait3A_1243, %dma_wait3A_1244] : memref<4x128x128xf32, #tpu.memory_space<vmem>> -> memref<1x128x128xf32, #tpu.memory_space<vmem>>
    %dma_wait3A_1246 = tpu.memref_squeeze %dma_wait3A_1245 : memref<1x128x128xf32, #tpu.memory_space<vmem>> -> memref<128x128xf32, #tpu.memory_space<vmem>>
    %dma_wait3A_1247 = arith.constant 0 : i32
    %dma_wait3A_1248 = tpu.memref_slice %arg5[%dma_wait3A_1240, %dma_wait3A_1241, %dma_wait3A_1247] : memref<8x16x128xi32, #tpu.memory_space<vmem>> -> memref<1x1x128xi32, #tpu.memory_space<vmem>>
    %dma_wait3A_1249 = tpu.memref_squeeze %dma_wait3A_1248 : memref<1x1x128xi32, #tpu.memory_space<vmem>> -> memref<128xi32, #tpu.memory_space<vmem>>
    %dma_wait3A_1250 = arith.constant 0 : i32
    %dma_wait3A_1251 = arith.constant 0 : i32
    %dma_wait3A_1252 = tpu.memref_slice %arg2[%dma_wait3A_1250, %dma_wait3A_1251] : memref<100352x128xf32, #tpu.memory_space<hbm>> -> memref<100352x128xf32, #tpu.memory_space<hbm>>
    tpu.wait_indirect_dma semaphore(%arg8 : memref<!tpu.dma_semaphore, #tpu.memory_space<semaphore_mem>>) src(%dma_wait3A_1252 : memref<100352x128xf32, #tpu.memory_space<hbm>>) dst(%dma_wait3A_1246 : memref<128x128xf32, #tpu.memory_space<vmem>>)
    %dma_wait3A_1253 = arith.constant 2 : i32
    %dma_wait3A_1254 = arith.constant 15 : i32
    %dma_wait3A_1255 = arith.constant 3 : i32
    %dma_wait3A_1256 = arith.constant 0 : i32
    %dma_wait3A_1257 = arith.constant 0 : i32
    %dma_wait3A_1258 = tpu.memref_slice %arg6[%dma_wait3A_1255, %dma_wait3A_1256, %dma_wait3A_1257] : memref<4x128x128xf32, #tpu.memory_space<vmem>> -> memref<1x128x128xf32, #tpu.memory_space<vmem>>
    %dma_wait3A_1259 = tpu.memref_squeeze %dma_wait3A_1258 : memref<1x128x128xf32, #tpu.memory_space<vmem>> -> memref<128x128xf32, #tpu.memory_space<vmem>>
    %dma_wait3A_1260 = arith.constant 0 : i32
    %dma_wait3A_1261 = tpu.memref_slice %arg5[%dma_wait3A_1253, %dma_wait3A_1254, %dma_wait3A_1260] : memref<8x16x128xi32, #tpu.memory_space<vmem>> -> memref<1x1x128xi32, #tpu.memory_space<vmem>>
    %dma_wait3A_1262 = tpu.memref_squeeze %dma_wait3A_1261 : memref<1x1x128xi32, #tpu.memory_space<vmem>> -> memref<128xi32, #tpu.memory_space<vmem>>
    %dma_wait3A_1263 = arith.constant 0 : i32
    %dma_wait3A_1264 = arith.constant 0 : i32
    %dma_wait3A_1265 = tpu.memref_slice %arg2[%dma_wait3A_1263, %dma_wait3A_1264] : memref<100352x128xf32, #tpu.memory_space<hbm>> -> memref<100352x128xf32, #tpu.memory_space<hbm>>
    tpu.wait_indirect_dma semaphore(%arg8 : memref<!tpu.dma_semaphore, #tpu.memory_space<semaphore_mem>>) src(%dma_wait3A_1265 : memref<100352x128xf32, #tpu.memory_space<hbm>>) dst(%dma_wait3A_1259 : memref<128x128xf32, #tpu.memory_space<vmem>>)
    %scan3A_1266 = arith.constant 0 : i32
    %scan3A_1267 = arith.constant 0 : i32
    %scan3A_1268 = arith.constant 128 : i32
    %scan3A_1269 = arith.addi %scan3A_1267, %scan3A_1268 : i32
    %scan3A_1270 = arith.constant 1 : i32
    scf.for %scan3A_3406 = %scan3A_1267 to %scan3A_1269 step %scan3A_1270  : i32 {
      %get3A = arith.constant 0 : i32
      %get3A_3407 = arith.index_cast %get3A : i32 to index
      %get3A_3408 = arith.index_cast %scan3A_3406 : i32 to index
      %get3A_3409 = arith.constant 0 : index
      %get3A_3410 = tpu.vector_load %arg6[%get3A_3407, %get3A_3408, %get3A_3409] {strides = array<i32>} : memref<4x128x128xf32, #tpu.memory_space<vmem>>, vector<1x1x16xf32>,
      %get3A_3411 = vector.shape_cast %get3A_3410 : vector<1x1x16xf32> to vector<16xf32>
      %get3A_3412 = arith.constant 1 : i32
      %get3A_3413 = arith.index_cast %get3A_3412 : i32 to index
      %get3A_3414 = arith.index_cast %scan3A_3406 : i32 to index
      %get3A_3415 = arith.constant 32 : index
      %get3A_3416 = tpu.vector_load %arg6[%get3A_3413, %get3A_3414, %get3A_3415] {strides = array<i32>} : memref<4x128x128xf32, #tpu.memory_space<vmem>>, vector<1x1x16xf32>,
      %get3A_3417 = vector.shape_cast %get3A_3416 : vector<1x1x16xf32> to vector<16xf32>
      %add3A_3418 = arith.addf %get3A_3411, %get3A_3417 : vector<16xf32>
      %get3A_3419 = arith.constant 2 : i32
      %get3A_3420 = arith.index_cast %get3A_3419 : i32 to index
      %get3A_3421 = arith.index_cast %scan3A_3406 : i32 to index
      %get3A_3422 = arith.constant 64 : index
      %get3A_3423 = tpu.vector_load %arg6[%get3A_3420, %get3A_3421, %get3A_3422] {strides = array<i32>} : memref<4x128x128xf32, #tpu.memory_space<vmem>>, vector<1x1x16xf32>,
      %get3A_3424 = vector.shape_cast %get3A_3423 : vector<1x1x16xf32> to vector<16xf32>
      %get3A_3425 = arith.constant 3 : i32
      %get3A_3426 = arith.index_cast %get3A_3425 : i32 to index
      %get3A_3427 = arith.index_cast %scan3A_3406 : i32 to index
      %get3A_3428 = arith.constant 96 : index
      %get3A_3429 = tpu.vector_load %arg6[%get3A_3426, %get3A_3427, %get3A_3428] {strides = array<i32>} : memref<4x128x128xf32, #tpu.memory_space<vmem>>, vector<1x1x16xf32>,
      %get3A_3430 = vector.shape_cast %get3A_3429 : vector<1x1x16xf32> to vector<16xf32>
      %add3A_3431 = arith.addf %get3A_3424, %get3A_3430 : vector<16xf32>
      %add3A_3432 = arith.addf %add3A_3418, %add3A_3431 : vector<16xf32>
      %swap3A = arith.index_cast %scan3A_3406 : i32 to index
      %swap3A_3433 = arith.constant 0 : index
      %swap3A_3434 = tpu.vector_load %arg7[%swap3A, %swap3A_3433] {strides = array<i32>} : memref<128x16xf32, #tpu.memory_space<vmem>>, vector<1x16xf32>,
      %swap3A_3435 = vector.shape_cast %swap3A_3434 : vector<1x16xf32> to vector<16xf32>
      %swap3A_3436 = vector.shape_cast %add3A_3432 : vector<16xf32> to vector<1x16xf32>
      tpu.vector_store %arg7[%swap3A, %swap3A_3433], %swap3A_3436 {strides = array<i32>} : memref<128x16xf32, #tpu.memory_space<vmem>>, vector<1x16xf32>,
    }
    %scan3A_1271 = arith.constant 128 : i32
    %mul3A_1272 = arith.constant 1024 : i32
    %mul3A_1273 = arith.muli %add3A, %mul3A_1272 : i32
    %add3A_1274 = arith.constant 256 : i32
    %add3A_1275 = arith.addi %mul3A_1273, %add3A_1274 : i32
    "tpu.region"() ({
      %run_scoped3A = tpu.sem_alloc : memref<!tpu.dma_semaphore, #tpu.memory_space<semaphore_mem>>
      %dma_start3A_3406 = arith.constant 0 : i32
      %dma_start3A_3407 = tpu.memref_slice %arg4[%add3A_1275, %dma_start3A_3406] : memref<32768x16xf32, #tpu.memory_space<hbm>> -> memref<128x16xf32, #tpu.memory_space<hbm>>
      %dma_start3A_3408 = arith.constant 0 : i32
      %dma_start3A_3409 = tpu.memref_slice %arg4[%add3A_1275, %dma_start3A_3408] : memref<32768x16xf32, #tpu.memory_space<hbm>> -> memref<128x16xf32, #tpu.memory_space<hbm>>
      tpu.enqueue_dma source(%arg7 : memref<128x16xf32, #tpu.memory_space<vmem>>) target(%dma_start3A_3409 : memref<128x16xf32, #tpu.memory_space<hbm>>) target_semaphore(%run_scoped3A : memref<!tpu.dma_semaphore, #tpu.memory_space<semaphore_mem>>)
      %dma_wait3A_3410 = arith.constant 0 : i32
      %dma_wait3A_3411 = tpu.memref_slice %arg4[%add3A_1275, %dma_wait3A_3410] : memref<32768x16xf32, #tpu.memory_space<hbm>> -> memref<128x16xf32, #tpu.memory_space<hbm>>
      %dma_wait3A_3412 = arith.constant 0 : i32
      %dma_wait3A_3413 = tpu.memref_slice %arg4[%add3A_1275, %dma_wait3A_3412] : memref<32768x16xf32, #tpu.memory_space<hbm>> -> memref<128x16xf32, #tpu.memory_space<hbm>>
      tpu.wait_dma2 semaphore(%run_scoped3A : memref<!tpu.dma_semaphore, #tpu.memory_space<semaphore_mem>>) src(%arg7 : memref<128x16xf32, #tpu.memory_space<vmem>>) dst(%dma_wait3A_3413 : memref<128x16xf32, #tpu.memory_space<hbm>>)
      tpu.yield
    }) : () -> ()
    %dma_start3A_1276 = arith.constant 3 : i32
    %dma_start3A_1277 = arith.constant 0 : i32
    %dma_start3A_1278 = arith.constant 0 : i32
    %dma_start3A_1279 = arith.constant 0 : i32
    %dma_start3A_1280 = arith.constant 0 : i32
    %dma_start3A_1281 = tpu.memref_slice %arg6[%dma_start3A_1278, %dma_start3A_1279, %dma_start3A_1280] : memref<4x128x128xf32, #tpu.memory_space<vmem>> -> memref<1x128x128xf32, #tpu.memory_space<vmem>>
    %dma_start3A_1282 = tpu.memref_squeeze %dma_start3A_1281 : memref<1x128x128xf32, #tpu.memory_space<vmem>> -> memref<128x128xf32, #tpu.memory_space<vmem>>
    %dma_start3A_1283 = arith.constant 0 : i32
    %dma_start3A_1284 = tpu.memref_slice %arg5[%dma_start3A_1276, %dma_start3A_1277, %dma_start3A_1283] : memref<8x16x128xi32, #tpu.memory_space<vmem>> -> memref<1x1x128xi32, #tpu.memory_space<vmem>>
    %dma_start3A_1285 = tpu.memref_squeeze %dma_start3A_1284 : memref<1x1x128xi32, #tpu.memory_space<vmem>> -> memref<128xi32, #tpu.memory_space<vmem>>
    %dma_start3A_1286 = arith.constant 0 : i32
    %dma_start3A_1287 = arith.constant 0 : i32
    %dma_start3A_1288 = tpu.memref_slice %arg2[%dma_start3A_1286, %dma_start3A_1287] : memref<100352x128xf32, #tpu.memory_space<hbm>> -> memref<100352x128xf32, #tpu.memory_space<hbm>>
    tpu.enqueue_indirect_dma source(%dma_start3A_1288 : memref<100352x128xf32, #tpu.memory_space<hbm>>) target(%dma_start3A_1282 : memref<128x128xf32, #tpu.memory_space<vmem>>) offsets(%dma_start3A_1285 : memref<128xi32, #tpu.memory_space<vmem>>) semaphore(%arg8 : memref<!tpu.dma_semaphore, #tpu.memory_space<semaphore_mem>>)
    %dma_start3A_1289 = arith.constant 3 : i32
    %dma_start3A_1290 = arith.constant 4 : i32
    %dma_start3A_1291 = arith.constant 1 : i32
    %dma_start3A_1292 = arith.constant 0 : i32
    %dma_start3A_1293 = arith.constant 0 : i32
    %dma_start3A_1294 = tpu.memref_slice %arg6[%dma_start3A_1291, %dma_start3A_1292, %dma_start3A_1293] : memref<4x128x128xf32, #tpu.memory_space<vmem>> -> memref<1x128x128xf32, #tpu.memory_space<vmem>>
    %dma_start3A_1295 = tpu.memref_squeeze %dma_start3A_1294 : memref<1x128x128xf32, #tpu.memory_space<vmem>> -> memref<128x128xf32, #tpu.memory_space<vmem>>
    %dma_start3A_1296 = arith.constant 0 : i32
    %dma_start3A_1297 = tpu.memref_slice %arg5[%dma_start3A_1289, %dma_start3A_1290, %dma_start3A_1296] : memref<8x16x128xi32, #tpu.memory_space<vmem>> -> memref<1x1x128xi32, #tpu.memory_space<vmem>>
    %dma_start3A_1298 = tpu.memref_squeeze %dma_start3A_1297 : memref<1x1x128xi32, #tpu.memory_space<vmem>> -> memref<128xi32, #tpu.memory_space<vmem>>
    %dma_start3A_1299 = arith.constant 0 : i32
    %dma_start3A_1300 = arith.constant 0 : i32
    %dma_start3A_1301 = tpu.memref_slice %arg2[%dma_start3A_1299, %dma_start3A_1300] : memref<100352x128xf32, #tpu.memory_space<hbm>> -> memref<100352x128xf32, #tpu.memory_space<hbm>>
    tpu.enqueue_indirect_dma source(%dma_start3A_1301 : memref<100352x128xf32, #tpu.memory_space<hbm>>) target(%dma_start3A_1295 : memref<128x128xf32, #tpu.memory_space<vmem>>) offsets(%dma_start3A_1298 : memref<128xi32, #tpu.memory_space<vmem>>) semaphore(%arg8 : memref<!tpu.dma_semaphore, #tpu.memory_space<semaphore_mem>>)
    %dma_start3A_1302 = arith.constant 3 : i32
    %dma_start3A_1303 = arith.constant 8 : i32
    %dma_start3A_1304 = arith.constant 2 : i32
    %dma_start3A_1305 = arith.constant 0 : i32
    %dma_start3A_1306 = arith.constant 0 : i32
    %dma_start3A_1307 = tpu.memref_slice %arg6[%dma_start3A_1304, %dma_start3A_1305, %dma_start3A_1306] : memref<4x128x128xf32, #tpu.memory_space<vmem>> -> memref<1x128x128xf32, #tpu.memory_space<vmem>>
    %dma_start3A_1308 = tpu.memref_squeeze %dma_start3A_1307 : memref<1x128x128xf32, #tpu.memory_space<vmem>> -> memref<128x128xf32, #tpu.memory_space<vmem>>
    %dma_start3A_1309 = arith.constant 0 : i32
    %dma_start3A_1310 = tpu.memref_slice %arg5[%dma_start3A_1302, %dma_start3A_1303, %dma_start3A_1309] : memref<8x16x128xi32, #tpu.memory_space<vmem>> -> memref<1x1x128xi32, #tpu.memory_space<vmem>>
    %dma_start3A_1311 = tpu.memref_squeeze %dma_start3A_1310 : memref<1x1x128xi32, #tpu.memory_space<vmem>> -> memref<128xi32, #tpu.memory_space<vmem>>
    %dma_start3A_1312 = arith.constant 0 : i32
    %dma_start3A_1313 = arith.constant 0 : i32
    %dma_start3A_1314 = tpu.memref_slice %arg2[%dma_start3A_1312, %dma_start3A_1313] : memref<100352x128xf32, #tpu.memory_space<hbm>> -> memref<100352x128xf32, #tpu.memory_space<hbm>>
    tpu.enqueue_indirect_dma source(%dma_start3A_1314 : memref<100352x128xf32, #tpu.memory_space<hbm>>) target(%dma_start3A_1308 : memref<128x128xf32, #tpu.memory_space<vmem>>) offsets(%dma_start3A_1311 : memref<128xi32, #tpu.memory_space<vmem>>) semaphore(%arg8 : memref<!tpu.dma_semaphore, #tpu.memory_space<semaphore_mem>>)
    %dma_start3A_1315 = arith.constant 3 : i32
    %dma_start3A_1316 = arith.constant 12 : i32
    %dma_start3A_1317 = arith.constant 3 : i32
    %dma_start3A_1318 = arith.constant 0 : i32
    %dma_start3A_1319 = arith.constant 0 : i32
    %dma_start3A_1320 = tpu.memref_slice %arg6[%dma_start3A_1317, %dma_start3A_1318, %dma_start3A_1319] : memref<4x128x128xf32, #tpu.memory_space<vmem>> -> memref<1x128x128xf32, #tpu.memory_space<vmem>>
    %dma_start3A_1321 = tpu.memref_squeeze %dma_start3A_1320 : memref<1x128x128xf32, #tpu.memory_space<vmem>> -> memref<128x128xf32, #tpu.memory_space<vmem>>
    %dma_start3A_1322 = arith.constant 0 : i32
    %dma_start3A_1323 = tpu.memref_slice %arg5[%dma_start3A_1315, %dma_start3A_1316, %dma_start3A_1322] : memref<8x16x128xi32, #tpu.memory_space<vmem>> -> memref<1x1x128xi32, #tpu.memory_space<vmem>>
    %dma_start3A_1324 = tpu.memref_squeeze %dma_start3A_1323 : memref<1x1x128xi32, #tpu.memory_space<vmem>> -> memref<128xi32, #tpu.memory_space<vmem>>
    %dma_start3A_1325 = arith.constant 0 : i32
    %dma_start3A_1326 = arith.constant 0 : i32
    %dma_start3A_1327 = tpu.memref_slice %arg2[%dma_start3A_1325, %dma_start3A_1326] : memref<100352x128xf32, #tpu.memory_space<hbm>> -> memref<100352x128xf32, #tpu.memory_space<hbm>>
    tpu.enqueue_indirect_dma source(%dma_start3A_1327 : memref<100352x128xf32, #tpu.memory_space<hbm>>) target(%dma_start3A_1321 : memref<128x128xf32, #tpu.memory_space<vmem>>) offsets(%dma_start3A_1324 : memref<128xi32, #tpu.memory_space<vmem>>) semaphore(%arg8 : memref<!tpu.dma_semaphore, #tpu.memory_space<semaphore_mem>>)
    %dma_wait3A_1328 = arith.constant 3 : i32
    %dma_wait3A_1329 = arith.constant 0 : i32
    %dma_wait3A_1330 = arith.constant 0 : i32
    %dma_wait3A_1331 = arith.constant 0 : i32
    %dma_wait3A_1332 = arith.constant 0 : i32
    %dma_wait3A_1333 = tpu.memref_slice %arg6[%dma_wait3A_1330, %dma_wait3A_1331, %dma_wait3A_1332] : memref<4x128x128xf32, #tpu.memory_space<vmem>> -> memref<1x128x128xf32, #tpu.memory_space<vmem>>
    %dma_wait3A_1334 = tpu.memref_squeeze %dma_wait3A_1333 : memref<1x128x128xf32, #tpu.memory_space<vmem>> -> memref<128x128xf32, #tpu.memory_space<vmem>>
    %dma_wait3A_1335 = arith.constant 0 : i32
    %dma_wait3A_1336 = tpu.memref_slice %arg5[%dma_wait3A_1328, %dma_wait3A_1329, %dma_wait3A_1335] : memref<8x16x128xi32, #tpu.memory_space<vmem>> -> memref<1x1x128xi32, #tpu.memory_space<vmem>>
    %dma_wait3A_1337 = tpu.memref_squeeze %dma_wait3A_1336 : memref<1x1x128xi32, #tpu.memory_space<vmem>> -> memref<128xi32, #tpu.memory_space<vmem>>
    %dma_wait3A_1338 = arith.constant 0 : i32
    %dma_wait3A_1339 = arith.constant 0 : i32
    %dma_wait3A_1340 = tpu.memref_slice %arg2[%dma_wait3A_1338, %dma_wait3A_1339] : memref<100352x128xf32, #tpu.memory_space<hbm>> -> memref<100352x128xf32, #tpu.memory_space<hbm>>
    tpu.wait_indirect_dma semaphore(%arg8 : memref<!tpu.dma_semaphore, #tpu.memory_space<semaphore_mem>>) src(%dma_wait3A_1340 : memref<100352x128xf32, #tpu.memory_space<hbm>>) dst(%dma_wait3A_1334 : memref<128x128xf32, #tpu.memory_space<vmem>>)
    %dma_wait3A_1341 = arith.constant 3 : i32
    %dma_wait3A_1342 = arith.constant 4 : i32
    %dma_wait3A_1343 = arith.constant 1 : i32
    %dma_wait3A_1344 = arith.constant 0 : i32
    %dma_wait3A_1345 = arith.constant 0 : i32
    %dma_wait3A_1346 = tpu.memref_slice %arg6[%dma_wait3A_1343, %dma_wait3A_1344, %dma_wait3A_1345] : memref<4x128x128xf32, #tpu.memory_space<vmem>> -> memref<1x128x128xf32, #tpu.memory_space<vmem>>
    %dma_wait3A_1347 = tpu.memref_squeeze %dma_wait3A_1346 : memref<1x128x128xf32, #tpu.memory_space<vmem>> -> memref<128x128xf32, #tpu.memory_space<vmem>>
    %dma_wait3A_1348 = arith.constant 0 : i32
    %dma_wait3A_1349 = tpu.memref_slice %arg5[%dma_wait3A_1341, %dma_wait3A_1342, %dma_wait3A_1348] : memref<8x16x128xi32, #tpu.memory_space<vmem>> -> memref<1x1x128xi32, #tpu.memory_space<vmem>>
    %dma_wait3A_1350 = tpu.memref_squeeze %dma_wait3A_1349 : memref<1x1x128xi32, #tpu.memory_space<vmem>> -> memref<128xi32, #tpu.memory_space<vmem>>
    %dma_wait3A_1351 = arith.constant 0 : i32
    %dma_wait3A_1352 = arith.constant 0 : i32
    %dma_wait3A_1353 = tpu.memref_slice %arg2[%dma_wait3A_1351, %dma_wait3A_1352] : memref<100352x128xf32, #tpu.memory_space<hbm>> -> memref<100352x128xf32, #tpu.memory_space<hbm>>
    tpu.wait_indirect_dma semaphore(%arg8 : memref<!tpu.dma_semaphore, #tpu.memory_space<semaphore_mem>>) src(%dma_wait3A_1353 : memref<100352x128xf32, #tpu.memory_space<hbm>>) dst(%dma_wait3A_1347 : memref<128x128xf32, #tpu.memory_space<vmem>>)
    %dma_wait3A_1354 = arith.constant 3 : i32
    %dma_wait3A_1355 = arith.constant 8 : i32
    %dma_wait3A_1356 = arith.constant 2 : i32
    %dma_wait3A_1357 = arith.constant 0 : i32
    %dma_wait3A_1358 = arith.constant 0 : i32
    %dma_wait3A_1359 = tpu.memref_slice %arg6[%dma_wait3A_1356, %dma_wait3A_1357, %dma_wait3A_1358] : memref<4x128x128xf32, #tpu.memory_space<vmem>> -> memref<1x128x128xf32, #tpu.memory_space<vmem>>
    %dma_wait3A_1360 = tpu.memref_squeeze %dma_wait3A_1359 : memref<1x128x128xf32, #tpu.memory_space<vmem>> -> memref<128x128xf32, #tpu.memory_space<vmem>>
    %dma_wait3A_1361 = arith.constant 0 : i32
    %dma_wait3A_1362 = tpu.memref_slice %arg5[%dma_wait3A_1354, %dma_wait3A_1355, %dma_wait3A_1361] : memref<8x16x128xi32, #tpu.memory_space<vmem>> -> memref<1x1x128xi32, #tpu.memory_space<vmem>>
    %dma_wait3A_1363 = tpu.memref_squeeze %dma_wait3A_1362 : memref<1x1x128xi32, #tpu.memory_space<vmem>> -> memref<128xi32, #tpu.memory_space<vmem>>
    %dma_wait3A_1364 = arith.constant 0 : i32
    %dma_wait3A_1365 = arith.constant 0 : i32
    %dma_wait3A_1366 = tpu.memref_slice %arg2[%dma_wait3A_1364, %dma_wait3A_1365] : memref<100352x128xf32, #tpu.memory_space<hbm>> -> memref<100352x128xf32, #tpu.memory_space<hbm>>
    tpu.wait_indirect_dma semaphore(%arg8 : memref<!tpu.dma_semaphore, #tpu.memory_space<semaphore_mem>>) src(%dma_wait3A_1366 : memref<100352x128xf32, #tpu.memory_space<hbm>>) dst(%dma_wait3A_1360 : memref<128x128xf32, #tpu.memory_space<vmem>>)
    %dma_wait3A_1367 = arith.constant 3 : i32
    %dma_wait3A_1368 = arith.constant 12 : i32
    %dma_wait3A_1369 = arith.constant 3 : i32
    %dma_wait3A_1370 = arith.constant 0 : i32
    %dma_wait3A_1371 = arith.constant 0 : i32
    %dma_wait3A_1372 = tpu.memref_slice %arg6[%dma_wait3A_1369, %dma_wait3A_1370, %dma_wait3A_1371] : memref<4x128x128xf32, #tpu.memory_space<vmem>> -> memref<1x128x128xf32, #tpu.memory_space<vmem>>
    %dma_wait3A_1373 = tpu.memref_squeeze %dma_wait3A_1372 : memref<1x128x128xf32, #tpu.memory_space<vmem>> -> memref<128x128xf32, #tpu.memory_space<vmem>>
    %dma_wait3A_1374 = arith.constant 0 : i32
    %dma_wait3A_1375 = tpu.memref_slice %arg5[%dma_wait3A_1367, %dma_wait3A_1368, %dma_wait3A_1374] : memref<8x16x128xi32, #tpu.memory_space<vmem>> -> memref<1x1x128xi32, #tpu.memory_space<vmem>>
    %dma_wait3A_1376 = tpu.memref_squeeze %dma_wait3A_1375 : memref<1x1x128xi32, #tpu.memory_space<vmem>> -> memref<128xi32, #tpu.memory_space<vmem>>
    %dma_wait3A_1377 = arith.constant 0 : i32
    %dma_wait3A_1378 = arith.constant 0 : i32
    %dma_wait3A_1379 = tpu.memref_slice %arg2[%dma_wait3A_1377, %dma_wait3A_1378] : memref<100352x128xf32, #tpu.memory_space<hbm>> -> memref<100352x128xf32, #tpu.memory_space<hbm>>
    tpu.wait_indirect_dma semaphore(%arg8 : memref<!tpu.dma_semaphore, #tpu.memory_space<semaphore_mem>>) src(%dma_wait3A_1379 : memref<100352x128xf32, #tpu.memory_space<hbm>>) dst(%dma_wait3A_1373 : memref<128x128xf32, #tpu.memory_space<vmem>>)
    %dma_start3A_1380 = arith.constant 3 : i32
    %dma_start3A_1381 = arith.constant 1 : i32
    %dma_start3A_1382 = arith.constant 0 : i32
    %dma_start3A_1383 = arith.constant 0 : i32
    %dma_start3A_1384 = arith.constant 0 : i32
    %dma_start3A_1385 = tpu.memref_slice %arg6[%dma_start3A_1382, %dma_start3A_1383, %dma_start3A_1384] : memref<4x128x128xf32, #tpu.memory_space<vmem>> -> memref<1x128x128xf32, #tpu.memory_space<vmem>>
    %dma_start3A_1386 = tpu.memref_squeeze %dma_start3A_1385 : memref<1x128x128xf32, #tpu.memory_space<vmem>> -> memref<128x128xf32, #tpu.memory_space<vmem>>
    %dma_start3A_1387 = arith.constant 0 : i32
    %dma_start3A_1388 = tpu.memref_slice %arg5[%dma_start3A_1380, %dma_start3A_1381, %dma_start3A_1387] : memref<8x16x128xi32, #tpu.memory_space<vmem>> -> memref<1x1x128xi32, #tpu.memory_space<vmem>>
    %dma_start3A_1389 = tpu.memref_squeeze %dma_start3A_1388 : memref<1x1x128xi32, #tpu.memory_space<vmem>> -> memref<128xi32, #tpu.memory_space<vmem>>
    %dma_start3A_1390 = arith.constant 0 : i32
    %dma_start3A_1391 = arith.constant 0 : i32
    %dma_start3A_1392 = tpu.memref_slice %arg2[%dma_start3A_1390, %dma_start3A_1391] : memref<100352x128xf32, #tpu.memory_space<hbm>> -> memref<100352x128xf32, #tpu.memory_space<hbm>>
    tpu.enqueue_indirect_dma source(%dma_start3A_1392 : memref<100352x128xf32, #tpu.memory_space<hbm>>) target(%dma_start3A_1386 : memref<128x128xf32, #tpu.memory_space<vmem>>) offsets(%dma_start3A_1389 : memref<128xi32, #tpu.memory_space<vmem>>) semaphore(%arg8 : memref<!tpu.dma_semaphore, #tpu.memory_space<semaphore_mem>>) {add = true}
    %dma_start3A_1393 = arith.constant 3 : i32
    %dma_start3A_1394 = arith.constant 2 : i32
    %dma_start3A_1395 = arith.constant 0 : i32
    %dma_start3A_1396 = arith.constant 0 : i32
    %dma_start3A_1397 = arith.constant 0 : i32
    %dma_start3A_1398 = tpu.memref_slice %arg6[%dma_start3A_1395, %dma_start3A_1396, %dma_start3A_1397] : memref<4x128x128xf32, #tpu.memory_space<vmem>> -> memref<1x128x128xf32, #tpu.memory_space<vmem>>
    %dma_start3A_1399 = tpu.memref_squeeze %dma_start3A_1398 : memref<1x128x128xf32, #tpu.memory_space<vmem>> -> memref<128x128xf32, #tpu.memory_space<vmem>>
    %dma_start3A_1400 = arith.constant 0 : i32
    %dma_start3A_1401 = tpu.memref_slice %arg5[%dma_start3A_1393, %dma_start3A_1394, %dma_start3A_1400] : memref<8x16x128xi32, #tpu.memory_space<vmem>> -> memref<1x1x128xi32, #tpu.memory_space<vmem>>
    %dma_start3A_1402 = tpu.memref_squeeze %dma_start3A_1401 : memref<1x1x128xi32, #tpu.memory_space<vmem>> -> memref<128xi32, #tpu.memory_space<vmem>>
    %dma_start3A_1403 = arith.constant 0 : i32
    %dma_start3A_1404 = arith.constant 0 : i32
    %dma_start3A_1405 = tpu.memref_slice %arg2[%dma_start3A_1403, %dma_start3A_1404] : memref<100352x128xf32, #tpu.memory_space<hbm>> -> memref<100352x128xf32, #tpu.memory_space<hbm>>
    tpu.enqueue_indirect_dma source(%dma_start3A_1405 : memref<100352x128xf32, #tpu.memory_space<hbm>>) target(%dma_start3A_1399 : memref<128x128xf32, #tpu.memory_space<vmem>>) offsets(%dma_start3A_1402 : memref<128xi32, #tpu.memory_space<vmem>>) semaphore(%arg8 : memref<!tpu.dma_semaphore, #tpu.memory_space<semaphore_mem>>) {add = true}
    %dma_start3A_1406 = arith.constant 3 : i32
    %dma_start3A_1407 = arith.constant 3 : i32
    %dma_start3A_1408 = arith.constant 0 : i32
    %dma_start3A_1409 = arith.constant 0 : i32
    %dma_start3A_1410 = arith.constant 0 : i32
    %dma_start3A_1411 = tpu.memref_slice %arg6[%dma_start3A_1408, %dma_start3A_1409, %dma_start3A_1410] : memref<4x128x128xf32, #tpu.memory_space<vmem>> -> memref<1x128x128xf32, #tpu.memory_space<vmem>>
    %dma_start3A_1412 = tpu.memref_squeeze %dma_start3A_1411 : memref<1x128x128xf32, #tpu.memory_space<vmem>> -> memref<128x128xf32, #tpu.memory_space<vmem>>
    %dma_start3A_1413 = arith.constant 0 : i32
    %dma_start3A_1414 = tpu.memref_slice %arg5[%dma_start3A_1406, %dma_start3A_1407, %dma_start3A_1413] : memref<8x16x128xi32, #tpu.memory_space<vmem>> -> memref<1x1x128xi32, #tpu.memory_space<vmem>>
    %dma_start3A_1415 = tpu.memref_squeeze %dma_start3A_1414 : memref<1x1x128xi32, #tpu.memory_space<vmem>> -> memref<128xi32, #tpu.memory_space<vmem>>
    %dma_start3A_1416 = arith.constant 0 : i32
    %dma_start3A_1417 = arith.constant 0 : i32
    %dma_start3A_1418 = tpu.memref_slice %arg2[%dma_start3A_1416, %dma_start3A_1417] : memref<100352x128xf32, #tpu.memory_space<hbm>> -> memref<100352x128xf32, #tpu.memory_space<hbm>>
    tpu.enqueue_indirect_dma source(%dma_start3A_1418 : memref<100352x128xf32, #tpu.memory_space<hbm>>) target(%dma_start3A_1412 : memref<128x128xf32, #tpu.memory_space<vmem>>) offsets(%dma_start3A_1415 : memref<128xi32, #tpu.memory_space<vmem>>) semaphore(%arg8 : memref<!tpu.dma_semaphore, #tpu.memory_space<semaphore_mem>>) {add = true}
    %dma_start3A_1419 = arith.constant 3 : i32
    %dma_start3A_1420 = arith.constant 5 : i32
    %dma_start3A_1421 = arith.constant 1 : i32
    %dma_start3A_1422 = arith.constant 0 : i32
    %dma_start3A_1423 = arith.constant 0 : i32
    %dma_start3A_1424 = tpu.memref_slice %arg6[%dma_start3A_1421, %dma_start3A_1422, %dma_start3A_1423] : memref<4x128x128xf32, #tpu.memory_space<vmem>> -> memref<1x128x128xf32, #tpu.memory_space<vmem>>
    %dma_start3A_1425 = tpu.memref_squeeze %dma_start3A_1424 : memref<1x128x128xf32, #tpu.memory_space<vmem>> -> memref<128x128xf32, #tpu.memory_space<vmem>>
    %dma_start3A_1426 = arith.constant 0 : i32
    %dma_start3A_1427 = tpu.memref_slice %arg5[%dma_start3A_1419, %dma_start3A_1420, %dma_start3A_1426] : memref<8x16x128xi32, #tpu.memory_space<vmem>> -> memref<1x1x128xi32, #tpu.memory_space<vmem>>
    %dma_start3A_1428 = tpu.memref_squeeze %dma_start3A_1427 : memref<1x1x128xi32, #tpu.memory_space<vmem>> -> memref<128xi32, #tpu.memory_space<vmem>>
    %dma_start3A_1429 = arith.constant 0 : i32
    %dma_start3A_1430 = arith.constant 0 : i32
    %dma_start3A_1431 = tpu.memref_slice %arg2[%dma_start3A_1429, %dma_start3A_1430] : memref<100352x128xf32, #tpu.memory_space<hbm>> -> memref<100352x128xf32, #tpu.memory_space<hbm>>
    tpu.enqueue_indirect_dma source(%dma_start3A_1431 : memref<100352x128xf32, #tpu.memory_space<hbm>>) target(%dma_start3A_1425 : memref<128x128xf32, #tpu.memory_space<vmem>>) offsets(%dma_start3A_1428 : memref<128xi32, #tpu.memory_space<vmem>>) semaphore(%arg8 : memref<!tpu.dma_semaphore, #tpu.memory_space<semaphore_mem>>) {add = true}
    %dma_start3A_1432 = arith.constant 3 : i32
    %dma_start3A_1433 = arith.constant 6 : i32
    %dma_start3A_1434 = arith.constant 1 : i32
    %dma_start3A_1435 = arith.constant 0 : i32
    %dma_start3A_1436 = arith.constant 0 : i32
    %dma_start3A_1437 = tpu.memref_slice %arg6[%dma_start3A_1434, %dma_start3A_1435, %dma_start3A_1436] : memref<4x128x128xf32, #tpu.memory_space<vmem>> -> memref<1x128x128xf32, #tpu.memory_space<vmem>>
    %dma_start3A_1438 = tpu.memref_squeeze %dma_start3A_1437 : memref<1x128x128xf32, #tpu.memory_space<vmem>> -> memref<128x128xf32, #tpu.memory_space<vmem>>
    %dma_start3A_1439 = arith.constant 0 : i32
    %dma_start3A_1440 = tpu.memref_slice %arg5[%dma_start3A_1432, %dma_start3A_1433, %dma_start3A_1439] : memref<8x16x128xi32, #tpu.memory_space<vmem>> -> memref<1x1x128xi32, #tpu.memory_space<vmem>>
    %dma_start3A_1441 = tpu.memref_squeeze %dma_start3A_1440 : memref<1x1x128xi32, #tpu.memory_space<vmem>> -> memref<128xi32, #tpu.memory_space<vmem>>
    %dma_start3A_1442 = arith.constant 0 : i32
    %dma_start3A_1443 = arith.constant 0 : i32
    %dma_start3A_1444 = tpu.memref_slice %arg2[%dma_start3A_1442, %dma_start3A_1443] : memref<100352x128xf32, #tpu.memory_space<hbm>> -> memref<100352x128xf32, #tpu.memory_space<hbm>>
    tpu.enqueue_indirect_dma source(%dma_start3A_1444 : memref<100352x128xf32, #tpu.memory_space<hbm>>) target(%dma_start3A_1438 : memref<128x128xf32, #tpu.memory_space<vmem>>) offsets(%dma_start3A_1441 : memref<128xi32, #tpu.memory_space<vmem>>) semaphore(%arg8 : memref<!tpu.dma_semaphore, #tpu.memory_space<semaphore_mem>>) {add = true}
    %dma_start3A_1445 = arith.constant 3 : i32
    %dma_start3A_1446 = arith.constant 7 : i32
    %dma_start3A_1447 = arith.constant 1 : i32
    %dma_start3A_1448 = arith.constant 0 : i32
    %dma_start3A_1449 = arith.constant 0 : i32
    %dma_start3A_1450 = tpu.memref_slice %arg6[%dma_start3A_1447, %dma_start3A_1448, %dma_start3A_1449] : memref<4x128x128xf32, #tpu.memory_space<vmem>> -> memref<1x128x128xf32, #tpu.memory_space<vmem>>
    %dma_start3A_1451 = tpu.memref_squeeze %dma_start3A_1450 : memref<1x128x128xf32, #tpu.memory_space<vmem>> -> memref<128x128xf32, #tpu.memory_space<vmem>>
    %dma_start3A_1452 = arith.constant 0 : i32
    %dma_start3A_1453 = tpu.memref_slice %arg5[%dma_start3A_1445, %dma_start3A_1446, %dma_start3A_1452] : memref<8x16x128xi32, #tpu.memory_space<vmem>> -> memref<1x1x128xi32, #tpu.memory_space<vmem>>
    %dma_start3A_1454 = tpu.memref_squeeze %dma_start3A_1453 : memref<1x1x128xi32, #tpu.memory_space<vmem>> -> memref<128xi32, #tpu.memory_space<vmem>>
    %dma_start3A_1455 = arith.constant 0 : i32
    %dma_start3A_1456 = arith.constant 0 : i32
    %dma_start3A_1457 = tpu.memref_slice %arg2[%dma_start3A_1455, %dma_start3A_1456] : memref<100352x128xf32, #tpu.memory_space<hbm>> -> memref<100352x128xf32, #tpu.memory_space<hbm>>
    tpu.enqueue_indirect_dma source(%dma_start3A_1457 : memref<100352x128xf32, #tpu.memory_space<hbm>>) target(%dma_start3A_1451 : memref<128x128xf32, #tpu.memory_space<vmem>>) offsets(%dma_start3A_1454 : memref<128xi32, #tpu.memory_space<vmem>>) semaphore(%arg8 : memref<!tpu.dma_semaphore, #tpu.memory_space<semaphore_mem>>) {add = true}
    %dma_start3A_1458 = arith.constant 3 : i32
    %dma_start3A_1459 = arith.constant 9 : i32
    %dma_start3A_1460 = arith.constant 2 : i32
    %dma_start3A_1461 = arith.constant 0 : i32
    %dma_start3A_1462 = arith.constant 0 : i32
    %dma_start3A_1463 = tpu.memref_slice %arg6[%dma_start3A_1460, %dma_start3A_1461, %dma_start3A_1462] : memref<4x128x128xf32, #tpu.memory_space<vmem>> -> memref<1x128x128xf32, #tpu.memory_space<vmem>>
    %dma_start3A_1464 = tpu.memref_squeeze %dma_start3A_1463 : memref<1x128x128xf32, #tpu.memory_space<vmem>> -> memref<128x128xf32, #tpu.memory_space<vmem>>
    %dma_start3A_1465 = arith.constant 0 : i32
    %dma_start3A_1466 = tpu.memref_slice %arg5[%dma_start3A_1458, %dma_start3A_1459, %dma_start3A_1465] : memref<8x16x128xi32, #tpu.memory_space<vmem>> -> memref<1x1x128xi32, #tpu.memory_space<vmem>>
    %dma_start3A_1467 = tpu.memref_squeeze %dma_start3A_1466 : memref<1x1x128xi32, #tpu.memory_space<vmem>> -> memref<128xi32, #tpu.memory_space<vmem>>
    %dma_start3A_1468 = arith.constant 0 : i32
    %dma_start3A_1469 = arith.constant 0 : i32
    %dma_start3A_1470 = tpu.memref_slice %arg2[%dma_start3A_1468, %dma_start3A_1469] : memref<100352x128xf32, #tpu.memory_space<hbm>> -> memref<100352x128xf32, #tpu.memory_space<hbm>>
    tpu.enqueue_indirect_dma source(%dma_start3A_1470 : memref<100352x128xf32, #tpu.memory_space<hbm>>) target(%dma_start3A_1464 : memref<128x128xf32, #tpu.memory_space<vmem>>) offsets(%dma_start3A_1467 : memref<128xi32, #tpu.memory_space<vmem>>) semaphore(%arg8 : memref<!tpu.dma_semaphore, #tpu.memory_space<semaphore_mem>>) {add = true}
    %dma_start3A_1471 = arith.constant 3 : i32
    %dma_start3A_1472 = arith.constant 10 : i32
    %dma_start3A_1473 = arith.constant 2 : i32
    %dma_start3A_1474 = arith.constant 0 : i32
    %dma_start3A_1475 = arith.constant 0 : i32
    %dma_start3A_1476 = tpu.memref_slice %arg6[%dma_start3A_1473, %dma_start3A_1474, %dma_start3A_1475] : memref<4x128x128xf32, #tpu.memory_space<vmem>> -> memref<1x128x128xf32, #tpu.memory_space<vmem>>
    %dma_start3A_1477 = tpu.memref_squeeze %dma_start3A_1476 : memref<1x128x128xf32, #tpu.memory_space<vmem>> -> memref<128x128xf32, #tpu.memory_space<vmem>>
    %dma_start3A_1478 = arith.constant 0 : i32
    %dma_start3A_1479 = tpu.memref_slice %arg5[%dma_start3A_1471, %dma_start3A_1472, %dma_start3A_1478] : memref<8x16x128xi32, #tpu.memory_space<vmem>> -> memref<1x1x128xi32, #tpu.memory_space<vmem>>
    %dma_start3A_1480 = tpu.memref_squeeze %dma_start3A_1479 : memref<1x1x128xi32, #tpu.memory_space<vmem>> -> memref<128xi32, #tpu.memory_space<vmem>>
    %dma_start3A_1481 = arith.constant 0 : i32
    %dma_start3A_1482 = arith.constant 0 : i32
    %dma_start3A_1483 = tpu.memref_slice %arg2[%dma_start3A_1481, %dma_start3A_1482] : memref<100352x128xf32, #tpu.memory_space<hbm>> -> memref<100352x128xf32, #tpu.memory_space<hbm>>
    tpu.enqueue_indirect_dma source(%dma_start3A_1483 : memref<100352x128xf32, #tpu.memory_space<hbm>>) target(%dma_start3A_1477 : memref<128x128xf32, #tpu.memory_space<vmem>>) offsets(%dma_start3A_1480 : memref<128xi32, #tpu.memory_space<vmem>>) semaphore(%arg8 : memref<!tpu.dma_semaphore, #tpu.memory_space<semaphore_mem>>) {add = true}
    %dma_start3A_1484 = arith.constant 3 : i32
    %dma_start3A_1485 = arith.constant 11 : i32
    %dma_start3A_1486 = arith.constant 2 : i32
    %dma_start3A_1487 = arith.constant 0 : i32
    %dma_start3A_1488 = arith.constant 0 : i32
    %dma_start3A_1489 = tpu.memref_slice %arg6[%dma_start3A_1486, %dma_start3A_1487, %dma_start3A_1488] : memref<4x128x128xf32, #tpu.memory_space<vmem>> -> memref<1x128x128xf32, #tpu.memory_space<vmem>>
    %dma_start3A_1490 = tpu.memref_squeeze %dma_start3A_1489 : memref<1x128x128xf32, #tpu.memory_space<vmem>> -> memref<128x128xf32, #tpu.memory_space<vmem>>
    %dma_start3A_1491 = arith.constant 0 : i32
    %dma_start3A_1492 = tpu.memref_slice %arg5[%dma_start3A_1484, %dma_start3A_1485, %dma_start3A_1491] : memref<8x16x128xi32, #tpu.memory_space<vmem>> -> memref<1x1x128xi32, #tpu.memory_space<vmem>>
    %dma_start3A_1493 = tpu.memref_squeeze %dma_start3A_1492 : memref<1x1x128xi32, #tpu.memory_space<vmem>> -> memref<128xi32, #tpu.memory_space<vmem>>
    %dma_start3A_1494 = arith.constant 0 : i32
    %dma_start3A_1495 = arith.constant 0 : i32
    %dma_start3A_1496 = tpu.memref_slice %arg2[%dma_start3A_1494, %dma_start3A_1495] : memref<100352x128xf32, #tpu.memory_space<hbm>> -> memref<100352x128xf32, #tpu.memory_space<hbm>>
    tpu.enqueue_indirect_dma source(%dma_start3A_1496 : memref<100352x128xf32, #tpu.memory_space<hbm>>) target(%dma_start3A_1490 : memref<128x128xf32, #tpu.memory_space<vmem>>) offsets(%dma_start3A_1493 : memref<128xi32, #tpu.memory_space<vmem>>) semaphore(%arg8 : memref<!tpu.dma_semaphore, #tpu.memory_space<semaphore_mem>>) {add = true}
    %dma_start3A_1497 = arith.constant 3 : i32
    %dma_start3A_1498 = arith.constant 13 : i32
    %dma_start3A_1499 = arith.constant 3 : i32
    %dma_start3A_1500 = arith.constant 0 : i32
    %dma_start3A_1501 = arith.constant 0 : i32
    %dma_start3A_1502 = tpu.memref_slice %arg6[%dma_start3A_1499, %dma_start3A_1500, %dma_start3A_1501] : memref<4x128x128xf32, #tpu.memory_space<vmem>> -> memref<1x128x128xf32, #tpu.memory_space<vmem>>
    %dma_start3A_1503 = tpu.memref_squeeze %dma_start3A_1502 : memref<1x128x128xf32, #tpu.memory_space<vmem>> -> memref<128x128xf32, #tpu.memory_space<vmem>>
    %dma_start3A_1504 = arith.constant 0 : i32
    %dma_start3A_1505 = tpu.memref_slice %arg5[%dma_start3A_1497, %dma_start3A_1498, %dma_start3A_1504] : memref<8x16x128xi32, #tpu.memory_space<vmem>> -> memref<1x1x128xi32, #tpu.memory_space<vmem>>
    %dma_start3A_1506 = tpu.memref_squeeze %dma_start3A_1505 : memref<1x1x128xi32, #tpu.memory_space<vmem>> -> memref<128xi32, #tpu.memory_space<vmem>>
    %dma_start3A_1507 = arith.constant 0 : i32
    %dma_start3A_1508 = arith.constant 0 : i32
    %dma_start3A_1509 = tpu.memref_slice %arg2[%dma_start3A_1507, %dma_start3A_1508] : memref<100352x128xf32, #tpu.memory_space<hbm>> -> memref<100352x128xf32, #tpu.memory_space<hbm>>
    tpu.enqueue_indirect_dma source(%dma_start3A_1509 : memref<100352x128xf32, #tpu.memory_space<hbm>>) target(%dma_start3A_1503 : memref<128x128xf32, #tpu.memory_space<vmem>>) offsets(%dma_start3A_1506 : memref<128xi32, #tpu.memory_space<vmem>>) semaphore(%arg8 : memref<!tpu.dma_semaphore, #tpu.memory_space<semaphore_mem>>) {add = true}
    %dma_start3A_1510 = arith.constant 3 : i32
    %dma_start3A_1511 = arith.constant 14 : i32
    %dma_start3A_1512 = arith.constant 3 : i32
    %dma_start3A_1513 = arith.constant 0 : i32
    %dma_start3A_1514 = arith.constant 0 : i32
    %dma_start3A_1515 = tpu.memref_slice %arg6[%dma_start3A_1512, %dma_start3A_1513, %dma_start3A_1514] : memref<4x128x128xf32, #tpu.memory_space<vmem>> -> memref<1x128x128xf32, #tpu.memory_space<vmem>>
    %dma_start3A_1516 = tpu.memref_squeeze %dma_start3A_1515 : memref<1x128x128xf32, #tpu.memory_space<vmem>> -> memref<128x128xf32, #tpu.memory_space<vmem>>
    %dma_start3A_1517 = arith.constant 0 : i32
    %dma_start3A_1518 = tpu.memref_slice %arg5[%dma_start3A_1510, %dma_start3A_1511, %dma_start3A_1517] : memref<8x16x128xi32, #tpu.memory_space<vmem>> -> memref<1x1x128xi32, #tpu.memory_space<vmem>>
    %dma_start3A_1519 = tpu.memref_squeeze %dma_start3A_1518 : memref<1x1x128xi32, #tpu.memory_space<vmem>> -> memref<128xi32, #tpu.memory_space<vmem>>
    %dma_start3A_1520 = arith.constant 0 : i32
    %dma_start3A_1521 = arith.constant 0 : i32
    %dma_start3A_1522 = tpu.memref_slice %arg2[%dma_start3A_1520, %dma_start3A_1521] : memref<100352x128xf32, #tpu.memory_space<hbm>> -> memref<100352x128xf32, #tpu.memory_space<hbm>>
    tpu.enqueue_indirect_dma source(%dma_start3A_1522 : memref<100352x128xf32, #tpu.memory_space<hbm>>) target(%dma_start3A_1516 : memref<128x128xf32, #tpu.memory_space<vmem>>) offsets(%dma_start3A_1519 : memref<128xi32, #tpu.memory_space<vmem>>) semaphore(%arg8 : memref<!tpu.dma_semaphore, #tpu.memory_space<semaphore_mem>>) {add = true}
    %dma_start3A_1523 = arith.constant 3 : i32
    %dma_start3A_1524 = arith.constant 15 : i32
    %dma_start3A_1525 = arith.constant 3 : i32
    %dma_start3A_1526 = arith.constant 0 : i32
    %dma_start3A_1527 = arith.constant 0 : i32
    %dma_start3A_1528 = tpu.memref_slice %arg6[%dma_start3A_1525, %dma_start3A_1526, %dma_start3A_1527] : memref<4x128x128xf32, #tpu.memory_space<vmem>> -> memref<1x128x128xf32, #tpu.memory_space<vmem>>
    %dma_start3A_1529 = tpu.memref_squeeze %dma_start3A_1528 : memref<1x128x128xf32, #tpu.memory_space<vmem>> -> memref<128x128xf32, #tpu.memory_space<vmem>>
    %dma_start3A_1530 = arith.constant 0 : i32
    %dma_start3A_1531 = tpu.memref_slice %arg5[%dma_start3A_1523, %dma_start3A_1524, %dma_start3A_1530] : memref<8x16x128xi32, #tpu.memory_space<vmem>> -> memref<1x1x128xi32, #tpu.memory_space<vmem>>
    %dma_start3A_1532 = tpu.memref_squeeze %dma_start3A_1531 : memref<1x1x128xi32, #tpu.memory_space<vmem>> -> memref<128xi32, #tpu.memory_space<vmem>>
    %dma_start3A_1533 = arith.constant 0 : i32
    %dma_start3A_1534 = arith.constant 0 : i32
    %dma_start3A_1535 = tpu.memref_slice %arg2[%dma_start3A_1533, %dma_start3A_1534] : memref<100352x128xf32, #tpu.memory_space<hbm>> -> memref<100352x128xf32, #tpu.memory_space<hbm>>
    tpu.enqueue_indirect_dma source(%dma_start3A_1535 : memref<100352x128xf32, #tpu.memory_space<hbm>>) target(%dma_start3A_1529 : memref<128x128xf32, #tpu.memory_space<vmem>>) offsets(%dma_start3A_1532 : memref<128xi32, #tpu.memory_space<vmem>>) semaphore(%arg8 : memref<!tpu.dma_semaphore, #tpu.memory_space<semaphore_mem>>) {add = true}
    %dma_wait3A_1536 = arith.constant 3 : i32
    %dma_wait3A_1537 = arith.constant 1 : i32
    %dma_wait3A_1538 = arith.constant 0 : i32
    %dma_wait3A_1539 = arith.constant 0 : i32
    %dma_wait3A_1540 = arith.constant 0 : i32
    %dma_wait3A_1541 = tpu.memref_slice %arg6[%dma_wait3A_1538, %dma_wait3A_1539, %dma_wait3A_1540] : memref<4x128x128xf32, #tpu.memory_space<vmem>> -> memref<1x128x128xf32, #tpu.memory_space<vmem>>
    %dma_wait3A_1542 = tpu.memref_squeeze %dma_wait3A_1541 : memref<1x128x128xf32, #tpu.memory_space<vmem>> -> memref<128x128xf32, #tpu.memory_space<vmem>>
    %dma_wait3A_1543 = arith.constant 0 : i32
    %dma_wait3A_1544 = tpu.memref_slice %arg5[%dma_wait3A_1536, %dma_wait3A_1537, %dma_wait3A_1543] : memref<8x16x128xi32, #tpu.memory_space<vmem>> -> memref<1x1x128xi32, #tpu.memory_space<vmem>>
    %dma_wait3A_1545 = tpu.memref_squeeze %dma_wait3A_1544 : memref<1x1x128xi32, #tpu.memory_space<vmem>> -> memref<128xi32, #tpu.memory_space<vmem>>
    %dma_wait3A_1546 = arith.constant 0 : i32
    %dma_wait3A_1547 = arith.constant 0 : i32
    %dma_wait3A_1548 = tpu.memref_slice %arg2[%dma_wait3A_1546, %dma_wait3A_1547] : memref<100352x128xf32, #tpu.memory_space<hbm>> -> memref<100352x128xf32, #tpu.memory_space<hbm>>
    tpu.wait_indirect_dma semaphore(%arg8 : memref<!tpu.dma_semaphore, #tpu.memory_space<semaphore_mem>>) src(%dma_wait3A_1548 : memref<100352x128xf32, #tpu.memory_space<hbm>>) dst(%dma_wait3A_1542 : memref<128x128xf32, #tpu.memory_space<vmem>>)
    %dma_wait3A_1549 = arith.constant 3 : i32
    %dma_wait3A_1550 = arith.constant 2 : i32
    %dma_wait3A_1551 = arith.constant 0 : i32
    %dma_wait3A_1552 = arith.constant 0 : i32
    %dma_wait3A_1553 = arith.constant 0 : i32
    %dma_wait3A_1554 = tpu.memref_slice %arg6[%dma_wait3A_1551, %dma_wait3A_1552, %dma_wait3A_1553] : memref<4x128x128xf32, #tpu.memory_space<vmem>> -> memref<1x128x128xf32, #tpu.memory_space<vmem>>
    %dma_wait3A_1555 = tpu.memref_squeeze %dma_wait3A_1554 : memref<1x128x128xf32, #tpu.memory_space<vmem>> -> memref<128x128xf32, #tpu.memory_space<vmem>>
    %dma_wait3A_1556 = arith.constant 0 : i32
    %dma_wait3A_1557 = tpu.memref_slice %arg5[%dma_wait3A_1549, %dma_wait3A_1550, %dma_wait3A_1556] : memref<8x16x128xi32, #tpu.memory_space<vmem>> -> memref<1x1x128xi32, #tpu.memory_space<vmem>>
    %dma_wait3A_1558 = tpu.memref_squeeze %dma_wait3A_1557 : memref<1x1x128xi32, #tpu.memory_space<vmem>> -> memref<128xi32, #tpu.memory_space<vmem>>
    %dma_wait3A_1559 = arith.constant 0 : i32
    %dma_wait3A_1560 = arith.constant 0 : i32
    %dma_wait3A_1561 = tpu.memref_slice %arg2[%dma_wait3A_1559, %dma_wait3A_1560] : memref<100352x128xf32, #tpu.memory_space<hbm>> -> memref<100352x128xf32, #tpu.memory_space<hbm>>
    tpu.wait_indirect_dma semaphore(%arg8 : memref<!tpu.dma_semaphore, #tpu.memory_space<semaphore_mem>>) src(%dma_wait3A_1561 : memref<100352x128xf32, #tpu.memory_space<hbm>>) dst(%dma_wait3A_1555 : memref<128x128xf32, #tpu.memory_space<vmem>>)
    %dma_wait3A_1562 = arith.constant 3 : i32
    %dma_wait3A_1563 = arith.constant 3 : i32
    %dma_wait3A_1564 = arith.constant 0 : i32
    %dma_wait3A_1565 = arith.constant 0 : i32
    %dma_wait3A_1566 = arith.constant 0 : i32
    %dma_wait3A_1567 = tpu.memref_slice %arg6[%dma_wait3A_1564, %dma_wait3A_1565, %dma_wait3A_1566] : memref<4x128x128xf32, #tpu.memory_space<vmem>> -> memref<1x128x128xf32, #tpu.memory_space<vmem>>
    %dma_wait3A_1568 = tpu.memref_squeeze %dma_wait3A_1567 : memref<1x128x128xf32, #tpu.memory_space<vmem>> -> memref<128x128xf32, #tpu.memory_space<vmem>>
    %dma_wait3A_1569 = arith.constant 0 : i32
    %dma_wait3A_1570 = tpu.memref_slice %arg5[%dma_wait3A_1562, %dma_wait3A_1563, %dma_wait3A_1569] : memref<8x16x128xi32, #tpu.memory_space<vmem>> -> memref<1x1x128xi32, #tpu.memory_space<vmem>>
    %dma_wait3A_1571 = tpu.memref_squeeze %dma_wait3A_1570 : memref<1x1x128xi32, #tpu.memory_space<vmem>> -> memref<128xi32, #tpu.memory_space<vmem>>
    %dma_wait3A_1572 = arith.constant 0 : i32
    %dma_wait3A_1573 = arith.constant 0 : i32
    %dma_wait3A_1574 = tpu.memref_slice %arg2[%dma_wait3A_1572, %dma_wait3A_1573] : memref<100352x128xf32, #tpu.memory_space<hbm>> -> memref<100352x128xf32, #tpu.memory_space<hbm>>
    tpu.wait_indirect_dma semaphore(%arg8 : memref<!tpu.dma_semaphore, #tpu.memory_space<semaphore_mem>>) src(%dma_wait3A_1574 : memref<100352x128xf32, #tpu.memory_space<hbm>>) dst(%dma_wait3A_1568 : memref<128x128xf32, #tpu.memory_space<vmem>>)
    %dma_wait3A_1575 = arith.constant 3 : i32
    %dma_wait3A_1576 = arith.constant 5 : i32
    %dma_wait3A_1577 = arith.constant 1 : i32
    %dma_wait3A_1578 = arith.constant 0 : i32
    %dma_wait3A_1579 = arith.constant 0 : i32
    %dma_wait3A_1580 = tpu.memref_slice %arg6[%dma_wait3A_1577, %dma_wait3A_1578, %dma_wait3A_1579] : memref<4x128x128xf32, #tpu.memory_space<vmem>> -> memref<1x128x128xf32, #tpu.memory_space<vmem>>
    %dma_wait3A_1581 = tpu.memref_squeeze %dma_wait3A_1580 : memref<1x128x128xf32, #tpu.memory_space<vmem>> -> memref<128x128xf32, #tpu.memory_space<vmem>>
    %dma_wait3A_1582 = arith.constant 0 : i32
    %dma_wait3A_1583 = tpu.memref_slice %arg5[%dma_wait3A_1575, %dma_wait3A_1576, %dma_wait3A_1582] : memref<8x16x128xi32, #tpu.memory_space<vmem>> -> memref<1x1x128xi32, #tpu.memory_space<vmem>>
    %dma_wait3A_1584 = tpu.memref_squeeze %dma_wait3A_1583 : memref<1x1x128xi32, #tpu.memory_space<vmem>> -> memref<128xi32, #tpu.memory_space<vmem>>
    %dma_wait3A_1585 = arith.constant 0 : i32
    %dma_wait3A_1586 = arith.constant 0 : i32
    %dma_wait3A_1587 = tpu.memref_slice %arg2[%dma_wait3A_1585, %dma_wait3A_1586] : memref<100352x128xf32, #tpu.memory_space<hbm>> -> memref<100352x128xf32, #tpu.memory_space<hbm>>
    tpu.wait_indirect_dma semaphore(%arg8 : memref<!tpu.dma_semaphore, #tpu.memory_space<semaphore_mem>>) src(%dma_wait3A_1587 : memref<100352x128xf32, #tpu.memory_space<hbm>>) dst(%dma_wait3A_1581 : memref<128x128xf32, #tpu.memory_space<vmem>>)
    %dma_wait3A_1588 = arith.constant 3 : i32
    %dma_wait3A_1589 = arith.constant 6 : i32
    %dma_wait3A_1590 = arith.constant 1 : i32
    %dma_wait3A_1591 = arith.constant 0 : i32
    %dma_wait3A_1592 = arith.constant 0 : i32
    %dma_wait3A_1593 = tpu.memref_slice %arg6[%dma_wait3A_1590, %dma_wait3A_1591, %dma_wait3A_1592] : memref<4x128x128xf32, #tpu.memory_space<vmem>> -> memref<1x128x128xf32, #tpu.memory_space<vmem>>
    %dma_wait3A_1594 = tpu.memref_squeeze %dma_wait3A_1593 : memref<1x128x128xf32, #tpu.memory_space<vmem>> -> memref<128x128xf32, #tpu.memory_space<vmem>>
    %dma_wait3A_1595 = arith.constant 0 : i32
    %dma_wait3A_1596 = tpu.memref_slice %arg5[%dma_wait3A_1588, %dma_wait3A_1589, %dma_wait3A_1595] : memref<8x16x128xi32, #tpu.memory_space<vmem>> -> memref<1x1x128xi32, #tpu.memory_space<vmem>>
    %dma_wait3A_1597 = tpu.memref_squeeze %dma_wait3A_1596 : memref<1x1x128xi32, #tpu.memory_space<vmem>> -> memref<128xi32, #tpu.memory_space<vmem>>
    %dma_wait3A_1598 = arith.constant 0 : i32
    %dma_wait3A_1599 = arith.constant 0 : i32
    %dma_wait3A_1600 = tpu.memref_slice %arg2[%dma_wait3A_1598, %dma_wait3A_1599] : memref<100352x128xf32, #tpu.memory_space<hbm>> -> memref<100352x128xf32, #tpu.memory_space<hbm>>
    tpu.wait_indirect_dma semaphore(%arg8 : memref<!tpu.dma_semaphore, #tpu.memory_space<semaphore_mem>>) src(%dma_wait3A_1600 : memref<100352x128xf32, #tpu.memory_space<hbm>>) dst(%dma_wait3A_1594 : memref<128x128xf32, #tpu.memory_space<vmem>>)
    %dma_wait3A_1601 = arith.constant 3 : i32
    %dma_wait3A_1602 = arith.constant 7 : i32
    %dma_wait3A_1603 = arith.constant 1 : i32
    %dma_wait3A_1604 = arith.constant 0 : i32
    %dma_wait3A_1605 = arith.constant 0 : i32
    %dma_wait3A_1606 = tpu.memref_slice %arg6[%dma_wait3A_1603, %dma_wait3A_1604, %dma_wait3A_1605] : memref<4x128x128xf32, #tpu.memory_space<vmem>> -> memref<1x128x128xf32, #tpu.memory_space<vmem>>
    %dma_wait3A_1607 = tpu.memref_squeeze %dma_wait3A_1606 : memref<1x128x128xf32, #tpu.memory_space<vmem>> -> memref<128x128xf32, #tpu.memory_space<vmem>>
    %dma_wait3A_1608 = arith.constant 0 : i32
    %dma_wait3A_1609 = tpu.memref_slice %arg5[%dma_wait3A_1601, %dma_wait3A_1602, %dma_wait3A_1608] : memref<8x16x128xi32, #tpu.memory_space<vmem>> -> memref<1x1x128xi32, #tpu.memory_space<vmem>>
    %dma_wait3A_1610 = tpu.memref_squeeze %dma_wait3A_1609 : memref<1x1x128xi32, #tpu.memory_space<vmem>> -> memref<128xi32, #tpu.memory_space<vmem>>
    %dma_wait3A_1611 = arith.constant 0 : i32
    %dma_wait3A_1612 = arith.constant 0 : i32
    %dma_wait3A_1613 = tpu.memref_slice %arg2[%dma_wait3A_1611, %dma_wait3A_1612] : memref<100352x128xf32, #tpu.memory_space<hbm>> -> memref<100352x128xf32, #tpu.memory_space<hbm>>
    tpu.wait_indirect_dma semaphore(%arg8 : memref<!tpu.dma_semaphore, #tpu.memory_space<semaphore_mem>>) src(%dma_wait3A_1613 : memref<100352x128xf32, #tpu.memory_space<hbm>>) dst(%dma_wait3A_1607 : memref<128x128xf32, #tpu.memory_space<vmem>>)
    %dma_wait3A_1614 = arith.constant 3 : i32
    %dma_wait3A_1615 = arith.constant 9 : i32
    %dma_wait3A_1616 = arith.constant 2 : i32
    %dma_wait3A_1617 = arith.constant 0 : i32
    %dma_wait3A_1618 = arith.constant 0 : i32
    %dma_wait3A_1619 = tpu.memref_slice %arg6[%dma_wait3A_1616, %dma_wait3A_1617, %dma_wait3A_1618] : memref<4x128x128xf32, #tpu.memory_space<vmem>> -> memref<1x128x128xf32, #tpu.memory_space<vmem>>
    %dma_wait3A_1620 = tpu.memref_squeeze %dma_wait3A_1619 : memref<1x128x128xf32, #tpu.memory_space<vmem>> -> memref<128x128xf32, #tpu.memory_space<vmem>>
    %dma_wait3A_1621 = arith.constant 0 : i32
    %dma_wait3A_1622 = tpu.memref_slice %arg5[%dma_wait3A_1614, %dma_wait3A_1615, %dma_wait3A_1621] : memref<8x16x128xi32, #tpu.memory_space<vmem>> -> memref<1x1x128xi32, #tpu.memory_space<vmem>>
    %dma_wait3A_1623 = tpu.memref_squeeze %dma_wait3A_1622 : memref<1x1x128xi32, #tpu.memory_space<vmem>> -> memref<128xi32, #tpu.memory_space<vmem>>
    %dma_wait3A_1624 = arith.constant 0 : i32
    %dma_wait3A_1625 = arith.constant 0 : i32
    %dma_wait3A_1626 = tpu.memref_slice %arg2[%dma_wait3A_1624, %dma_wait3A_1625] : memref<100352x128xf32, #tpu.memory_space<hbm>> -> memref<100352x128xf32, #tpu.memory_space<hbm>>
    tpu.wait_indirect_dma semaphore(%arg8 : memref<!tpu.dma_semaphore, #tpu.memory_space<semaphore_mem>>) src(%dma_wait3A_1626 : memref<100352x128xf32, #tpu.memory_space<hbm>>) dst(%dma_wait3A_1620 : memref<128x128xf32, #tpu.memory_space<vmem>>)
    %dma_wait3A_1627 = arith.constant 3 : i32
    %dma_wait3A_1628 = arith.constant 10 : i32
    %dma_wait3A_1629 = arith.constant 2 : i32
    %dma_wait3A_1630 = arith.constant 0 : i32
    %dma_wait3A_1631 = arith.constant 0 : i32
    %dma_wait3A_1632 = tpu.memref_slice %arg6[%dma_wait3A_1629, %dma_wait3A_1630, %dma_wait3A_1631] : memref<4x128x128xf32, #tpu.memory_space<vmem>> -> memref<1x128x128xf32, #tpu.memory_space<vmem>>
    %dma_wait3A_1633 = tpu.memref_squeeze %dma_wait3A_1632 : memref<1x128x128xf32, #tpu.memory_space<vmem>> -> memref<128x128xf32, #tpu.memory_space<vmem>>
    %dma_wait3A_1634 = arith.constant 0 : i32
    %dma_wait3A_1635 = tpu.memref_slice %arg5[%dma_wait3A_1627, %dma_wait3A_1628, %dma_wait3A_1634] : memref<8x16x128xi32, #tpu.memory_space<vmem>> -> memref<1x1x128xi32, #tpu.memory_space<vmem>>
    %dma_wait3A_1636 = tpu.memref_squeeze %dma_wait3A_1635 : memref<1x1x128xi32, #tpu.memory_space<vmem>> -> memref<128xi32, #tpu.memory_space<vmem>>
    %dma_wait3A_1637 = arith.constant 0 : i32
    %dma_wait3A_1638 = arith.constant 0 : i32
    %dma_wait3A_1639 = tpu.memref_slice %arg2[%dma_wait3A_1637, %dma_wait3A_1638] : memref<100352x128xf32, #tpu.memory_space<hbm>> -> memref<100352x128xf32, #tpu.memory_space<hbm>>
    tpu.wait_indirect_dma semaphore(%arg8 : memref<!tpu.dma_semaphore, #tpu.memory_space<semaphore_mem>>) src(%dma_wait3A_1639 : memref<100352x128xf32, #tpu.memory_space<hbm>>) dst(%dma_wait3A_1633 : memref<128x128xf32, #tpu.memory_space<vmem>>)
    %dma_wait3A_1640 = arith.constant 3 : i32
    %dma_wait3A_1641 = arith.constant 11 : i32
    %dma_wait3A_1642 = arith.constant 2 : i32
    %dma_wait3A_1643 = arith.constant 0 : i32
    %dma_wait3A_1644 = arith.constant 0 : i32
    %dma_wait3A_1645 = tpu.memref_slice %arg6[%dma_wait3A_1642, %dma_wait3A_1643, %dma_wait3A_1644] : memref<4x128x128xf32, #tpu.memory_space<vmem>> -> memref<1x128x128xf32, #tpu.memory_space<vmem>>
    %dma_wait3A_1646 = tpu.memref_squeeze %dma_wait3A_1645 : memref<1x128x128xf32, #tpu.memory_space<vmem>> -> memref<128x128xf32, #tpu.memory_space<vmem>>
    %dma_wait3A_1647 = arith.constant 0 : i32
    %dma_wait3A_1648 = tpu.memref_slice %arg5[%dma_wait3A_1640, %dma_wait3A_1641, %dma_wait3A_1647] : memref<8x16x128xi32, #tpu.memory_space<vmem>> -> memref<1x1x128xi32, #tpu.memory_space<vmem>>
    %dma_wait3A_1649 = tpu.memref_squeeze %dma_wait3A_1648 : memref<1x1x128xi32, #tpu.memory_space<vmem>> -> memref<128xi32, #tpu.memory_space<vmem>>
    %dma_wait3A_1650 = arith.constant 0 : i32
    %dma_wait3A_1651 = arith.constant 0 : i32
    %dma_wait3A_1652 = tpu.memref_slice %arg2[%dma_wait3A_1650, %dma_wait3A_1651] : memref<100352x128xf32, #tpu.memory_space<hbm>> -> memref<100352x128xf32, #tpu.memory_space<hbm>>
    tpu.wait_indirect_dma semaphore(%arg8 : memref<!tpu.dma_semaphore, #tpu.memory_space<semaphore_mem>>) src(%dma_wait3A_1652 : memref<100352x128xf32, #tpu.memory_space<hbm>>) dst(%dma_wait3A_1646 : memref<128x128xf32, #tpu.memory_space<vmem>>)
    %dma_wait3A_1653 = arith.constant 3 : i32
    %dma_wait3A_1654 = arith.constant 13 : i32
    %dma_wait3A_1655 = arith.constant 3 : i32
    %dma_wait3A_1656 = arith.constant 0 : i32
    %dma_wait3A_1657 = arith.constant 0 : i32
    %dma_wait3A_1658 = tpu.memref_slice %arg6[%dma_wait3A_1655, %dma_wait3A_1656, %dma_wait3A_1657] : memref<4x128x128xf32, #tpu.memory_space<vmem>> -> memref<1x128x128xf32, #tpu.memory_space<vmem>>
    %dma_wait3A_1659 = tpu.memref_squeeze %dma_wait3A_1658 : memref<1x128x128xf32, #tpu.memory_space<vmem>> -> memref<128x128xf32, #tpu.memory_space<vmem>>
    %dma_wait3A_1660 = arith.constant 0 : i32
    %dma_wait3A_1661 = tpu.memref_slice %arg5[%dma_wait3A_1653, %dma_wait3A_1654, %dma_wait3A_1660] : memref<8x16x128xi32, #tpu.memory_space<vmem>> -> memref<1x1x128xi32, #tpu.memory_space<vmem>>
    %dma_wait3A_1662 = tpu.memref_squeeze %dma_wait3A_1661 : memref<1x1x128xi32, #tpu.memory_space<vmem>> -> memref<128xi32, #tpu.memory_space<vmem>>
    %dma_wait3A_1663 = arith.constant 0 : i32
    %dma_wait3A_1664 = arith.constant 0 : i32
    %dma_wait3A_1665 = tpu.memref_slice %arg2[%dma_wait3A_1663, %dma_wait3A_1664] : memref<100352x128xf32, #tpu.memory_space<hbm>> -> memref<100352x128xf32, #tpu.memory_space<hbm>>
    tpu.wait_indirect_dma semaphore(%arg8 : memref<!tpu.dma_semaphore, #tpu.memory_space<semaphore_mem>>) src(%dma_wait3A_1665 : memref<100352x128xf32, #tpu.memory_space<hbm>>) dst(%dma_wait3A_1659 : memref<128x128xf32, #tpu.memory_space<vmem>>)
    %dma_wait3A_1666 = arith.constant 3 : i32
    %dma_wait3A_1667 = arith.constant 14 : i32
    %dma_wait3A_1668 = arith.constant 3 : i32
    %dma_wait3A_1669 = arith.constant 0 : i32
    %dma_wait3A_1670 = arith.constant 0 : i32
    %dma_wait3A_1671 = tpu.memref_slice %arg6[%dma_wait3A_1668, %dma_wait3A_1669, %dma_wait3A_1670] : memref<4x128x128xf32, #tpu.memory_space<vmem>> -> memref<1x128x128xf32, #tpu.memory_space<vmem>>
    %dma_wait3A_1672 = tpu.memref_squeeze %dma_wait3A_1671 : memref<1x128x128xf32, #tpu.memory_space<vmem>> -> memref<128x128xf32, #tpu.memory_space<vmem>>
    %dma_wait3A_1673 = arith.constant 0 : i32
    %dma_wait3A_1674 = tpu.memref_slice %arg5[%dma_wait3A_1666, %dma_wait3A_1667, %dma_wait3A_1673] : memref<8x16x128xi32, #tpu.memory_space<vmem>> -> memref<1x1x128xi32, #tpu.memory_space<vmem>>
    %dma_wait3A_1675 = tpu.memref_squeeze %dma_wait3A_1674 : memref<1x1x128xi32, #tpu.memory_space<vmem>> -> memref<128xi32, #tpu.memory_space<vmem>>
    %dma_wait3A_1676 = arith.constant 0 : i32
    %dma_wait3A_1677 = arith.constant 0 : i32
    %dma_wait3A_1678 = tpu.memref_slice %arg2[%dma_wait3A_1676, %dma_wait3A_1677] : memref<100352x128xf32, #tpu.memory_space<hbm>> -> memref<100352x128xf32, #tpu.memory_space<hbm>>
    tpu.wait_indirect_dma semaphore(%arg8 : memref<!tpu.dma_semaphore, #tpu.memory_space<semaphore_mem>>) src(%dma_wait3A_1678 : memref<100352x128xf32, #tpu.memory_space<hbm>>) dst(%dma_wait3A_1672 : memref<128x128xf32, #tpu.memory_space<vmem>>)
    %dma_wait3A_1679 = arith.constant 3 : i32
    %dma_wait3A_1680 = arith.constant 15 : i32
    %dma_wait3A_1681 = arith.constant 3 : i32
    %dma_wait3A_1682 = arith.constant 0 : i32
    %dma_wait3A_1683 = arith.constant 0 : i32
    %dma_wait3A_1684 = tpu.memref_slice %arg6[%dma_wait3A_1681, %dma_wait3A_1682, %dma_wait3A_1683] : memref<4x128x128xf32, #tpu.memory_space<vmem>> -> memref<1x128x128xf32, #tpu.memory_space<vmem>>
    %dma_wait3A_1685 = tpu.memref_squeeze %dma_wait3A_1684 : memref<1x128x128xf32, #tpu.memory_space<vmem>> -> memref<128x128xf32, #tpu.memory_space<vmem>>
    %dma_wait3A_1686 = arith.constant 0 : i32
    %dma_wait3A_1687 = tpu.memref_slice %arg5[%dma_wait3A_1679, %dma_wait3A_1680, %dma_wait3A_1686] : memref<8x16x128xi32, #tpu.memory_space<vmem>> -> memref<1x1x128xi32, #tpu.memory_space<vmem>>
    %dma_wait3A_1688 = tpu.memref_squeeze %dma_wait3A_1687 : memref<1x1x128xi32, #tpu.memory_space<vmem>> -> memref<128xi32, #tpu.memory_space<vmem>>
    %dma_wait3A_1689 = arith.constant 0 : i32
    %dma_wait3A_1690 = arith.constant 0 : i32
    %dma_wait3A_1691 = tpu.memref_slice %arg2[%dma_wait3A_1689, %dma_wait3A_1690] : memref<100352x128xf32, #tpu.memory_space<hbm>> -> memref<100352x128xf32, #tpu.memory_space<hbm>>
    tpu.wait_indirect_dma semaphore(%arg8 : memref<!tpu.dma_semaphore, #tpu.memory_space<semaphore_mem>>) src(%dma_wait3A_1691 : memref<100352x128xf32, #tpu.memory_space<hbm>>) dst(%dma_wait3A_1685 : memref<128x128xf32, #tpu.memory_space<vmem>>)
    %scan3A_1692 = arith.constant 0 : i32
    %scan3A_1693 = arith.constant 0 : i32
    %scan3A_1694 = arith.constant 128 : i32
    %scan3A_1695 = arith.addi %scan3A_1693, %scan3A_1694 : i32
    %scan3A_1696 = arith.constant 1 : i32
    scf.for %scan3A_3406 = %scan3A_1693 to %scan3A_1695 step %scan3A_1696  : i32 {
      %get3A = arith.constant 0 : i32
      %get3A_3407 = arith.index_cast %get3A : i32 to index
      %get3A_3408 = arith.index_cast %scan3A_3406 : i32 to index
      %get3A_3409 = arith.constant 0 : index
      %get3A_3410 = tpu.vector_load %arg6[%get3A_3407, %get3A_3408, %get3A_3409] {strides = array<i32>} : memref<4x128x128xf32, #tpu.memory_space<vmem>>, vector<1x1x16xf32>,
      %get3A_3411 = vector.shape_cast %get3A_3410 : vector<1x1x16xf32> to vector<16xf32>
      %get3A_3412 = arith.constant 1 : i32
      %get3A_3413 = arith.index_cast %get3A_3412 : i32 to index
      %get3A_3414 = arith.index_cast %scan3A_3406 : i32 to index
      %get3A_3415 = arith.constant 32 : index
      %get3A_3416 = tpu.vector_load %arg6[%get3A_3413, %get3A_3414, %get3A_3415] {strides = array<i32>} : memref<4x128x128xf32, #tpu.memory_space<vmem>>, vector<1x1x16xf32>,
      %get3A_3417 = vector.shape_cast %get3A_3416 : vector<1x1x16xf32> to vector<16xf32>
      %add3A_3418 = arith.addf %get3A_3411, %get3A_3417 : vector<16xf32>
      %get3A_3419 = arith.constant 2 : i32
      %get3A_3420 = arith.index_cast %get3A_3419 : i32 to index
      %get3A_3421 = arith.index_cast %scan3A_3406 : i32 to index
      %get3A_3422 = arith.constant 64 : index
      %get3A_3423 = tpu.vector_load %arg6[%get3A_3420, %get3A_3421, %get3A_3422] {strides = array<i32>} : memref<4x128x128xf32, #tpu.memory_space<vmem>>, vector<1x1x16xf32>,
      %get3A_3424 = vector.shape_cast %get3A_3423 : vector<1x1x16xf32> to vector<16xf32>
      %get3A_3425 = arith.constant 3 : i32
      %get3A_3426 = arith.index_cast %get3A_3425 : i32 to index
      %get3A_3427 = arith.index_cast %scan3A_3406 : i32 to index
      %get3A_3428 = arith.constant 96 : index
      %get3A_3429 = tpu.vector_load %arg6[%get3A_3426, %get3A_3427, %get3A_3428] {strides = array<i32>} : memref<4x128x128xf32, #tpu.memory_space<vmem>>, vector<1x1x16xf32>,
      %get3A_3430 = vector.shape_cast %get3A_3429 : vector<1x1x16xf32> to vector<16xf32>
      %add3A_3431 = arith.addf %get3A_3424, %get3A_3430 : vector<16xf32>
      %add3A_3432 = arith.addf %add3A_3418, %add3A_3431 : vector<16xf32>
      %swap3A = arith.index_cast %scan3A_3406 : i32 to index
      %swap3A_3433 = arith.constant 0 : index
      %swap3A_3434 = tpu.vector_load %arg7[%swap3A, %swap3A_3433] {strides = array<i32>} : memref<128x16xf32, #tpu.memory_space<vmem>>, vector<1x16xf32>,
      %swap3A_3435 = vector.shape_cast %swap3A_3434 : vector<1x16xf32> to vector<16xf32>
      %swap3A_3436 = vector.shape_cast %add3A_3432 : vector<16xf32> to vector<1x16xf32>
      tpu.vector_store %arg7[%swap3A, %swap3A_3433], %swap3A_3436 {strides = array<i32>} : memref<128x16xf32, #tpu.memory_space<vmem>>, vector<1x16xf32>,
    }
    %scan3A_1697 = arith.constant 128 : i32
    %mul3A_1698 = arith.constant 1024 : i32
    %mul3A_1699 = arith.muli %add3A, %mul3A_1698 : i32
    %add3A_1700 = arith.constant 384 : i32
    %add3A_1701 = arith.addi %mul3A_1699, %add3A_1700 : i32
    "tpu.region"() ({
      %run_scoped3A = tpu.sem_alloc : memref<!tpu.dma_semaphore, #tpu.memory_space<semaphore_mem>>
      %dma_start3A_3406 = arith.constant 0 : i32
      %dma_start3A_3407 = tpu.memref_slice %arg4[%add3A_1701, %dma_start3A_3406] : memref<32768x16xf32, #tpu.memory_space<hbm>> -> memref<128x16xf32, #tpu.memory_space<hbm>>
      %dma_start3A_3408 = arith.constant 0 : i32
      %dma_start3A_3409 = tpu.memref_slice %arg4[%add3A_1701, %dma_start3A_3408] : memref<32768x16xf32, #tpu.memory_space<hbm>> -> memref<128x16xf32, #tpu.memory_space<hbm>>
      tpu.enqueue_dma source(%arg7 : memref<128x16xf32, #tpu.memory_space<vmem>>) target(%dma_start3A_3409 : memref<128x16xf32, #tpu.memory_space<hbm>>) target_semaphore(%run_scoped3A : memref<!tpu.dma_semaphore, #tpu.memory_space<semaphore_mem>>)
      %dma_wait3A_3410 = arith.constant 0 : i32
      %dma_wait3A_3411 = tpu.memref_slice %arg4[%add3A_1701, %dma_wait3A_3410] : memref<32768x16xf32, #tpu.memory_space<hbm>> -> memref<128x16xf32, #tpu.memory_space<hbm>>
      %dma_wait3A_3412 = arith.constant 0 : i32
      %dma_wait3A_3413 = tpu.memref_slice %arg4[%add3A_1701, %dma_wait3A_3412] : memref<32768x16xf32, #tpu.memory_space<hbm>> -> memref<128x16xf32, #tpu.memory_space<hbm>>
      tpu.wait_dma2 semaphore(%run_scoped3A : memref<!tpu.dma_semaphore, #tpu.memory_space<semaphore_mem>>) src(%arg7 : memref<128x16xf32, #tpu.memory_space<vmem>>) dst(%dma_wait3A_3413 : memref<128x16xf32, #tpu.memory_space<hbm>>)
      tpu.yield
    }) : () -> ()
    %dma_start3A_1702 = arith.constant 4 : i32
    %dma_start3A_1703 = arith.constant 0 : i32
    %dma_start3A_1704 = arith.constant 0 : i32
    %dma_start3A_1705 = arith.constant 0 : i32
    %dma_start3A_1706 = arith.constant 0 : i32
    %dma_start3A_1707 = tpu.memref_slice %arg6[%dma_start3A_1704, %dma_start3A_1705, %dma_start3A_1706] : memref<4x128x128xf32, #tpu.memory_space<vmem>> -> memref<1x128x128xf32, #tpu.memory_space<vmem>>
    %dma_start3A_1708 = tpu.memref_squeeze %dma_start3A_1707 : memref<1x128x128xf32, #tpu.memory_space<vmem>> -> memref<128x128xf32, #tpu.memory_space<vmem>>
    %dma_start3A_1709 = arith.constant 0 : i32
    %dma_start3A_1710 = tpu.memref_slice %arg5[%dma_start3A_1702, %dma_start3A_1703, %dma_start3A_1709] : memref<8x16x128xi32, #tpu.memory_space<vmem>> -> memref<1x1x128xi32, #tpu.memory_space<vmem>>
    %dma_start3A_1711 = tpu.memref_squeeze %dma_start3A_1710 : memref<1x1x128xi32, #tpu.memory_space<vmem>> -> memref<128xi32, #tpu.memory_space<vmem>>
    %dma_start3A_1712 = arith.constant 0 : i32
    %dma_start3A_1713 = arith.constant 0 : i32
    %dma_start3A_1714 = tpu.memref_slice %arg2[%dma_start3A_1712, %dma_start3A_1713] : memref<100352x128xf32, #tpu.memory_space<hbm>> -> memref<100352x128xf32, #tpu.memory_space<hbm>>
    tpu.enqueue_indirect_dma source(%dma_start3A_1714 : memref<100352x128xf32, #tpu.memory_space<hbm>>) target(%dma_start3A_1708 : memref<128x128xf32, #tpu.memory_space<vmem>>) offsets(%dma_start3A_1711 : memref<128xi32, #tpu.memory_space<vmem>>) semaphore(%arg8 : memref<!tpu.dma_semaphore, #tpu.memory_space<semaphore_mem>>)
    %dma_start3A_1715 = arith.constant 4 : i32
    %dma_start3A_1716 = arith.constant 4 : i32
    %dma_start3A_1717 = arith.constant 1 : i32
    %dma_start3A_1718 = arith.constant 0 : i32
    %dma_start3A_1719 = arith.constant 0 : i32
    %dma_start3A_1720 = tpu.memref_slice %arg6[%dma_start3A_1717, %dma_start3A_1718, %dma_start3A_1719] : memref<4x128x128xf32, #tpu.memory_space<vmem>> -> memref<1x128x128xf32, #tpu.memory_space<vmem>>
    %dma_start3A_1721 = tpu.memref_squeeze %dma_start3A_1720 : memref<1x128x128xf32, #tpu.memory_space<vmem>> -> memref<128x128xf32, #tpu.memory_space<vmem>>
    %dma_start3A_1722 = arith.constant 0 : i32
    %dma_start3A_1723 = tpu.memref_slice %arg5[%dma_start3A_1715, %dma_start3A_1716, %dma_start3A_1722] : memref<8x16x128xi32, #tpu.memory_space<vmem>> -> memref<1x1x128xi32, #tpu.memory_space<vmem>>
    %dma_start3A_1724 = tpu.memref_squeeze %dma_start3A_1723 : memref<1x1x128xi32, #tpu.memory_space<vmem>> -> memref<128xi32, #tpu.memory_space<vmem>>
    %dma_start3A_1725 = arith.constant 0 : i32
    %dma_start3A_1726 = arith.constant 0 : i32
    %dma_start3A_1727 = tpu.memref_slice %arg2[%dma_start3A_1725, %dma_start3A_1726] : memref<100352x128xf32, #tpu.memory_space<hbm>> -> memref<100352x128xf32, #tpu.memory_space<hbm>>
    tpu.enqueue_indirect_dma source(%dma_start3A_1727 : memref<100352x128xf32, #tpu.memory_space<hbm>>) target(%dma_start3A_1721 : memref<128x128xf32, #tpu.memory_space<vmem>>) offsets(%dma_start3A_1724 : memref<128xi32, #tpu.memory_space<vmem>>) semaphore(%arg8 : memref<!tpu.dma_semaphore, #tpu.memory_space<semaphore_mem>>)
    %dma_start3A_1728 = arith.constant 4 : i32
    %dma_start3A_1729 = arith.constant 8 : i32
    %dma_start3A_1730 = arith.constant 2 : i32
    %dma_start3A_1731 = arith.constant 0 : i32
    %dma_start3A_1732 = arith.constant 0 : i32
    %dma_start3A_1733 = tpu.memref_slice %arg6[%dma_start3A_1730, %dma_start3A_1731, %dma_start3A_1732] : memref<4x128x128xf32, #tpu.memory_space<vmem>> -> memref<1x128x128xf32, #tpu.memory_space<vmem>>
    %dma_start3A_1734 = tpu.memref_squeeze %dma_start3A_1733 : memref<1x128x128xf32, #tpu.memory_space<vmem>> -> memref<128x128xf32, #tpu.memory_space<vmem>>
    %dma_start3A_1735 = arith.constant 0 : i32
    %dma_start3A_1736 = tpu.memref_slice %arg5[%dma_start3A_1728, %dma_start3A_1729, %dma_start3A_1735] : memref<8x16x128xi32, #tpu.memory_space<vmem>> -> memref<1x1x128xi32, #tpu.memory_space<vmem>>
    %dma_start3A_1737 = tpu.memref_squeeze %dma_start3A_1736 : memref<1x1x128xi32, #tpu.memory_space<vmem>> -> memref<128xi32, #tpu.memory_space<vmem>>
    %dma_start3A_1738 = arith.constant 0 : i32
    %dma_start3A_1739 = arith.constant 0 : i32
    %dma_start3A_1740 = tpu.memref_slice %arg2[%dma_start3A_1738, %dma_start3A_1739] : memref<100352x128xf32, #tpu.memory_space<hbm>> -> memref<100352x128xf32, #tpu.memory_space<hbm>>
    tpu.enqueue_indirect_dma source(%dma_start3A_1740 : memref<100352x128xf32, #tpu.memory_space<hbm>>) target(%dma_start3A_1734 : memref<128x128xf32, #tpu.memory_space<vmem>>) offsets(%dma_start3A_1737 : memref<128xi32, #tpu.memory_space<vmem>>) semaphore(%arg8 : memref<!tpu.dma_semaphore, #tpu.memory_space<semaphore_mem>>)
    %dma_start3A_1741 = arith.constant 4 : i32
    %dma_start3A_1742 = arith.constant 12 : i32
    %dma_start3A_1743 = arith.constant 3 : i32
    %dma_start3A_1744 = arith.constant 0 : i32
    %dma_start3A_1745 = arith.constant 0 : i32
    %dma_start3A_1746 = tpu.memref_slice %arg6[%dma_start3A_1743, %dma_start3A_1744, %dma_start3A_1745] : memref<4x128x128xf32, #tpu.memory_space<vmem>> -> memref<1x128x128xf32, #tpu.memory_space<vmem>>
    %dma_start3A_1747 = tpu.memref_squeeze %dma_start3A_1746 : memref<1x128x128xf32, #tpu.memory_space<vmem>> -> memref<128x128xf32, #tpu.memory_space<vmem>>
    %dma_start3A_1748 = arith.constant 0 : i32
    %dma_start3A_1749 = tpu.memref_slice %arg5[%dma_start3A_1741, %dma_start3A_1742, %dma_start3A_1748] : memref<8x16x128xi32, #tpu.memory_space<vmem>> -> memref<1x1x128xi32, #tpu.memory_space<vmem>>
    %dma_start3A_1750 = tpu.memref_squeeze %dma_start3A_1749 : memref<1x1x128xi32, #tpu.memory_space<vmem>> -> memref<128xi32, #tpu.memory_space<vmem>>
    %dma_start3A_1751 = arith.constant 0 : i32
    %dma_start3A_1752 = arith.constant 0 : i32
    %dma_start3A_1753 = tpu.memref_slice %arg2[%dma_start3A_1751, %dma_start3A_1752] : memref<100352x128xf32, #tpu.memory_space<hbm>> -> memref<100352x128xf32, #tpu.memory_space<hbm>>
    tpu.enqueue_indirect_dma source(%dma_start3A_1753 : memref<100352x128xf32, #tpu.memory_space<hbm>>) target(%dma_start3A_1747 : memref<128x128xf32, #tpu.memory_space<vmem>>) offsets(%dma_start3A_1750 : memref<128xi32, #tpu.memory_space<vmem>>) semaphore(%arg8 : memref<!tpu.dma_semaphore, #tpu.memory_space<semaphore_mem>>)
    %dma_wait3A_1754 = arith.constant 4 : i32
    %dma_wait3A_1755 = arith.constant 0 : i32
    %dma_wait3A_1756 = arith.constant 0 : i32
    %dma_wait3A_1757 = arith.constant 0 : i32
    %dma_wait3A_1758 = arith.constant 0 : i32
    %dma_wait3A_1759 = tpu.memref_slice %arg6[%dma_wait3A_1756, %dma_wait3A_1757, %dma_wait3A_1758] : memref<4x128x128xf32, #tpu.memory_space<vmem>> -> memref<1x128x128xf32, #tpu.memory_space<vmem>>
    %dma_wait3A_1760 = tpu.memref_squeeze %dma_wait3A_1759 : memref<1x128x128xf32, #tpu.memory_space<vmem>> -> memref<128x128xf32, #tpu.memory_space<vmem>>
    %dma_wait3A_1761 = arith.constant 0 : i32
    %dma_wait3A_1762 = tpu.memref_slice %arg5[%dma_wait3A_1754, %dma_wait3A_1755, %dma_wait3A_1761] : memref<8x16x128xi32, #tpu.memory_space<vmem>> -> memref<1x1x128xi32, #tpu.memory_space<vmem>>
    %dma_wait3A_1763 = tpu.memref_squeeze %dma_wait3A_1762 : memref<1x1x128xi32, #tpu.memory_space<vmem>> -> memref<128xi32, #tpu.memory_space<vmem>>
    %dma_wait3A_1764 = arith.constant 0 : i32
    %dma_wait3A_1765 = arith.constant 0 : i32
    %dma_wait3A_1766 = tpu.memref_slice %arg2[%dma_wait3A_1764, %dma_wait3A_1765] : memref<100352x128xf32, #tpu.memory_space<hbm>> -> memref<100352x128xf32, #tpu.memory_space<hbm>>
    tpu.wait_indirect_dma semaphore(%arg8 : memref<!tpu.dma_semaphore, #tpu.memory_space<semaphore_mem>>) src(%dma_wait3A_1766 : memref<100352x128xf32, #tpu.memory_space<hbm>>) dst(%dma_wait3A_1760 : memref<128x128xf32, #tpu.memory_space<vmem>>)
    %dma_wait3A_1767 = arith.constant 4 : i32
    %dma_wait3A_1768 = arith.constant 4 : i32
    %dma_wait3A_1769 = arith.constant 1 : i32
    %dma_wait3A_1770 = arith.constant 0 : i32
    %dma_wait3A_1771 = arith.constant 0 : i32
    %dma_wait3A_1772 = tpu.memref_slice %arg6[%dma_wait3A_1769, %dma_wait3A_1770, %dma_wait3A_1771] : memref<4x128x128xf32, #tpu.memory_space<vmem>> -> memref<1x128x128xf32, #tpu.memory_space<vmem>>
    %dma_wait3A_1773 = tpu.memref_squeeze %dma_wait3A_1772 : memref<1x128x128xf32, #tpu.memory_space<vmem>> -> memref<128x128xf32, #tpu.memory_space<vmem>>
    %dma_wait3A_1774 = arith.constant 0 : i32
    %dma_wait3A_1775 = tpu.memref_slice %arg5[%dma_wait3A_1767, %dma_wait3A_1768, %dma_wait3A_1774] : memref<8x16x128xi32, #tpu.memory_space<vmem>> -> memref<1x1x128xi32, #tpu.memory_space<vmem>>
    %dma_wait3A_1776 = tpu.memref_squeeze %dma_wait3A_1775 : memref<1x1x128xi32, #tpu.memory_space<vmem>> -> memref<128xi32, #tpu.memory_space<vmem>>
    %dma_wait3A_1777 = arith.constant 0 : i32
    %dma_wait3A_1778 = arith.constant 0 : i32
    %dma_wait3A_1779 = tpu.memref_slice %arg2[%dma_wait3A_1777, %dma_wait3A_1778] : memref<100352x128xf32, #tpu.memory_space<hbm>> -> memref<100352x128xf32, #tpu.memory_space<hbm>>
    tpu.wait_indirect_dma semaphore(%arg8 : memref<!tpu.dma_semaphore, #tpu.memory_space<semaphore_mem>>) src(%dma_wait3A_1779 : memref<100352x128xf32, #tpu.memory_space<hbm>>) dst(%dma_wait3A_1773 : memref<128x128xf32, #tpu.memory_space<vmem>>)
    %dma_wait3A_1780 = arith.constant 4 : i32
    %dma_wait3A_1781 = arith.constant 8 : i32
    %dma_wait3A_1782 = arith.constant 2 : i32
    %dma_wait3A_1783 = arith.constant 0 : i32
    %dma_wait3A_1784 = arith.constant 0 : i32
    %dma_wait3A_1785 = tpu.memref_slice %arg6[%dma_wait3A_1782, %dma_wait3A_1783, %dma_wait3A_1784] : memref<4x128x128xf32, #tpu.memory_space<vmem>> -> memref<1x128x128xf32, #tpu.memory_space<vmem>>
    %dma_wait3A_1786 = tpu.memref_squeeze %dma_wait3A_1785 : memref<1x128x128xf32, #tpu.memory_space<vmem>> -> memref<128x128xf32, #tpu.memory_space<vmem>>
    %dma_wait3A_1787 = arith.constant 0 : i32
    %dma_wait3A_1788 = tpu.memref_slice %arg5[%dma_wait3A_1780, %dma_wait3A_1781, %dma_wait3A_1787] : memref<8x16x128xi32, #tpu.memory_space<vmem>> -> memref<1x1x128xi32, #tpu.memory_space<vmem>>
    %dma_wait3A_1789 = tpu.memref_squeeze %dma_wait3A_1788 : memref<1x1x128xi32, #tpu.memory_space<vmem>> -> memref<128xi32, #tpu.memory_space<vmem>>
    %dma_wait3A_1790 = arith.constant 0 : i32
    %dma_wait3A_1791 = arith.constant 0 : i32
    %dma_wait3A_1792 = tpu.memref_slice %arg2[%dma_wait3A_1790, %dma_wait3A_1791] : memref<100352x128xf32, #tpu.memory_space<hbm>> -> memref<100352x128xf32, #tpu.memory_space<hbm>>
    tpu.wait_indirect_dma semaphore(%arg8 : memref<!tpu.dma_semaphore, #tpu.memory_space<semaphore_mem>>) src(%dma_wait3A_1792 : memref<100352x128xf32, #tpu.memory_space<hbm>>) dst(%dma_wait3A_1786 : memref<128x128xf32, #tpu.memory_space<vmem>>)
    %dma_wait3A_1793 = arith.constant 4 : i32
    %dma_wait3A_1794 = arith.constant 12 : i32
    %dma_wait3A_1795 = arith.constant 3 : i32
    %dma_wait3A_1796 = arith.constant 0 : i32
    %dma_wait3A_1797 = arith.constant 0 : i32
    %dma_wait3A_1798 = tpu.memref_slice %arg6[%dma_wait3A_1795, %dma_wait3A_1796, %dma_wait3A_1797] : memref<4x128x128xf32, #tpu.memory_space<vmem>> -> memref<1x128x128xf32, #tpu.memory_space<vmem>>
    %dma_wait3A_1799 = tpu.memref_squeeze %dma_wait3A_1798 : memref<1x128x128xf32, #tpu.memory_space<vmem>> -> memref<128x128xf32, #tpu.memory_space<vmem>>
    %dma_wait3A_1800 = arith.constant 0 : i32
    %dma_wait3A_1801 = tpu.memref_slice %arg5[%dma_wait3A_1793, %dma_wait3A_1794, %dma_wait3A_1800] : memref<8x16x128xi32, #tpu.memory_space<vmem>> -> memref<1x1x128xi32, #tpu.memory_space<vmem>>
    %dma_wait3A_1802 = tpu.memref_squeeze %dma_wait3A_1801 : memref<1x1x128xi32, #tpu.memory_space<vmem>> -> memref<128xi32, #tpu.memory_space<vmem>>
    %dma_wait3A_1803 = arith.constant 0 : i32
    %dma_wait3A_1804 = arith.constant 0 : i32
    %dma_wait3A_1805 = tpu.memref_slice %arg2[%dma_wait3A_1803, %dma_wait3A_1804] : memref<100352x128xf32, #tpu.memory_space<hbm>> -> memref<100352x128xf32, #tpu.memory_space<hbm>>
    tpu.wait_indirect_dma semaphore(%arg8 : memref<!tpu.dma_semaphore, #tpu.memory_space<semaphore_mem>>) src(%dma_wait3A_1805 : memref<100352x128xf32, #tpu.memory_space<hbm>>) dst(%dma_wait3A_1799 : memref<128x128xf32, #tpu.memory_space<vmem>>)
    %dma_start3A_1806 = arith.constant 4 : i32
    %dma_start3A_1807 = arith.constant 1 : i32
    %dma_start3A_1808 = arith.constant 0 : i32
    %dma_start3A_1809 = arith.constant 0 : i32
    %dma_start3A_1810 = arith.constant 0 : i32
    %dma_start3A_1811 = tpu.memref_slice %arg6[%dma_start3A_1808, %dma_start3A_1809, %dma_start3A_1810] : memref<4x128x128xf32, #tpu.memory_space<vmem>> -> memref<1x128x128xf32, #tpu.memory_space<vmem>>
    %dma_start3A_1812 = tpu.memref_squeeze %dma_start3A_1811 : memref<1x128x128xf32, #tpu.memory_space<vmem>> -> memref<128x128xf32, #tpu.memory_space<vmem>>
    %dma_start3A_1813 = arith.constant 0 : i32
    %dma_start3A_1814 = tpu.memref_slice %arg5[%dma_start3A_1806, %dma_start3A_1807, %dma_start3A_1813] : memref<8x16x128xi32, #tpu.memory_space<vmem>> -> memref<1x1x128xi32, #tpu.memory_space<vmem>>
    %dma_start3A_1815 = tpu.memref_squeeze %dma_start3A_1814 : memref<1x1x128xi32, #tpu.memory_space<vmem>> -> memref<128xi32, #tpu.memory_space<vmem>>
    %dma_start3A_1816 = arith.constant 0 : i32
    %dma_start3A_1817 = arith.constant 0 : i32
    %dma_start3A_1818 = tpu.memref_slice %arg2[%dma_start3A_1816, %dma_start3A_1817] : memref<100352x128xf32, #tpu.memory_space<hbm>> -> memref<100352x128xf32, #tpu.memory_space<hbm>>
    tpu.enqueue_indirect_dma source(%dma_start3A_1818 : memref<100352x128xf32, #tpu.memory_space<hbm>>) target(%dma_start3A_1812 : memref<128x128xf32, #tpu.memory_space<vmem>>) offsets(%dma_start3A_1815 : memref<128xi32, #tpu.memory_space<vmem>>) semaphore(%arg8 : memref<!tpu.dma_semaphore, #tpu.memory_space<semaphore_mem>>) {add = true}
    %dma_start3A_1819 = arith.constant 4 : i32
    %dma_start3A_1820 = arith.constant 2 : i32
    %dma_start3A_1821 = arith.constant 0 : i32
    %dma_start3A_1822 = arith.constant 0 : i32
    %dma_start3A_1823 = arith.constant 0 : i32
    %dma_start3A_1824 = tpu.memref_slice %arg6[%dma_start3A_1821, %dma_start3A_1822, %dma_start3A_1823] : memref<4x128x128xf32, #tpu.memory_space<vmem>> -> memref<1x128x128xf32, #tpu.memory_space<vmem>>
    %dma_start3A_1825 = tpu.memref_squeeze %dma_start3A_1824 : memref<1x128x128xf32, #tpu.memory_space<vmem>> -> memref<128x128xf32, #tpu.memory_space<vmem>>
    %dma_start3A_1826 = arith.constant 0 : i32
    %dma_start3A_1827 = tpu.memref_slice %arg5[%dma_start3A_1819, %dma_start3A_1820, %dma_start3A_1826] : memref<8x16x128xi32, #tpu.memory_space<vmem>> -> memref<1x1x128xi32, #tpu.memory_space<vmem>>
    %dma_start3A_1828 = tpu.memref_squeeze %dma_start3A_1827 : memref<1x1x128xi32, #tpu.memory_space<vmem>> -> memref<128xi32, #tpu.memory_space<vmem>>
    %dma_start3A_1829 = arith.constant 0 : i32
    %dma_start3A_1830 = arith.constant 0 : i32
    %dma_start3A_1831 = tpu.memref_slice %arg2[%dma_start3A_1829, %dma_start3A_1830] : memref<100352x128xf32, #tpu.memory_space<hbm>> -> memref<100352x128xf32, #tpu.memory_space<hbm>>
    tpu.enqueue_indirect_dma source(%dma_start3A_1831 : memref<100352x128xf32, #tpu.memory_space<hbm>>) target(%dma_start3A_1825 : memref<128x128xf32, #tpu.memory_space<vmem>>) offsets(%dma_start3A_1828 : memref<128xi32, #tpu.memory_space<vmem>>) semaphore(%arg8 : memref<!tpu.dma_semaphore, #tpu.memory_space<semaphore_mem>>) {add = true}
    %dma_start3A_1832 = arith.constant 4 : i32
    %dma_start3A_1833 = arith.constant 3 : i32
    %dma_start3A_1834 = arith.constant 0 : i32
    %dma_start3A_1835 = arith.constant 0 : i32
    %dma_start3A_1836 = arith.constant 0 : i32
    %dma_start3A_1837 = tpu.memref_slice %arg6[%dma_start3A_1834, %dma_start3A_1835, %dma_start3A_1836] : memref<4x128x128xf32, #tpu.memory_space<vmem>> -> memref<1x128x128xf32, #tpu.memory_space<vmem>>
    %dma_start3A_1838 = tpu.memref_squeeze %dma_start3A_1837 : memref<1x128x128xf32, #tpu.memory_space<vmem>> -> memref<128x128xf32, #tpu.memory_space<vmem>>
    %dma_start3A_1839 = arith.constant 0 : i32
    %dma_start3A_1840 = tpu.memref_slice %arg5[%dma_start3A_1832, %dma_start3A_1833, %dma_start3A_1839] : memref<8x16x128xi32, #tpu.memory_space<vmem>> -> memref<1x1x128xi32, #tpu.memory_space<vmem>>
    %dma_start3A_1841 = tpu.memref_squeeze %dma_start3A_1840 : memref<1x1x128xi32, #tpu.memory_space<vmem>> -> memref<128xi32, #tpu.memory_space<vmem>>
    %dma_start3A_1842 = arith.constant 0 : i32
    %dma_start3A_1843 = arith.constant 0 : i32
    %dma_start3A_1844 = tpu.memref_slice %arg2[%dma_start3A_1842, %dma_start3A_1843] : memref<100352x128xf32, #tpu.memory_space<hbm>> -> memref<100352x128xf32, #tpu.memory_space<hbm>>
    tpu.enqueue_indirect_dma source(%dma_start3A_1844 : memref<100352x128xf32, #tpu.memory_space<hbm>>) target(%dma_start3A_1838 : memref<128x128xf32, #tpu.memory_space<vmem>>) offsets(%dma_start3A_1841 : memref<128xi32, #tpu.memory_space<vmem>>) semaphore(%arg8 : memref<!tpu.dma_semaphore, #tpu.memory_space<semaphore_mem>>) {add = true}
    %dma_start3A_1845 = arith.constant 4 : i32
    %dma_start3A_1846 = arith.constant 5 : i32
    %dma_start3A_1847 = arith.constant 1 : i32
    %dma_start3A_1848 = arith.constant 0 : i32
    %dma_start3A_1849 = arith.constant 0 : i32
    %dma_start3A_1850 = tpu.memref_slice %arg6[%dma_start3A_1847, %dma_start3A_1848, %dma_start3A_1849] : memref<4x128x128xf32, #tpu.memory_space<vmem>> -> memref<1x128x128xf32, #tpu.memory_space<vmem>>
    %dma_start3A_1851 = tpu.memref_squeeze %dma_start3A_1850 : memref<1x128x128xf32, #tpu.memory_space<vmem>> -> memref<128x128xf32, #tpu.memory_space<vmem>>
    %dma_start3A_1852 = arith.constant 0 : i32
    %dma_start3A_1853 = tpu.memref_slice %arg5[%dma_start3A_1845, %dma_start3A_1846, %dma_start3A_1852] : memref<8x16x128xi32, #tpu.memory_space<vmem>> -> memref<1x1x128xi32, #tpu.memory_space<vmem>>
    %dma_start3A_1854 = tpu.memref_squeeze %dma_start3A_1853 : memref<1x1x128xi32, #tpu.memory_space<vmem>> -> memref<128xi32, #tpu.memory_space<vmem>>
    %dma_start3A_1855 = arith.constant 0 : i32
    %dma_start3A_1856 = arith.constant 0 : i32
    %dma_start3A_1857 = tpu.memref_slice %arg2[%dma_start3A_1855, %dma_start3A_1856] : memref<100352x128xf32, #tpu.memory_space<hbm>> -> memref<100352x128xf32, #tpu.memory_space<hbm>>
    tpu.enqueue_indirect_dma source(%dma_start3A_1857 : memref<100352x128xf32, #tpu.memory_space<hbm>>) target(%dma_start3A_1851 : memref<128x128xf32, #tpu.memory_space<vmem>>) offsets(%dma_start3A_1854 : memref<128xi32, #tpu.memory_space<vmem>>) semaphore(%arg8 : memref<!tpu.dma_semaphore, #tpu.memory_space<semaphore_mem>>) {add = true}
    %dma_start3A_1858 = arith.constant 4 : i32
    %dma_start3A_1859 = arith.constant 6 : i32
    %dma_start3A_1860 = arith.constant 1 : i32
    %dma_start3A_1861 = arith.constant 0 : i32
    %dma_start3A_1862 = arith.constant 0 : i32
    %dma_start3A_1863 = tpu.memref_slice %arg6[%dma_start3A_1860, %dma_start3A_1861, %dma_start3A_1862] : memref<4x128x128xf32, #tpu.memory_space<vmem>> -> memref<1x128x128xf32, #tpu.memory_space<vmem>>
    %dma_start3A_1864 = tpu.memref_squeeze %dma_start3A_1863 : memref<1x128x128xf32, #tpu.memory_space<vmem>> -> memref<128x128xf32, #tpu.memory_space<vmem>>
    %dma_start3A_1865 = arith.constant 0 : i32
    %dma_start3A_1866 = tpu.memref_slice %arg5[%dma_start3A_1858, %dma_start3A_1859, %dma_start3A_1865] : memref<8x16x128xi32, #tpu.memory_space<vmem>> -> memref<1x1x128xi32, #tpu.memory_space<vmem>>
    %dma_start3A_1867 = tpu.memref_squeeze %dma_start3A_1866 : memref<1x1x128xi32, #tpu.memory_space<vmem>> -> memref<128xi32, #tpu.memory_space<vmem>>
    %dma_start3A_1868 = arith.constant 0 : i32
    %dma_start3A_1869 = arith.constant 0 : i32
    %dma_start3A_1870 = tpu.memref_slice %arg2[%dma_start3A_1868, %dma_start3A_1869] : memref<100352x128xf32, #tpu.memory_space<hbm>> -> memref<100352x128xf32, #tpu.memory_space<hbm>>
    tpu.enqueue_indirect_dma source(%dma_start3A_1870 : memref<100352x128xf32, #tpu.memory_space<hbm>>) target(%dma_start3A_1864 : memref<128x128xf32, #tpu.memory_space<vmem>>) offsets(%dma_start3A_1867 : memref<128xi32, #tpu.memory_space<vmem>>) semaphore(%arg8 : memref<!tpu.dma_semaphore, #tpu.memory_space<semaphore_mem>>) {add = true}
    %dma_start3A_1871 = arith.constant 4 : i32
    %dma_start3A_1872 = arith.constant 7 : i32
    %dma_start3A_1873 = arith.constant 1 : i32
    %dma_start3A_1874 = arith.constant 0 : i32
    %dma_start3A_1875 = arith.constant 0 : i32
    %dma_start3A_1876 = tpu.memref_slice %arg6[%dma_start3A_1873, %dma_start3A_1874, %dma_start3A_1875] : memref<4x128x128xf32, #tpu.memory_space<vmem>> -> memref<1x128x128xf32, #tpu.memory_space<vmem>>
    %dma_start3A_1877 = tpu.memref_squeeze %dma_start3A_1876 : memref<1x128x128xf32, #tpu.memory_space<vmem>> -> memref<128x128xf32, #tpu.memory_space<vmem>>
    %dma_start3A_1878 = arith.constant 0 : i32
    %dma_start3A_1879 = tpu.memref_slice %arg5[%dma_start3A_1871, %dma_start3A_1872, %dma_start3A_1878] : memref<8x16x128xi32, #tpu.memory_space<vmem>> -> memref<1x1x128xi32, #tpu.memory_space<vmem>>
    %dma_start3A_1880 = tpu.memref_squeeze %dma_start3A_1879 : memref<1x1x128xi32, #tpu.memory_space<vmem>> -> memref<128xi32, #tpu.memory_space<vmem>>
    %dma_start3A_1881 = arith.constant 0 : i32
    %dma_start3A_1882 = arith.constant 0 : i32
    %dma_start3A_1883 = tpu.memref_slice %arg2[%dma_start3A_1881, %dma_start3A_1882] : memref<100352x128xf32, #tpu.memory_space<hbm>> -> memref<100352x128xf32, #tpu.memory_space<hbm>>
    tpu.enqueue_indirect_dma source(%dma_start3A_1883 : memref<100352x128xf32, #tpu.memory_space<hbm>>) target(%dma_start3A_1877 : memref<128x128xf32, #tpu.memory_space<vmem>>) offsets(%dma_start3A_1880 : memref<128xi32, #tpu.memory_space<vmem>>) semaphore(%arg8 : memref<!tpu.dma_semaphore, #tpu.memory_space<semaphore_mem>>) {add = true}
    %dma_start3A_1884 = arith.constant 4 : i32
    %dma_start3A_1885 = arith.constant 9 : i32
    %dma_start3A_1886 = arith.constant 2 : i32
    %dma_start3A_1887 = arith.constant 0 : i32
    %dma_start3A_1888 = arith.constant 0 : i32
    %dma_start3A_1889 = tpu.memref_slice %arg6[%dma_start3A_1886, %dma_start3A_1887, %dma_start3A_1888] : memref<4x128x128xf32, #tpu.memory_space<vmem>> -> memref<1x128x128xf32, #tpu.memory_space<vmem>>
    %dma_start3A_1890 = tpu.memref_squeeze %dma_start3A_1889 : memref<1x128x128xf32, #tpu.memory_space<vmem>> -> memref<128x128xf32, #tpu.memory_space<vmem>>
    %dma_start3A_1891 = arith.constant 0 : i32
    %dma_start3A_1892 = tpu.memref_slice %arg5[%dma_start3A_1884, %dma_start3A_1885, %dma_start3A_1891] : memref<8x16x128xi32, #tpu.memory_space<vmem>> -> memref<1x1x128xi32, #tpu.memory_space<vmem>>
    %dma_start3A_1893 = tpu.memref_squeeze %dma_start3A_1892 : memref<1x1x128xi32, #tpu.memory_space<vmem>> -> memref<128xi32, #tpu.memory_space<vmem>>
    %dma_start3A_1894 = arith.constant 0 : i32
    %dma_start3A_1895 = arith.constant 0 : i32
    %dma_start3A_1896 = tpu.memref_slice %arg2[%dma_start3A_1894, %dma_start3A_1895] : memref<100352x128xf32, #tpu.memory_space<hbm>> -> memref<100352x128xf32, #tpu.memory_space<hbm>>
    tpu.enqueue_indirect_dma source(%dma_start3A_1896 : memref<100352x128xf32, #tpu.memory_space<hbm>>) target(%dma_start3A_1890 : memref<128x128xf32, #tpu.memory_space<vmem>>) offsets(%dma_start3A_1893 : memref<128xi32, #tpu.memory_space<vmem>>) semaphore(%arg8 : memref<!tpu.dma_semaphore, #tpu.memory_space<semaphore_mem>>) {add = true}
    %dma_start3A_1897 = arith.constant 4 : i32
    %dma_start3A_1898 = arith.constant 10 : i32
    %dma_start3A_1899 = arith.constant 2 : i32
    %dma_start3A_1900 = arith.constant 0 : i32
    %dma_start3A_1901 = arith.constant 0 : i32
    %dma_start3A_1902 = tpu.memref_slice %arg6[%dma_start3A_1899, %dma_start3A_1900, %dma_start3A_1901] : memref<4x128x128xf32, #tpu.memory_space<vmem>> -> memref<1x128x128xf32, #tpu.memory_space<vmem>>
    %dma_start3A_1903 = tpu.memref_squeeze %dma_start3A_1902 : memref<1x128x128xf32, #tpu.memory_space<vmem>> -> memref<128x128xf32, #tpu.memory_space<vmem>>
    %dma_start3A_1904 = arith.constant 0 : i32
    %dma_start3A_1905 = tpu.memref_slice %arg5[%dma_start3A_1897, %dma_start3A_1898, %dma_start3A_1904] : memref<8x16x128xi32, #tpu.memory_space<vmem>> -> memref<1x1x128xi32, #tpu.memory_space<vmem>>
    %dma_start3A_1906 = tpu.memref_squeeze %dma_start3A_1905 : memref<1x1x128xi32, #tpu.memory_space<vmem>> -> memref<128xi32, #tpu.memory_space<vmem>>
    %dma_start3A_1907 = arith.constant 0 : i32
    %dma_start3A_1908 = arith.constant 0 : i32
    %dma_start3A_1909 = tpu.memref_slice %arg2[%dma_start3A_1907, %dma_start3A_1908] : memref<100352x128xf32, #tpu.memory_space<hbm>> -> memref<100352x128xf32, #tpu.memory_space<hbm>>
    tpu.enqueue_indirect_dma source(%dma_start3A_1909 : memref<100352x128xf32, #tpu.memory_space<hbm>>) target(%dma_start3A_1903 : memref<128x128xf32, #tpu.memory_space<vmem>>) offsets(%dma_start3A_1906 : memref<128xi32, #tpu.memory_space<vmem>>) semaphore(%arg8 : memref<!tpu.dma_semaphore, #tpu.memory_space<semaphore_mem>>) {add = true}
    %dma_start3A_1910 = arith.constant 4 : i32
    %dma_start3A_1911 = arith.constant 11 : i32
    %dma_start3A_1912 = arith.constant 2 : i32
    %dma_start3A_1913 = arith.constant 0 : i32
    %dma_start3A_1914 = arith.constant 0 : i32
    %dma_start3A_1915 = tpu.memref_slice %arg6[%dma_start3A_1912, %dma_start3A_1913, %dma_start3A_1914] : memref<4x128x128xf32, #tpu.memory_space<vmem>> -> memref<1x128x128xf32, #tpu.memory_space<vmem>>
    %dma_start3A_1916 = tpu.memref_squeeze %dma_start3A_1915 : memref<1x128x128xf32, #tpu.memory_space<vmem>> -> memref<128x128xf32, #tpu.memory_space<vmem>>
    %dma_start3A_1917 = arith.constant 0 : i32
    %dma_start3A_1918 = tpu.memref_slice %arg5[%dma_start3A_1910, %dma_start3A_1911, %dma_start3A_1917] : memref<8x16x128xi32, #tpu.memory_space<vmem>> -> memref<1x1x128xi32, #tpu.memory_space<vmem>>
    %dma_start3A_1919 = tpu.memref_squeeze %dma_start3A_1918 : memref<1x1x128xi32, #tpu.memory_space<vmem>> -> memref<128xi32, #tpu.memory_space<vmem>>
    %dma_start3A_1920 = arith.constant 0 : i32
    %dma_start3A_1921 = arith.constant 0 : i32
    %dma_start3A_1922 = tpu.memref_slice %arg2[%dma_start3A_1920, %dma_start3A_1921] : memref<100352x128xf32, #tpu.memory_space<hbm>> -> memref<100352x128xf32, #tpu.memory_space<hbm>>
    tpu.enqueue_indirect_dma source(%dma_start3A_1922 : memref<100352x128xf32, #tpu.memory_space<hbm>>) target(%dma_start3A_1916 : memref<128x128xf32, #tpu.memory_space<vmem>>) offsets(%dma_start3A_1919 : memref<128xi32, #tpu.memory_space<vmem>>) semaphore(%arg8 : memref<!tpu.dma_semaphore, #tpu.memory_space<semaphore_mem>>) {add = true}
    %dma_start3A_1923 = arith.constant 4 : i32
    %dma_start3A_1924 = arith.constant 13 : i32
    %dma_start3A_1925 = arith.constant 3 : i32
    %dma_start3A_1926 = arith.constant 0 : i32
    %dma_start3A_1927 = arith.constant 0 : i32
    %dma_start3A_1928 = tpu.memref_slice %arg6[%dma_start3A_1925, %dma_start3A_1926, %dma_start3A_1927] : memref<4x128x128xf32, #tpu.memory_space<vmem>> -> memref<1x128x128xf32, #tpu.memory_space<vmem>>
    %dma_start3A_1929 = tpu.memref_squeeze %dma_start3A_1928 : memref<1x128x128xf32, #tpu.memory_space<vmem>> -> memref<128x128xf32, #tpu.memory_space<vmem>>
    %dma_start3A_1930 = arith.constant 0 : i32
    %dma_start3A_1931 = tpu.memref_slice %arg5[%dma_start3A_1923, %dma_start3A_1924, %dma_start3A_1930] : memref<8x16x128xi32, #tpu.memory_space<vmem>> -> memref<1x1x128xi32, #tpu.memory_space<vmem>>
    %dma_start3A_1932 = tpu.memref_squeeze %dma_start3A_1931 : memref<1x1x128xi32, #tpu.memory_space<vmem>> -> memref<128xi32, #tpu.memory_space<vmem>>
    %dma_start3A_1933 = arith.constant 0 : i32
    %dma_start3A_1934 = arith.constant 0 : i32
    %dma_start3A_1935 = tpu.memref_slice %arg2[%dma_start3A_1933, %dma_start3A_1934] : memref<100352x128xf32, #tpu.memory_space<hbm>> -> memref<100352x128xf32, #tpu.memory_space<hbm>>
    tpu.enqueue_indirect_dma source(%dma_start3A_1935 : memref<100352x128xf32, #tpu.memory_space<hbm>>) target(%dma_start3A_1929 : memref<128x128xf32, #tpu.memory_space<vmem>>) offsets(%dma_start3A_1932 : memref<128xi32, #tpu.memory_space<vmem>>) semaphore(%arg8 : memref<!tpu.dma_semaphore, #tpu.memory_space<semaphore_mem>>) {add = true}
    %dma_start3A_1936 = arith.constant 4 : i32
    %dma_start3A_1937 = arith.constant 14 : i32
    %dma_start3A_1938 = arith.constant 3 : i32
    %dma_start3A_1939 = arith.constant 0 : i32
    %dma_start3A_1940 = arith.constant 0 : i32
    %dma_start3A_1941 = tpu.memref_slice %arg6[%dma_start3A_1938, %dma_start3A_1939, %dma_start3A_1940] : memref<4x128x128xf32, #tpu.memory_space<vmem>> -> memref<1x128x128xf32, #tpu.memory_space<vmem>>
    %dma_start3A_1942 = tpu.memref_squeeze %dma_start3A_1941 : memref<1x128x128xf32, #tpu.memory_space<vmem>> -> memref<128x128xf32, #tpu.memory_space<vmem>>
    %dma_start3A_1943 = arith.constant 0 : i32
    %dma_start3A_1944 = tpu.memref_slice %arg5[%dma_start3A_1936, %dma_start3A_1937, %dma_start3A_1943] : memref<8x16x128xi32, #tpu.memory_space<vmem>> -> memref<1x1x128xi32, #tpu.memory_space<vmem>>
    %dma_start3A_1945 = tpu.memref_squeeze %dma_start3A_1944 : memref<1x1x128xi32, #tpu.memory_space<vmem>> -> memref<128xi32, #tpu.memory_space<vmem>>
    %dma_start3A_1946 = arith.constant 0 : i32
    %dma_start3A_1947 = arith.constant 0 : i32
    %dma_start3A_1948 = tpu.memref_slice %arg2[%dma_start3A_1946, %dma_start3A_1947] : memref<100352x128xf32, #tpu.memory_space<hbm>> -> memref<100352x128xf32, #tpu.memory_space<hbm>>
    tpu.enqueue_indirect_dma source(%dma_start3A_1948 : memref<100352x128xf32, #tpu.memory_space<hbm>>) target(%dma_start3A_1942 : memref<128x128xf32, #tpu.memory_space<vmem>>) offsets(%dma_start3A_1945 : memref<128xi32, #tpu.memory_space<vmem>>) semaphore(%arg8 : memref<!tpu.dma_semaphore, #tpu.memory_space<semaphore_mem>>) {add = true}
    %dma_start3A_1949 = arith.constant 4 : i32
    %dma_start3A_1950 = arith.constant 15 : i32
    %dma_start3A_1951 = arith.constant 3 : i32
    %dma_start3A_1952 = arith.constant 0 : i32
    %dma_start3A_1953 = arith.constant 0 : i32
    %dma_start3A_1954 = tpu.memref_slice %arg6[%dma_start3A_1951, %dma_start3A_1952, %dma_start3A_1953] : memref<4x128x128xf32, #tpu.memory_space<vmem>> -> memref<1x128x128xf32, #tpu.memory_space<vmem>>
    %dma_start3A_1955 = tpu.memref_squeeze %dma_start3A_1954 : memref<1x128x128xf32, #tpu.memory_space<vmem>> -> memref<128x128xf32, #tpu.memory_space<vmem>>
    %dma_start3A_1956 = arith.constant 0 : i32
    %dma_start3A_1957 = tpu.memref_slice %arg5[%dma_start3A_1949, %dma_start3A_1950, %dma_start3A_1956] : memref<8x16x128xi32, #tpu.memory_space<vmem>> -> memref<1x1x128xi32, #tpu.memory_space<vmem>>
    %dma_start3A_1958 = tpu.memref_squeeze %dma_start3A_1957 : memref<1x1x128xi32, #tpu.memory_space<vmem>> -> memref<128xi32, #tpu.memory_space<vmem>>
    %dma_start3A_1959 = arith.constant 0 : i32
    %dma_start3A_1960 = arith.constant 0 : i32
    %dma_start3A_1961 = tpu.memref_slice %arg2[%dma_start3A_1959, %dma_start3A_1960] : memref<100352x128xf32, #tpu.memory_space<hbm>> -> memref<100352x128xf32, #tpu.memory_space<hbm>>
    tpu.enqueue_indirect_dma source(%dma_start3A_1961 : memref<100352x128xf32, #tpu.memory_space<hbm>>) target(%dma_start3A_1955 : memref<128x128xf32, #tpu.memory_space<vmem>>) offsets(%dma_start3A_1958 : memref<128xi32, #tpu.memory_space<vmem>>) semaphore(%arg8 : memref<!tpu.dma_semaphore, #tpu.memory_space<semaphore_mem>>) {add = true}
    %dma_wait3A_1962 = arith.constant 4 : i32
    %dma_wait3A_1963 = arith.constant 1 : i32
    %dma_wait3A_1964 = arith.constant 0 : i32
    %dma_wait3A_1965 = arith.constant 0 : i32
    %dma_wait3A_1966 = arith.constant 0 : i32
    %dma_wait3A_1967 = tpu.memref_slice %arg6[%dma_wait3A_1964, %dma_wait3A_1965, %dma_wait3A_1966] : memref<4x128x128xf32, #tpu.memory_space<vmem>> -> memref<1x128x128xf32, #tpu.memory_space<vmem>>
    %dma_wait3A_1968 = tpu.memref_squeeze %dma_wait3A_1967 : memref<1x128x128xf32, #tpu.memory_space<vmem>> -> memref<128x128xf32, #tpu.memory_space<vmem>>
    %dma_wait3A_1969 = arith.constant 0 : i32
    %dma_wait3A_1970 = tpu.memref_slice %arg5[%dma_wait3A_1962, %dma_wait3A_1963, %dma_wait3A_1969] : memref<8x16x128xi32, #tpu.memory_space<vmem>> -> memref<1x1x128xi32, #tpu.memory_space<vmem>>
    %dma_wait3A_1971 = tpu.memref_squeeze %dma_wait3A_1970 : memref<1x1x128xi32, #tpu.memory_space<vmem>> -> memref<128xi32, #tpu.memory_space<vmem>>
    %dma_wait3A_1972 = arith.constant 0 : i32
    %dma_wait3A_1973 = arith.constant 0 : i32
    %dma_wait3A_1974 = tpu.memref_slice %arg2[%dma_wait3A_1972, %dma_wait3A_1973] : memref<100352x128xf32, #tpu.memory_space<hbm>> -> memref<100352x128xf32, #tpu.memory_space<hbm>>
    tpu.wait_indirect_dma semaphore(%arg8 : memref<!tpu.dma_semaphore, #tpu.memory_space<semaphore_mem>>) src(%dma_wait3A_1974 : memref<100352x128xf32, #tpu.memory_space<hbm>>) dst(%dma_wait3A_1968 : memref<128x128xf32, #tpu.memory_space<vmem>>)
    %dma_wait3A_1975 = arith.constant 4 : i32
    %dma_wait3A_1976 = arith.constant 2 : i32
    %dma_wait3A_1977 = arith.constant 0 : i32
    %dma_wait3A_1978 = arith.constant 0 : i32
    %dma_wait3A_1979 = arith.constant 0 : i32
    %dma_wait3A_1980 = tpu.memref_slice %arg6[%dma_wait3A_1977, %dma_wait3A_1978, %dma_wait3A_1979] : memref<4x128x128xf32, #tpu.memory_space<vmem>> -> memref<1x128x128xf32, #tpu.memory_space<vmem>>
    %dma_wait3A_1981 = tpu.memref_squeeze %dma_wait3A_1980 : memref<1x128x128xf32, #tpu.memory_space<vmem>> -> memref<128x128xf32, #tpu.memory_space<vmem>>
    %dma_wait3A_1982 = arith.constant 0 : i32
    %dma_wait3A_1983 = tpu.memref_slice %arg5[%dma_wait3A_1975, %dma_wait3A_1976, %dma_wait3A_1982] : memref<8x16x128xi32, #tpu.memory_space<vmem>> -> memref<1x1x128xi32, #tpu.memory_space<vmem>>
    %dma_wait3A_1984 = tpu.memref_squeeze %dma_wait3A_1983 : memref<1x1x128xi32, #tpu.memory_space<vmem>> -> memref<128xi32, #tpu.memory_space<vmem>>
    %dma_wait3A_1985 = arith.constant 0 : i32
    %dma_wait3A_1986 = arith.constant 0 : i32
    %dma_wait3A_1987 = tpu.memref_slice %arg2[%dma_wait3A_1985, %dma_wait3A_1986] : memref<100352x128xf32, #tpu.memory_space<hbm>> -> memref<100352x128xf32, #tpu.memory_space<hbm>>
    tpu.wait_indirect_dma semaphore(%arg8 : memref<!tpu.dma_semaphore, #tpu.memory_space<semaphore_mem>>) src(%dma_wait3A_1987 : memref<100352x128xf32, #tpu.memory_space<hbm>>) dst(%dma_wait3A_1981 : memref<128x128xf32, #tpu.memory_space<vmem>>)
    %dma_wait3A_1988 = arith.constant 4 : i32
    %dma_wait3A_1989 = arith.constant 3 : i32
    %dma_wait3A_1990 = arith.constant 0 : i32
    %dma_wait3A_1991 = arith.constant 0 : i32
    %dma_wait3A_1992 = arith.constant 0 : i32
    %dma_wait3A_1993 = tpu.memref_slice %arg6[%dma_wait3A_1990, %dma_wait3A_1991, %dma_wait3A_1992] : memref<4x128x128xf32, #tpu.memory_space<vmem>> -> memref<1x128x128xf32, #tpu.memory_space<vmem>>
    %dma_wait3A_1994 = tpu.memref_squeeze %dma_wait3A_1993 : memref<1x128x128xf32, #tpu.memory_space<vmem>> -> memref<128x128xf32, #tpu.memory_space<vmem>>
    %dma_wait3A_1995 = arith.constant 0 : i32
    %dma_wait3A_1996 = tpu.memref_slice %arg5[%dma_wait3A_1988, %dma_wait3A_1989, %dma_wait3A_1995] : memref<8x16x128xi32, #tpu.memory_space<vmem>> -> memref<1x1x128xi32, #tpu.memory_space<vmem>>
    %dma_wait3A_1997 = tpu.memref_squeeze %dma_wait3A_1996 : memref<1x1x128xi32, #tpu.memory_space<vmem>> -> memref<128xi32, #tpu.memory_space<vmem>>
    %dma_wait3A_1998 = arith.constant 0 : i32
    %dma_wait3A_1999 = arith.constant 0 : i32
    %dma_wait3A_2000 = tpu.memref_slice %arg2[%dma_wait3A_1998, %dma_wait3A_1999] : memref<100352x128xf32, #tpu.memory_space<hbm>> -> memref<100352x128xf32, #tpu.memory_space<hbm>>
    tpu.wait_indirect_dma semaphore(%arg8 : memref<!tpu.dma_semaphore, #tpu.memory_space<semaphore_mem>>) src(%dma_wait3A_2000 : memref<100352x128xf32, #tpu.memory_space<hbm>>) dst(%dma_wait3A_1994 : memref<128x128xf32, #tpu.memory_space<vmem>>)
    %dma_wait3A_2001 = arith.constant 4 : i32
    %dma_wait3A_2002 = arith.constant 5 : i32
    %dma_wait3A_2003 = arith.constant 1 : i32
    %dma_wait3A_2004 = arith.constant 0 : i32
    %dma_wait3A_2005 = arith.constant 0 : i32
    %dma_wait3A_2006 = tpu.memref_slice %arg6[%dma_wait3A_2003, %dma_wait3A_2004, %dma_wait3A_2005] : memref<4x128x128xf32, #tpu.memory_space<vmem>> -> memref<1x128x128xf32, #tpu.memory_space<vmem>>
    %dma_wait3A_2007 = tpu.memref_squeeze %dma_wait3A_2006 : memref<1x128x128xf32, #tpu.memory_space<vmem>> -> memref<128x128xf32, #tpu.memory_space<vmem>>
    %dma_wait3A_2008 = arith.constant 0 : i32
    %dma_wait3A_2009 = tpu.memref_slice %arg5[%dma_wait3A_2001, %dma_wait3A_2002, %dma_wait3A_2008] : memref<8x16x128xi32, #tpu.memory_space<vmem>> -> memref<1x1x128xi32, #tpu.memory_space<vmem>>
    %dma_wait3A_2010 = tpu.memref_squeeze %dma_wait3A_2009 : memref<1x1x128xi32, #tpu.memory_space<vmem>> -> memref<128xi32, #tpu.memory_space<vmem>>
    %dma_wait3A_2011 = arith.constant 0 : i32
    %dma_wait3A_2012 = arith.constant 0 : i32
    %dma_wait3A_2013 = tpu.memref_slice %arg2[%dma_wait3A_2011, %dma_wait3A_2012] : memref<100352x128xf32, #tpu.memory_space<hbm>> -> memref<100352x128xf32, #tpu.memory_space<hbm>>
    tpu.wait_indirect_dma semaphore(%arg8 : memref<!tpu.dma_semaphore, #tpu.memory_space<semaphore_mem>>) src(%dma_wait3A_2013 : memref<100352x128xf32, #tpu.memory_space<hbm>>) dst(%dma_wait3A_2007 : memref<128x128xf32, #tpu.memory_space<vmem>>)
    %dma_wait3A_2014 = arith.constant 4 : i32
    %dma_wait3A_2015 = arith.constant 6 : i32
    %dma_wait3A_2016 = arith.constant 1 : i32
    %dma_wait3A_2017 = arith.constant 0 : i32
    %dma_wait3A_2018 = arith.constant 0 : i32
    %dma_wait3A_2019 = tpu.memref_slice %arg6[%dma_wait3A_2016, %dma_wait3A_2017, %dma_wait3A_2018] : memref<4x128x128xf32, #tpu.memory_space<vmem>> -> memref<1x128x128xf32, #tpu.memory_space<vmem>>
    %dma_wait3A_2020 = tpu.memref_squeeze %dma_wait3A_2019 : memref<1x128x128xf32, #tpu.memory_space<vmem>> -> memref<128x128xf32, #tpu.memory_space<vmem>>
    %dma_wait3A_2021 = arith.constant 0 : i32
    %dma_wait3A_2022 = tpu.memref_slice %arg5[%dma_wait3A_2014, %dma_wait3A_2015, %dma_wait3A_2021] : memref<8x16x128xi32, #tpu.memory_space<vmem>> -> memref<1x1x128xi32, #tpu.memory_space<vmem>>
    %dma_wait3A_2023 = tpu.memref_squeeze %dma_wait3A_2022 : memref<1x1x128xi32, #tpu.memory_space<vmem>> -> memref<128xi32, #tpu.memory_space<vmem>>
    %dma_wait3A_2024 = arith.constant 0 : i32
    %dma_wait3A_2025 = arith.constant 0 : i32
    %dma_wait3A_2026 = tpu.memref_slice %arg2[%dma_wait3A_2024, %dma_wait3A_2025] : memref<100352x128xf32, #tpu.memory_space<hbm>> -> memref<100352x128xf32, #tpu.memory_space<hbm>>
    tpu.wait_indirect_dma semaphore(%arg8 : memref<!tpu.dma_semaphore, #tpu.memory_space<semaphore_mem>>) src(%dma_wait3A_2026 : memref<100352x128xf32, #tpu.memory_space<hbm>>) dst(%dma_wait3A_2020 : memref<128x128xf32, #tpu.memory_space<vmem>>)
    %dma_wait3A_2027 = arith.constant 4 : i32
    %dma_wait3A_2028 = arith.constant 7 : i32
    %dma_wait3A_2029 = arith.constant 1 : i32
    %dma_wait3A_2030 = arith.constant 0 : i32
    %dma_wait3A_2031 = arith.constant 0 : i32
    %dma_wait3A_2032 = tpu.memref_slice %arg6[%dma_wait3A_2029, %dma_wait3A_2030, %dma_wait3A_2031] : memref<4x128x128xf32, #tpu.memory_space<vmem>> -> memref<1x128x128xf32, #tpu.memory_space<vmem>>
    %dma_wait3A_2033 = tpu.memref_squeeze %dma_wait3A_2032 : memref<1x128x128xf32, #tpu.memory_space<vmem>> -> memref<128x128xf32, #tpu.memory_space<vmem>>
    %dma_wait3A_2034 = arith.constant 0 : i32
    %dma_wait3A_2035 = tpu.memref_slice %arg5[%dma_wait3A_2027, %dma_wait3A_2028, %dma_wait3A_2034] : memref<8x16x128xi32, #tpu.memory_space<vmem>> -> memref<1x1x128xi32, #tpu.memory_space<vmem>>
    %dma_wait3A_2036 = tpu.memref_squeeze %dma_wait3A_2035 : memref<1x1x128xi32, #tpu.memory_space<vmem>> -> memref<128xi32, #tpu.memory_space<vmem>>
    %dma_wait3A_2037 = arith.constant 0 : i32
    %dma_wait3A_2038 = arith.constant 0 : i32
    %dma_wait3A_2039 = tpu.memref_slice %arg2[%dma_wait3A_2037, %dma_wait3A_2038] : memref<100352x128xf32, #tpu.memory_space<hbm>> -> memref<100352x128xf32, #tpu.memory_space<hbm>>
    tpu.wait_indirect_dma semaphore(%arg8 : memref<!tpu.dma_semaphore, #tpu.memory_space<semaphore_mem>>) src(%dma_wait3A_2039 : memref<100352x128xf32, #tpu.memory_space<hbm>>) dst(%dma_wait3A_2033 : memref<128x128xf32, #tpu.memory_space<vmem>>)
    %dma_wait3A_2040 = arith.constant 4 : i32
    %dma_wait3A_2041 = arith.constant 9 : i32
    %dma_wait3A_2042 = arith.constant 2 : i32
    %dma_wait3A_2043 = arith.constant 0 : i32
    %dma_wait3A_2044 = arith.constant 0 : i32
    %dma_wait3A_2045 = tpu.memref_slice %arg6[%dma_wait3A_2042, %dma_wait3A_2043, %dma_wait3A_2044] : memref<4x128x128xf32, #tpu.memory_space<vmem>> -> memref<1x128x128xf32, #tpu.memory_space<vmem>>
    %dma_wait3A_2046 = tpu.memref_squeeze %dma_wait3A_2045 : memref<1x128x128xf32, #tpu.memory_space<vmem>> -> memref<128x128xf32, #tpu.memory_space<vmem>>
    %dma_wait3A_2047 = arith.constant 0 : i32
    %dma_wait3A_2048 = tpu.memref_slice %arg5[%dma_wait3A_2040, %dma_wait3A_2041, %dma_wait3A_2047] : memref<8x16x128xi32, #tpu.memory_space<vmem>> -> memref<1x1x128xi32, #tpu.memory_space<vmem>>
    %dma_wait3A_2049 = tpu.memref_squeeze %dma_wait3A_2048 : memref<1x1x128xi32, #tpu.memory_space<vmem>> -> memref<128xi32, #tpu.memory_space<vmem>>
    %dma_wait3A_2050 = arith.constant 0 : i32
    %dma_wait3A_2051 = arith.constant 0 : i32
    %dma_wait3A_2052 = tpu.memref_slice %arg2[%dma_wait3A_2050, %dma_wait3A_2051] : memref<100352x128xf32, #tpu.memory_space<hbm>> -> memref<100352x128xf32, #tpu.memory_space<hbm>>
    tpu.wait_indirect_dma semaphore(%arg8 : memref<!tpu.dma_semaphore, #tpu.memory_space<semaphore_mem>>) src(%dma_wait3A_2052 : memref<100352x128xf32, #tpu.memory_space<hbm>>) dst(%dma_wait3A_2046 : memref<128x128xf32, #tpu.memory_space<vmem>>)
    %dma_wait3A_2053 = arith.constant 4 : i32
    %dma_wait3A_2054 = arith.constant 10 : i32
    %dma_wait3A_2055 = arith.constant 2 : i32
    %dma_wait3A_2056 = arith.constant 0 : i32
    %dma_wait3A_2057 = arith.constant 0 : i32
    %dma_wait3A_2058 = tpu.memref_slice %arg6[%dma_wait3A_2055, %dma_wait3A_2056, %dma_wait3A_2057] : memref<4x128x128xf32, #tpu.memory_space<vmem>> -> memref<1x128x128xf32, #tpu.memory_space<vmem>>
    %dma_wait3A_2059 = tpu.memref_squeeze %dma_wait3A_2058 : memref<1x128x128xf32, #tpu.memory_space<vmem>> -> memref<128x128xf32, #tpu.memory_space<vmem>>
    %dma_wait3A_2060 = arith.constant 0 : i32
    %dma_wait3A_2061 = tpu.memref_slice %arg5[%dma_wait3A_2053, %dma_wait3A_2054, %dma_wait3A_2060] : memref<8x16x128xi32, #tpu.memory_space<vmem>> -> memref<1x1x128xi32, #tpu.memory_space<vmem>>
    %dma_wait3A_2062 = tpu.memref_squeeze %dma_wait3A_2061 : memref<1x1x128xi32, #tpu.memory_space<vmem>> -> memref<128xi32, #tpu.memory_space<vmem>>
    %dma_wait3A_2063 = arith.constant 0 : i32
    %dma_wait3A_2064 = arith.constant 0 : i32
    %dma_wait3A_2065 = tpu.memref_slice %arg2[%dma_wait3A_2063, %dma_wait3A_2064] : memref<100352x128xf32, #tpu.memory_space<hbm>> -> memref<100352x128xf32, #tpu.memory_space<hbm>>
    tpu.wait_indirect_dma semaphore(%arg8 : memref<!tpu.dma_semaphore, #tpu.memory_space<semaphore_mem>>) src(%dma_wait3A_2065 : memref<100352x128xf32, #tpu.memory_space<hbm>>) dst(%dma_wait3A_2059 : memref<128x128xf32, #tpu.memory_space<vmem>>)
    %dma_wait3A_2066 = arith.constant 4 : i32
    %dma_wait3A_2067 = arith.constant 11 : i32
    %dma_wait3A_2068 = arith.constant 2 : i32
    %dma_wait3A_2069 = arith.constant 0 : i32
    %dma_wait3A_2070 = arith.constant 0 : i32
    %dma_wait3A_2071 = tpu.memref_slice %arg6[%dma_wait3A_2068, %dma_wait3A_2069, %dma_wait3A_2070] : memref<4x128x128xf32, #tpu.memory_space<vmem>> -> memref<1x128x128xf32, #tpu.memory_space<vmem>>
    %dma_wait3A_2072 = tpu.memref_squeeze %dma_wait3A_2071 : memref<1x128x128xf32, #tpu.memory_space<vmem>> -> memref<128x128xf32, #tpu.memory_space<vmem>>
    %dma_wait3A_2073 = arith.constant 0 : i32
    %dma_wait3A_2074 = tpu.memref_slice %arg5[%dma_wait3A_2066, %dma_wait3A_2067, %dma_wait3A_2073] : memref<8x16x128xi32, #tpu.memory_space<vmem>> -> memref<1x1x128xi32, #tpu.memory_space<vmem>>
    %dma_wait3A_2075 = tpu.memref_squeeze %dma_wait3A_2074 : memref<1x1x128xi32, #tpu.memory_space<vmem>> -> memref<128xi32, #tpu.memory_space<vmem>>
    %dma_wait3A_2076 = arith.constant 0 : i32
    %dma_wait3A_2077 = arith.constant 0 : i32
    %dma_wait3A_2078 = tpu.memref_slice %arg2[%dma_wait3A_2076, %dma_wait3A_2077] : memref<100352x128xf32, #tpu.memory_space<hbm>> -> memref<100352x128xf32, #tpu.memory_space<hbm>>
    tpu.wait_indirect_dma semaphore(%arg8 : memref<!tpu.dma_semaphore, #tpu.memory_space<semaphore_mem>>) src(%dma_wait3A_2078 : memref<100352x128xf32, #tpu.memory_space<hbm>>) dst(%dma_wait3A_2072 : memref<128x128xf32, #tpu.memory_space<vmem>>)
    %dma_wait3A_2079 = arith.constant 4 : i32
    %dma_wait3A_2080 = arith.constant 13 : i32
    %dma_wait3A_2081 = arith.constant 3 : i32
    %dma_wait3A_2082 = arith.constant 0 : i32
    %dma_wait3A_2083 = arith.constant 0 : i32
    %dma_wait3A_2084 = tpu.memref_slice %arg6[%dma_wait3A_2081, %dma_wait3A_2082, %dma_wait3A_2083] : memref<4x128x128xf32, #tpu.memory_space<vmem>> -> memref<1x128x128xf32, #tpu.memory_space<vmem>>
    %dma_wait3A_2085 = tpu.memref_squeeze %dma_wait3A_2084 : memref<1x128x128xf32, #tpu.memory_space<vmem>> -> memref<128x128xf32, #tpu.memory_space<vmem>>
    %dma_wait3A_2086 = arith.constant 0 : i32
    %dma_wait3A_2087 = tpu.memref_slice %arg5[%dma_wait3A_2079, %dma_wait3A_2080, %dma_wait3A_2086] : memref<8x16x128xi32, #tpu.memory_space<vmem>> -> memref<1x1x128xi32, #tpu.memory_space<vmem>>
    %dma_wait3A_2088 = tpu.memref_squeeze %dma_wait3A_2087 : memref<1x1x128xi32, #tpu.memory_space<vmem>> -> memref<128xi32, #tpu.memory_space<vmem>>
    %dma_wait3A_2089 = arith.constant 0 : i32
    %dma_wait3A_2090 = arith.constant 0 : i32
    %dma_wait3A_2091 = tpu.memref_slice %arg2[%dma_wait3A_2089, %dma_wait3A_2090] : memref<100352x128xf32, #tpu.memory_space<hbm>> -> memref<100352x128xf32, #tpu.memory_space<hbm>>
    tpu.wait_indirect_dma semaphore(%arg8 : memref<!tpu.dma_semaphore, #tpu.memory_space<semaphore_mem>>) src(%dma_wait3A_2091 : memref<100352x128xf32, #tpu.memory_space<hbm>>) dst(%dma_wait3A_2085 : memref<128x128xf32, #tpu.memory_space<vmem>>)
    %dma_wait3A_2092 = arith.constant 4 : i32
    %dma_wait3A_2093 = arith.constant 14 : i32
    %dma_wait3A_2094 = arith.constant 3 : i32
    %dma_wait3A_2095 = arith.constant 0 : i32
    %dma_wait3A_2096 = arith.constant 0 : i32
    %dma_wait3A_2097 = tpu.memref_slice %arg6[%dma_wait3A_2094, %dma_wait3A_2095, %dma_wait3A_2096] : memref<4x128x128xf32, #tpu.memory_space<vmem>> -> memref<1x128x128xf32, #tpu.memory_space<vmem>>
    %dma_wait3A_2098 = tpu.memref_squeeze %dma_wait3A_2097 : memref<1x128x128xf32, #tpu.memory_space<vmem>> -> memref<128x128xf32, #tpu.memory_space<vmem>>
    %dma_wait3A_2099 = arith.constant 0 : i32
    %dma_wait3A_2100 = tpu.memref_slice %arg5[%dma_wait3A_2092, %dma_wait3A_2093, %dma_wait3A_2099] : memref<8x16x128xi32, #tpu.memory_space<vmem>> -> memref<1x1x128xi32, #tpu.memory_space<vmem>>
    %dma_wait3A_2101 = tpu.memref_squeeze %dma_wait3A_2100 : memref<1x1x128xi32, #tpu.memory_space<vmem>> -> memref<128xi32, #tpu.memory_space<vmem>>
    %dma_wait3A_2102 = arith.constant 0 : i32
    %dma_wait3A_2103 = arith.constant 0 : i32
    %dma_wait3A_2104 = tpu.memref_slice %arg2[%dma_wait3A_2102, %dma_wait3A_2103] : memref<100352x128xf32, #tpu.memory_space<hbm>> -> memref<100352x128xf32, #tpu.memory_space<hbm>>
    tpu.wait_indirect_dma semaphore(%arg8 : memref<!tpu.dma_semaphore, #tpu.memory_space<semaphore_mem>>) src(%dma_wait3A_2104 : memref<100352x128xf32, #tpu.memory_space<hbm>>) dst(%dma_wait3A_2098 : memref<128x128xf32, #tpu.memory_space<vmem>>)
    %dma_wait3A_2105 = arith.constant 4 : i32
    %dma_wait3A_2106 = arith.constant 15 : i32
    %dma_wait3A_2107 = arith.constant 3 : i32
    %dma_wait3A_2108 = arith.constant 0 : i32
    %dma_wait3A_2109 = arith.constant 0 : i32
    %dma_wait3A_2110 = tpu.memref_slice %arg6[%dma_wait3A_2107, %dma_wait3A_2108, %dma_wait3A_2109] : memref<4x128x128xf32, #tpu.memory_space<vmem>> -> memref<1x128x128xf32, #tpu.memory_space<vmem>>
    %dma_wait3A_2111 = tpu.memref_squeeze %dma_wait3A_2110 : memref<1x128x128xf32, #tpu.memory_space<vmem>> -> memref<128x128xf32, #tpu.memory_space<vmem>>
    %dma_wait3A_2112 = arith.constant 0 : i32
    %dma_wait3A_2113 = tpu.memref_slice %arg5[%dma_wait3A_2105, %dma_wait3A_2106, %dma_wait3A_2112] : memref<8x16x128xi32, #tpu.memory_space<vmem>> -> memref<1x1x128xi32, #tpu.memory_space<vmem>>
    %dma_wait3A_2114 = tpu.memref_squeeze %dma_wait3A_2113 : memref<1x1x128xi32, #tpu.memory_space<vmem>> -> memref<128xi32, #tpu.memory_space<vmem>>
    %dma_wait3A_2115 = arith.constant 0 : i32
    %dma_wait3A_2116 = arith.constant 0 : i32
    %dma_wait3A_2117 = tpu.memref_slice %arg2[%dma_wait3A_2115, %dma_wait3A_2116] : memref<100352x128xf32, #tpu.memory_space<hbm>> -> memref<100352x128xf32, #tpu.memory_space<hbm>>
    tpu.wait_indirect_dma semaphore(%arg8 : memref<!tpu.dma_semaphore, #tpu.memory_space<semaphore_mem>>) src(%dma_wait3A_2117 : memref<100352x128xf32, #tpu.memory_space<hbm>>) dst(%dma_wait3A_2111 : memref<128x128xf32, #tpu.memory_space<vmem>>)
    %scan3A_2118 = arith.constant 0 : i32
    %scan3A_2119 = arith.constant 0 : i32
    %scan3A_2120 = arith.constant 128 : i32
    %scan3A_2121 = arith.addi %scan3A_2119, %scan3A_2120 : i32
    %scan3A_2122 = arith.constant 1 : i32
    scf.for %scan3A_3406 = %scan3A_2119 to %scan3A_2121 step %scan3A_2122  : i32 {
      %get3A = arith.constant 0 : i32
      %get3A_3407 = arith.index_cast %get3A : i32 to index
      %get3A_3408 = arith.index_cast %scan3A_3406 : i32 to index
      %get3A_3409 = arith.constant 0 : index
      %get3A_3410 = tpu.vector_load %arg6[%get3A_3407, %get3A_3408, %get3A_3409] {strides = array<i32>} : memref<4x128x128xf32, #tpu.memory_space<vmem>>, vector<1x1x16xf32>,
      %get3A_3411 = vector.shape_cast %get3A_3410 : vector<1x1x16xf32> to vector<16xf32>
      %get3A_3412 = arith.constant 1 : i32
      %get3A_3413 = arith.index_cast %get3A_3412 : i32 to index
      %get3A_3414 = arith.index_cast %scan3A_3406 : i32 to index
      %get3A_3415 = arith.constant 32 : index
      %get3A_3416 = tpu.vector_load %arg6[%get3A_3413, %get3A_3414, %get3A_3415] {strides = array<i32>} : memref<4x128x128xf32, #tpu.memory_space<vmem>>, vector<1x1x16xf32>,
      %get3A_3417 = vector.shape_cast %get3A_3416 : vector<1x1x16xf32> to vector<16xf32>
      %add3A_3418 = arith.addf %get3A_3411, %get3A_3417 : vector<16xf32>
      %get3A_3419 = arith.constant 2 : i32
      %get3A_3420 = arith.index_cast %get3A_3419 : i32 to index
      %get3A_3421 = arith.index_cast %scan3A_3406 : i32 to index
      %get3A_3422 = arith.constant 64 : index
      %get3A_3423 = tpu.vector_load %arg6[%get3A_3420, %get3A_3421, %get3A_3422] {strides = array<i32>} : memref<4x128x128xf32, #tpu.memory_space<vmem>>, vector<1x1x16xf32>,
      %get3A_3424 = vector.shape_cast %get3A_3423 : vector<1x1x16xf32> to vector<16xf32>
      %get3A_3425 = arith.constant 3 : i32
      %get3A_3426 = arith.index_cast %get3A_3425 : i32 to index
      %get3A_3427 = arith.index_cast %scan3A_3406 : i32 to index
      %get3A_3428 = arith.constant 96 : index
      %get3A_3429 = tpu.vector_load %arg6[%get3A_3426, %get3A_3427, %get3A_3428] {strides = array<i32>} : memref<4x128x128xf32, #tpu.memory_space<vmem>>, vector<1x1x16xf32>,
      %get3A_3430 = vector.shape_cast %get3A_3429 : vector<1x1x16xf32> to vector<16xf32>
      %add3A_3431 = arith.addf %get3A_3424, %get3A_3430 : vector<16xf32>
      %add3A_3432 = arith.addf %add3A_3418, %add3A_3431 : vector<16xf32>
      %swap3A = arith.index_cast %scan3A_3406 : i32 to index
      %swap3A_3433 = arith.constant 0 : index
      %swap3A_3434 = tpu.vector_load %arg7[%swap3A, %swap3A_3433] {strides = array<i32>} : memref<128x16xf32, #tpu.memory_space<vmem>>, vector<1x16xf32>,
      %swap3A_3435 = vector.shape_cast %swap3A_3434 : vector<1x16xf32> to vector<16xf32>
      %swap3A_3436 = vector.shape_cast %add3A_3432 : vector<16xf32> to vector<1x16xf32>
      tpu.vector_store %arg7[%swap3A, %swap3A_3433], %swap3A_3436 {strides = array<i32>} : memref<128x16xf32, #tpu.memory_space<vmem>>, vector<1x16xf32>,
    }
    %scan3A_2123 = arith.constant 128 : i32
    %mul3A_2124 = arith.constant 1024 : i32
    %mul3A_2125 = arith.muli %add3A, %mul3A_2124 : i32
    %add3A_2126 = arith.constant 512 : i32
    %add3A_2127 = arith.addi %mul3A_2125, %add3A_2126 : i32
    "tpu.region"() ({
      %run_scoped3A = tpu.sem_alloc : memref<!tpu.dma_semaphore, #tpu.memory_space<semaphore_mem>>
      %dma_start3A_3406 = arith.constant 0 : i32
      %dma_start3A_3407 = tpu.memref_slice %arg4[%add3A_2127, %dma_start3A_3406] : memref<32768x16xf32, #tpu.memory_space<hbm>> -> memref<128x16xf32, #tpu.memory_space<hbm>>
      %dma_start3A_3408 = arith.constant 0 : i32
      %dma_start3A_3409 = tpu.memref_slice %arg4[%add3A_2127, %dma_start3A_3408] : memref<32768x16xf32, #tpu.memory_space<hbm>> -> memref<128x16xf32, #tpu.memory_space<hbm>>
      tpu.enqueue_dma source(%arg7 : memref<128x16xf32, #tpu.memory_space<vmem>>) target(%dma_start3A_3409 : memref<128x16xf32, #tpu.memory_space<hbm>>) target_semaphore(%run_scoped3A : memref<!tpu.dma_semaphore, #tpu.memory_space<semaphore_mem>>)
      %dma_wait3A_3410 = arith.constant 0 : i32
      %dma_wait3A_3411 = tpu.memref_slice %arg4[%add3A_2127, %dma_wait3A_3410] : memref<32768x16xf32, #tpu.memory_space<hbm>> -> memref<128x16xf32, #tpu.memory_space<hbm>>
      %dma_wait3A_3412 = arith.constant 0 : i32
      %dma_wait3A_3413 = tpu.memref_slice %arg4[%add3A_2127, %dma_wait3A_3412] : memref<32768x16xf32, #tpu.memory_space<hbm>> -> memref<128x16xf32, #tpu.memory_space<hbm>>
      tpu.wait_dma2 semaphore(%run_scoped3A : memref<!tpu.dma_semaphore, #tpu.memory_space<semaphore_mem>>) src(%arg7 : memref<128x16xf32, #tpu.memory_space<vmem>>) dst(%dma_wait3A_3413 : memref<128x16xf32, #tpu.memory_space<hbm>>)
      tpu.yield
    }) : () -> ()
    %dma_start3A_2128 = arith.constant 5 : i32
    %dma_start3A_2129 = arith.constant 0 : i32
    %dma_start3A_2130 = arith.constant 0 : i32
    %dma_start3A_2131 = arith.constant 0 : i32
    %dma_start3A_2132 = arith.constant 0 : i32
    %dma_start3A_2133 = tpu.memref_slice %arg6[%dma_start3A_2130, %dma_start3A_2131, %dma_start3A_2132] : memref<4x128x128xf32, #tpu.memory_space<vmem>> -> memref<1x128x128xf32, #tpu.memory_space<vmem>>
    %dma_start3A_2134 = tpu.memref_squeeze %dma_start3A_2133 : memref<1x128x128xf32, #tpu.memory_space<vmem>> -> memref<128x128xf32, #tpu.memory_space<vmem>>
    %dma_start3A_2135 = arith.constant 0 : i32
    %dma_start3A_2136 = tpu.memref_slice %arg5[%dma_start3A_2128, %dma_start3A_2129, %dma_start3A_2135] : memref<8x16x128xi32, #tpu.memory_space<vmem>> -> memref<1x1x128xi32, #tpu.memory_space<vmem>>
    %dma_start3A_2137 = tpu.memref_squeeze %dma_start3A_2136 : memref<1x1x128xi32, #tpu.memory_space<vmem>> -> memref<128xi32, #tpu.memory_space<vmem>>
    %dma_start3A_2138 = arith.constant 0 : i32
    %dma_start3A_2139 = arith.constant 0 : i32
    %dma_start3A_2140 = tpu.memref_slice %arg2[%dma_start3A_2138, %dma_start3A_2139] : memref<100352x128xf32, #tpu.memory_space<hbm>> -> memref<100352x128xf32, #tpu.memory_space<hbm>>
    tpu.enqueue_indirect_dma source(%dma_start3A_2140 : memref<100352x128xf32, #tpu.memory_space<hbm>>) target(%dma_start3A_2134 : memref<128x128xf32, #tpu.memory_space<vmem>>) offsets(%dma_start3A_2137 : memref<128xi32, #tpu.memory_space<vmem>>) semaphore(%arg8 : memref<!tpu.dma_semaphore, #tpu.memory_space<semaphore_mem>>)
    %dma_start3A_2141 = arith.constant 5 : i32
    %dma_start3A_2142 = arith.constant 4 : i32
    %dma_start3A_2143 = arith.constant 1 : i32
    %dma_start3A_2144 = arith.constant 0 : i32
    %dma_start3A_2145 = arith.constant 0 : i32
    %dma_start3A_2146 = tpu.memref_slice %arg6[%dma_start3A_2143, %dma_start3A_2144, %dma_start3A_2145] : memref<4x128x128xf32, #tpu.memory_space<vmem>> -> memref<1x128x128xf32, #tpu.memory_space<vmem>>
    %dma_start3A_2147 = tpu.memref_squeeze %dma_start3A_2146 : memref<1x128x128xf32, #tpu.memory_space<vmem>> -> memref<128x128xf32, #tpu.memory_space<vmem>>
    %dma_start3A_2148 = arith.constant 0 : i32
    %dma_start3A_2149 = tpu.memref_slice %arg5[%dma_start3A_2141, %dma_start3A_2142, %dma_start3A_2148] : memref<8x16x128xi32, #tpu.memory_space<vmem>> -> memref<1x1x128xi32, #tpu.memory_space<vmem>>
    %dma_start3A_2150 = tpu.memref_squeeze %dma_start3A_2149 : memref<1x1x128xi32, #tpu.memory_space<vmem>> -> memref<128xi32, #tpu.memory_space<vmem>>
    %dma_start3A_2151 = arith.constant 0 : i32
    %dma_start3A_2152 = arith.constant 0 : i32
    %dma_start3A_2153 = tpu.memref_slice %arg2[%dma_start3A_2151, %dma_start3A_2152] : memref<100352x128xf32, #tpu.memory_space<hbm>> -> memref<100352x128xf32, #tpu.memory_space<hbm>>
    tpu.enqueue_indirect_dma source(%dma_start3A_2153 : memref<100352x128xf32, #tpu.memory_space<hbm>>) target(%dma_start3A_2147 : memref<128x128xf32, #tpu.memory_space<vmem>>) offsets(%dma_start3A_2150 : memref<128xi32, #tpu.memory_space<vmem>>) semaphore(%arg8 : memref<!tpu.dma_semaphore, #tpu.memory_space<semaphore_mem>>)
    %dma_start3A_2154 = arith.constant 5 : i32
    %dma_start3A_2155 = arith.constant 8 : i32
    %dma_start3A_2156 = arith.constant 2 : i32
    %dma_start3A_2157 = arith.constant 0 : i32
    %dma_start3A_2158 = arith.constant 0 : i32
    %dma_start3A_2159 = tpu.memref_slice %arg6[%dma_start3A_2156, %dma_start3A_2157, %dma_start3A_2158] : memref<4x128x128xf32, #tpu.memory_space<vmem>> -> memref<1x128x128xf32, #tpu.memory_space<vmem>>
    %dma_start3A_2160 = tpu.memref_squeeze %dma_start3A_2159 : memref<1x128x128xf32, #tpu.memory_space<vmem>> -> memref<128x128xf32, #tpu.memory_space<vmem>>
    %dma_start3A_2161 = arith.constant 0 : i32
    %dma_start3A_2162 = tpu.memref_slice %arg5[%dma_start3A_2154, %dma_start3A_2155, %dma_start3A_2161] : memref<8x16x128xi32, #tpu.memory_space<vmem>> -> memref<1x1x128xi32, #tpu.memory_space<vmem>>
    %dma_start3A_2163 = tpu.memref_squeeze %dma_start3A_2162 : memref<1x1x128xi32, #tpu.memory_space<vmem>> -> memref<128xi32, #tpu.memory_space<vmem>>
    %dma_start3A_2164 = arith.constant 0 : i32
    %dma_start3A_2165 = arith.constant 0 : i32
    %dma_start3A_2166 = tpu.memref_slice %arg2[%dma_start3A_2164, %dma_start3A_2165] : memref<100352x128xf32, #tpu.memory_space<hbm>> -> memref<100352x128xf32, #tpu.memory_space<hbm>>
    tpu.enqueue_indirect_dma source(%dma_start3A_2166 : memref<100352x128xf32, #tpu.memory_space<hbm>>) target(%dma_start3A_2160 : memref<128x128xf32, #tpu.memory_space<vmem>>) offsets(%dma_start3A_2163 : memref<128xi32, #tpu.memory_space<vmem>>) semaphore(%arg8 : memref<!tpu.dma_semaphore, #tpu.memory_space<semaphore_mem>>)
    %dma_start3A_2167 = arith.constant 5 : i32
    %dma_start3A_2168 = arith.constant 12 : i32
    %dma_start3A_2169 = arith.constant 3 : i32
    %dma_start3A_2170 = arith.constant 0 : i32
    %dma_start3A_2171 = arith.constant 0 : i32
    %dma_start3A_2172 = tpu.memref_slice %arg6[%dma_start3A_2169, %dma_start3A_2170, %dma_start3A_2171] : memref<4x128x128xf32, #tpu.memory_space<vmem>> -> memref<1x128x128xf32, #tpu.memory_space<vmem>>
    %dma_start3A_2173 = tpu.memref_squeeze %dma_start3A_2172 : memref<1x128x128xf32, #tpu.memory_space<vmem>> -> memref<128x128xf32, #tpu.memory_space<vmem>>
    %dma_start3A_2174 = arith.constant 0 : i32
    %dma_start3A_2175 = tpu.memref_slice %arg5[%dma_start3A_2167, %dma_start3A_2168, %dma_start3A_2174] : memref<8x16x128xi32, #tpu.memory_space<vmem>> -> memref<1x1x128xi32, #tpu.memory_space<vmem>>
    %dma_start3A_2176 = tpu.memref_squeeze %dma_start3A_2175 : memref<1x1x128xi32, #tpu.memory_space<vmem>> -> memref<128xi32, #tpu.memory_space<vmem>>
    %dma_start3A_2177 = arith.constant 0 : i32
    %dma_start3A_2178 = arith.constant 0 : i32
    %dma_start3A_2179 = tpu.memref_slice %arg2[%dma_start3A_2177, %dma_start3A_2178] : memref<100352x128xf32, #tpu.memory_space<hbm>> -> memref<100352x128xf32, #tpu.memory_space<hbm>>
    tpu.enqueue_indirect_dma source(%dma_start3A_2179 : memref<100352x128xf32, #tpu.memory_space<hbm>>) target(%dma_start3A_2173 : memref<128x128xf32, #tpu.memory_space<vmem>>) offsets(%dma_start3A_2176 : memref<128xi32, #tpu.memory_space<vmem>>) semaphore(%arg8 : memref<!tpu.dma_semaphore, #tpu.memory_space<semaphore_mem>>)
    %dma_wait3A_2180 = arith.constant 5 : i32
    %dma_wait3A_2181 = arith.constant 0 : i32
    %dma_wait3A_2182 = arith.constant 0 : i32
    %dma_wait3A_2183 = arith.constant 0 : i32
    %dma_wait3A_2184 = arith.constant 0 : i32
    %dma_wait3A_2185 = tpu.memref_slice %arg6[%dma_wait3A_2182, %dma_wait3A_2183, %dma_wait3A_2184] : memref<4x128x128xf32, #tpu.memory_space<vmem>> -> memref<1x128x128xf32, #tpu.memory_space<vmem>>
    %dma_wait3A_2186 = tpu.memref_squeeze %dma_wait3A_2185 : memref<1x128x128xf32, #tpu.memory_space<vmem>> -> memref<128x128xf32, #tpu.memory_space<vmem>>
    %dma_wait3A_2187 = arith.constant 0 : i32
    %dma_wait3A_2188 = tpu.memref_slice %arg5[%dma_wait3A_2180, %dma_wait3A_2181, %dma_wait3A_2187] : memref<8x16x128xi32, #tpu.memory_space<vmem>> -> memref<1x1x128xi32, #tpu.memory_space<vmem>>
    %dma_wait3A_2189 = tpu.memref_squeeze %dma_wait3A_2188 : memref<1x1x128xi32, #tpu.memory_space<vmem>> -> memref<128xi32, #tpu.memory_space<vmem>>
    %dma_wait3A_2190 = arith.constant 0 : i32
    %dma_wait3A_2191 = arith.constant 0 : i32
    %dma_wait3A_2192 = tpu.memref_slice %arg2[%dma_wait3A_2190, %dma_wait3A_2191] : memref<100352x128xf32, #tpu.memory_space<hbm>> -> memref<100352x128xf32, #tpu.memory_space<hbm>>
    tpu.wait_indirect_dma semaphore(%arg8 : memref<!tpu.dma_semaphore, #tpu.memory_space<semaphore_mem>>) src(%dma_wait3A_2192 : memref<100352x128xf32, #tpu.memory_space<hbm>>) dst(%dma_wait3A_2186 : memref<128x128xf32, #tpu.memory_space<vmem>>)
    %dma_wait3A_2193 = arith.constant 5 : i32
    %dma_wait3A_2194 = arith.constant 4 : i32
    %dma_wait3A_2195 = arith.constant 1 : i32
    %dma_wait3A_2196 = arith.constant 0 : i32
    %dma_wait3A_2197 = arith.constant 0 : i32
    %dma_wait3A_2198 = tpu.memref_slice %arg6[%dma_wait3A_2195, %dma_wait3A_2196, %dma_wait3A_2197] : memref<4x128x128xf32, #tpu.memory_space<vmem>> -> memref<1x128x128xf32, #tpu.memory_space<vmem>>
    %dma_wait3A_2199 = tpu.memref_squeeze %dma_wait3A_2198 : memref<1x128x128xf32, #tpu.memory_space<vmem>> -> memref<128x128xf32, #tpu.memory_space<vmem>>
    %dma_wait3A_2200 = arith.constant 0 : i32
    %dma_wait3A_2201 = tpu.memref_slice %arg5[%dma_wait3A_2193, %dma_wait3A_2194, %dma_wait3A_2200] : memref<8x16x128xi32, #tpu.memory_space<vmem>> -> memref<1x1x128xi32, #tpu.memory_space<vmem>>
    %dma_wait3A_2202 = tpu.memref_squeeze %dma_wait3A_2201 : memref<1x1x128xi32, #tpu.memory_space<vmem>> -> memref<128xi32, #tpu.memory_space<vmem>>
    %dma_wait3A_2203 = arith.constant 0 : i32
    %dma_wait3A_2204 = arith.constant 0 : i32
    %dma_wait3A_2205 = tpu.memref_slice %arg2[%dma_wait3A_2203, %dma_wait3A_2204] : memref<100352x128xf32, #tpu.memory_space<hbm>> -> memref<100352x128xf32, #tpu.memory_space<hbm>>
    tpu.wait_indirect_dma semaphore(%arg8 : memref<!tpu.dma_semaphore, #tpu.memory_space<semaphore_mem>>) src(%dma_wait3A_2205 : memref<100352x128xf32, #tpu.memory_space<hbm>>) dst(%dma_wait3A_2199 : memref<128x128xf32, #tpu.memory_space<vmem>>)
    %dma_wait3A_2206 = arith.constant 5 : i32
    %dma_wait3A_2207 = arith.constant 8 : i32
    %dma_wait3A_2208 = arith.constant 2 : i32
    %dma_wait3A_2209 = arith.constant 0 : i32
    %dma_wait3A_2210 = arith.constant 0 : i32
    %dma_wait3A_2211 = tpu.memref_slice %arg6[%dma_wait3A_2208, %dma_wait3A_2209, %dma_wait3A_2210] : memref<4x128x128xf32, #tpu.memory_space<vmem>> -> memref<1x128x128xf32, #tpu.memory_space<vmem>>
    %dma_wait3A_2212 = tpu.memref_squeeze %dma_wait3A_2211 : memref<1x128x128xf32, #tpu.memory_space<vmem>> -> memref<128x128xf32, #tpu.memory_space<vmem>>
    %dma_wait3A_2213 = arith.constant 0 : i32
    %dma_wait3A_2214 = tpu.memref_slice %arg5[%dma_wait3A_2206, %dma_wait3A_2207, %dma_wait3A_2213] : memref<8x16x128xi32, #tpu.memory_space<vmem>> -> memref<1x1x128xi32, #tpu.memory_space<vmem>>
    %dma_wait3A_2215 = tpu.memref_squeeze %dma_wait3A_2214 : memref<1x1x128xi32, #tpu.memory_space<vmem>> -> memref<128xi32, #tpu.memory_space<vmem>>
    %dma_wait3A_2216 = arith.constant 0 : i32
    %dma_wait3A_2217 = arith.constant 0 : i32
    %dma_wait3A_2218 = tpu.memref_slice %arg2[%dma_wait3A_2216, %dma_wait3A_2217] : memref<100352x128xf32, #tpu.memory_space<hbm>> -> memref<100352x128xf32, #tpu.memory_space<hbm>>
    tpu.wait_indirect_dma semaphore(%arg8 : memref<!tpu.dma_semaphore, #tpu.memory_space<semaphore_mem>>) src(%dma_wait3A_2218 : memref<100352x128xf32, #tpu.memory_space<hbm>>) dst(%dma_wait3A_2212 : memref<128x128xf32, #tpu.memory_space<vmem>>)
    %dma_wait3A_2219 = arith.constant 5 : i32
    %dma_wait3A_2220 = arith.constant 12 : i32
    %dma_wait3A_2221 = arith.constant 3 : i32
    %dma_wait3A_2222 = arith.constant 0 : i32
    %dma_wait3A_2223 = arith.constant 0 : i32
    %dma_wait3A_2224 = tpu.memref_slice %arg6[%dma_wait3A_2221, %dma_wait3A_2222, %dma_wait3A_2223] : memref<4x128x128xf32, #tpu.memory_space<vmem>> -> memref<1x128x128xf32, #tpu.memory_space<vmem>>
    %dma_wait3A_2225 = tpu.memref_squeeze %dma_wait3A_2224 : memref<1x128x128xf32, #tpu.memory_space<vmem>> -> memref<128x128xf32, #tpu.memory_space<vmem>>
    %dma_wait3A_2226 = arith.constant 0 : i32
    %dma_wait3A_2227 = tpu.memref_slice %arg5[%dma_wait3A_2219, %dma_wait3A_2220, %dma_wait3A_2226] : memref<8x16x128xi32, #tpu.memory_space<vmem>> -> memref<1x1x128xi32, #tpu.memory_space<vmem>>
    %dma_wait3A_2228 = tpu.memref_squeeze %dma_wait3A_2227 : memref<1x1x128xi32, #tpu.memory_space<vmem>> -> memref<128xi32, #tpu.memory_space<vmem>>
    %dma_wait3A_2229 = arith.constant 0 : i32
    %dma_wait3A_2230 = arith.constant 0 : i32
    %dma_wait3A_2231 = tpu.memref_slice %arg2[%dma_wait3A_2229, %dma_wait3A_2230] : memref<100352x128xf32, #tpu.memory_space<hbm>> -> memref<100352x128xf32, #tpu.memory_space<hbm>>
    tpu.wait_indirect_dma semaphore(%arg8 : memref<!tpu.dma_semaphore, #tpu.memory_space<semaphore_mem>>) src(%dma_wait3A_2231 : memref<100352x128xf32, #tpu.memory_space<hbm>>) dst(%dma_wait3A_2225 : memref<128x128xf32, #tpu.memory_space<vmem>>)
    %dma_start3A_2232 = arith.constant 5 : i32
    %dma_start3A_2233 = arith.constant 1 : i32
    %dma_start3A_2234 = arith.constant 0 : i32
    %dma_start3A_2235 = arith.constant 0 : i32
    %dma_start3A_2236 = arith.constant 0 : i32
    %dma_start3A_2237 = tpu.memref_slice %arg6[%dma_start3A_2234, %dma_start3A_2235, %dma_start3A_2236] : memref<4x128x128xf32, #tpu.memory_space<vmem>> -> memref<1x128x128xf32, #tpu.memory_space<vmem>>
    %dma_start3A_2238 = tpu.memref_squeeze %dma_start3A_2237 : memref<1x128x128xf32, #tpu.memory_space<vmem>> -> memref<128x128xf32, #tpu.memory_space<vmem>>
    %dma_start3A_2239 = arith.constant 0 : i32
    %dma_start3A_2240 = tpu.memref_slice %arg5[%dma_start3A_2232, %dma_start3A_2233, %dma_start3A_2239] : memref<8x16x128xi32, #tpu.memory_space<vmem>> -> memref<1x1x128xi32, #tpu.memory_space<vmem>>
    %dma_start3A_2241 = tpu.memref_squeeze %dma_start3A_2240 : memref<1x1x128xi32, #tpu.memory_space<vmem>> -> memref<128xi32, #tpu.memory_space<vmem>>
    %dma_start3A_2242 = arith.constant 0 : i32
    %dma_start3A_2243 = arith.constant 0 : i32
    %dma_start3A_2244 = tpu.memref_slice %arg2[%dma_start3A_2242, %dma_start3A_2243] : memref<100352x128xf32, #tpu.memory_space<hbm>> -> memref<100352x128xf32, #tpu.memory_space<hbm>>
    tpu.enqueue_indirect_dma source(%dma_start3A_2244 : memref<100352x128xf32, #tpu.memory_space<hbm>>) target(%dma_start3A_2238 : memref<128x128xf32, #tpu.memory_space<vmem>>) offsets(%dma_start3A_2241 : memref<128xi32, #tpu.memory_space<vmem>>) semaphore(%arg8 : memref<!tpu.dma_semaphore, #tpu.memory_space<semaphore_mem>>) {add = true}
    %dma_start3A_2245 = arith.constant 5 : i32
    %dma_start3A_2246 = arith.constant 2 : i32
    %dma_start3A_2247 = arith.constant 0 : i32
    %dma_start3A_2248 = arith.constant 0 : i32
    %dma_start3A_2249 = arith.constant 0 : i32
    %dma_start3A_2250 = tpu.memref_slice %arg6[%dma_start3A_2247, %dma_start3A_2248, %dma_start3A_2249] : memref<4x128x128xf32, #tpu.memory_space<vmem>> -> memref<1x128x128xf32, #tpu.memory_space<vmem>>
    %dma_start3A_2251 = tpu.memref_squeeze %dma_start3A_2250 : memref<1x128x128xf32, #tpu.memory_space<vmem>> -> memref<128x128xf32, #tpu.memory_space<vmem>>
    %dma_start3A_2252 = arith.constant 0 : i32
    %dma_start3A_2253 = tpu.memref_slice %arg5[%dma_start3A_2245, %dma_start3A_2246, %dma_start3A_2252] : memref<8x16x128xi32, #tpu.memory_space<vmem>> -> memref<1x1x128xi32, #tpu.memory_space<vmem>>
    %dma_start3A_2254 = tpu.memref_squeeze %dma_start3A_2253 : memref<1x1x128xi32, #tpu.memory_space<vmem>> -> memref<128xi32, #tpu.memory_space<vmem>>
    %dma_start3A_2255 = arith.constant 0 : i32
    %dma_start3A_2256 = arith.constant 0 : i32
    %dma_start3A_2257 = tpu.memref_slice %arg2[%dma_start3A_2255, %dma_start3A_2256] : memref<100352x128xf32, #tpu.memory_space<hbm>> -> memref<100352x128xf32, #tpu.memory_space<hbm>>
    tpu.enqueue_indirect_dma source(%dma_start3A_2257 : memref<100352x128xf32, #tpu.memory_space<hbm>>) target(%dma_start3A_2251 : memref<128x128xf32, #tpu.memory_space<vmem>>) offsets(%dma_start3A_2254 : memref<128xi32, #tpu.memory_space<vmem>>) semaphore(%arg8 : memref<!tpu.dma_semaphore, #tpu.memory_space<semaphore_mem>>) {add = true}
    %dma_start3A_2258 = arith.constant 5 : i32
    %dma_start3A_2259 = arith.constant 3 : i32
    %dma_start3A_2260 = arith.constant 0 : i32
    %dma_start3A_2261 = arith.constant 0 : i32
    %dma_start3A_2262 = arith.constant 0 : i32
    %dma_start3A_2263 = tpu.memref_slice %arg6[%dma_start3A_2260, %dma_start3A_2261, %dma_start3A_2262] : memref<4x128x128xf32, #tpu.memory_space<vmem>> -> memref<1x128x128xf32, #tpu.memory_space<vmem>>
    %dma_start3A_2264 = tpu.memref_squeeze %dma_start3A_2263 : memref<1x128x128xf32, #tpu.memory_space<vmem>> -> memref<128x128xf32, #tpu.memory_space<vmem>>
    %dma_start3A_2265 = arith.constant 0 : i32
    %dma_start3A_2266 = tpu.memref_slice %arg5[%dma_start3A_2258, %dma_start3A_2259, %dma_start3A_2265] : memref<8x16x128xi32, #tpu.memory_space<vmem>> -> memref<1x1x128xi32, #tpu.memory_space<vmem>>
    %dma_start3A_2267 = tpu.memref_squeeze %dma_start3A_2266 : memref<1x1x128xi32, #tpu.memory_space<vmem>> -> memref<128xi32, #tpu.memory_space<vmem>>
    %dma_start3A_2268 = arith.constant 0 : i32
    %dma_start3A_2269 = arith.constant 0 : i32
    %dma_start3A_2270 = tpu.memref_slice %arg2[%dma_start3A_2268, %dma_start3A_2269] : memref<100352x128xf32, #tpu.memory_space<hbm>> -> memref<100352x128xf32, #tpu.memory_space<hbm>>
    tpu.enqueue_indirect_dma source(%dma_start3A_2270 : memref<100352x128xf32, #tpu.memory_space<hbm>>) target(%dma_start3A_2264 : memref<128x128xf32, #tpu.memory_space<vmem>>) offsets(%dma_start3A_2267 : memref<128xi32, #tpu.memory_space<vmem>>) semaphore(%arg8 : memref<!tpu.dma_semaphore, #tpu.memory_space<semaphore_mem>>) {add = true}
    %dma_start3A_2271 = arith.constant 5 : i32
    %dma_start3A_2272 = arith.constant 5 : i32
    %dma_start3A_2273 = arith.constant 1 : i32
    %dma_start3A_2274 = arith.constant 0 : i32
    %dma_start3A_2275 = arith.constant 0 : i32
    %dma_start3A_2276 = tpu.memref_slice %arg6[%dma_start3A_2273, %dma_start3A_2274, %dma_start3A_2275] : memref<4x128x128xf32, #tpu.memory_space<vmem>> -> memref<1x128x128xf32, #tpu.memory_space<vmem>>
    %dma_start3A_2277 = tpu.memref_squeeze %dma_start3A_2276 : memref<1x128x128xf32, #tpu.memory_space<vmem>> -> memref<128x128xf32, #tpu.memory_space<vmem>>
    %dma_start3A_2278 = arith.constant 0 : i32
    %dma_start3A_2279 = tpu.memref_slice %arg5[%dma_start3A_2271, %dma_start3A_2272, %dma_start3A_2278] : memref<8x16x128xi32, #tpu.memory_space<vmem>> -> memref<1x1x128xi32, #tpu.memory_space<vmem>>
    %dma_start3A_2280 = tpu.memref_squeeze %dma_start3A_2279 : memref<1x1x128xi32, #tpu.memory_space<vmem>> -> memref<128xi32, #tpu.memory_space<vmem>>
    %dma_start3A_2281 = arith.constant 0 : i32
    %dma_start3A_2282 = arith.constant 0 : i32
    %dma_start3A_2283 = tpu.memref_slice %arg2[%dma_start3A_2281, %dma_start3A_2282] : memref<100352x128xf32, #tpu.memory_space<hbm>> -> memref<100352x128xf32, #tpu.memory_space<hbm>>
    tpu.enqueue_indirect_dma source(%dma_start3A_2283 : memref<100352x128xf32, #tpu.memory_space<hbm>>) target(%dma_start3A_2277 : memref<128x128xf32, #tpu.memory_space<vmem>>) offsets(%dma_start3A_2280 : memref<128xi32, #tpu.memory_space<vmem>>) semaphore(%arg8 : memref<!tpu.dma_semaphore, #tpu.memory_space<semaphore_mem>>) {add = true}
    %dma_start3A_2284 = arith.constant 5 : i32
    %dma_start3A_2285 = arith.constant 6 : i32
    %dma_start3A_2286 = arith.constant 1 : i32
    %dma_start3A_2287 = arith.constant 0 : i32
    %dma_start3A_2288 = arith.constant 0 : i32
    %dma_start3A_2289 = tpu.memref_slice %arg6[%dma_start3A_2286, %dma_start3A_2287, %dma_start3A_2288] : memref<4x128x128xf32, #tpu.memory_space<vmem>> -> memref<1x128x128xf32, #tpu.memory_space<vmem>>
    %dma_start3A_2290 = tpu.memref_squeeze %dma_start3A_2289 : memref<1x128x128xf32, #tpu.memory_space<vmem>> -> memref<128x128xf32, #tpu.memory_space<vmem>>
    %dma_start3A_2291 = arith.constant 0 : i32
    %dma_start3A_2292 = tpu.memref_slice %arg5[%dma_start3A_2284, %dma_start3A_2285, %dma_start3A_2291] : memref<8x16x128xi32, #tpu.memory_space<vmem>> -> memref<1x1x128xi32, #tpu.memory_space<vmem>>
    %dma_start3A_2293 = tpu.memref_squeeze %dma_start3A_2292 : memref<1x1x128xi32, #tpu.memory_space<vmem>> -> memref<128xi32, #tpu.memory_space<vmem>>
    %dma_start3A_2294 = arith.constant 0 : i32
    %dma_start3A_2295 = arith.constant 0 : i32
    %dma_start3A_2296 = tpu.memref_slice %arg2[%dma_start3A_2294, %dma_start3A_2295] : memref<100352x128xf32, #tpu.memory_space<hbm>> -> memref<100352x128xf32, #tpu.memory_space<hbm>>
    tpu.enqueue_indirect_dma source(%dma_start3A_2296 : memref<100352x128xf32, #tpu.memory_space<hbm>>) target(%dma_start3A_2290 : memref<128x128xf32, #tpu.memory_space<vmem>>) offsets(%dma_start3A_2293 : memref<128xi32, #tpu.memory_space<vmem>>) semaphore(%arg8 : memref<!tpu.dma_semaphore, #tpu.memory_space<semaphore_mem>>) {add = true}
    %dma_start3A_2297 = arith.constant 5 : i32
    %dma_start3A_2298 = arith.constant 7 : i32
    %dma_start3A_2299 = arith.constant 1 : i32
    %dma_start3A_2300 = arith.constant 0 : i32
    %dma_start3A_2301 = arith.constant 0 : i32
    %dma_start3A_2302 = tpu.memref_slice %arg6[%dma_start3A_2299, %dma_start3A_2300, %dma_start3A_2301] : memref<4x128x128xf32, #tpu.memory_space<vmem>> -> memref<1x128x128xf32, #tpu.memory_space<vmem>>
    %dma_start3A_2303 = tpu.memref_squeeze %dma_start3A_2302 : memref<1x128x128xf32, #tpu.memory_space<vmem>> -> memref<128x128xf32, #tpu.memory_space<vmem>>
    %dma_start3A_2304 = arith.constant 0 : i32
    %dma_start3A_2305 = tpu.memref_slice %arg5[%dma_start3A_2297, %dma_start3A_2298, %dma_start3A_2304] : memref<8x16x128xi32, #tpu.memory_space<vmem>> -> memref<1x1x128xi32, #tpu.memory_space<vmem>>
    %dma_start3A_2306 = tpu.memref_squeeze %dma_start3A_2305 : memref<1x1x128xi32, #tpu.memory_space<vmem>> -> memref<128xi32, #tpu.memory_space<vmem>>
    %dma_start3A_2307 = arith.constant 0 : i32
    %dma_start3A_2308 = arith.constant 0 : i32
    %dma_start3A_2309 = tpu.memref_slice %arg2[%dma_start3A_2307, %dma_start3A_2308] : memref<100352x128xf32, #tpu.memory_space<hbm>> -> memref<100352x128xf32, #tpu.memory_space<hbm>>
    tpu.enqueue_indirect_dma source(%dma_start3A_2309 : memref<100352x128xf32, #tpu.memory_space<hbm>>) target(%dma_start3A_2303 : memref<128x128xf32, #tpu.memory_space<vmem>>) offsets(%dma_start3A_2306 : memref<128xi32, #tpu.memory_space<vmem>>) semaphore(%arg8 : memref<!tpu.dma_semaphore, #tpu.memory_space<semaphore_mem>>) {add = true}
    %dma_start3A_2310 = arith.constant 5 : i32
    %dma_start3A_2311 = arith.constant 9 : i32
    %dma_start3A_2312 = arith.constant 2 : i32
    %dma_start3A_2313 = arith.constant 0 : i32
    %dma_start3A_2314 = arith.constant 0 : i32
    %dma_start3A_2315 = tpu.memref_slice %arg6[%dma_start3A_2312, %dma_start3A_2313, %dma_start3A_2314] : memref<4x128x128xf32, #tpu.memory_space<vmem>> -> memref<1x128x128xf32, #tpu.memory_space<vmem>>
    %dma_start3A_2316 = tpu.memref_squeeze %dma_start3A_2315 : memref<1x128x128xf32, #tpu.memory_space<vmem>> -> memref<128x128xf32, #tpu.memory_space<vmem>>
    %dma_start3A_2317 = arith.constant 0 : i32
    %dma_start3A_2318 = tpu.memref_slice %arg5[%dma_start3A_2310, %dma_start3A_2311, %dma_start3A_2317] : memref<8x16x128xi32, #tpu.memory_space<vmem>> -> memref<1x1x128xi32, #tpu.memory_space<vmem>>
    %dma_start3A_2319 = tpu.memref_squeeze %dma_start3A_2318 : memref<1x1x128xi32, #tpu.memory_space<vmem>> -> memref<128xi32, #tpu.memory_space<vmem>>
    %dma_start3A_2320 = arith.constant 0 : i32
    %dma_start3A_2321 = arith.constant 0 : i32
    %dma_start3A_2322 = tpu.memref_slice %arg2[%dma_start3A_2320, %dma_start3A_2321] : memref<100352x128xf32, #tpu.memory_space<hbm>> -> memref<100352x128xf32, #tpu.memory_space<hbm>>
    tpu.enqueue_indirect_dma source(%dma_start3A_2322 : memref<100352x128xf32, #tpu.memory_space<hbm>>) target(%dma_start3A_2316 : memref<128x128xf32, #tpu.memory_space<vmem>>) offsets(%dma_start3A_2319 : memref<128xi32, #tpu.memory_space<vmem>>) semaphore(%arg8 : memref<!tpu.dma_semaphore, #tpu.memory_space<semaphore_mem>>) {add = true}
    %dma_start3A_2323 = arith.constant 5 : i32
    %dma_start3A_2324 = arith.constant 10 : i32
    %dma_start3A_2325 = arith.constant 2 : i32
    %dma_start3A_2326 = arith.constant 0 : i32
    %dma_start3A_2327 = arith.constant 0 : i32
    %dma_start3A_2328 = tpu.memref_slice %arg6[%dma_start3A_2325, %dma_start3A_2326, %dma_start3A_2327] : memref<4x128x128xf32, #tpu.memory_space<vmem>> -> memref<1x128x128xf32, #tpu.memory_space<vmem>>
    %dma_start3A_2329 = tpu.memref_squeeze %dma_start3A_2328 : memref<1x128x128xf32, #tpu.memory_space<vmem>> -> memref<128x128xf32, #tpu.memory_space<vmem>>
    %dma_start3A_2330 = arith.constant 0 : i32
    %dma_start3A_2331 = tpu.memref_slice %arg5[%dma_start3A_2323, %dma_start3A_2324, %dma_start3A_2330] : memref<8x16x128xi32, #tpu.memory_space<vmem>> -> memref<1x1x128xi32, #tpu.memory_space<vmem>>
    %dma_start3A_2332 = tpu.memref_squeeze %dma_start3A_2331 : memref<1x1x128xi32, #tpu.memory_space<vmem>> -> memref<128xi32, #tpu.memory_space<vmem>>
    %dma_start3A_2333 = arith.constant 0 : i32
    %dma_start3A_2334 = arith.constant 0 : i32
    %dma_start3A_2335 = tpu.memref_slice %arg2[%dma_start3A_2333, %dma_start3A_2334] : memref<100352x128xf32, #tpu.memory_space<hbm>> -> memref<100352x128xf32, #tpu.memory_space<hbm>>
    tpu.enqueue_indirect_dma source(%dma_start3A_2335 : memref<100352x128xf32, #tpu.memory_space<hbm>>) target(%dma_start3A_2329 : memref<128x128xf32, #tpu.memory_space<vmem>>) offsets(%dma_start3A_2332 : memref<128xi32, #tpu.memory_space<vmem>>) semaphore(%arg8 : memref<!tpu.dma_semaphore, #tpu.memory_space<semaphore_mem>>) {add = true}
    %dma_start3A_2336 = arith.constant 5 : i32
    %dma_start3A_2337 = arith.constant 11 : i32
    %dma_start3A_2338 = arith.constant 2 : i32
    %dma_start3A_2339 = arith.constant 0 : i32
    %dma_start3A_2340 = arith.constant 0 : i32
    %dma_start3A_2341 = tpu.memref_slice %arg6[%dma_start3A_2338, %dma_start3A_2339, %dma_start3A_2340] : memref<4x128x128xf32, #tpu.memory_space<vmem>> -> memref<1x128x128xf32, #tpu.memory_space<vmem>>
    %dma_start3A_2342 = tpu.memref_squeeze %dma_start3A_2341 : memref<1x128x128xf32, #tpu.memory_space<vmem>> -> memref<128x128xf32, #tpu.memory_space<vmem>>
    %dma_start3A_2343 = arith.constant 0 : i32
    %dma_start3A_2344 = tpu.memref_slice %arg5[%dma_start3A_2336, %dma_start3A_2337, %dma_start3A_2343] : memref<8x16x128xi32, #tpu.memory_space<vmem>> -> memref<1x1x128xi32, #tpu.memory_space<vmem>>
    %dma_start3A_2345 = tpu.memref_squeeze %dma_start3A_2344 : memref<1x1x128xi32, #tpu.memory_space<vmem>> -> memref<128xi32, #tpu.memory_space<vmem>>
    %dma_start3A_2346 = arith.constant 0 : i32
    %dma_start3A_2347 = arith.constant 0 : i32
    %dma_start3A_2348 = tpu.memref_slice %arg2[%dma_start3A_2346, %dma_start3A_2347] : memref<100352x128xf32, #tpu.memory_space<hbm>> -> memref<100352x128xf32, #tpu.memory_space<hbm>>
    tpu.enqueue_indirect_dma source(%dma_start3A_2348 : memref<100352x128xf32, #tpu.memory_space<hbm>>) target(%dma_start3A_2342 : memref<128x128xf32, #tpu.memory_space<vmem>>) offsets(%dma_start3A_2345 : memref<128xi32, #tpu.memory_space<vmem>>) semaphore(%arg8 : memref<!tpu.dma_semaphore, #tpu.memory_space<semaphore_mem>>) {add = true}
    %dma_start3A_2349 = arith.constant 5 : i32
    %dma_start3A_2350 = arith.constant 13 : i32
    %dma_start3A_2351 = arith.constant 3 : i32
    %dma_start3A_2352 = arith.constant 0 : i32
    %dma_start3A_2353 = arith.constant 0 : i32
    %dma_start3A_2354 = tpu.memref_slice %arg6[%dma_start3A_2351, %dma_start3A_2352, %dma_start3A_2353] : memref<4x128x128xf32, #tpu.memory_space<vmem>> -> memref<1x128x128xf32, #tpu.memory_space<vmem>>
    %dma_start3A_2355 = tpu.memref_squeeze %dma_start3A_2354 : memref<1x128x128xf32, #tpu.memory_space<vmem>> -> memref<128x128xf32, #tpu.memory_space<vmem>>
    %dma_start3A_2356 = arith.constant 0 : i32
    %dma_start3A_2357 = tpu.memref_slice %arg5[%dma_start3A_2349, %dma_start3A_2350, %dma_start3A_2356] : memref<8x16x128xi32, #tpu.memory_space<vmem>> -> memref<1x1x128xi32, #tpu.memory_space<vmem>>
    %dma_start3A_2358 = tpu.memref_squeeze %dma_start3A_2357 : memref<1x1x128xi32, #tpu.memory_space<vmem>> -> memref<128xi32, #tpu.memory_space<vmem>>
    %dma_start3A_2359 = arith.constant 0 : i32
    %dma_start3A_2360 = arith.constant 0 : i32
    %dma_start3A_2361 = tpu.memref_slice %arg2[%dma_start3A_2359, %dma_start3A_2360] : memref<100352x128xf32, #tpu.memory_space<hbm>> -> memref<100352x128xf32, #tpu.memory_space<hbm>>
    tpu.enqueue_indirect_dma source(%dma_start3A_2361 : memref<100352x128xf32, #tpu.memory_space<hbm>>) target(%dma_start3A_2355 : memref<128x128xf32, #tpu.memory_space<vmem>>) offsets(%dma_start3A_2358 : memref<128xi32, #tpu.memory_space<vmem>>) semaphore(%arg8 : memref<!tpu.dma_semaphore, #tpu.memory_space<semaphore_mem>>) {add = true}
    %dma_start3A_2362 = arith.constant 5 : i32
    %dma_start3A_2363 = arith.constant 14 : i32
    %dma_start3A_2364 = arith.constant 3 : i32
    %dma_start3A_2365 = arith.constant 0 : i32
    %dma_start3A_2366 = arith.constant 0 : i32
    %dma_start3A_2367 = tpu.memref_slice %arg6[%dma_start3A_2364, %dma_start3A_2365, %dma_start3A_2366] : memref<4x128x128xf32, #tpu.memory_space<vmem>> -> memref<1x128x128xf32, #tpu.memory_space<vmem>>
    %dma_start3A_2368 = tpu.memref_squeeze %dma_start3A_2367 : memref<1x128x128xf32, #tpu.memory_space<vmem>> -> memref<128x128xf32, #tpu.memory_space<vmem>>
    %dma_start3A_2369 = arith.constant 0 : i32
    %dma_start3A_2370 = tpu.memref_slice %arg5[%dma_start3A_2362, %dma_start3A_2363, %dma_start3A_2369] : memref<8x16x128xi32, #tpu.memory_space<vmem>> -> memref<1x1x128xi32, #tpu.memory_space<vmem>>
    %dma_start3A_2371 = tpu.memref_squeeze %dma_start3A_2370 : memref<1x1x128xi32, #tpu.memory_space<vmem>> -> memref<128xi32, #tpu.memory_space<vmem>>
    %dma_start3A_2372 = arith.constant 0 : i32
    %dma_start3A_2373 = arith.constant 0 : i32
    %dma_start3A_2374 = tpu.memref_slice %arg2[%dma_start3A_2372, %dma_start3A_2373] : memref<100352x128xf32, #tpu.memory_space<hbm>> -> memref<100352x128xf32, #tpu.memory_space<hbm>>
    tpu.enqueue_indirect_dma source(%dma_start3A_2374 : memref<100352x128xf32, #tpu.memory_space<hbm>>) target(%dma_start3A_2368 : memref<128x128xf32, #tpu.memory_space<vmem>>) offsets(%dma_start3A_2371 : memref<128xi32, #tpu.memory_space<vmem>>) semaphore(%arg8 : memref<!tpu.dma_semaphore, #tpu.memory_space<semaphore_mem>>) {add = true}
    %dma_start3A_2375 = arith.constant 5 : i32
    %dma_start3A_2376 = arith.constant 15 : i32
    %dma_start3A_2377 = arith.constant 3 : i32
    %dma_start3A_2378 = arith.constant 0 : i32
    %dma_start3A_2379 = arith.constant 0 : i32
    %dma_start3A_2380 = tpu.memref_slice %arg6[%dma_start3A_2377, %dma_start3A_2378, %dma_start3A_2379] : memref<4x128x128xf32, #tpu.memory_space<vmem>> -> memref<1x128x128xf32, #tpu.memory_space<vmem>>
    %dma_start3A_2381 = tpu.memref_squeeze %dma_start3A_2380 : memref<1x128x128xf32, #tpu.memory_space<vmem>> -> memref<128x128xf32, #tpu.memory_space<vmem>>
    %dma_start3A_2382 = arith.constant 0 : i32
    %dma_start3A_2383 = tpu.memref_slice %arg5[%dma_start3A_2375, %dma_start3A_2376, %dma_start3A_2382] : memref<8x16x128xi32, #tpu.memory_space<vmem>> -> memref<1x1x128xi32, #tpu.memory_space<vmem>>
    %dma_start3A_2384 = tpu.memref_squeeze %dma_start3A_2383 : memref<1x1x128xi32, #tpu.memory_space<vmem>> -> memref<128xi32, #tpu.memory_space<vmem>>
    %dma_start3A_2385 = arith.constant 0 : i32
    %dma_start3A_2386 = arith.constant 0 : i32
    %dma_start3A_2387 = tpu.memref_slice %arg2[%dma_start3A_2385, %dma_start3A_2386] : memref<100352x128xf32, #tpu.memory_space<hbm>> -> memref<100352x128xf32, #tpu.memory_space<hbm>>
    tpu.enqueue_indirect_dma source(%dma_start3A_2387 : memref<100352x128xf32, #tpu.memory_space<hbm>>) target(%dma_start3A_2381 : memref<128x128xf32, #tpu.memory_space<vmem>>) offsets(%dma_start3A_2384 : memref<128xi32, #tpu.memory_space<vmem>>) semaphore(%arg8 : memref<!tpu.dma_semaphore, #tpu.memory_space<semaphore_mem>>) {add = true}
    %dma_wait3A_2388 = arith.constant 5 : i32
    %dma_wait3A_2389 = arith.constant 1 : i32
    %dma_wait3A_2390 = arith.constant 0 : i32
    %dma_wait3A_2391 = arith.constant 0 : i32
    %dma_wait3A_2392 = arith.constant 0 : i32
    %dma_wait3A_2393 = tpu.memref_slice %arg6[%dma_wait3A_2390, %dma_wait3A_2391, %dma_wait3A_2392] : memref<4x128x128xf32, #tpu.memory_space<vmem>> -> memref<1x128x128xf32, #tpu.memory_space<vmem>>
    %dma_wait3A_2394 = tpu.memref_squeeze %dma_wait3A_2393 : memref<1x128x128xf32, #tpu.memory_space<vmem>> -> memref<128x128xf32, #tpu.memory_space<vmem>>
    %dma_wait3A_2395 = arith.constant 0 : i32
    %dma_wait3A_2396 = tpu.memref_slice %arg5[%dma_wait3A_2388, %dma_wait3A_2389, %dma_wait3A_2395] : memref<8x16x128xi32, #tpu.memory_space<vmem>> -> memref<1x1x128xi32, #tpu.memory_space<vmem>>
    %dma_wait3A_2397 = tpu.memref_squeeze %dma_wait3A_2396 : memref<1x1x128xi32, #tpu.memory_space<vmem>> -> memref<128xi32, #tpu.memory_space<vmem>>
    %dma_wait3A_2398 = arith.constant 0 : i32
    %dma_wait3A_2399 = arith.constant 0 : i32
    %dma_wait3A_2400 = tpu.memref_slice %arg2[%dma_wait3A_2398, %dma_wait3A_2399] : memref<100352x128xf32, #tpu.memory_space<hbm>> -> memref<100352x128xf32, #tpu.memory_space<hbm>>
    tpu.wait_indirect_dma semaphore(%arg8 : memref<!tpu.dma_semaphore, #tpu.memory_space<semaphore_mem>>) src(%dma_wait3A_2400 : memref<100352x128xf32, #tpu.memory_space<hbm>>) dst(%dma_wait3A_2394 : memref<128x128xf32, #tpu.memory_space<vmem>>)
    %dma_wait3A_2401 = arith.constant 5 : i32
    %dma_wait3A_2402 = arith.constant 2 : i32
    %dma_wait3A_2403 = arith.constant 0 : i32
    %dma_wait3A_2404 = arith.constant 0 : i32
    %dma_wait3A_2405 = arith.constant 0 : i32
    %dma_wait3A_2406 = tpu.memref_slice %arg6[%dma_wait3A_2403, %dma_wait3A_2404, %dma_wait3A_2405] : memref<4x128x128xf32, #tpu.memory_space<vmem>> -> memref<1x128x128xf32, #tpu.memory_space<vmem>>
    %dma_wait3A_2407 = tpu.memref_squeeze %dma_wait3A_2406 : memref<1x128x128xf32, #tpu.memory_space<vmem>> -> memref<128x128xf32, #tpu.memory_space<vmem>>
    %dma_wait3A_2408 = arith.constant 0 : i32
    %dma_wait3A_2409 = tpu.memref_slice %arg5[%dma_wait3A_2401, %dma_wait3A_2402, %dma_wait3A_2408] : memref<8x16x128xi32, #tpu.memory_space<vmem>> -> memref<1x1x128xi32, #tpu.memory_space<vmem>>
    %dma_wait3A_2410 = tpu.memref_squeeze %dma_wait3A_2409 : memref<1x1x128xi32, #tpu.memory_space<vmem>> -> memref<128xi32, #tpu.memory_space<vmem>>
    %dma_wait3A_2411 = arith.constant 0 : i32
    %dma_wait3A_2412 = arith.constant 0 : i32
    %dma_wait3A_2413 = tpu.memref_slice %arg2[%dma_wait3A_2411, %dma_wait3A_2412] : memref<100352x128xf32, #tpu.memory_space<hbm>> -> memref<100352x128xf32, #tpu.memory_space<hbm>>
    tpu.wait_indirect_dma semaphore(%arg8 : memref<!tpu.dma_semaphore, #tpu.memory_space<semaphore_mem>>) src(%dma_wait3A_2413 : memref<100352x128xf32, #tpu.memory_space<hbm>>) dst(%dma_wait3A_2407 : memref<128x128xf32, #tpu.memory_space<vmem>>)
    %dma_wait3A_2414 = arith.constant 5 : i32
    %dma_wait3A_2415 = arith.constant 3 : i32
    %dma_wait3A_2416 = arith.constant 0 : i32
    %dma_wait3A_2417 = arith.constant 0 : i32
    %dma_wait3A_2418 = arith.constant 0 : i32
    %dma_wait3A_2419 = tpu.memref_slice %arg6[%dma_wait3A_2416, %dma_wait3A_2417, %dma_wait3A_2418] : memref<4x128x128xf32, #tpu.memory_space<vmem>> -> memref<1x128x128xf32, #tpu.memory_space<vmem>>
    %dma_wait3A_2420 = tpu.memref_squeeze %dma_wait3A_2419 : memref<1x128x128xf32, #tpu.memory_space<vmem>> -> memref<128x128xf32, #tpu.memory_space<vmem>>
    %dma_wait3A_2421 = arith.constant 0 : i32
    %dma_wait3A_2422 = tpu.memref_slice %arg5[%dma_wait3A_2414, %dma_wait3A_2415, %dma_wait3A_2421] : memref<8x16x128xi32, #tpu.memory_space<vmem>> -> memref<1x1x128xi32, #tpu.memory_space<vmem>>
    %dma_wait3A_2423 = tpu.memref_squeeze %dma_wait3A_2422 : memref<1x1x128xi32, #tpu.memory_space<vmem>> -> memref<128xi32, #tpu.memory_space<vmem>>
    %dma_wait3A_2424 = arith.constant 0 : i32
    %dma_wait3A_2425 = arith.constant 0 : i32
    %dma_wait3A_2426 = tpu.memref_slice %arg2[%dma_wait3A_2424, %dma_wait3A_2425] : memref<100352x128xf32, #tpu.memory_space<hbm>> -> memref<100352x128xf32, #tpu.memory_space<hbm>>
    tpu.wait_indirect_dma semaphore(%arg8 : memref<!tpu.dma_semaphore, #tpu.memory_space<semaphore_mem>>) src(%dma_wait3A_2426 : memref<100352x128xf32, #tpu.memory_space<hbm>>) dst(%dma_wait3A_2420 : memref<128x128xf32, #tpu.memory_space<vmem>>)
    %dma_wait3A_2427 = arith.constant 5 : i32
    %dma_wait3A_2428 = arith.constant 5 : i32
    %dma_wait3A_2429 = arith.constant 1 : i32
    %dma_wait3A_2430 = arith.constant 0 : i32
    %dma_wait3A_2431 = arith.constant 0 : i32
    %dma_wait3A_2432 = tpu.memref_slice %arg6[%dma_wait3A_2429, %dma_wait3A_2430, %dma_wait3A_2431] : memref<4x128x128xf32, #tpu.memory_space<vmem>> -> memref<1x128x128xf32, #tpu.memory_space<vmem>>
    %dma_wait3A_2433 = tpu.memref_squeeze %dma_wait3A_2432 : memref<1x128x128xf32, #tpu.memory_space<vmem>> -> memref<128x128xf32, #tpu.memory_space<vmem>>
    %dma_wait3A_2434 = arith.constant 0 : i32
    %dma_wait3A_2435 = tpu.memref_slice %arg5[%dma_wait3A_2427, %dma_wait3A_2428, %dma_wait3A_2434] : memref<8x16x128xi32, #tpu.memory_space<vmem>> -> memref<1x1x128xi32, #tpu.memory_space<vmem>>
    %dma_wait3A_2436 = tpu.memref_squeeze %dma_wait3A_2435 : memref<1x1x128xi32, #tpu.memory_space<vmem>> -> memref<128xi32, #tpu.memory_space<vmem>>
    %dma_wait3A_2437 = arith.constant 0 : i32
    %dma_wait3A_2438 = arith.constant 0 : i32
    %dma_wait3A_2439 = tpu.memref_slice %arg2[%dma_wait3A_2437, %dma_wait3A_2438] : memref<100352x128xf32, #tpu.memory_space<hbm>> -> memref<100352x128xf32, #tpu.memory_space<hbm>>
    tpu.wait_indirect_dma semaphore(%arg8 : memref<!tpu.dma_semaphore, #tpu.memory_space<semaphore_mem>>) src(%dma_wait3A_2439 : memref<100352x128xf32, #tpu.memory_space<hbm>>) dst(%dma_wait3A_2433 : memref<128x128xf32, #tpu.memory_space<vmem>>)
    %dma_wait3A_2440 = arith.constant 5 : i32
    %dma_wait3A_2441 = arith.constant 6 : i32
    %dma_wait3A_2442 = arith.constant 1 : i32
    %dma_wait3A_2443 = arith.constant 0 : i32
    %dma_wait3A_2444 = arith.constant 0 : i32
    %dma_wait3A_2445 = tpu.memref_slice %arg6[%dma_wait3A_2442, %dma_wait3A_2443, %dma_wait3A_2444] : memref<4x128x128xf32, #tpu.memory_space<vmem>> -> memref<1x128x128xf32, #tpu.memory_space<vmem>>
    %dma_wait3A_2446 = tpu.memref_squeeze %dma_wait3A_2445 : memref<1x128x128xf32, #tpu.memory_space<vmem>> -> memref<128x128xf32, #tpu.memory_space<vmem>>
    %dma_wait3A_2447 = arith.constant 0 : i32
    %dma_wait3A_2448 = tpu.memref_slice %arg5[%dma_wait3A_2440, %dma_wait3A_2441, %dma_wait3A_2447] : memref<8x16x128xi32, #tpu.memory_space<vmem>> -> memref<1x1x128xi32, #tpu.memory_space<vmem>>
    %dma_wait3A_2449 = tpu.memref_squeeze %dma_wait3A_2448 : memref<1x1x128xi32, #tpu.memory_space<vmem>> -> memref<128xi32, #tpu.memory_space<vmem>>
    %dma_wait3A_2450 = arith.constant 0 : i32
    %dma_wait3A_2451 = arith.constant 0 : i32
    %dma_wait3A_2452 = tpu.memref_slice %arg2[%dma_wait3A_2450, %dma_wait3A_2451] : memref<100352x128xf32, #tpu.memory_space<hbm>> -> memref<100352x128xf32, #tpu.memory_space<hbm>>
    tpu.wait_indirect_dma semaphore(%arg8 : memref<!tpu.dma_semaphore, #tpu.memory_space<semaphore_mem>>) src(%dma_wait3A_2452 : memref<100352x128xf32, #tpu.memory_space<hbm>>) dst(%dma_wait3A_2446 : memref<128x128xf32, #tpu.memory_space<vmem>>)
    %dma_wait3A_2453 = arith.constant 5 : i32
    %dma_wait3A_2454 = arith.constant 7 : i32
    %dma_wait3A_2455 = arith.constant 1 : i32
    %dma_wait3A_2456 = arith.constant 0 : i32
    %dma_wait3A_2457 = arith.constant 0 : i32
    %dma_wait3A_2458 = tpu.memref_slice %arg6[%dma_wait3A_2455, %dma_wait3A_2456, %dma_wait3A_2457] : memref<4x128x128xf32, #tpu.memory_space<vmem>> -> memref<1x128x128xf32, #tpu.memory_space<vmem>>
    %dma_wait3A_2459 = tpu.memref_squeeze %dma_wait3A_2458 : memref<1x128x128xf32, #tpu.memory_space<vmem>> -> memref<128x128xf32, #tpu.memory_space<vmem>>
    %dma_wait3A_2460 = arith.constant 0 : i32
    %dma_wait3A_2461 = tpu.memref_slice %arg5[%dma_wait3A_2453, %dma_wait3A_2454, %dma_wait3A_2460] : memref<8x16x128xi32, #tpu.memory_space<vmem>> -> memref<1x1x128xi32, #tpu.memory_space<vmem>>
    %dma_wait3A_2462 = tpu.memref_squeeze %dma_wait3A_2461 : memref<1x1x128xi32, #tpu.memory_space<vmem>> -> memref<128xi32, #tpu.memory_space<vmem>>
    %dma_wait3A_2463 = arith.constant 0 : i32
    %dma_wait3A_2464 = arith.constant 0 : i32
    %dma_wait3A_2465 = tpu.memref_slice %arg2[%dma_wait3A_2463, %dma_wait3A_2464] : memref<100352x128xf32, #tpu.memory_space<hbm>> -> memref<100352x128xf32, #tpu.memory_space<hbm>>
    tpu.wait_indirect_dma semaphore(%arg8 : memref<!tpu.dma_semaphore, #tpu.memory_space<semaphore_mem>>) src(%dma_wait3A_2465 : memref<100352x128xf32, #tpu.memory_space<hbm>>) dst(%dma_wait3A_2459 : memref<128x128xf32, #tpu.memory_space<vmem>>)
    %dma_wait3A_2466 = arith.constant 5 : i32
    %dma_wait3A_2467 = arith.constant 9 : i32
    %dma_wait3A_2468 = arith.constant 2 : i32
    %dma_wait3A_2469 = arith.constant 0 : i32
    %dma_wait3A_2470 = arith.constant 0 : i32
    %dma_wait3A_2471 = tpu.memref_slice %arg6[%dma_wait3A_2468, %dma_wait3A_2469, %dma_wait3A_2470] : memref<4x128x128xf32, #tpu.memory_space<vmem>> -> memref<1x128x128xf32, #tpu.memory_space<vmem>>
    %dma_wait3A_2472 = tpu.memref_squeeze %dma_wait3A_2471 : memref<1x128x128xf32, #tpu.memory_space<vmem>> -> memref<128x128xf32, #tpu.memory_space<vmem>>
    %dma_wait3A_2473 = arith.constant 0 : i32
    %dma_wait3A_2474 = tpu.memref_slice %arg5[%dma_wait3A_2466, %dma_wait3A_2467, %dma_wait3A_2473] : memref<8x16x128xi32, #tpu.memory_space<vmem>> -> memref<1x1x128xi32, #tpu.memory_space<vmem>>
    %dma_wait3A_2475 = tpu.memref_squeeze %dma_wait3A_2474 : memref<1x1x128xi32, #tpu.memory_space<vmem>> -> memref<128xi32, #tpu.memory_space<vmem>>
    %dma_wait3A_2476 = arith.constant 0 : i32
    %dma_wait3A_2477 = arith.constant 0 : i32
    %dma_wait3A_2478 = tpu.memref_slice %arg2[%dma_wait3A_2476, %dma_wait3A_2477] : memref<100352x128xf32, #tpu.memory_space<hbm>> -> memref<100352x128xf32, #tpu.memory_space<hbm>>
    tpu.wait_indirect_dma semaphore(%arg8 : memref<!tpu.dma_semaphore, #tpu.memory_space<semaphore_mem>>) src(%dma_wait3A_2478 : memref<100352x128xf32, #tpu.memory_space<hbm>>) dst(%dma_wait3A_2472 : memref<128x128xf32, #tpu.memory_space<vmem>>)
    %dma_wait3A_2479 = arith.constant 5 : i32
    %dma_wait3A_2480 = arith.constant 10 : i32
    %dma_wait3A_2481 = arith.constant 2 : i32
    %dma_wait3A_2482 = arith.constant 0 : i32
    %dma_wait3A_2483 = arith.constant 0 : i32
    %dma_wait3A_2484 = tpu.memref_slice %arg6[%dma_wait3A_2481, %dma_wait3A_2482, %dma_wait3A_2483] : memref<4x128x128xf32, #tpu.memory_space<vmem>> -> memref<1x128x128xf32, #tpu.memory_space<vmem>>
    %dma_wait3A_2485 = tpu.memref_squeeze %dma_wait3A_2484 : memref<1x128x128xf32, #tpu.memory_space<vmem>> -> memref<128x128xf32, #tpu.memory_space<vmem>>
    %dma_wait3A_2486 = arith.constant 0 : i32
    %dma_wait3A_2487 = tpu.memref_slice %arg5[%dma_wait3A_2479, %dma_wait3A_2480, %dma_wait3A_2486] : memref<8x16x128xi32, #tpu.memory_space<vmem>> -> memref<1x1x128xi32, #tpu.memory_space<vmem>>
    %dma_wait3A_2488 = tpu.memref_squeeze %dma_wait3A_2487 : memref<1x1x128xi32, #tpu.memory_space<vmem>> -> memref<128xi32, #tpu.memory_space<vmem>>
    %dma_wait3A_2489 = arith.constant 0 : i32
    %dma_wait3A_2490 = arith.constant 0 : i32
    %dma_wait3A_2491 = tpu.memref_slice %arg2[%dma_wait3A_2489, %dma_wait3A_2490] : memref<100352x128xf32, #tpu.memory_space<hbm>> -> memref<100352x128xf32, #tpu.memory_space<hbm>>
    tpu.wait_indirect_dma semaphore(%arg8 : memref<!tpu.dma_semaphore, #tpu.memory_space<semaphore_mem>>) src(%dma_wait3A_2491 : memref<100352x128xf32, #tpu.memory_space<hbm>>) dst(%dma_wait3A_2485 : memref<128x128xf32, #tpu.memory_space<vmem>>)
    %dma_wait3A_2492 = arith.constant 5 : i32
    %dma_wait3A_2493 = arith.constant 11 : i32
    %dma_wait3A_2494 = arith.constant 2 : i32
    %dma_wait3A_2495 = arith.constant 0 : i32
    %dma_wait3A_2496 = arith.constant 0 : i32
    %dma_wait3A_2497 = tpu.memref_slice %arg6[%dma_wait3A_2494, %dma_wait3A_2495, %dma_wait3A_2496] : memref<4x128x128xf32, #tpu.memory_space<vmem>> -> memref<1x128x128xf32, #tpu.memory_space<vmem>>
    %dma_wait3A_2498 = tpu.memref_squeeze %dma_wait3A_2497 : memref<1x128x128xf32, #tpu.memory_space<vmem>> -> memref<128x128xf32, #tpu.memory_space<vmem>>
    %dma_wait3A_2499 = arith.constant 0 : i32
    %dma_wait3A_2500 = tpu.memref_slice %arg5[%dma_wait3A_2492, %dma_wait3A_2493, %dma_wait3A_2499] : memref<8x16x128xi32, #tpu.memory_space<vmem>> -> memref<1x1x128xi32, #tpu.memory_space<vmem>>
    %dma_wait3A_2501 = tpu.memref_squeeze %dma_wait3A_2500 : memref<1x1x128xi32, #tpu.memory_space<vmem>> -> memref<128xi32, #tpu.memory_space<vmem>>
    %dma_wait3A_2502 = arith.constant 0 : i32
    %dma_wait3A_2503 = arith.constant 0 : i32
    %dma_wait3A_2504 = tpu.memref_slice %arg2[%dma_wait3A_2502, %dma_wait3A_2503] : memref<100352x128xf32, #tpu.memory_space<hbm>> -> memref<100352x128xf32, #tpu.memory_space<hbm>>
    tpu.wait_indirect_dma semaphore(%arg8 : memref<!tpu.dma_semaphore, #tpu.memory_space<semaphore_mem>>) src(%dma_wait3A_2504 : memref<100352x128xf32, #tpu.memory_space<hbm>>) dst(%dma_wait3A_2498 : memref<128x128xf32, #tpu.memory_space<vmem>>)
    %dma_wait3A_2505 = arith.constant 5 : i32
    %dma_wait3A_2506 = arith.constant 13 : i32
    %dma_wait3A_2507 = arith.constant 3 : i32
    %dma_wait3A_2508 = arith.constant 0 : i32
    %dma_wait3A_2509 = arith.constant 0 : i32
    %dma_wait3A_2510 = tpu.memref_slice %arg6[%dma_wait3A_2507, %dma_wait3A_2508, %dma_wait3A_2509] : memref<4x128x128xf32, #tpu.memory_space<vmem>> -> memref<1x128x128xf32, #tpu.memory_space<vmem>>
    %dma_wait3A_2511 = tpu.memref_squeeze %dma_wait3A_2510 : memref<1x128x128xf32, #tpu.memory_space<vmem>> -> memref<128x128xf32, #tpu.memory_space<vmem>>
    %dma_wait3A_2512 = arith.constant 0 : i32
    %dma_wait3A_2513 = tpu.memref_slice %arg5[%dma_wait3A_2505, %dma_wait3A_2506, %dma_wait3A_2512] : memref<8x16x128xi32, #tpu.memory_space<vmem>> -> memref<1x1x128xi32, #tpu.memory_space<vmem>>
    %dma_wait3A_2514 = tpu.memref_squeeze %dma_wait3A_2513 : memref<1x1x128xi32, #tpu.memory_space<vmem>> -> memref<128xi32, #tpu.memory_space<vmem>>
    %dma_wait3A_2515 = arith.constant 0 : i32
    %dma_wait3A_2516 = arith.constant 0 : i32
    %dma_wait3A_2517 = tpu.memref_slice %arg2[%dma_wait3A_2515, %dma_wait3A_2516] : memref<100352x128xf32, #tpu.memory_space<hbm>> -> memref<100352x128xf32, #tpu.memory_space<hbm>>
    tpu.wait_indirect_dma semaphore(%arg8 : memref<!tpu.dma_semaphore, #tpu.memory_space<semaphore_mem>>) src(%dma_wait3A_2517 : memref<100352x128xf32, #tpu.memory_space<hbm>>) dst(%dma_wait3A_2511 : memref<128x128xf32, #tpu.memory_space<vmem>>)
    %dma_wait3A_2518 = arith.constant 5 : i32
    %dma_wait3A_2519 = arith.constant 14 : i32
    %dma_wait3A_2520 = arith.constant 3 : i32
    %dma_wait3A_2521 = arith.constant 0 : i32
    %dma_wait3A_2522 = arith.constant 0 : i32
    %dma_wait3A_2523 = tpu.memref_slice %arg6[%dma_wait3A_2520, %dma_wait3A_2521, %dma_wait3A_2522] : memref<4x128x128xf32, #tpu.memory_space<vmem>> -> memref<1x128x128xf32, #tpu.memory_space<vmem>>
    %dma_wait3A_2524 = tpu.memref_squeeze %dma_wait3A_2523 : memref<1x128x128xf32, #tpu.memory_space<vmem>> -> memref<128x128xf32, #tpu.memory_space<vmem>>
    %dma_wait3A_2525 = arith.constant 0 : i32
    %dma_wait3A_2526 = tpu.memref_slice %arg5[%dma_wait3A_2518, %dma_wait3A_2519, %dma_wait3A_2525] : memref<8x16x128xi32, #tpu.memory_space<vmem>> -> memref<1x1x128xi32, #tpu.memory_space<vmem>>
    %dma_wait3A_2527 = tpu.memref_squeeze %dma_wait3A_2526 : memref<1x1x128xi32, #tpu.memory_space<vmem>> -> memref<128xi32, #tpu.memory_space<vmem>>
    %dma_wait3A_2528 = arith.constant 0 : i32
    %dma_wait3A_2529 = arith.constant 0 : i32
    %dma_wait3A_2530 = tpu.memref_slice %arg2[%dma_wait3A_2528, %dma_wait3A_2529] : memref<100352x128xf32, #tpu.memory_space<hbm>> -> memref<100352x128xf32, #tpu.memory_space<hbm>>
    tpu.wait_indirect_dma semaphore(%arg8 : memref<!tpu.dma_semaphore, #tpu.memory_space<semaphore_mem>>) src(%dma_wait3A_2530 : memref<100352x128xf32, #tpu.memory_space<hbm>>) dst(%dma_wait3A_2524 : memref<128x128xf32, #tpu.memory_space<vmem>>)
    %dma_wait3A_2531 = arith.constant 5 : i32
    %dma_wait3A_2532 = arith.constant 15 : i32
    %dma_wait3A_2533 = arith.constant 3 : i32
    %dma_wait3A_2534 = arith.constant 0 : i32
    %dma_wait3A_2535 = arith.constant 0 : i32
    %dma_wait3A_2536 = tpu.memref_slice %arg6[%dma_wait3A_2533, %dma_wait3A_2534, %dma_wait3A_2535] : memref<4x128x128xf32, #tpu.memory_space<vmem>> -> memref<1x128x128xf32, #tpu.memory_space<vmem>>
    %dma_wait3A_2537 = tpu.memref_squeeze %dma_wait3A_2536 : memref<1x128x128xf32, #tpu.memory_space<vmem>> -> memref<128x128xf32, #tpu.memory_space<vmem>>
    %dma_wait3A_2538 = arith.constant 0 : i32
    %dma_wait3A_2539 = tpu.memref_slice %arg5[%dma_wait3A_2531, %dma_wait3A_2532, %dma_wait3A_2538] : memref<8x16x128xi32, #tpu.memory_space<vmem>> -> memref<1x1x128xi32, #tpu.memory_space<vmem>>
    %dma_wait3A_2540 = tpu.memref_squeeze %dma_wait3A_2539 : memref<1x1x128xi32, #tpu.memory_space<vmem>> -> memref<128xi32, #tpu.memory_space<vmem>>
    %dma_wait3A_2541 = arith.constant 0 : i32
    %dma_wait3A_2542 = arith.constant 0 : i32
    %dma_wait3A_2543 = tpu.memref_slice %arg2[%dma_wait3A_2541, %dma_wait3A_2542] : memref<100352x128xf32, #tpu.memory_space<hbm>> -> memref<100352x128xf32, #tpu.memory_space<hbm>>
    tpu.wait_indirect_dma semaphore(%arg8 : memref<!tpu.dma_semaphore, #tpu.memory_space<semaphore_mem>>) src(%dma_wait3A_2543 : memref<100352x128xf32, #tpu.memory_space<hbm>>) dst(%dma_wait3A_2537 : memref<128x128xf32, #tpu.memory_space<vmem>>)
    %scan3A_2544 = arith.constant 0 : i32
    %scan3A_2545 = arith.constant 0 : i32
    %scan3A_2546 = arith.constant 128 : i32
    %scan3A_2547 = arith.addi %scan3A_2545, %scan3A_2546 : i32
    %scan3A_2548 = arith.constant 1 : i32
    scf.for %scan3A_3406 = %scan3A_2545 to %scan3A_2547 step %scan3A_2548  : i32 {
      %get3A = arith.constant 0 : i32
      %get3A_3407 = arith.index_cast %get3A : i32 to index
      %get3A_3408 = arith.index_cast %scan3A_3406 : i32 to index
      %get3A_3409 = arith.constant 0 : index
      %get3A_3410 = tpu.vector_load %arg6[%get3A_3407, %get3A_3408, %get3A_3409] {strides = array<i32>} : memref<4x128x128xf32, #tpu.memory_space<vmem>>, vector<1x1x16xf32>,
      %get3A_3411 = vector.shape_cast %get3A_3410 : vector<1x1x16xf32> to vector<16xf32>
      %get3A_3412 = arith.constant 1 : i32
      %get3A_3413 = arith.index_cast %get3A_3412 : i32 to index
      %get3A_3414 = arith.index_cast %scan3A_3406 : i32 to index
      %get3A_3415 = arith.constant 32 : index
      %get3A_3416 = tpu.vector_load %arg6[%get3A_3413, %get3A_3414, %get3A_3415] {strides = array<i32>} : memref<4x128x128xf32, #tpu.memory_space<vmem>>, vector<1x1x16xf32>,
      %get3A_3417 = vector.shape_cast %get3A_3416 : vector<1x1x16xf32> to vector<16xf32>
      %add3A_3418 = arith.addf %get3A_3411, %get3A_3417 : vector<16xf32>
      %get3A_3419 = arith.constant 2 : i32
      %get3A_3420 = arith.index_cast %get3A_3419 : i32 to index
      %get3A_3421 = arith.index_cast %scan3A_3406 : i32 to index
      %get3A_3422 = arith.constant 64 : index
      %get3A_3423 = tpu.vector_load %arg6[%get3A_3420, %get3A_3421, %get3A_3422] {strides = array<i32>} : memref<4x128x128xf32, #tpu.memory_space<vmem>>, vector<1x1x16xf32>,
      %get3A_3424 = vector.shape_cast %get3A_3423 : vector<1x1x16xf32> to vector<16xf32>
      %get3A_3425 = arith.constant 3 : i32
      %get3A_3426 = arith.index_cast %get3A_3425 : i32 to index
      %get3A_3427 = arith.index_cast %scan3A_3406 : i32 to index
      %get3A_3428 = arith.constant 96 : index
      %get3A_3429 = tpu.vector_load %arg6[%get3A_3426, %get3A_3427, %get3A_3428] {strides = array<i32>} : memref<4x128x128xf32, #tpu.memory_space<vmem>>, vector<1x1x16xf32>,
      %get3A_3430 = vector.shape_cast %get3A_3429 : vector<1x1x16xf32> to vector<16xf32>
      %add3A_3431 = arith.addf %get3A_3424, %get3A_3430 : vector<16xf32>
      %add3A_3432 = arith.addf %add3A_3418, %add3A_3431 : vector<16xf32>
      %swap3A = arith.index_cast %scan3A_3406 : i32 to index
      %swap3A_3433 = arith.constant 0 : index
      %swap3A_3434 = tpu.vector_load %arg7[%swap3A, %swap3A_3433] {strides = array<i32>} : memref<128x16xf32, #tpu.memory_space<vmem>>, vector<1x16xf32>,
      %swap3A_3435 = vector.shape_cast %swap3A_3434 : vector<1x16xf32> to vector<16xf32>
      %swap3A_3436 = vector.shape_cast %add3A_3432 : vector<16xf32> to vector<1x16xf32>
      tpu.vector_store %arg7[%swap3A, %swap3A_3433], %swap3A_3436 {strides = array<i32>} : memref<128x16xf32, #tpu.memory_space<vmem>>, vector<1x16xf32>,
    }
    %scan3A_2549 = arith.constant 128 : i32
    %mul3A_2550 = arith.constant 1024 : i32
    %mul3A_2551 = arith.muli %add3A, %mul3A_2550 : i32
    %add3A_2552 = arith.constant 640 : i32
    %add3A_2553 = arith.addi %mul3A_2551, %add3A_2552 : i32
    "tpu.region"() ({
      %run_scoped3A = tpu.sem_alloc : memref<!tpu.dma_semaphore, #tpu.memory_space<semaphore_mem>>
      %dma_start3A_3406 = arith.constant 0 : i32
      %dma_start3A_3407 = tpu.memref_slice %arg4[%add3A_2553, %dma_start3A_3406] : memref<32768x16xf32, #tpu.memory_space<hbm>> -> memref<128x16xf32, #tpu.memory_space<hbm>>
      %dma_start3A_3408 = arith.constant 0 : i32
      %dma_start3A_3409 = tpu.memref_slice %arg4[%add3A_2553, %dma_start3A_3408] : memref<32768x16xf32, #tpu.memory_space<hbm>> -> memref<128x16xf32, #tpu.memory_space<hbm>>
      tpu.enqueue_dma source(%arg7 : memref<128x16xf32, #tpu.memory_space<vmem>>) target(%dma_start3A_3409 : memref<128x16xf32, #tpu.memory_space<hbm>>) target_semaphore(%run_scoped3A : memref<!tpu.dma_semaphore, #tpu.memory_space<semaphore_mem>>)
      %dma_wait3A_3410 = arith.constant 0 : i32
      %dma_wait3A_3411 = tpu.memref_slice %arg4[%add3A_2553, %dma_wait3A_3410] : memref<32768x16xf32, #tpu.memory_space<hbm>> -> memref<128x16xf32, #tpu.memory_space<hbm>>
      %dma_wait3A_3412 = arith.constant 0 : i32
      %dma_wait3A_3413 = tpu.memref_slice %arg4[%add3A_2553, %dma_wait3A_3412] : memref<32768x16xf32, #tpu.memory_space<hbm>> -> memref<128x16xf32, #tpu.memory_space<hbm>>
      tpu.wait_dma2 semaphore(%run_scoped3A : memref<!tpu.dma_semaphore, #tpu.memory_space<semaphore_mem>>) src(%arg7 : memref<128x16xf32, #tpu.memory_space<vmem>>) dst(%dma_wait3A_3413 : memref<128x16xf32, #tpu.memory_space<hbm>>)
      tpu.yield
    }) : () -> ()
    %dma_start3A_2554 = arith.constant 6 : i32
    %dma_start3A_2555 = arith.constant 0 : i32
    %dma_start3A_2556 = arith.constant 0 : i32
    %dma_start3A_2557 = arith.constant 0 : i32
    %dma_start3A_2558 = arith.constant 0 : i32
    %dma_start3A_2559 = tpu.memref_slice %arg6[%dma_start3A_2556, %dma_start3A_2557, %dma_start3A_2558] : memref<4x128x128xf32, #tpu.memory_space<vmem>> -> memref<1x128x128xf32, #tpu.memory_space<vmem>>
    %dma_start3A_2560 = tpu.memref_squeeze %dma_start3A_2559 : memref<1x128x128xf32, #tpu.memory_space<vmem>> -> memref<128x128xf32, #tpu.memory_space<vmem>>
    %dma_start3A_2561 = arith.constant 0 : i32
    %dma_start3A_2562 = tpu.memref_slice %arg5[%dma_start3A_2554, %dma_start3A_2555, %dma_start3A_2561] : memref<8x16x128xi32, #tpu.memory_space<vmem>> -> memref<1x1x128xi32, #tpu.memory_space<vmem>>
    %dma_start3A_2563 = tpu.memref_squeeze %dma_start3A_2562 : memref<1x1x128xi32, #tpu.memory_space<vmem>> -> memref<128xi32, #tpu.memory_space<vmem>>
    %dma_start3A_2564 = arith.constant 0 : i32
    %dma_start3A_2565 = arith.constant 0 : i32
    %dma_start3A_2566 = tpu.memref_slice %arg2[%dma_start3A_2564, %dma_start3A_2565] : memref<100352x128xf32, #tpu.memory_space<hbm>> -> memref<100352x128xf32, #tpu.memory_space<hbm>>
    tpu.enqueue_indirect_dma source(%dma_start3A_2566 : memref<100352x128xf32, #tpu.memory_space<hbm>>) target(%dma_start3A_2560 : memref<128x128xf32, #tpu.memory_space<vmem>>) offsets(%dma_start3A_2563 : memref<128xi32, #tpu.memory_space<vmem>>) semaphore(%arg8 : memref<!tpu.dma_semaphore, #tpu.memory_space<semaphore_mem>>)
    %dma_start3A_2567 = arith.constant 6 : i32
    %dma_start3A_2568 = arith.constant 4 : i32
    %dma_start3A_2569 = arith.constant 1 : i32
    %dma_start3A_2570 = arith.constant 0 : i32
    %dma_start3A_2571 = arith.constant 0 : i32
    %dma_start3A_2572 = tpu.memref_slice %arg6[%dma_start3A_2569, %dma_start3A_2570, %dma_start3A_2571] : memref<4x128x128xf32, #tpu.memory_space<vmem>> -> memref<1x128x128xf32, #tpu.memory_space<vmem>>
    %dma_start3A_2573 = tpu.memref_squeeze %dma_start3A_2572 : memref<1x128x128xf32, #tpu.memory_space<vmem>> -> memref<128x128xf32, #tpu.memory_space<vmem>>
    %dma_start3A_2574 = arith.constant 0 : i32
    %dma_start3A_2575 = tpu.memref_slice %arg5[%dma_start3A_2567, %dma_start3A_2568, %dma_start3A_2574] : memref<8x16x128xi32, #tpu.memory_space<vmem>> -> memref<1x1x128xi32, #tpu.memory_space<vmem>>
    %dma_start3A_2576 = tpu.memref_squeeze %dma_start3A_2575 : memref<1x1x128xi32, #tpu.memory_space<vmem>> -> memref<128xi32, #tpu.memory_space<vmem>>
    %dma_start3A_2577 = arith.constant 0 : i32
    %dma_start3A_2578 = arith.constant 0 : i32
    %dma_start3A_2579 = tpu.memref_slice %arg2[%dma_start3A_2577, %dma_start3A_2578] : memref<100352x128xf32, #tpu.memory_space<hbm>> -> memref<100352x128xf32, #tpu.memory_space<hbm>>
    tpu.enqueue_indirect_dma source(%dma_start3A_2579 : memref<100352x128xf32, #tpu.memory_space<hbm>>) target(%dma_start3A_2573 : memref<128x128xf32, #tpu.memory_space<vmem>>) offsets(%dma_start3A_2576 : memref<128xi32, #tpu.memory_space<vmem>>) semaphore(%arg8 : memref<!tpu.dma_semaphore, #tpu.memory_space<semaphore_mem>>)
    %dma_start3A_2580 = arith.constant 6 : i32
    %dma_start3A_2581 = arith.constant 8 : i32
    %dma_start3A_2582 = arith.constant 2 : i32
    %dma_start3A_2583 = arith.constant 0 : i32
    %dma_start3A_2584 = arith.constant 0 : i32
    %dma_start3A_2585 = tpu.memref_slice %arg6[%dma_start3A_2582, %dma_start3A_2583, %dma_start3A_2584] : memref<4x128x128xf32, #tpu.memory_space<vmem>> -> memref<1x128x128xf32, #tpu.memory_space<vmem>>
    %dma_start3A_2586 = tpu.memref_squeeze %dma_start3A_2585 : memref<1x128x128xf32, #tpu.memory_space<vmem>> -> memref<128x128xf32, #tpu.memory_space<vmem>>
    %dma_start3A_2587 = arith.constant 0 : i32
    %dma_start3A_2588 = tpu.memref_slice %arg5[%dma_start3A_2580, %dma_start3A_2581, %dma_start3A_2587] : memref<8x16x128xi32, #tpu.memory_space<vmem>> -> memref<1x1x128xi32, #tpu.memory_space<vmem>>
    %dma_start3A_2589 = tpu.memref_squeeze %dma_start3A_2588 : memref<1x1x128xi32, #tpu.memory_space<vmem>> -> memref<128xi32, #tpu.memory_space<vmem>>
    %dma_start3A_2590 = arith.constant 0 : i32
    %dma_start3A_2591 = arith.constant 0 : i32
    %dma_start3A_2592 = tpu.memref_slice %arg2[%dma_start3A_2590, %dma_start3A_2591] : memref<100352x128xf32, #tpu.memory_space<hbm>> -> memref<100352x128xf32, #tpu.memory_space<hbm>>
    tpu.enqueue_indirect_dma source(%dma_start3A_2592 : memref<100352x128xf32, #tpu.memory_space<hbm>>) target(%dma_start3A_2586 : memref<128x128xf32, #tpu.memory_space<vmem>>) offsets(%dma_start3A_2589 : memref<128xi32, #tpu.memory_space<vmem>>) semaphore(%arg8 : memref<!tpu.dma_semaphore, #tpu.memory_space<semaphore_mem>>)
    %dma_start3A_2593 = arith.constant 6 : i32
    %dma_start3A_2594 = arith.constant 12 : i32
    %dma_start3A_2595 = arith.constant 3 : i32
    %dma_start3A_2596 = arith.constant 0 : i32
    %dma_start3A_2597 = arith.constant 0 : i32
    %dma_start3A_2598 = tpu.memref_slice %arg6[%dma_start3A_2595, %dma_start3A_2596, %dma_start3A_2597] : memref<4x128x128xf32, #tpu.memory_space<vmem>> -> memref<1x128x128xf32, #tpu.memory_space<vmem>>
    %dma_start3A_2599 = tpu.memref_squeeze %dma_start3A_2598 : memref<1x128x128xf32, #tpu.memory_space<vmem>> -> memref<128x128xf32, #tpu.memory_space<vmem>>
    %dma_start3A_2600 = arith.constant 0 : i32
    %dma_start3A_2601 = tpu.memref_slice %arg5[%dma_start3A_2593, %dma_start3A_2594, %dma_start3A_2600] : memref<8x16x128xi32, #tpu.memory_space<vmem>> -> memref<1x1x128xi32, #tpu.memory_space<vmem>>
    %dma_start3A_2602 = tpu.memref_squeeze %dma_start3A_2601 : memref<1x1x128xi32, #tpu.memory_space<vmem>> -> memref<128xi32, #tpu.memory_space<vmem>>
    %dma_start3A_2603 = arith.constant 0 : i32
    %dma_start3A_2604 = arith.constant 0 : i32
    %dma_start3A_2605 = tpu.memref_slice %arg2[%dma_start3A_2603, %dma_start3A_2604] : memref<100352x128xf32, #tpu.memory_space<hbm>> -> memref<100352x128xf32, #tpu.memory_space<hbm>>
    tpu.enqueue_indirect_dma source(%dma_start3A_2605 : memref<100352x128xf32, #tpu.memory_space<hbm>>) target(%dma_start3A_2599 : memref<128x128xf32, #tpu.memory_space<vmem>>) offsets(%dma_start3A_2602 : memref<128xi32, #tpu.memory_space<vmem>>) semaphore(%arg8 : memref<!tpu.dma_semaphore, #tpu.memory_space<semaphore_mem>>)
    %dma_wait3A_2606 = arith.constant 6 : i32
    %dma_wait3A_2607 = arith.constant 0 : i32
    %dma_wait3A_2608 = arith.constant 0 : i32
    %dma_wait3A_2609 = arith.constant 0 : i32
    %dma_wait3A_2610 = arith.constant 0 : i32
    %dma_wait3A_2611 = tpu.memref_slice %arg6[%dma_wait3A_2608, %dma_wait3A_2609, %dma_wait3A_2610] : memref<4x128x128xf32, #tpu.memory_space<vmem>> -> memref<1x128x128xf32, #tpu.memory_space<vmem>>
    %dma_wait3A_2612 = tpu.memref_squeeze %dma_wait3A_2611 : memref<1x128x128xf32, #tpu.memory_space<vmem>> -> memref<128x128xf32, #tpu.memory_space<vmem>>
    %dma_wait3A_2613 = arith.constant 0 : i32
    %dma_wait3A_2614 = tpu.memref_slice %arg5[%dma_wait3A_2606, %dma_wait3A_2607, %dma_wait3A_2613] : memref<8x16x128xi32, #tpu.memory_space<vmem>> -> memref<1x1x128xi32, #tpu.memory_space<vmem>>
    %dma_wait3A_2615 = tpu.memref_squeeze %dma_wait3A_2614 : memref<1x1x128xi32, #tpu.memory_space<vmem>> -> memref<128xi32, #tpu.memory_space<vmem>>
    %dma_wait3A_2616 = arith.constant 0 : i32
    %dma_wait3A_2617 = arith.constant 0 : i32
    %dma_wait3A_2618 = tpu.memref_slice %arg2[%dma_wait3A_2616, %dma_wait3A_2617] : memref<100352x128xf32, #tpu.memory_space<hbm>> -> memref<100352x128xf32, #tpu.memory_space<hbm>>
    tpu.wait_indirect_dma semaphore(%arg8 : memref<!tpu.dma_semaphore, #tpu.memory_space<semaphore_mem>>) src(%dma_wait3A_2618 : memref<100352x128xf32, #tpu.memory_space<hbm>>) dst(%dma_wait3A_2612 : memref<128x128xf32, #tpu.memory_space<vmem>>)
    %dma_wait3A_2619 = arith.constant 6 : i32
    %dma_wait3A_2620 = arith.constant 4 : i32
    %dma_wait3A_2621 = arith.constant 1 : i32
    %dma_wait3A_2622 = arith.constant 0 : i32
    %dma_wait3A_2623 = arith.constant 0 : i32
    %dma_wait3A_2624 = tpu.memref_slice %arg6[%dma_wait3A_2621, %dma_wait3A_2622, %dma_wait3A_2623] : memref<4x128x128xf32, #tpu.memory_space<vmem>> -> memref<1x128x128xf32, #tpu.memory_space<vmem>>
    %dma_wait3A_2625 = tpu.memref_squeeze %dma_wait3A_2624 : memref<1x128x128xf32, #tpu.memory_space<vmem>> -> memref<128x128xf32, #tpu.memory_space<vmem>>
    %dma_wait3A_2626 = arith.constant 0 : i32
    %dma_wait3A_2627 = tpu.memref_slice %arg5[%dma_wait3A_2619, %dma_wait3A_2620, %dma_wait3A_2626] : memref<8x16x128xi32, #tpu.memory_space<vmem>> -> memref<1x1x128xi32, #tpu.memory_space<vmem>>
    %dma_wait3A_2628 = tpu.memref_squeeze %dma_wait3A_2627 : memref<1x1x128xi32, #tpu.memory_space<vmem>> -> memref<128xi32, #tpu.memory_space<vmem>>
    %dma_wait3A_2629 = arith.constant 0 : i32
    %dma_wait3A_2630 = arith.constant 0 : i32
    %dma_wait3A_2631 = tpu.memref_slice %arg2[%dma_wait3A_2629, %dma_wait3A_2630] : memref<100352x128xf32, #tpu.memory_space<hbm>> -> memref<100352x128xf32, #tpu.memory_space<hbm>>
    tpu.wait_indirect_dma semaphore(%arg8 : memref<!tpu.dma_semaphore, #tpu.memory_space<semaphore_mem>>) src(%dma_wait3A_2631 : memref<100352x128xf32, #tpu.memory_space<hbm>>) dst(%dma_wait3A_2625 : memref<128x128xf32, #tpu.memory_space<vmem>>)
    %dma_wait3A_2632 = arith.constant 6 : i32
    %dma_wait3A_2633 = arith.constant 8 : i32
    %dma_wait3A_2634 = arith.constant 2 : i32
    %dma_wait3A_2635 = arith.constant 0 : i32
    %dma_wait3A_2636 = arith.constant 0 : i32
    %dma_wait3A_2637 = tpu.memref_slice %arg6[%dma_wait3A_2634, %dma_wait3A_2635, %dma_wait3A_2636] : memref<4x128x128xf32, #tpu.memory_space<vmem>> -> memref<1x128x128xf32, #tpu.memory_space<vmem>>
    %dma_wait3A_2638 = tpu.memref_squeeze %dma_wait3A_2637 : memref<1x128x128xf32, #tpu.memory_space<vmem>> -> memref<128x128xf32, #tpu.memory_space<vmem>>
    %dma_wait3A_2639 = arith.constant 0 : i32
    %dma_wait3A_2640 = tpu.memref_slice %arg5[%dma_wait3A_2632, %dma_wait3A_2633, %dma_wait3A_2639] : memref<8x16x128xi32, #tpu.memory_space<vmem>> -> memref<1x1x128xi32, #tpu.memory_space<vmem>>
    %dma_wait3A_2641 = tpu.memref_squeeze %dma_wait3A_2640 : memref<1x1x128xi32, #tpu.memory_space<vmem>> -> memref<128xi32, #tpu.memory_space<vmem>>
    %dma_wait3A_2642 = arith.constant 0 : i32
    %dma_wait3A_2643 = arith.constant 0 : i32
    %dma_wait3A_2644 = tpu.memref_slice %arg2[%dma_wait3A_2642, %dma_wait3A_2643] : memref<100352x128xf32, #tpu.memory_space<hbm>> -> memref<100352x128xf32, #tpu.memory_space<hbm>>
    tpu.wait_indirect_dma semaphore(%arg8 : memref<!tpu.dma_semaphore, #tpu.memory_space<semaphore_mem>>) src(%dma_wait3A_2644 : memref<100352x128xf32, #tpu.memory_space<hbm>>) dst(%dma_wait3A_2638 : memref<128x128xf32, #tpu.memory_space<vmem>>)
    %dma_wait3A_2645 = arith.constant 6 : i32
    %dma_wait3A_2646 = arith.constant 12 : i32
    %dma_wait3A_2647 = arith.constant 3 : i32
    %dma_wait3A_2648 = arith.constant 0 : i32
    %dma_wait3A_2649 = arith.constant 0 : i32
    %dma_wait3A_2650 = tpu.memref_slice %arg6[%dma_wait3A_2647, %dma_wait3A_2648, %dma_wait3A_2649] : memref<4x128x128xf32, #tpu.memory_space<vmem>> -> memref<1x128x128xf32, #tpu.memory_space<vmem>>
    %dma_wait3A_2651 = tpu.memref_squeeze %dma_wait3A_2650 : memref<1x128x128xf32, #tpu.memory_space<vmem>> -> memref<128x128xf32, #tpu.memory_space<vmem>>
    %dma_wait3A_2652 = arith.constant 0 : i32
    %dma_wait3A_2653 = tpu.memref_slice %arg5[%dma_wait3A_2645, %dma_wait3A_2646, %dma_wait3A_2652] : memref<8x16x128xi32, #tpu.memory_space<vmem>> -> memref<1x1x128xi32, #tpu.memory_space<vmem>>
    %dma_wait3A_2654 = tpu.memref_squeeze %dma_wait3A_2653 : memref<1x1x128xi32, #tpu.memory_space<vmem>> -> memref<128xi32, #tpu.memory_space<vmem>>
    %dma_wait3A_2655 = arith.constant 0 : i32
    %dma_wait3A_2656 = arith.constant 0 : i32
    %dma_wait3A_2657 = tpu.memref_slice %arg2[%dma_wait3A_2655, %dma_wait3A_2656] : memref<100352x128xf32, #tpu.memory_space<hbm>> -> memref<100352x128xf32, #tpu.memory_space<hbm>>
    tpu.wait_indirect_dma semaphore(%arg8 : memref<!tpu.dma_semaphore, #tpu.memory_space<semaphore_mem>>) src(%dma_wait3A_2657 : memref<100352x128xf32, #tpu.memory_space<hbm>>) dst(%dma_wait3A_2651 : memref<128x128xf32, #tpu.memory_space<vmem>>)
    %dma_start3A_2658 = arith.constant 6 : i32
    %dma_start3A_2659 = arith.constant 1 : i32
    %dma_start3A_2660 = arith.constant 0 : i32
    %dma_start3A_2661 = arith.constant 0 : i32
    %dma_start3A_2662 = arith.constant 0 : i32
    %dma_start3A_2663 = tpu.memref_slice %arg6[%dma_start3A_2660, %dma_start3A_2661, %dma_start3A_2662] : memref<4x128x128xf32, #tpu.memory_space<vmem>> -> memref<1x128x128xf32, #tpu.memory_space<vmem>>
    %dma_start3A_2664 = tpu.memref_squeeze %dma_start3A_2663 : memref<1x128x128xf32, #tpu.memory_space<vmem>> -> memref<128x128xf32, #tpu.memory_space<vmem>>
    %dma_start3A_2665 = arith.constant 0 : i32
    %dma_start3A_2666 = tpu.memref_slice %arg5[%dma_start3A_2658, %dma_start3A_2659, %dma_start3A_2665] : memref<8x16x128xi32, #tpu.memory_space<vmem>> -> memref<1x1x128xi32, #tpu.memory_space<vmem>>
    %dma_start3A_2667 = tpu.memref_squeeze %dma_start3A_2666 : memref<1x1x128xi32, #tpu.memory_space<vmem>> -> memref<128xi32, #tpu.memory_space<vmem>>
    %dma_start3A_2668 = arith.constant 0 : i32
    %dma_start3A_2669 = arith.constant 0 : i32
    %dma_start3A_2670 = tpu.memref_slice %arg2[%dma_start3A_2668, %dma_start3A_2669] : memref<100352x128xf32, #tpu.memory_space<hbm>> -> memref<100352x128xf32, #tpu.memory_space<hbm>>
    tpu.enqueue_indirect_dma source(%dma_start3A_2670 : memref<100352x128xf32, #tpu.memory_space<hbm>>) target(%dma_start3A_2664 : memref<128x128xf32, #tpu.memory_space<vmem>>) offsets(%dma_start3A_2667 : memref<128xi32, #tpu.memory_space<vmem>>) semaphore(%arg8 : memref<!tpu.dma_semaphore, #tpu.memory_space<semaphore_mem>>) {add = true}
    %dma_start3A_2671 = arith.constant 6 : i32
    %dma_start3A_2672 = arith.constant 2 : i32
    %dma_start3A_2673 = arith.constant 0 : i32
    %dma_start3A_2674 = arith.constant 0 : i32
    %dma_start3A_2675 = arith.constant 0 : i32
    %dma_start3A_2676 = tpu.memref_slice %arg6[%dma_start3A_2673, %dma_start3A_2674, %dma_start3A_2675] : memref<4x128x128xf32, #tpu.memory_space<vmem>> -> memref<1x128x128xf32, #tpu.memory_space<vmem>>
    %dma_start3A_2677 = tpu.memref_squeeze %dma_start3A_2676 : memref<1x128x128xf32, #tpu.memory_space<vmem>> -> memref<128x128xf32, #tpu.memory_space<vmem>>
    %dma_start3A_2678 = arith.constant 0 : i32
    %dma_start3A_2679 = tpu.memref_slice %arg5[%dma_start3A_2671, %dma_start3A_2672, %dma_start3A_2678] : memref<8x16x128xi32, #tpu.memory_space<vmem>> -> memref<1x1x128xi32, #tpu.memory_space<vmem>>
    %dma_start3A_2680 = tpu.memref_squeeze %dma_start3A_2679 : memref<1x1x128xi32, #tpu.memory_space<vmem>> -> memref<128xi32, #tpu.memory_space<vmem>>
    %dma_start3A_2681 = arith.constant 0 : i32
    %dma_start3A_2682 = arith.constant 0 : i32
    %dma_start3A_2683 = tpu.memref_slice %arg2[%dma_start3A_2681, %dma_start3A_2682] : memref<100352x128xf32, #tpu.memory_space<hbm>> -> memref<100352x128xf32, #tpu.memory_space<hbm>>
    tpu.enqueue_indirect_dma source(%dma_start3A_2683 : memref<100352x128xf32, #tpu.memory_space<hbm>>) target(%dma_start3A_2677 : memref<128x128xf32, #tpu.memory_space<vmem>>) offsets(%dma_start3A_2680 : memref<128xi32, #tpu.memory_space<vmem>>) semaphore(%arg8 : memref<!tpu.dma_semaphore, #tpu.memory_space<semaphore_mem>>) {add = true}
    %dma_start3A_2684 = arith.constant 6 : i32
    %dma_start3A_2685 = arith.constant 3 : i32
    %dma_start3A_2686 = arith.constant 0 : i32
    %dma_start3A_2687 = arith.constant 0 : i32
    %dma_start3A_2688 = arith.constant 0 : i32
    %dma_start3A_2689 = tpu.memref_slice %arg6[%dma_start3A_2686, %dma_start3A_2687, %dma_start3A_2688] : memref<4x128x128xf32, #tpu.memory_space<vmem>> -> memref<1x128x128xf32, #tpu.memory_space<vmem>>
    %dma_start3A_2690 = tpu.memref_squeeze %dma_start3A_2689 : memref<1x128x128xf32, #tpu.memory_space<vmem>> -> memref<128x128xf32, #tpu.memory_space<vmem>>
    %dma_start3A_2691 = arith.constant 0 : i32
    %dma_start3A_2692 = tpu.memref_slice %arg5[%dma_start3A_2684, %dma_start3A_2685, %dma_start3A_2691] : memref<8x16x128xi32, #tpu.memory_space<vmem>> -> memref<1x1x128xi32, #tpu.memory_space<vmem>>
    %dma_start3A_2693 = tpu.memref_squeeze %dma_start3A_2692 : memref<1x1x128xi32, #tpu.memory_space<vmem>> -> memref<128xi32, #tpu.memory_space<vmem>>
    %dma_start3A_2694 = arith.constant 0 : i32
    %dma_start3A_2695 = arith.constant 0 : i32
    %dma_start3A_2696 = tpu.memref_slice %arg2[%dma_start3A_2694, %dma_start3A_2695] : memref<100352x128xf32, #tpu.memory_space<hbm>> -> memref<100352x128xf32, #tpu.memory_space<hbm>>
    tpu.enqueue_indirect_dma source(%dma_start3A_2696 : memref<100352x128xf32, #tpu.memory_space<hbm>>) target(%dma_start3A_2690 : memref<128x128xf32, #tpu.memory_space<vmem>>) offsets(%dma_start3A_2693 : memref<128xi32, #tpu.memory_space<vmem>>) semaphore(%arg8 : memref<!tpu.dma_semaphore, #tpu.memory_space<semaphore_mem>>) {add = true}
    %dma_start3A_2697 = arith.constant 6 : i32
    %dma_start3A_2698 = arith.constant 5 : i32
    %dma_start3A_2699 = arith.constant 1 : i32
    %dma_start3A_2700 = arith.constant 0 : i32
    %dma_start3A_2701 = arith.constant 0 : i32
    %dma_start3A_2702 = tpu.memref_slice %arg6[%dma_start3A_2699, %dma_start3A_2700, %dma_start3A_2701] : memref<4x128x128xf32, #tpu.memory_space<vmem>> -> memref<1x128x128xf32, #tpu.memory_space<vmem>>
    %dma_start3A_2703 = tpu.memref_squeeze %dma_start3A_2702 : memref<1x128x128xf32, #tpu.memory_space<vmem>> -> memref<128x128xf32, #tpu.memory_space<vmem>>
    %dma_start3A_2704 = arith.constant 0 : i32
    %dma_start3A_2705 = tpu.memref_slice %arg5[%dma_start3A_2697, %dma_start3A_2698, %dma_start3A_2704] : memref<8x16x128xi32, #tpu.memory_space<vmem>> -> memref<1x1x128xi32, #tpu.memory_space<vmem>>
    %dma_start3A_2706 = tpu.memref_squeeze %dma_start3A_2705 : memref<1x1x128xi32, #tpu.memory_space<vmem>> -> memref<128xi32, #tpu.memory_space<vmem>>
    %dma_start3A_2707 = arith.constant 0 : i32
    %dma_start3A_2708 = arith.constant 0 : i32
    %dma_start3A_2709 = tpu.memref_slice %arg2[%dma_start3A_2707, %dma_start3A_2708] : memref<100352x128xf32, #tpu.memory_space<hbm>> -> memref<100352x128xf32, #tpu.memory_space<hbm>>
    tpu.enqueue_indirect_dma source(%dma_start3A_2709 : memref<100352x128xf32, #tpu.memory_space<hbm>>) target(%dma_start3A_2703 : memref<128x128xf32, #tpu.memory_space<vmem>>) offsets(%dma_start3A_2706 : memref<128xi32, #tpu.memory_space<vmem>>) semaphore(%arg8 : memref<!tpu.dma_semaphore, #tpu.memory_space<semaphore_mem>>) {add = true}
    %dma_start3A_2710 = arith.constant 6 : i32
    %dma_start3A_2711 = arith.constant 6 : i32
    %dma_start3A_2712 = arith.constant 1 : i32
    %dma_start3A_2713 = arith.constant 0 : i32
    %dma_start3A_2714 = arith.constant 0 : i32
    %dma_start3A_2715 = tpu.memref_slice %arg6[%dma_start3A_2712, %dma_start3A_2713, %dma_start3A_2714] : memref<4x128x128xf32, #tpu.memory_space<vmem>> -> memref<1x128x128xf32, #tpu.memory_space<vmem>>
    %dma_start3A_2716 = tpu.memref_squeeze %dma_start3A_2715 : memref<1x128x128xf32, #tpu.memory_space<vmem>> -> memref<128x128xf32, #tpu.memory_space<vmem>>
    %dma_start3A_2717 = arith.constant 0 : i32
    %dma_start3A_2718 = tpu.memref_slice %arg5[%dma_start3A_2710, %dma_start3A_2711, %dma_start3A_2717] : memref<8x16x128xi32, #tpu.memory_space<vmem>> -> memref<1x1x128xi32, #tpu.memory_space<vmem>>
    %dma_start3A_2719 = tpu.memref_squeeze %dma_start3A_2718 : memref<1x1x128xi32, #tpu.memory_space<vmem>> -> memref<128xi32, #tpu.memory_space<vmem>>
    %dma_start3A_2720 = arith.constant 0 : i32
    %dma_start3A_2721 = arith.constant 0 : i32
    %dma_start3A_2722 = tpu.memref_slice %arg2[%dma_start3A_2720, %dma_start3A_2721] : memref<100352x128xf32, #tpu.memory_space<hbm>> -> memref<100352x128xf32, #tpu.memory_space<hbm>>
    tpu.enqueue_indirect_dma source(%dma_start3A_2722 : memref<100352x128xf32, #tpu.memory_space<hbm>>) target(%dma_start3A_2716 : memref<128x128xf32, #tpu.memory_space<vmem>>) offsets(%dma_start3A_2719 : memref<128xi32, #tpu.memory_space<vmem>>) semaphore(%arg8 : memref<!tpu.dma_semaphore, #tpu.memory_space<semaphore_mem>>) {add = true}
    %dma_start3A_2723 = arith.constant 6 : i32
    %dma_start3A_2724 = arith.constant 7 : i32
    %dma_start3A_2725 = arith.constant 1 : i32
    %dma_start3A_2726 = arith.constant 0 : i32
    %dma_start3A_2727 = arith.constant 0 : i32
    %dma_start3A_2728 = tpu.memref_slice %arg6[%dma_start3A_2725, %dma_start3A_2726, %dma_start3A_2727] : memref<4x128x128xf32, #tpu.memory_space<vmem>> -> memref<1x128x128xf32, #tpu.memory_space<vmem>>
    %dma_start3A_2729 = tpu.memref_squeeze %dma_start3A_2728 : memref<1x128x128xf32, #tpu.memory_space<vmem>> -> memref<128x128xf32, #tpu.memory_space<vmem>>
    %dma_start3A_2730 = arith.constant 0 : i32
    %dma_start3A_2731 = tpu.memref_slice %arg5[%dma_start3A_2723, %dma_start3A_2724, %dma_start3A_2730] : memref<8x16x128xi32, #tpu.memory_space<vmem>> -> memref<1x1x128xi32, #tpu.memory_space<vmem>>
    %dma_start3A_2732 = tpu.memref_squeeze %dma_start3A_2731 : memref<1x1x128xi32, #tpu.memory_space<vmem>> -> memref<128xi32, #tpu.memory_space<vmem>>
    %dma_start3A_2733 = arith.constant 0 : i32
    %dma_start3A_2734 = arith.constant 0 : i32
    %dma_start3A_2735 = tpu.memref_slice %arg2[%dma_start3A_2733, %dma_start3A_2734] : memref<100352x128xf32, #tpu.memory_space<hbm>> -> memref<100352x128xf32, #tpu.memory_space<hbm>>
    tpu.enqueue_indirect_dma source(%dma_start3A_2735 : memref<100352x128xf32, #tpu.memory_space<hbm>>) target(%dma_start3A_2729 : memref<128x128xf32, #tpu.memory_space<vmem>>) offsets(%dma_start3A_2732 : memref<128xi32, #tpu.memory_space<vmem>>) semaphore(%arg8 : memref<!tpu.dma_semaphore, #tpu.memory_space<semaphore_mem>>) {add = true}
    %dma_start3A_2736 = arith.constant 6 : i32
    %dma_start3A_2737 = arith.constant 9 : i32
    %dma_start3A_2738 = arith.constant 2 : i32
    %dma_start3A_2739 = arith.constant 0 : i32
    %dma_start3A_2740 = arith.constant 0 : i32
    %dma_start3A_2741 = tpu.memref_slice %arg6[%dma_start3A_2738, %dma_start3A_2739, %dma_start3A_2740] : memref<4x128x128xf32, #tpu.memory_space<vmem>> -> memref<1x128x128xf32, #tpu.memory_space<vmem>>
    %dma_start3A_2742 = tpu.memref_squeeze %dma_start3A_2741 : memref<1x128x128xf32, #tpu.memory_space<vmem>> -> memref<128x128xf32, #tpu.memory_space<vmem>>
    %dma_start3A_2743 = arith.constant 0 : i32
    %dma_start3A_2744 = tpu.memref_slice %arg5[%dma_start3A_2736, %dma_start3A_2737, %dma_start3A_2743] : memref<8x16x128xi32, #tpu.memory_space<vmem>> -> memref<1x1x128xi32, #tpu.memory_space<vmem>>
    %dma_start3A_2745 = tpu.memref_squeeze %dma_start3A_2744 : memref<1x1x128xi32, #tpu.memory_space<vmem>> -> memref<128xi32, #tpu.memory_space<vmem>>
    %dma_start3A_2746 = arith.constant 0 : i32
    %dma_start3A_2747 = arith.constant 0 : i32
    %dma_start3A_2748 = tpu.memref_slice %arg2[%dma_start3A_2746, %dma_start3A_2747] : memref<100352x128xf32, #tpu.memory_space<hbm>> -> memref<100352x128xf32, #tpu.memory_space<hbm>>
    tpu.enqueue_indirect_dma source(%dma_start3A_2748 : memref<100352x128xf32, #tpu.memory_space<hbm>>) target(%dma_start3A_2742 : memref<128x128xf32, #tpu.memory_space<vmem>>) offsets(%dma_start3A_2745 : memref<128xi32, #tpu.memory_space<vmem>>) semaphore(%arg8 : memref<!tpu.dma_semaphore, #tpu.memory_space<semaphore_mem>>) {add = true}
    %dma_start3A_2749 = arith.constant 6 : i32
    %dma_start3A_2750 = arith.constant 10 : i32
    %dma_start3A_2751 = arith.constant 2 : i32
    %dma_start3A_2752 = arith.constant 0 : i32
    %dma_start3A_2753 = arith.constant 0 : i32
    %dma_start3A_2754 = tpu.memref_slice %arg6[%dma_start3A_2751, %dma_start3A_2752, %dma_start3A_2753] : memref<4x128x128xf32, #tpu.memory_space<vmem>> -> memref<1x128x128xf32, #tpu.memory_space<vmem>>
    %dma_start3A_2755 = tpu.memref_squeeze %dma_start3A_2754 : memref<1x128x128xf32, #tpu.memory_space<vmem>> -> memref<128x128xf32, #tpu.memory_space<vmem>>
    %dma_start3A_2756 = arith.constant 0 : i32
    %dma_start3A_2757 = tpu.memref_slice %arg5[%dma_start3A_2749, %dma_start3A_2750, %dma_start3A_2756] : memref<8x16x128xi32, #tpu.memory_space<vmem>> -> memref<1x1x128xi32, #tpu.memory_space<vmem>>
    %dma_start3A_2758 = tpu.memref_squeeze %dma_start3A_2757 : memref<1x1x128xi32, #tpu.memory_space<vmem>> -> memref<128xi32, #tpu.memory_space<vmem>>
    %dma_start3A_2759 = arith.constant 0 : i32
    %dma_start3A_2760 = arith.constant 0 : i32
    %dma_start3A_2761 = tpu.memref_slice %arg2[%dma_start3A_2759, %dma_start3A_2760] : memref<100352x128xf32, #tpu.memory_space<hbm>> -> memref<100352x128xf32, #tpu.memory_space<hbm>>
    tpu.enqueue_indirect_dma source(%dma_start3A_2761 : memref<100352x128xf32, #tpu.memory_space<hbm>>) target(%dma_start3A_2755 : memref<128x128xf32, #tpu.memory_space<vmem>>) offsets(%dma_start3A_2758 : memref<128xi32, #tpu.memory_space<vmem>>) semaphore(%arg8 : memref<!tpu.dma_semaphore, #tpu.memory_space<semaphore_mem>>) {add = true}
    %dma_start3A_2762 = arith.constant 6 : i32
    %dma_start3A_2763 = arith.constant 11 : i32
    %dma_start3A_2764 = arith.constant 2 : i32
    %dma_start3A_2765 = arith.constant 0 : i32
    %dma_start3A_2766 = arith.constant 0 : i32
    %dma_start3A_2767 = tpu.memref_slice %arg6[%dma_start3A_2764, %dma_start3A_2765, %dma_start3A_2766] : memref<4x128x128xf32, #tpu.memory_space<vmem>> -> memref<1x128x128xf32, #tpu.memory_space<vmem>>
    %dma_start3A_2768 = tpu.memref_squeeze %dma_start3A_2767 : memref<1x128x128xf32, #tpu.memory_space<vmem>> -> memref<128x128xf32, #tpu.memory_space<vmem>>
    %dma_start3A_2769 = arith.constant 0 : i32
    %dma_start3A_2770 = tpu.memref_slice %arg5[%dma_start3A_2762, %dma_start3A_2763, %dma_start3A_2769] : memref<8x16x128xi32, #tpu.memory_space<vmem>> -> memref<1x1x128xi32, #tpu.memory_space<vmem>>
    %dma_start3A_2771 = tpu.memref_squeeze %dma_start3A_2770 : memref<1x1x128xi32, #tpu.memory_space<vmem>> -> memref<128xi32, #tpu.memory_space<vmem>>
    %dma_start3A_2772 = arith.constant 0 : i32
    %dma_start3A_2773 = arith.constant 0 : i32
    %dma_start3A_2774 = tpu.memref_slice %arg2[%dma_start3A_2772, %dma_start3A_2773] : memref<100352x128xf32, #tpu.memory_space<hbm>> -> memref<100352x128xf32, #tpu.memory_space<hbm>>
    tpu.enqueue_indirect_dma source(%dma_start3A_2774 : memref<100352x128xf32, #tpu.memory_space<hbm>>) target(%dma_start3A_2768 : memref<128x128xf32, #tpu.memory_space<vmem>>) offsets(%dma_start3A_2771 : memref<128xi32, #tpu.memory_space<vmem>>) semaphore(%arg8 : memref<!tpu.dma_semaphore, #tpu.memory_space<semaphore_mem>>) {add = true}
    %dma_start3A_2775 = arith.constant 6 : i32
    %dma_start3A_2776 = arith.constant 13 : i32
    %dma_start3A_2777 = arith.constant 3 : i32
    %dma_start3A_2778 = arith.constant 0 : i32
    %dma_start3A_2779 = arith.constant 0 : i32
    %dma_start3A_2780 = tpu.memref_slice %arg6[%dma_start3A_2777, %dma_start3A_2778, %dma_start3A_2779] : memref<4x128x128xf32, #tpu.memory_space<vmem>> -> memref<1x128x128xf32, #tpu.memory_space<vmem>>
    %dma_start3A_2781 = tpu.memref_squeeze %dma_start3A_2780 : memref<1x128x128xf32, #tpu.memory_space<vmem>> -> memref<128x128xf32, #tpu.memory_space<vmem>>
    %dma_start3A_2782 = arith.constant 0 : i32
    %dma_start3A_2783 = tpu.memref_slice %arg5[%dma_start3A_2775, %dma_start3A_2776, %dma_start3A_2782] : memref<8x16x128xi32, #tpu.memory_space<vmem>> -> memref<1x1x128xi32, #tpu.memory_space<vmem>>
    %dma_start3A_2784 = tpu.memref_squeeze %dma_start3A_2783 : memref<1x1x128xi32, #tpu.memory_space<vmem>> -> memref<128xi32, #tpu.memory_space<vmem>>
    %dma_start3A_2785 = arith.constant 0 : i32
    %dma_start3A_2786 = arith.constant 0 : i32
    %dma_start3A_2787 = tpu.memref_slice %arg2[%dma_start3A_2785, %dma_start3A_2786] : memref<100352x128xf32, #tpu.memory_space<hbm>> -> memref<100352x128xf32, #tpu.memory_space<hbm>>
    tpu.enqueue_indirect_dma source(%dma_start3A_2787 : memref<100352x128xf32, #tpu.memory_space<hbm>>) target(%dma_start3A_2781 : memref<128x128xf32, #tpu.memory_space<vmem>>) offsets(%dma_start3A_2784 : memref<128xi32, #tpu.memory_space<vmem>>) semaphore(%arg8 : memref<!tpu.dma_semaphore, #tpu.memory_space<semaphore_mem>>) {add = true}
    %dma_start3A_2788 = arith.constant 6 : i32
    %dma_start3A_2789 = arith.constant 14 : i32
    %dma_start3A_2790 = arith.constant 3 : i32
    %dma_start3A_2791 = arith.constant 0 : i32
    %dma_start3A_2792 = arith.constant 0 : i32
    %dma_start3A_2793 = tpu.memref_slice %arg6[%dma_start3A_2790, %dma_start3A_2791, %dma_start3A_2792] : memref<4x128x128xf32, #tpu.memory_space<vmem>> -> memref<1x128x128xf32, #tpu.memory_space<vmem>>
    %dma_start3A_2794 = tpu.memref_squeeze %dma_start3A_2793 : memref<1x128x128xf32, #tpu.memory_space<vmem>> -> memref<128x128xf32, #tpu.memory_space<vmem>>
    %dma_start3A_2795 = arith.constant 0 : i32
    %dma_start3A_2796 = tpu.memref_slice %arg5[%dma_start3A_2788, %dma_start3A_2789, %dma_start3A_2795] : memref<8x16x128xi32, #tpu.memory_space<vmem>> -> memref<1x1x128xi32, #tpu.memory_space<vmem>>
    %dma_start3A_2797 = tpu.memref_squeeze %dma_start3A_2796 : memref<1x1x128xi32, #tpu.memory_space<vmem>> -> memref<128xi32, #tpu.memory_space<vmem>>
    %dma_start3A_2798 = arith.constant 0 : i32
    %dma_start3A_2799 = arith.constant 0 : i32
    %dma_start3A_2800 = tpu.memref_slice %arg2[%dma_start3A_2798, %dma_start3A_2799] : memref<100352x128xf32, #tpu.memory_space<hbm>> -> memref<100352x128xf32, #tpu.memory_space<hbm>>
    tpu.enqueue_indirect_dma source(%dma_start3A_2800 : memref<100352x128xf32, #tpu.memory_space<hbm>>) target(%dma_start3A_2794 : memref<128x128xf32, #tpu.memory_space<vmem>>) offsets(%dma_start3A_2797 : memref<128xi32, #tpu.memory_space<vmem>>) semaphore(%arg8 : memref<!tpu.dma_semaphore, #tpu.memory_space<semaphore_mem>>) {add = true}
    %dma_start3A_2801 = arith.constant 6 : i32
    %dma_start3A_2802 = arith.constant 15 : i32
    %dma_start3A_2803 = arith.constant 3 : i32
    %dma_start3A_2804 = arith.constant 0 : i32
    %dma_start3A_2805 = arith.constant 0 : i32
    %dma_start3A_2806 = tpu.memref_slice %arg6[%dma_start3A_2803, %dma_start3A_2804, %dma_start3A_2805] : memref<4x128x128xf32, #tpu.memory_space<vmem>> -> memref<1x128x128xf32, #tpu.memory_space<vmem>>
    %dma_start3A_2807 = tpu.memref_squeeze %dma_start3A_2806 : memref<1x128x128xf32, #tpu.memory_space<vmem>> -> memref<128x128xf32, #tpu.memory_space<vmem>>
    %dma_start3A_2808 = arith.constant 0 : i32
    %dma_start3A_2809 = tpu.memref_slice %arg5[%dma_start3A_2801, %dma_start3A_2802, %dma_start3A_2808] : memref<8x16x128xi32, #tpu.memory_space<vmem>> -> memref<1x1x128xi32, #tpu.memory_space<vmem>>
    %dma_start3A_2810 = tpu.memref_squeeze %dma_start3A_2809 : memref<1x1x128xi32, #tpu.memory_space<vmem>> -> memref<128xi32, #tpu.memory_space<vmem>>
    %dma_start3A_2811 = arith.constant 0 : i32
    %dma_start3A_2812 = arith.constant 0 : i32
    %dma_start3A_2813 = tpu.memref_slice %arg2[%dma_start3A_2811, %dma_start3A_2812] : memref<100352x128xf32, #tpu.memory_space<hbm>> -> memref<100352x128xf32, #tpu.memory_space<hbm>>
    tpu.enqueue_indirect_dma source(%dma_start3A_2813 : memref<100352x128xf32, #tpu.memory_space<hbm>>) target(%dma_start3A_2807 : memref<128x128xf32, #tpu.memory_space<vmem>>) offsets(%dma_start3A_2810 : memref<128xi32, #tpu.memory_space<vmem>>) semaphore(%arg8 : memref<!tpu.dma_semaphore, #tpu.memory_space<semaphore_mem>>) {add = true}
    %dma_wait3A_2814 = arith.constant 6 : i32
    %dma_wait3A_2815 = arith.constant 1 : i32
    %dma_wait3A_2816 = arith.constant 0 : i32
    %dma_wait3A_2817 = arith.constant 0 : i32
    %dma_wait3A_2818 = arith.constant 0 : i32
    %dma_wait3A_2819 = tpu.memref_slice %arg6[%dma_wait3A_2816, %dma_wait3A_2817, %dma_wait3A_2818] : memref<4x128x128xf32, #tpu.memory_space<vmem>> -> memref<1x128x128xf32, #tpu.memory_space<vmem>>
    %dma_wait3A_2820 = tpu.memref_squeeze %dma_wait3A_2819 : memref<1x128x128xf32, #tpu.memory_space<vmem>> -> memref<128x128xf32, #tpu.memory_space<vmem>>
    %dma_wait3A_2821 = arith.constant 0 : i32
    %dma_wait3A_2822 = tpu.memref_slice %arg5[%dma_wait3A_2814, %dma_wait3A_2815, %dma_wait3A_2821] : memref<8x16x128xi32, #tpu.memory_space<vmem>> -> memref<1x1x128xi32, #tpu.memory_space<vmem>>
    %dma_wait3A_2823 = tpu.memref_squeeze %dma_wait3A_2822 : memref<1x1x128xi32, #tpu.memory_space<vmem>> -> memref<128xi32, #tpu.memory_space<vmem>>
    %dma_wait3A_2824 = arith.constant 0 : i32
    %dma_wait3A_2825 = arith.constant 0 : i32
    %dma_wait3A_2826 = tpu.memref_slice %arg2[%dma_wait3A_2824, %dma_wait3A_2825] : memref<100352x128xf32, #tpu.memory_space<hbm>> -> memref<100352x128xf32, #tpu.memory_space<hbm>>
    tpu.wait_indirect_dma semaphore(%arg8 : memref<!tpu.dma_semaphore, #tpu.memory_space<semaphore_mem>>) src(%dma_wait3A_2826 : memref<100352x128xf32, #tpu.memory_space<hbm>>) dst(%dma_wait3A_2820 : memref<128x128xf32, #tpu.memory_space<vmem>>)
    %dma_wait3A_2827 = arith.constant 6 : i32
    %dma_wait3A_2828 = arith.constant 2 : i32
    %dma_wait3A_2829 = arith.constant 0 : i32
    %dma_wait3A_2830 = arith.constant 0 : i32
    %dma_wait3A_2831 = arith.constant 0 : i32
    %dma_wait3A_2832 = tpu.memref_slice %arg6[%dma_wait3A_2829, %dma_wait3A_2830, %dma_wait3A_2831] : memref<4x128x128xf32, #tpu.memory_space<vmem>> -> memref<1x128x128xf32, #tpu.memory_space<vmem>>
    %dma_wait3A_2833 = tpu.memref_squeeze %dma_wait3A_2832 : memref<1x128x128xf32, #tpu.memory_space<vmem>> -> memref<128x128xf32, #tpu.memory_space<vmem>>
    %dma_wait3A_2834 = arith.constant 0 : i32
    %dma_wait3A_2835 = tpu.memref_slice %arg5[%dma_wait3A_2827, %dma_wait3A_2828, %dma_wait3A_2834] : memref<8x16x128xi32, #tpu.memory_space<vmem>> -> memref<1x1x128xi32, #tpu.memory_space<vmem>>
    %dma_wait3A_2836 = tpu.memref_squeeze %dma_wait3A_2835 : memref<1x1x128xi32, #tpu.memory_space<vmem>> -> memref<128xi32, #tpu.memory_space<vmem>>
    %dma_wait3A_2837 = arith.constant 0 : i32
    %dma_wait3A_2838 = arith.constant 0 : i32
    %dma_wait3A_2839 = tpu.memref_slice %arg2[%dma_wait3A_2837, %dma_wait3A_2838] : memref<100352x128xf32, #tpu.memory_space<hbm>> -> memref<100352x128xf32, #tpu.memory_space<hbm>>
    tpu.wait_indirect_dma semaphore(%arg8 : memref<!tpu.dma_semaphore, #tpu.memory_space<semaphore_mem>>) src(%dma_wait3A_2839 : memref<100352x128xf32, #tpu.memory_space<hbm>>) dst(%dma_wait3A_2833 : memref<128x128xf32, #tpu.memory_space<vmem>>)
    %dma_wait3A_2840 = arith.constant 6 : i32
    %dma_wait3A_2841 = arith.constant 3 : i32
    %dma_wait3A_2842 = arith.constant 0 : i32
    %dma_wait3A_2843 = arith.constant 0 : i32
    %dma_wait3A_2844 = arith.constant 0 : i32
    %dma_wait3A_2845 = tpu.memref_slice %arg6[%dma_wait3A_2842, %dma_wait3A_2843, %dma_wait3A_2844] : memref<4x128x128xf32, #tpu.memory_space<vmem>> -> memref<1x128x128xf32, #tpu.memory_space<vmem>>
    %dma_wait3A_2846 = tpu.memref_squeeze %dma_wait3A_2845 : memref<1x128x128xf32, #tpu.memory_space<vmem>> -> memref<128x128xf32, #tpu.memory_space<vmem>>
    %dma_wait3A_2847 = arith.constant 0 : i32
    %dma_wait3A_2848 = tpu.memref_slice %arg5[%dma_wait3A_2840, %dma_wait3A_2841, %dma_wait3A_2847] : memref<8x16x128xi32, #tpu.memory_space<vmem>> -> memref<1x1x128xi32, #tpu.memory_space<vmem>>
    %dma_wait3A_2849 = tpu.memref_squeeze %dma_wait3A_2848 : memref<1x1x128xi32, #tpu.memory_space<vmem>> -> memref<128xi32, #tpu.memory_space<vmem>>
    %dma_wait3A_2850 = arith.constant 0 : i32
    %dma_wait3A_2851 = arith.constant 0 : i32
    %dma_wait3A_2852 = tpu.memref_slice %arg2[%dma_wait3A_2850, %dma_wait3A_2851] : memref<100352x128xf32, #tpu.memory_space<hbm>> -> memref<100352x128xf32, #tpu.memory_space<hbm>>
    tpu.wait_indirect_dma semaphore(%arg8 : memref<!tpu.dma_semaphore, #tpu.memory_space<semaphore_mem>>) src(%dma_wait3A_2852 : memref<100352x128xf32, #tpu.memory_space<hbm>>) dst(%dma_wait3A_2846 : memref<128x128xf32, #tpu.memory_space<vmem>>)
    %dma_wait3A_2853 = arith.constant 6 : i32
    %dma_wait3A_2854 = arith.constant 5 : i32
    %dma_wait3A_2855 = arith.constant 1 : i32
    %dma_wait3A_2856 = arith.constant 0 : i32
    %dma_wait3A_2857 = arith.constant 0 : i32
    %dma_wait3A_2858 = tpu.memref_slice %arg6[%dma_wait3A_2855, %dma_wait3A_2856, %dma_wait3A_2857] : memref<4x128x128xf32, #tpu.memory_space<vmem>> -> memref<1x128x128xf32, #tpu.memory_space<vmem>>
    %dma_wait3A_2859 = tpu.memref_squeeze %dma_wait3A_2858 : memref<1x128x128xf32, #tpu.memory_space<vmem>> -> memref<128x128xf32, #tpu.memory_space<vmem>>
    %dma_wait3A_2860 = arith.constant 0 : i32
    %dma_wait3A_2861 = tpu.memref_slice %arg5[%dma_wait3A_2853, %dma_wait3A_2854, %dma_wait3A_2860] : memref<8x16x128xi32, #tpu.memory_space<vmem>> -> memref<1x1x128xi32, #tpu.memory_space<vmem>>
    %dma_wait3A_2862 = tpu.memref_squeeze %dma_wait3A_2861 : memref<1x1x128xi32, #tpu.memory_space<vmem>> -> memref<128xi32, #tpu.memory_space<vmem>>
    %dma_wait3A_2863 = arith.constant 0 : i32
    %dma_wait3A_2864 = arith.constant 0 : i32
    %dma_wait3A_2865 = tpu.memref_slice %arg2[%dma_wait3A_2863, %dma_wait3A_2864] : memref<100352x128xf32, #tpu.memory_space<hbm>> -> memref<100352x128xf32, #tpu.memory_space<hbm>>
    tpu.wait_indirect_dma semaphore(%arg8 : memref<!tpu.dma_semaphore, #tpu.memory_space<semaphore_mem>>) src(%dma_wait3A_2865 : memref<100352x128xf32, #tpu.memory_space<hbm>>) dst(%dma_wait3A_2859 : memref<128x128xf32, #tpu.memory_space<vmem>>)
    %dma_wait3A_2866 = arith.constant 6 : i32
    %dma_wait3A_2867 = arith.constant 6 : i32
    %dma_wait3A_2868 = arith.constant 1 : i32
    %dma_wait3A_2869 = arith.constant 0 : i32
    %dma_wait3A_2870 = arith.constant 0 : i32
    %dma_wait3A_2871 = tpu.memref_slice %arg6[%dma_wait3A_2868, %dma_wait3A_2869, %dma_wait3A_2870] : memref<4x128x128xf32, #tpu.memory_space<vmem>> -> memref<1x128x128xf32, #tpu.memory_space<vmem>>
    %dma_wait3A_2872 = tpu.memref_squeeze %dma_wait3A_2871 : memref<1x128x128xf32, #tpu.memory_space<vmem>> -> memref<128x128xf32, #tpu.memory_space<vmem>>
    %dma_wait3A_2873 = arith.constant 0 : i32
    %dma_wait3A_2874 = tpu.memref_slice %arg5[%dma_wait3A_2866, %dma_wait3A_2867, %dma_wait3A_2873] : memref<8x16x128xi32, #tpu.memory_space<vmem>> -> memref<1x1x128xi32, #tpu.memory_space<vmem>>
    %dma_wait3A_2875 = tpu.memref_squeeze %dma_wait3A_2874 : memref<1x1x128xi32, #tpu.memory_space<vmem>> -> memref<128xi32, #tpu.memory_space<vmem>>
    %dma_wait3A_2876 = arith.constant 0 : i32
    %dma_wait3A_2877 = arith.constant 0 : i32
    %dma_wait3A_2878 = tpu.memref_slice %arg2[%dma_wait3A_2876, %dma_wait3A_2877] : memref<100352x128xf32, #tpu.memory_space<hbm>> -> memref<100352x128xf32, #tpu.memory_space<hbm>>
    tpu.wait_indirect_dma semaphore(%arg8 : memref<!tpu.dma_semaphore, #tpu.memory_space<semaphore_mem>>) src(%dma_wait3A_2878 : memref<100352x128xf32, #tpu.memory_space<hbm>>) dst(%dma_wait3A_2872 : memref<128x128xf32, #tpu.memory_space<vmem>>)
    %dma_wait3A_2879 = arith.constant 6 : i32
    %dma_wait3A_2880 = arith.constant 7 : i32
    %dma_wait3A_2881 = arith.constant 1 : i32
    %dma_wait3A_2882 = arith.constant 0 : i32
    %dma_wait3A_2883 = arith.constant 0 : i32
    %dma_wait3A_2884 = tpu.memref_slice %arg6[%dma_wait3A_2881, %dma_wait3A_2882, %dma_wait3A_2883] : memref<4x128x128xf32, #tpu.memory_space<vmem>> -> memref<1x128x128xf32, #tpu.memory_space<vmem>>
    %dma_wait3A_2885 = tpu.memref_squeeze %dma_wait3A_2884 : memref<1x128x128xf32, #tpu.memory_space<vmem>> -> memref<128x128xf32, #tpu.memory_space<vmem>>
    %dma_wait3A_2886 = arith.constant 0 : i32
    %dma_wait3A_2887 = tpu.memref_slice %arg5[%dma_wait3A_2879, %dma_wait3A_2880, %dma_wait3A_2886] : memref<8x16x128xi32, #tpu.memory_space<vmem>> -> memref<1x1x128xi32, #tpu.memory_space<vmem>>
    %dma_wait3A_2888 = tpu.memref_squeeze %dma_wait3A_2887 : memref<1x1x128xi32, #tpu.memory_space<vmem>> -> memref<128xi32, #tpu.memory_space<vmem>>
    %dma_wait3A_2889 = arith.constant 0 : i32
    %dma_wait3A_2890 = arith.constant 0 : i32
    %dma_wait3A_2891 = tpu.memref_slice %arg2[%dma_wait3A_2889, %dma_wait3A_2890] : memref<100352x128xf32, #tpu.memory_space<hbm>> -> memref<100352x128xf32, #tpu.memory_space<hbm>>
    tpu.wait_indirect_dma semaphore(%arg8 : memref<!tpu.dma_semaphore, #tpu.memory_space<semaphore_mem>>) src(%dma_wait3A_2891 : memref<100352x128xf32, #tpu.memory_space<hbm>>) dst(%dma_wait3A_2885 : memref<128x128xf32, #tpu.memory_space<vmem>>)
    %dma_wait3A_2892 = arith.constant 6 : i32
    %dma_wait3A_2893 = arith.constant 9 : i32
    %dma_wait3A_2894 = arith.constant 2 : i32
    %dma_wait3A_2895 = arith.constant 0 : i32
    %dma_wait3A_2896 = arith.constant 0 : i32
    %dma_wait3A_2897 = tpu.memref_slice %arg6[%dma_wait3A_2894, %dma_wait3A_2895, %dma_wait3A_2896] : memref<4x128x128xf32, #tpu.memory_space<vmem>> -> memref<1x128x128xf32, #tpu.memory_space<vmem>>
    %dma_wait3A_2898 = tpu.memref_squeeze %dma_wait3A_2897 : memref<1x128x128xf32, #tpu.memory_space<vmem>> -> memref<128x128xf32, #tpu.memory_space<vmem>>
    %dma_wait3A_2899 = arith.constant 0 : i32
    %dma_wait3A_2900 = tpu.memref_slice %arg5[%dma_wait3A_2892, %dma_wait3A_2893, %dma_wait3A_2899] : memref<8x16x128xi32, #tpu.memory_space<vmem>> -> memref<1x1x128xi32, #tpu.memory_space<vmem>>
    %dma_wait3A_2901 = tpu.memref_squeeze %dma_wait3A_2900 : memref<1x1x128xi32, #tpu.memory_space<vmem>> -> memref<128xi32, #tpu.memory_space<vmem>>
    %dma_wait3A_2902 = arith.constant 0 : i32
    %dma_wait3A_2903 = arith.constant 0 : i32
    %dma_wait3A_2904 = tpu.memref_slice %arg2[%dma_wait3A_2902, %dma_wait3A_2903] : memref<100352x128xf32, #tpu.memory_space<hbm>> -> memref<100352x128xf32, #tpu.memory_space<hbm>>
    tpu.wait_indirect_dma semaphore(%arg8 : memref<!tpu.dma_semaphore, #tpu.memory_space<semaphore_mem>>) src(%dma_wait3A_2904 : memref<100352x128xf32, #tpu.memory_space<hbm>>) dst(%dma_wait3A_2898 : memref<128x128xf32, #tpu.memory_space<vmem>>)
    %dma_wait3A_2905 = arith.constant 6 : i32
    %dma_wait3A_2906 = arith.constant 10 : i32
    %dma_wait3A_2907 = arith.constant 2 : i32
    %dma_wait3A_2908 = arith.constant 0 : i32
    %dma_wait3A_2909 = arith.constant 0 : i32
    %dma_wait3A_2910 = tpu.memref_slice %arg6[%dma_wait3A_2907, %dma_wait3A_2908, %dma_wait3A_2909] : memref<4x128x128xf32, #tpu.memory_space<vmem>> -> memref<1x128x128xf32, #tpu.memory_space<vmem>>
    %dma_wait3A_2911 = tpu.memref_squeeze %dma_wait3A_2910 : memref<1x128x128xf32, #tpu.memory_space<vmem>> -> memref<128x128xf32, #tpu.memory_space<vmem>>
    %dma_wait3A_2912 = arith.constant 0 : i32
    %dma_wait3A_2913 = tpu.memref_slice %arg5[%dma_wait3A_2905, %dma_wait3A_2906, %dma_wait3A_2912] : memref<8x16x128xi32, #tpu.memory_space<vmem>> -> memref<1x1x128xi32, #tpu.memory_space<vmem>>
    %dma_wait3A_2914 = tpu.memref_squeeze %dma_wait3A_2913 : memref<1x1x128xi32, #tpu.memory_space<vmem>> -> memref<128xi32, #tpu.memory_space<vmem>>
    %dma_wait3A_2915 = arith.constant 0 : i32
    %dma_wait3A_2916 = arith.constant 0 : i32
    %dma_wait3A_2917 = tpu.memref_slice %arg2[%dma_wait3A_2915, %dma_wait3A_2916] : memref<100352x128xf32, #tpu.memory_space<hbm>> -> memref<100352x128xf32, #tpu.memory_space<hbm>>
    tpu.wait_indirect_dma semaphore(%arg8 : memref<!tpu.dma_semaphore, #tpu.memory_space<semaphore_mem>>) src(%dma_wait3A_2917 : memref<100352x128xf32, #tpu.memory_space<hbm>>) dst(%dma_wait3A_2911 : memref<128x128xf32, #tpu.memory_space<vmem>>)
    %dma_wait3A_2918 = arith.constant 6 : i32
    %dma_wait3A_2919 = arith.constant 11 : i32
    %dma_wait3A_2920 = arith.constant 2 : i32
    %dma_wait3A_2921 = arith.constant 0 : i32
    %dma_wait3A_2922 = arith.constant 0 : i32
    %dma_wait3A_2923 = tpu.memref_slice %arg6[%dma_wait3A_2920, %dma_wait3A_2921, %dma_wait3A_2922] : memref<4x128x128xf32, #tpu.memory_space<vmem>> -> memref<1x128x128xf32, #tpu.memory_space<vmem>>
    %dma_wait3A_2924 = tpu.memref_squeeze %dma_wait3A_2923 : memref<1x128x128xf32, #tpu.memory_space<vmem>> -> memref<128x128xf32, #tpu.memory_space<vmem>>
    %dma_wait3A_2925 = arith.constant 0 : i32
    %dma_wait3A_2926 = tpu.memref_slice %arg5[%dma_wait3A_2918, %dma_wait3A_2919, %dma_wait3A_2925] : memref<8x16x128xi32, #tpu.memory_space<vmem>> -> memref<1x1x128xi32, #tpu.memory_space<vmem>>
    %dma_wait3A_2927 = tpu.memref_squeeze %dma_wait3A_2926 : memref<1x1x128xi32, #tpu.memory_space<vmem>> -> memref<128xi32, #tpu.memory_space<vmem>>
    %dma_wait3A_2928 = arith.constant 0 : i32
    %dma_wait3A_2929 = arith.constant 0 : i32
    %dma_wait3A_2930 = tpu.memref_slice %arg2[%dma_wait3A_2928, %dma_wait3A_2929] : memref<100352x128xf32, #tpu.memory_space<hbm>> -> memref<100352x128xf32, #tpu.memory_space<hbm>>
    tpu.wait_indirect_dma semaphore(%arg8 : memref<!tpu.dma_semaphore, #tpu.memory_space<semaphore_mem>>) src(%dma_wait3A_2930 : memref<100352x128xf32, #tpu.memory_space<hbm>>) dst(%dma_wait3A_2924 : memref<128x128xf32, #tpu.memory_space<vmem>>)
    %dma_wait3A_2931 = arith.constant 6 : i32
    %dma_wait3A_2932 = arith.constant 13 : i32
    %dma_wait3A_2933 = arith.constant 3 : i32
    %dma_wait3A_2934 = arith.constant 0 : i32
    %dma_wait3A_2935 = arith.constant 0 : i32
    %dma_wait3A_2936 = tpu.memref_slice %arg6[%dma_wait3A_2933, %dma_wait3A_2934, %dma_wait3A_2935] : memref<4x128x128xf32, #tpu.memory_space<vmem>> -> memref<1x128x128xf32, #tpu.memory_space<vmem>>
    %dma_wait3A_2937 = tpu.memref_squeeze %dma_wait3A_2936 : memref<1x128x128xf32, #tpu.memory_space<vmem>> -> memref<128x128xf32, #tpu.memory_space<vmem>>
    %dma_wait3A_2938 = arith.constant 0 : i32
    %dma_wait3A_2939 = tpu.memref_slice %arg5[%dma_wait3A_2931, %dma_wait3A_2932, %dma_wait3A_2938] : memref<8x16x128xi32, #tpu.memory_space<vmem>> -> memref<1x1x128xi32, #tpu.memory_space<vmem>>
    %dma_wait3A_2940 = tpu.memref_squeeze %dma_wait3A_2939 : memref<1x1x128xi32, #tpu.memory_space<vmem>> -> memref<128xi32, #tpu.memory_space<vmem>>
    %dma_wait3A_2941 = arith.constant 0 : i32
    %dma_wait3A_2942 = arith.constant 0 : i32
    %dma_wait3A_2943 = tpu.memref_slice %arg2[%dma_wait3A_2941, %dma_wait3A_2942] : memref<100352x128xf32, #tpu.memory_space<hbm>> -> memref<100352x128xf32, #tpu.memory_space<hbm>>
    tpu.wait_indirect_dma semaphore(%arg8 : memref<!tpu.dma_semaphore, #tpu.memory_space<semaphore_mem>>) src(%dma_wait3A_2943 : memref<100352x128xf32, #tpu.memory_space<hbm>>) dst(%dma_wait3A_2937 : memref<128x128xf32, #tpu.memory_space<vmem>>)
    %dma_wait3A_2944 = arith.constant 6 : i32
    %dma_wait3A_2945 = arith.constant 14 : i32
    %dma_wait3A_2946 = arith.constant 3 : i32
    %dma_wait3A_2947 = arith.constant 0 : i32
    %dma_wait3A_2948 = arith.constant 0 : i32
    %dma_wait3A_2949 = tpu.memref_slice %arg6[%dma_wait3A_2946, %dma_wait3A_2947, %dma_wait3A_2948] : memref<4x128x128xf32, #tpu.memory_space<vmem>> -> memref<1x128x128xf32, #tpu.memory_space<vmem>>
    %dma_wait3A_2950 = tpu.memref_squeeze %dma_wait3A_2949 : memref<1x128x128xf32, #tpu.memory_space<vmem>> -> memref<128x128xf32, #tpu.memory_space<vmem>>
    %dma_wait3A_2951 = arith.constant 0 : i32
    %dma_wait3A_2952 = tpu.memref_slice %arg5[%dma_wait3A_2944, %dma_wait3A_2945, %dma_wait3A_2951] : memref<8x16x128xi32, #tpu.memory_space<vmem>> -> memref<1x1x128xi32, #tpu.memory_space<vmem>>
    %dma_wait3A_2953 = tpu.memref_squeeze %dma_wait3A_2952 : memref<1x1x128xi32, #tpu.memory_space<vmem>> -> memref<128xi32, #tpu.memory_space<vmem>>
    %dma_wait3A_2954 = arith.constant 0 : i32
    %dma_wait3A_2955 = arith.constant 0 : i32
    %dma_wait3A_2956 = tpu.memref_slice %arg2[%dma_wait3A_2954, %dma_wait3A_2955] : memref<100352x128xf32, #tpu.memory_space<hbm>> -> memref<100352x128xf32, #tpu.memory_space<hbm>>
    tpu.wait_indirect_dma semaphore(%arg8 : memref<!tpu.dma_semaphore, #tpu.memory_space<semaphore_mem>>) src(%dma_wait3A_2956 : memref<100352x128xf32, #tpu.memory_space<hbm>>) dst(%dma_wait3A_2950 : memref<128x128xf32, #tpu.memory_space<vmem>>)
    %dma_wait3A_2957 = arith.constant 6 : i32
    %dma_wait3A_2958 = arith.constant 15 : i32
    %dma_wait3A_2959 = arith.constant 3 : i32
    %dma_wait3A_2960 = arith.constant 0 : i32
    %dma_wait3A_2961 = arith.constant 0 : i32
    %dma_wait3A_2962 = tpu.memref_slice %arg6[%dma_wait3A_2959, %dma_wait3A_2960, %dma_wait3A_2961] : memref<4x128x128xf32, #tpu.memory_space<vmem>> -> memref<1x128x128xf32, #tpu.memory_space<vmem>>
    %dma_wait3A_2963 = tpu.memref_squeeze %dma_wait3A_2962 : memref<1x128x128xf32, #tpu.memory_space<vmem>> -> memref<128x128xf32, #tpu.memory_space<vmem>>
    %dma_wait3A_2964 = arith.constant 0 : i32
    %dma_wait3A_2965 = tpu.memref_slice %arg5[%dma_wait3A_2957, %dma_wait3A_2958, %dma_wait3A_2964] : memref<8x16x128xi32, #tpu.memory_space<vmem>> -> memref<1x1x128xi32, #tpu.memory_space<vmem>>
    %dma_wait3A_2966 = tpu.memref_squeeze %dma_wait3A_2965 : memref<1x1x128xi32, #tpu.memory_space<vmem>> -> memref<128xi32, #tpu.memory_space<vmem>>
    %dma_wait3A_2967 = arith.constant 0 : i32
    %dma_wait3A_2968 = arith.constant 0 : i32
    %dma_wait3A_2969 = tpu.memref_slice %arg2[%dma_wait3A_2967, %dma_wait3A_2968] : memref<100352x128xf32, #tpu.memory_space<hbm>> -> memref<100352x128xf32, #tpu.memory_space<hbm>>
    tpu.wait_indirect_dma semaphore(%arg8 : memref<!tpu.dma_semaphore, #tpu.memory_space<semaphore_mem>>) src(%dma_wait3A_2969 : memref<100352x128xf32, #tpu.memory_space<hbm>>) dst(%dma_wait3A_2963 : memref<128x128xf32, #tpu.memory_space<vmem>>)
    %scan3A_2970 = arith.constant 0 : i32
    %scan3A_2971 = arith.constant 0 : i32
    %scan3A_2972 = arith.constant 128 : i32
    %scan3A_2973 = arith.addi %scan3A_2971, %scan3A_2972 : i32
    %scan3A_2974 = arith.constant 1 : i32
    scf.for %scan3A_3406 = %scan3A_2971 to %scan3A_2973 step %scan3A_2974  : i32 {
      %get3A = arith.constant 0 : i32
      %get3A_3407 = arith.index_cast %get3A : i32 to index
      %get3A_3408 = arith.index_cast %scan3A_3406 : i32 to index
      %get3A_3409 = arith.constant 0 : index
      %get3A_3410 = tpu.vector_load %arg6[%get3A_3407, %get3A_3408, %get3A_3409] {strides = array<i32>} : memref<4x128x128xf32, #tpu.memory_space<vmem>>, vector<1x1x16xf32>,
      %get3A_3411 = vector.shape_cast %get3A_3410 : vector<1x1x16xf32> to vector<16xf32>
      %get3A_3412 = arith.constant 1 : i32
      %get3A_3413 = arith.index_cast %get3A_3412 : i32 to index
      %get3A_3414 = arith.index_cast %scan3A_3406 : i32 to index
      %get3A_3415 = arith.constant 32 : index
      %get3A_3416 = tpu.vector_load %arg6[%get3A_3413, %get3A_3414, %get3A_3415] {strides = array<i32>} : memref<4x128x128xf32, #tpu.memory_space<vmem>>, vector<1x1x16xf32>,
      %get3A_3417 = vector.shape_cast %get3A_3416 : vector<1x1x16xf32> to vector<16xf32>
      %add3A_3418 = arith.addf %get3A_3411, %get3A_3417 : vector<16xf32>
      %get3A_3419 = arith.constant 2 : i32
      %get3A_3420 = arith.index_cast %get3A_3419 : i32 to index
      %get3A_3421 = arith.index_cast %scan3A_3406 : i32 to index
      %get3A_3422 = arith.constant 64 : index
      %get3A_3423 = tpu.vector_load %arg6[%get3A_3420, %get3A_3421, %get3A_3422] {strides = array<i32>} : memref<4x128x128xf32, #tpu.memory_space<vmem>>, vector<1x1x16xf32>,
      %get3A_3424 = vector.shape_cast %get3A_3423 : vector<1x1x16xf32> to vector<16xf32>
      %get3A_3425 = arith.constant 3 : i32
      %get3A_3426 = arith.index_cast %get3A_3425 : i32 to index
      %get3A_3427 = arith.index_cast %scan3A_3406 : i32 to index
      %get3A_3428 = arith.constant 96 : index
      %get3A_3429 = tpu.vector_load %arg6[%get3A_3426, %get3A_3427, %get3A_3428] {strides = array<i32>} : memref<4x128x128xf32, #tpu.memory_space<vmem>>, vector<1x1x16xf32>,
      %get3A_3430 = vector.shape_cast %get3A_3429 : vector<1x1x16xf32> to vector<16xf32>
      %add3A_3431 = arith.addf %get3A_3424, %get3A_3430 : vector<16xf32>
      %add3A_3432 = arith.addf %add3A_3418, %add3A_3431 : vector<16xf32>
      %swap3A = arith.index_cast %scan3A_3406 : i32 to index
      %swap3A_3433 = arith.constant 0 : index
      %swap3A_3434 = tpu.vector_load %arg7[%swap3A, %swap3A_3433] {strides = array<i32>} : memref<128x16xf32, #tpu.memory_space<vmem>>, vector<1x16xf32>,
      %swap3A_3435 = vector.shape_cast %swap3A_3434 : vector<1x16xf32> to vector<16xf32>
      %swap3A_3436 = vector.shape_cast %add3A_3432 : vector<16xf32> to vector<1x16xf32>
      tpu.vector_store %arg7[%swap3A, %swap3A_3433], %swap3A_3436 {strides = array<i32>} : memref<128x16xf32, #tpu.memory_space<vmem>>, vector<1x16xf32>,
    }
    %scan3A_2975 = arith.constant 128 : i32
    %mul3A_2976 = arith.constant 1024 : i32
    %mul3A_2977 = arith.muli %add3A, %mul3A_2976 : i32
    %add3A_2978 = arith.constant 768 : i32
    %add3A_2979 = arith.addi %mul3A_2977, %add3A_2978 : i32
    "tpu.region"() ({
      %run_scoped3A = tpu.sem_alloc : memref<!tpu.dma_semaphore, #tpu.memory_space<semaphore_mem>>
      %dma_start3A_3406 = arith.constant 0 : i32
      %dma_start3A_3407 = tpu.memref_slice %arg4[%add3A_2979, %dma_start3A_3406] : memref<32768x16xf32, #tpu.memory_space<hbm>> -> memref<128x16xf32, #tpu.memory_space<hbm>>
      %dma_start3A_3408 = arith.constant 0 : i32
      %dma_start3A_3409 = tpu.memref_slice %arg4[%add3A_2979, %dma_start3A_3408] : memref<32768x16xf32, #tpu.memory_space<hbm>> -> memref<128x16xf32, #tpu.memory_space<hbm>>
      tpu.enqueue_dma source(%arg7 : memref<128x16xf32, #tpu.memory_space<vmem>>) target(%dma_start3A_3409 : memref<128x16xf32, #tpu.memory_space<hbm>>) target_semaphore(%run_scoped3A : memref<!tpu.dma_semaphore, #tpu.memory_space<semaphore_mem>>)
      %dma_wait3A_3410 = arith.constant 0 : i32
      %dma_wait3A_3411 = tpu.memref_slice %arg4[%add3A_2979, %dma_wait3A_3410] : memref<32768x16xf32, #tpu.memory_space<hbm>> -> memref<128x16xf32, #tpu.memory_space<hbm>>
      %dma_wait3A_3412 = arith.constant 0 : i32
      %dma_wait3A_3413 = tpu.memref_slice %arg4[%add3A_2979, %dma_wait3A_3412] : memref<32768x16xf32, #tpu.memory_space<hbm>> -> memref<128x16xf32, #tpu.memory_space<hbm>>
      tpu.wait_dma2 semaphore(%run_scoped3A : memref<!tpu.dma_semaphore, #tpu.memory_space<semaphore_mem>>) src(%arg7 : memref<128x16xf32, #tpu.memory_space<vmem>>) dst(%dma_wait3A_3413 : memref<128x16xf32, #tpu.memory_space<hbm>>)
      tpu.yield
    }) : () -> ()
    %dma_start3A_2980 = arith.constant 7 : i32
    %dma_start3A_2981 = arith.constant 0 : i32
    %dma_start3A_2982 = arith.constant 0 : i32
    %dma_start3A_2983 = arith.constant 0 : i32
    %dma_start3A_2984 = arith.constant 0 : i32
    %dma_start3A_2985 = tpu.memref_slice %arg6[%dma_start3A_2982, %dma_start3A_2983, %dma_start3A_2984] : memref<4x128x128xf32, #tpu.memory_space<vmem>> -> memref<1x128x128xf32, #tpu.memory_space<vmem>>
    %dma_start3A_2986 = tpu.memref_squeeze %dma_start3A_2985 : memref<1x128x128xf32, #tpu.memory_space<vmem>> -> memref<128x128xf32, #tpu.memory_space<vmem>>
    %dma_start3A_2987 = arith.constant 0 : i32
    %dma_start3A_2988 = tpu.memref_slice %arg5[%dma_start3A_2980, %dma_start3A_2981, %dma_start3A_2987] : memref<8x16x128xi32, #tpu.memory_space<vmem>> -> memref<1x1x128xi32, #tpu.memory_space<vmem>>
    %dma_start3A_2989 = tpu.memref_squeeze %dma_start3A_2988 : memref<1x1x128xi32, #tpu.memory_space<vmem>> -> memref<128xi32, #tpu.memory_space<vmem>>
    %dma_start3A_2990 = arith.constant 0 : i32
    %dma_start3A_2991 = arith.constant 0 : i32
    %dma_start3A_2992 = tpu.memref_slice %arg2[%dma_start3A_2990, %dma_start3A_2991] : memref<100352x128xf32, #tpu.memory_space<hbm>> -> memref<100352x128xf32, #tpu.memory_space<hbm>>
    tpu.enqueue_indirect_dma source(%dma_start3A_2992 : memref<100352x128xf32, #tpu.memory_space<hbm>>) target(%dma_start3A_2986 : memref<128x128xf32, #tpu.memory_space<vmem>>) offsets(%dma_start3A_2989 : memref<128xi32, #tpu.memory_space<vmem>>) semaphore(%arg8 : memref<!tpu.dma_semaphore, #tpu.memory_space<semaphore_mem>>)
    %dma_start3A_2993 = arith.constant 7 : i32
    %dma_start3A_2994 = arith.constant 4 : i32
    %dma_start3A_2995 = arith.constant 1 : i32
    %dma_start3A_2996 = arith.constant 0 : i32
    %dma_start3A_2997 = arith.constant 0 : i32
    %dma_start3A_2998 = tpu.memref_slice %arg6[%dma_start3A_2995, %dma_start3A_2996, %dma_start3A_2997] : memref<4x128x128xf32, #tpu.memory_space<vmem>> -> memref<1x128x128xf32, #tpu.memory_space<vmem>>
    %dma_start3A_2999 = tpu.memref_squeeze %dma_start3A_2998 : memref<1x128x128xf32, #tpu.memory_space<vmem>> -> memref<128x128xf32, #tpu.memory_space<vmem>>
    %dma_start3A_3000 = arith.constant 0 : i32
    %dma_start3A_3001 = tpu.memref_slice %arg5[%dma_start3A_2993, %dma_start3A_2994, %dma_start3A_3000] : memref<8x16x128xi32, #tpu.memory_space<vmem>> -> memref<1x1x128xi32, #tpu.memory_space<vmem>>
    %dma_start3A_3002 = tpu.memref_squeeze %dma_start3A_3001 : memref<1x1x128xi32, #tpu.memory_space<vmem>> -> memref<128xi32, #tpu.memory_space<vmem>>
    %dma_start3A_3003 = arith.constant 0 : i32
    %dma_start3A_3004 = arith.constant 0 : i32
    %dma_start3A_3005 = tpu.memref_slice %arg2[%dma_start3A_3003, %dma_start3A_3004] : memref<100352x128xf32, #tpu.memory_space<hbm>> -> memref<100352x128xf32, #tpu.memory_space<hbm>>
    tpu.enqueue_indirect_dma source(%dma_start3A_3005 : memref<100352x128xf32, #tpu.memory_space<hbm>>) target(%dma_start3A_2999 : memref<128x128xf32, #tpu.memory_space<vmem>>) offsets(%dma_start3A_3002 : memref<128xi32, #tpu.memory_space<vmem>>) semaphore(%arg8 : memref<!tpu.dma_semaphore, #tpu.memory_space<semaphore_mem>>)
    %dma_start3A_3006 = arith.constant 7 : i32
    %dma_start3A_3007 = arith.constant 8 : i32
    %dma_start3A_3008 = arith.constant 2 : i32
    %dma_start3A_3009 = arith.constant 0 : i32
    %dma_start3A_3010 = arith.constant 0 : i32
    %dma_start3A_3011 = tpu.memref_slice %arg6[%dma_start3A_3008, %dma_start3A_3009, %dma_start3A_3010] : memref<4x128x128xf32, #tpu.memory_space<vmem>> -> memref<1x128x128xf32, #tpu.memory_space<vmem>>
    %dma_start3A_3012 = tpu.memref_squeeze %dma_start3A_3011 : memref<1x128x128xf32, #tpu.memory_space<vmem>> -> memref<128x128xf32, #tpu.memory_space<vmem>>
    %dma_start3A_3013 = arith.constant 0 : i32
    %dma_start3A_3014 = tpu.memref_slice %arg5[%dma_start3A_3006, %dma_start3A_3007, %dma_start3A_3013] : memref<8x16x128xi32, #tpu.memory_space<vmem>> -> memref<1x1x128xi32, #tpu.memory_space<vmem>>
    %dma_start3A_3015 = tpu.memref_squeeze %dma_start3A_3014 : memref<1x1x128xi32, #tpu.memory_space<vmem>> -> memref<128xi32, #tpu.memory_space<vmem>>
    %dma_start3A_3016 = arith.constant 0 : i32
    %dma_start3A_3017 = arith.constant 0 : i32
    %dma_start3A_3018 = tpu.memref_slice %arg2[%dma_start3A_3016, %dma_start3A_3017] : memref<100352x128xf32, #tpu.memory_space<hbm>> -> memref<100352x128xf32, #tpu.memory_space<hbm>>
    tpu.enqueue_indirect_dma source(%dma_start3A_3018 : memref<100352x128xf32, #tpu.memory_space<hbm>>) target(%dma_start3A_3012 : memref<128x128xf32, #tpu.memory_space<vmem>>) offsets(%dma_start3A_3015 : memref<128xi32, #tpu.memory_space<vmem>>) semaphore(%arg8 : memref<!tpu.dma_semaphore, #tpu.memory_space<semaphore_mem>>)
    %dma_start3A_3019 = arith.constant 7 : i32
    %dma_start3A_3020 = arith.constant 12 : i32
    %dma_start3A_3021 = arith.constant 3 : i32
    %dma_start3A_3022 = arith.constant 0 : i32
    %dma_start3A_3023 = arith.constant 0 : i32
    %dma_start3A_3024 = tpu.memref_slice %arg6[%dma_start3A_3021, %dma_start3A_3022, %dma_start3A_3023] : memref<4x128x128xf32, #tpu.memory_space<vmem>> -> memref<1x128x128xf32, #tpu.memory_space<vmem>>
    %dma_start3A_3025 = tpu.memref_squeeze %dma_start3A_3024 : memref<1x128x128xf32, #tpu.memory_space<vmem>> -> memref<128x128xf32, #tpu.memory_space<vmem>>
    %dma_start3A_3026 = arith.constant 0 : i32
    %dma_start3A_3027 = tpu.memref_slice %arg5[%dma_start3A_3019, %dma_start3A_3020, %dma_start3A_3026] : memref<8x16x128xi32, #tpu.memory_space<vmem>> -> memref<1x1x128xi32, #tpu.memory_space<vmem>>
    %dma_start3A_3028 = tpu.memref_squeeze %dma_start3A_3027 : memref<1x1x128xi32, #tpu.memory_space<vmem>> -> memref<128xi32, #tpu.memory_space<vmem>>
    %dma_start3A_3029 = arith.constant 0 : i32
    %dma_start3A_3030 = arith.constant 0 : i32
    %dma_start3A_3031 = tpu.memref_slice %arg2[%dma_start3A_3029, %dma_start3A_3030] : memref<100352x128xf32, #tpu.memory_space<hbm>> -> memref<100352x128xf32, #tpu.memory_space<hbm>>
    tpu.enqueue_indirect_dma source(%dma_start3A_3031 : memref<100352x128xf32, #tpu.memory_space<hbm>>) target(%dma_start3A_3025 : memref<128x128xf32, #tpu.memory_space<vmem>>) offsets(%dma_start3A_3028 : memref<128xi32, #tpu.memory_space<vmem>>) semaphore(%arg8 : memref<!tpu.dma_semaphore, #tpu.memory_space<semaphore_mem>>)
    %dma_wait3A_3032 = arith.constant 7 : i32
    %dma_wait3A_3033 = arith.constant 0 : i32
    %dma_wait3A_3034 = arith.constant 0 : i32
    %dma_wait3A_3035 = arith.constant 0 : i32
    %dma_wait3A_3036 = arith.constant 0 : i32
    %dma_wait3A_3037 = tpu.memref_slice %arg6[%dma_wait3A_3034, %dma_wait3A_3035, %dma_wait3A_3036] : memref<4x128x128xf32, #tpu.memory_space<vmem>> -> memref<1x128x128xf32, #tpu.memory_space<vmem>>
    %dma_wait3A_3038 = tpu.memref_squeeze %dma_wait3A_3037 : memref<1x128x128xf32, #tpu.memory_space<vmem>> -> memref<128x128xf32, #tpu.memory_space<vmem>>
    %dma_wait3A_3039 = arith.constant 0 : i32
    %dma_wait3A_3040 = tpu.memref_slice %arg5[%dma_wait3A_3032, %dma_wait3A_3033, %dma_wait3A_3039] : memref<8x16x128xi32, #tpu.memory_space<vmem>> -> memref<1x1x128xi32, #tpu.memory_space<vmem>>
    %dma_wait3A_3041 = tpu.memref_squeeze %dma_wait3A_3040 : memref<1x1x128xi32, #tpu.memory_space<vmem>> -> memref<128xi32, #tpu.memory_space<vmem>>
    %dma_wait3A_3042 = arith.constant 0 : i32
    %dma_wait3A_3043 = arith.constant 0 : i32
    %dma_wait3A_3044 = tpu.memref_slice %arg2[%dma_wait3A_3042, %dma_wait3A_3043] : memref<100352x128xf32, #tpu.memory_space<hbm>> -> memref<100352x128xf32, #tpu.memory_space<hbm>>
    tpu.wait_indirect_dma semaphore(%arg8 : memref<!tpu.dma_semaphore, #tpu.memory_space<semaphore_mem>>) src(%dma_wait3A_3044 : memref<100352x128xf32, #tpu.memory_space<hbm>>) dst(%dma_wait3A_3038 : memref<128x128xf32, #tpu.memory_space<vmem>>)
    %dma_wait3A_3045 = arith.constant 7 : i32
    %dma_wait3A_3046 = arith.constant 4 : i32
    %dma_wait3A_3047 = arith.constant 1 : i32
    %dma_wait3A_3048 = arith.constant 0 : i32
    %dma_wait3A_3049 = arith.constant 0 : i32
    %dma_wait3A_3050 = tpu.memref_slice %arg6[%dma_wait3A_3047, %dma_wait3A_3048, %dma_wait3A_3049] : memref<4x128x128xf32, #tpu.memory_space<vmem>> -> memref<1x128x128xf32, #tpu.memory_space<vmem>>
    %dma_wait3A_3051 = tpu.memref_squeeze %dma_wait3A_3050 : memref<1x128x128xf32, #tpu.memory_space<vmem>> -> memref<128x128xf32, #tpu.memory_space<vmem>>
    %dma_wait3A_3052 = arith.constant 0 : i32
    %dma_wait3A_3053 = tpu.memref_slice %arg5[%dma_wait3A_3045, %dma_wait3A_3046, %dma_wait3A_3052] : memref<8x16x128xi32, #tpu.memory_space<vmem>> -> memref<1x1x128xi32, #tpu.memory_space<vmem>>
    %dma_wait3A_3054 = tpu.memref_squeeze %dma_wait3A_3053 : memref<1x1x128xi32, #tpu.memory_space<vmem>> -> memref<128xi32, #tpu.memory_space<vmem>>
    %dma_wait3A_3055 = arith.constant 0 : i32
    %dma_wait3A_3056 = arith.constant 0 : i32
    %dma_wait3A_3057 = tpu.memref_slice %arg2[%dma_wait3A_3055, %dma_wait3A_3056] : memref<100352x128xf32, #tpu.memory_space<hbm>> -> memref<100352x128xf32, #tpu.memory_space<hbm>>
    tpu.wait_indirect_dma semaphore(%arg8 : memref<!tpu.dma_semaphore, #tpu.memory_space<semaphore_mem>>) src(%dma_wait3A_3057 : memref<100352x128xf32, #tpu.memory_space<hbm>>) dst(%dma_wait3A_3051 : memref<128x128xf32, #tpu.memory_space<vmem>>)
    %dma_wait3A_3058 = arith.constant 7 : i32
    %dma_wait3A_3059 = arith.constant 8 : i32
    %dma_wait3A_3060 = arith.constant 2 : i32
    %dma_wait3A_3061 = arith.constant 0 : i32
    %dma_wait3A_3062 = arith.constant 0 : i32
    %dma_wait3A_3063 = tpu.memref_slice %arg6[%dma_wait3A_3060, %dma_wait3A_3061, %dma_wait3A_3062] : memref<4x128x128xf32, #tpu.memory_space<vmem>> -> memref<1x128x128xf32, #tpu.memory_space<vmem>>
    %dma_wait3A_3064 = tpu.memref_squeeze %dma_wait3A_3063 : memref<1x128x128xf32, #tpu.memory_space<vmem>> -> memref<128x128xf32, #tpu.memory_space<vmem>>
    %dma_wait3A_3065 = arith.constant 0 : i32
    %dma_wait3A_3066 = tpu.memref_slice %arg5[%dma_wait3A_3058, %dma_wait3A_3059, %dma_wait3A_3065] : memref<8x16x128xi32, #tpu.memory_space<vmem>> -> memref<1x1x128xi32, #tpu.memory_space<vmem>>
    %dma_wait3A_3067 = tpu.memref_squeeze %dma_wait3A_3066 : memref<1x1x128xi32, #tpu.memory_space<vmem>> -> memref<128xi32, #tpu.memory_space<vmem>>
    %dma_wait3A_3068 = arith.constant 0 : i32
    %dma_wait3A_3069 = arith.constant 0 : i32
    %dma_wait3A_3070 = tpu.memref_slice %arg2[%dma_wait3A_3068, %dma_wait3A_3069] : memref<100352x128xf32, #tpu.memory_space<hbm>> -> memref<100352x128xf32, #tpu.memory_space<hbm>>
    tpu.wait_indirect_dma semaphore(%arg8 : memref<!tpu.dma_semaphore, #tpu.memory_space<semaphore_mem>>) src(%dma_wait3A_3070 : memref<100352x128xf32, #tpu.memory_space<hbm>>) dst(%dma_wait3A_3064 : memref<128x128xf32, #tpu.memory_space<vmem>>)
    %dma_wait3A_3071 = arith.constant 7 : i32
    %dma_wait3A_3072 = arith.constant 12 : i32
    %dma_wait3A_3073 = arith.constant 3 : i32
    %dma_wait3A_3074 = arith.constant 0 : i32
    %dma_wait3A_3075 = arith.constant 0 : i32
    %dma_wait3A_3076 = tpu.memref_slice %arg6[%dma_wait3A_3073, %dma_wait3A_3074, %dma_wait3A_3075] : memref<4x128x128xf32, #tpu.memory_space<vmem>> -> memref<1x128x128xf32, #tpu.memory_space<vmem>>
    %dma_wait3A_3077 = tpu.memref_squeeze %dma_wait3A_3076 : memref<1x128x128xf32, #tpu.memory_space<vmem>> -> memref<128x128xf32, #tpu.memory_space<vmem>>
    %dma_wait3A_3078 = arith.constant 0 : i32
    %dma_wait3A_3079 = tpu.memref_slice %arg5[%dma_wait3A_3071, %dma_wait3A_3072, %dma_wait3A_3078] : memref<8x16x128xi32, #tpu.memory_space<vmem>> -> memref<1x1x128xi32, #tpu.memory_space<vmem>>
    %dma_wait3A_3080 = tpu.memref_squeeze %dma_wait3A_3079 : memref<1x1x128xi32, #tpu.memory_space<vmem>> -> memref<128xi32, #tpu.memory_space<vmem>>
    %dma_wait3A_3081 = arith.constant 0 : i32
    %dma_wait3A_3082 = arith.constant 0 : i32
    %dma_wait3A_3083 = tpu.memref_slice %arg2[%dma_wait3A_3081, %dma_wait3A_3082] : memref<100352x128xf32, #tpu.memory_space<hbm>> -> memref<100352x128xf32, #tpu.memory_space<hbm>>
    tpu.wait_indirect_dma semaphore(%arg8 : memref<!tpu.dma_semaphore, #tpu.memory_space<semaphore_mem>>) src(%dma_wait3A_3083 : memref<100352x128xf32, #tpu.memory_space<hbm>>) dst(%dma_wait3A_3077 : memref<128x128xf32, #tpu.memory_space<vmem>>)
    %dma_start3A_3084 = arith.constant 7 : i32
    %dma_start3A_3085 = arith.constant 1 : i32
    %dma_start3A_3086 = arith.constant 0 : i32
    %dma_start3A_3087 = arith.constant 0 : i32
    %dma_start3A_3088 = arith.constant 0 : i32
    %dma_start3A_3089 = tpu.memref_slice %arg6[%dma_start3A_3086, %dma_start3A_3087, %dma_start3A_3088] : memref<4x128x128xf32, #tpu.memory_space<vmem>> -> memref<1x128x128xf32, #tpu.memory_space<vmem>>
    %dma_start3A_3090 = tpu.memref_squeeze %dma_start3A_3089 : memref<1x128x128xf32, #tpu.memory_space<vmem>> -> memref<128x128xf32, #tpu.memory_space<vmem>>
    %dma_start3A_3091 = arith.constant 0 : i32
    %dma_start3A_3092 = tpu.memref_slice %arg5[%dma_start3A_3084, %dma_start3A_3085, %dma_start3A_3091] : memref<8x16x128xi32, #tpu.memory_space<vmem>> -> memref<1x1x128xi32, #tpu.memory_space<vmem>>
    %dma_start3A_3093 = tpu.memref_squeeze %dma_start3A_3092 : memref<1x1x128xi32, #tpu.memory_space<vmem>> -> memref<128xi32, #tpu.memory_space<vmem>>
    %dma_start3A_3094 = arith.constant 0 : i32
    %dma_start3A_3095 = arith.constant 0 : i32
    %dma_start3A_3096 = tpu.memref_slice %arg2[%dma_start3A_3094, %dma_start3A_3095] : memref<100352x128xf32, #tpu.memory_space<hbm>> -> memref<100352x128xf32, #tpu.memory_space<hbm>>
    tpu.enqueue_indirect_dma source(%dma_start3A_3096 : memref<100352x128xf32, #tpu.memory_space<hbm>>) target(%dma_start3A_3090 : memref<128x128xf32, #tpu.memory_space<vmem>>) offsets(%dma_start3A_3093 : memref<128xi32, #tpu.memory_space<vmem>>) semaphore(%arg8 : memref<!tpu.dma_semaphore, #tpu.memory_space<semaphore_mem>>) {add = true}
    %dma_start3A_3097 = arith.constant 7 : i32
    %dma_start3A_3098 = arith.constant 2 : i32
    %dma_start3A_3099 = arith.constant 0 : i32
    %dma_start3A_3100 = arith.constant 0 : i32
    %dma_start3A_3101 = arith.constant 0 : i32
    %dma_start3A_3102 = tpu.memref_slice %arg6[%dma_start3A_3099, %dma_start3A_3100, %dma_start3A_3101] : memref<4x128x128xf32, #tpu.memory_space<vmem>> -> memref<1x128x128xf32, #tpu.memory_space<vmem>>
    %dma_start3A_3103 = tpu.memref_squeeze %dma_start3A_3102 : memref<1x128x128xf32, #tpu.memory_space<vmem>> -> memref<128x128xf32, #tpu.memory_space<vmem>>
    %dma_start3A_3104 = arith.constant 0 : i32
    %dma_start3A_3105 = tpu.memref_slice %arg5[%dma_start3A_3097, %dma_start3A_3098, %dma_start3A_3104] : memref<8x16x128xi32, #tpu.memory_space<vmem>> -> memref<1x1x128xi32, #tpu.memory_space<vmem>>
    %dma_start3A_3106 = tpu.memref_squeeze %dma_start3A_3105 : memref<1x1x128xi32, #tpu.memory_space<vmem>> -> memref<128xi32, #tpu.memory_space<vmem>>
    %dma_start3A_3107 = arith.constant 0 : i32
    %dma_start3A_3108 = arith.constant 0 : i32
    %dma_start3A_3109 = tpu.memref_slice %arg2[%dma_start3A_3107, %dma_start3A_3108] : memref<100352x128xf32, #tpu.memory_space<hbm>> -> memref<100352x128xf32, #tpu.memory_space<hbm>>
    tpu.enqueue_indirect_dma source(%dma_start3A_3109 : memref<100352x128xf32, #tpu.memory_space<hbm>>) target(%dma_start3A_3103 : memref<128x128xf32, #tpu.memory_space<vmem>>) offsets(%dma_start3A_3106 : memref<128xi32, #tpu.memory_space<vmem>>) semaphore(%arg8 : memref<!tpu.dma_semaphore, #tpu.memory_space<semaphore_mem>>) {add = true}
    %dma_start3A_3110 = arith.constant 7 : i32
    %dma_start3A_3111 = arith.constant 3 : i32
    %dma_start3A_3112 = arith.constant 0 : i32
    %dma_start3A_3113 = arith.constant 0 : i32
    %dma_start3A_3114 = arith.constant 0 : i32
    %dma_start3A_3115 = tpu.memref_slice %arg6[%dma_start3A_3112, %dma_start3A_3113, %dma_start3A_3114] : memref<4x128x128xf32, #tpu.memory_space<vmem>> -> memref<1x128x128xf32, #tpu.memory_space<vmem>>
    %dma_start3A_3116 = tpu.memref_squeeze %dma_start3A_3115 : memref<1x128x128xf32, #tpu.memory_space<vmem>> -> memref<128x128xf32, #tpu.memory_space<vmem>>
    %dma_start3A_3117 = arith.constant 0 : i32
    %dma_start3A_3118 = tpu.memref_slice %arg5[%dma_start3A_3110, %dma_start3A_3111, %dma_start3A_3117] : memref<8x16x128xi32, #tpu.memory_space<vmem>> -> memref<1x1x128xi32, #tpu.memory_space<vmem>>
    %dma_start3A_3119 = tpu.memref_squeeze %dma_start3A_3118 : memref<1x1x128xi32, #tpu.memory_space<vmem>> -> memref<128xi32, #tpu.memory_space<vmem>>
    %dma_start3A_3120 = arith.constant 0 : i32
    %dma_start3A_3121 = arith.constant 0 : i32
    %dma_start3A_3122 = tpu.memref_slice %arg2[%dma_start3A_3120, %dma_start3A_3121] : memref<100352x128xf32, #tpu.memory_space<hbm>> -> memref<100352x128xf32, #tpu.memory_space<hbm>>
    tpu.enqueue_indirect_dma source(%dma_start3A_3122 : memref<100352x128xf32, #tpu.memory_space<hbm>>) target(%dma_start3A_3116 : memref<128x128xf32, #tpu.memory_space<vmem>>) offsets(%dma_start3A_3119 : memref<128xi32, #tpu.memory_space<vmem>>) semaphore(%arg8 : memref<!tpu.dma_semaphore, #tpu.memory_space<semaphore_mem>>) {add = true}
    %dma_start3A_3123 = arith.constant 7 : i32
    %dma_start3A_3124 = arith.constant 5 : i32
    %dma_start3A_3125 = arith.constant 1 : i32
    %dma_start3A_3126 = arith.constant 0 : i32
    %dma_start3A_3127 = arith.constant 0 : i32
    %dma_start3A_3128 = tpu.memref_slice %arg6[%dma_start3A_3125, %dma_start3A_3126, %dma_start3A_3127] : memref<4x128x128xf32, #tpu.memory_space<vmem>> -> memref<1x128x128xf32, #tpu.memory_space<vmem>>
    %dma_start3A_3129 = tpu.memref_squeeze %dma_start3A_3128 : memref<1x128x128xf32, #tpu.memory_space<vmem>> -> memref<128x128xf32, #tpu.memory_space<vmem>>
    %dma_start3A_3130 = arith.constant 0 : i32
    %dma_start3A_3131 = tpu.memref_slice %arg5[%dma_start3A_3123, %dma_start3A_3124, %dma_start3A_3130] : memref<8x16x128xi32, #tpu.memory_space<vmem>> -> memref<1x1x128xi32, #tpu.memory_space<vmem>>
    %dma_start3A_3132 = tpu.memref_squeeze %dma_start3A_3131 : memref<1x1x128xi32, #tpu.memory_space<vmem>> -> memref<128xi32, #tpu.memory_space<vmem>>
    %dma_start3A_3133 = arith.constant 0 : i32
    %dma_start3A_3134 = arith.constant 0 : i32
    %dma_start3A_3135 = tpu.memref_slice %arg2[%dma_start3A_3133, %dma_start3A_3134] : memref<100352x128xf32, #tpu.memory_space<hbm>> -> memref<100352x128xf32, #tpu.memory_space<hbm>>
    tpu.enqueue_indirect_dma source(%dma_start3A_3135 : memref<100352x128xf32, #tpu.memory_space<hbm>>) target(%dma_start3A_3129 : memref<128x128xf32, #tpu.memory_space<vmem>>) offsets(%dma_start3A_3132 : memref<128xi32, #tpu.memory_space<vmem>>) semaphore(%arg8 : memref<!tpu.dma_semaphore, #tpu.memory_space<semaphore_mem>>) {add = true}
    %dma_start3A_3136 = arith.constant 7 : i32
    %dma_start3A_3137 = arith.constant 6 : i32
    %dma_start3A_3138 = arith.constant 1 : i32
    %dma_start3A_3139 = arith.constant 0 : i32
    %dma_start3A_3140 = arith.constant 0 : i32
    %dma_start3A_3141 = tpu.memref_slice %arg6[%dma_start3A_3138, %dma_start3A_3139, %dma_start3A_3140] : memref<4x128x128xf32, #tpu.memory_space<vmem>> -> memref<1x128x128xf32, #tpu.memory_space<vmem>>
    %dma_start3A_3142 = tpu.memref_squeeze %dma_start3A_3141 : memref<1x128x128xf32, #tpu.memory_space<vmem>> -> memref<128x128xf32, #tpu.memory_space<vmem>>
    %dma_start3A_3143 = arith.constant 0 : i32
    %dma_start3A_3144 = tpu.memref_slice %arg5[%dma_start3A_3136, %dma_start3A_3137, %dma_start3A_3143] : memref<8x16x128xi32, #tpu.memory_space<vmem>> -> memref<1x1x128xi32, #tpu.memory_space<vmem>>
    %dma_start3A_3145 = tpu.memref_squeeze %dma_start3A_3144 : memref<1x1x128xi32, #tpu.memory_space<vmem>> -> memref<128xi32, #tpu.memory_space<vmem>>
    %dma_start3A_3146 = arith.constant 0 : i32
    %dma_start3A_3147 = arith.constant 0 : i32
    %dma_start3A_3148 = tpu.memref_slice %arg2[%dma_start3A_3146, %dma_start3A_3147] : memref<100352x128xf32, #tpu.memory_space<hbm>> -> memref<100352x128xf32, #tpu.memory_space<hbm>>
    tpu.enqueue_indirect_dma source(%dma_start3A_3148 : memref<100352x128xf32, #tpu.memory_space<hbm>>) target(%dma_start3A_3142 : memref<128x128xf32, #tpu.memory_space<vmem>>) offsets(%dma_start3A_3145 : memref<128xi32, #tpu.memory_space<vmem>>) semaphore(%arg8 : memref<!tpu.dma_semaphore, #tpu.memory_space<semaphore_mem>>) {add = true}
    %dma_start3A_3149 = arith.constant 7 : i32
    %dma_start3A_3150 = arith.constant 7 : i32
    %dma_start3A_3151 = arith.constant 1 : i32
    %dma_start3A_3152 = arith.constant 0 : i32
    %dma_start3A_3153 = arith.constant 0 : i32
    %dma_start3A_3154 = tpu.memref_slice %arg6[%dma_start3A_3151, %dma_start3A_3152, %dma_start3A_3153] : memref<4x128x128xf32, #tpu.memory_space<vmem>> -> memref<1x128x128xf32, #tpu.memory_space<vmem>>
    %dma_start3A_3155 = tpu.memref_squeeze %dma_start3A_3154 : memref<1x128x128xf32, #tpu.memory_space<vmem>> -> memref<128x128xf32, #tpu.memory_space<vmem>>
    %dma_start3A_3156 = arith.constant 0 : i32
    %dma_start3A_3157 = tpu.memref_slice %arg5[%dma_start3A_3149, %dma_start3A_3150, %dma_start3A_3156] : memref<8x16x128xi32, #tpu.memory_space<vmem>> -> memref<1x1x128xi32, #tpu.memory_space<vmem>>
    %dma_start3A_3158 = tpu.memref_squeeze %dma_start3A_3157 : memref<1x1x128xi32, #tpu.memory_space<vmem>> -> memref<128xi32, #tpu.memory_space<vmem>>
    %dma_start3A_3159 = arith.constant 0 : i32
    %dma_start3A_3160 = arith.constant 0 : i32
    %dma_start3A_3161 = tpu.memref_slice %arg2[%dma_start3A_3159, %dma_start3A_3160] : memref<100352x128xf32, #tpu.memory_space<hbm>> -> memref<100352x128xf32, #tpu.memory_space<hbm>>
    tpu.enqueue_indirect_dma source(%dma_start3A_3161 : memref<100352x128xf32, #tpu.memory_space<hbm>>) target(%dma_start3A_3155 : memref<128x128xf32, #tpu.memory_space<vmem>>) offsets(%dma_start3A_3158 : memref<128xi32, #tpu.memory_space<vmem>>) semaphore(%arg8 : memref<!tpu.dma_semaphore, #tpu.memory_space<semaphore_mem>>) {add = true}
    %dma_start3A_3162 = arith.constant 7 : i32
    %dma_start3A_3163 = arith.constant 9 : i32
    %dma_start3A_3164 = arith.constant 2 : i32
    %dma_start3A_3165 = arith.constant 0 : i32
    %dma_start3A_3166 = arith.constant 0 : i32
    %dma_start3A_3167 = tpu.memref_slice %arg6[%dma_start3A_3164, %dma_start3A_3165, %dma_start3A_3166] : memref<4x128x128xf32, #tpu.memory_space<vmem>> -> memref<1x128x128xf32, #tpu.memory_space<vmem>>
    %dma_start3A_3168 = tpu.memref_squeeze %dma_start3A_3167 : memref<1x128x128xf32, #tpu.memory_space<vmem>> -> memref<128x128xf32, #tpu.memory_space<vmem>>
    %dma_start3A_3169 = arith.constant 0 : i32
    %dma_start3A_3170 = tpu.memref_slice %arg5[%dma_start3A_3162, %dma_start3A_3163, %dma_start3A_3169] : memref<8x16x128xi32, #tpu.memory_space<vmem>> -> memref<1x1x128xi32, #tpu.memory_space<vmem>>
    %dma_start3A_3171 = tpu.memref_squeeze %dma_start3A_3170 : memref<1x1x128xi32, #tpu.memory_space<vmem>> -> memref<128xi32, #tpu.memory_space<vmem>>
    %dma_start3A_3172 = arith.constant 0 : i32
    %dma_start3A_3173 = arith.constant 0 : i32
    %dma_start3A_3174 = tpu.memref_slice %arg2[%dma_start3A_3172, %dma_start3A_3173] : memref<100352x128xf32, #tpu.memory_space<hbm>> -> memref<100352x128xf32, #tpu.memory_space<hbm>>
    tpu.enqueue_indirect_dma source(%dma_start3A_3174 : memref<100352x128xf32, #tpu.memory_space<hbm>>) target(%dma_start3A_3168 : memref<128x128xf32, #tpu.memory_space<vmem>>) offsets(%dma_start3A_3171 : memref<128xi32, #tpu.memory_space<vmem>>) semaphore(%arg8 : memref<!tpu.dma_semaphore, #tpu.memory_space<semaphore_mem>>) {add = true}
    %dma_start3A_3175 = arith.constant 7 : i32
    %dma_start3A_3176 = arith.constant 10 : i32
    %dma_start3A_3177 = arith.constant 2 : i32
    %dma_start3A_3178 = arith.constant 0 : i32
    %dma_start3A_3179 = arith.constant 0 : i32
    %dma_start3A_3180 = tpu.memref_slice %arg6[%dma_start3A_3177, %dma_start3A_3178, %dma_start3A_3179] : memref<4x128x128xf32, #tpu.memory_space<vmem>> -> memref<1x128x128xf32, #tpu.memory_space<vmem>>
    %dma_start3A_3181 = tpu.memref_squeeze %dma_start3A_3180 : memref<1x128x128xf32, #tpu.memory_space<vmem>> -> memref<128x128xf32, #tpu.memory_space<vmem>>
    %dma_start3A_3182 = arith.constant 0 : i32
    %dma_start3A_3183 = tpu.memref_slice %arg5[%dma_start3A_3175, %dma_start3A_3176, %dma_start3A_3182] : memref<8x16x128xi32, #tpu.memory_space<vmem>> -> memref<1x1x128xi32, #tpu.memory_space<vmem>>
    %dma_start3A_3184 = tpu.memref_squeeze %dma_start3A_3183 : memref<1x1x128xi32, #tpu.memory_space<vmem>> -> memref<128xi32, #tpu.memory_space<vmem>>
    %dma_start3A_3185 = arith.constant 0 : i32
    %dma_start3A_3186 = arith.constant 0 : i32
    %dma_start3A_3187 = tpu.memref_slice %arg2[%dma_start3A_3185, %dma_start3A_3186] : memref<100352x128xf32, #tpu.memory_space<hbm>> -> memref<100352x128xf32, #tpu.memory_space<hbm>>
    tpu.enqueue_indirect_dma source(%dma_start3A_3187 : memref<100352x128xf32, #tpu.memory_space<hbm>>) target(%dma_start3A_3181 : memref<128x128xf32, #tpu.memory_space<vmem>>) offsets(%dma_start3A_3184 : memref<128xi32, #tpu.memory_space<vmem>>) semaphore(%arg8 : memref<!tpu.dma_semaphore, #tpu.memory_space<semaphore_mem>>) {add = true}
    %dma_start3A_3188 = arith.constant 7 : i32
    %dma_start3A_3189 = arith.constant 11 : i32
    %dma_start3A_3190 = arith.constant 2 : i32
    %dma_start3A_3191 = arith.constant 0 : i32
    %dma_start3A_3192 = arith.constant 0 : i32
    %dma_start3A_3193 = tpu.memref_slice %arg6[%dma_start3A_3190, %dma_start3A_3191, %dma_start3A_3192] : memref<4x128x128xf32, #tpu.memory_space<vmem>> -> memref<1x128x128xf32, #tpu.memory_space<vmem>>
    %dma_start3A_3194 = tpu.memref_squeeze %dma_start3A_3193 : memref<1x128x128xf32, #tpu.memory_space<vmem>> -> memref<128x128xf32, #tpu.memory_space<vmem>>
    %dma_start3A_3195 = arith.constant 0 : i32
    %dma_start3A_3196 = tpu.memref_slice %arg5[%dma_start3A_3188, %dma_start3A_3189, %dma_start3A_3195] : memref<8x16x128xi32, #tpu.memory_space<vmem>> -> memref<1x1x128xi32, #tpu.memory_space<vmem>>
    %dma_start3A_3197 = tpu.memref_squeeze %dma_start3A_3196 : memref<1x1x128xi32, #tpu.memory_space<vmem>> -> memref<128xi32, #tpu.memory_space<vmem>>
    %dma_start3A_3198 = arith.constant 0 : i32
    %dma_start3A_3199 = arith.constant 0 : i32
    %dma_start3A_3200 = tpu.memref_slice %arg2[%dma_start3A_3198, %dma_start3A_3199] : memref<100352x128xf32, #tpu.memory_space<hbm>> -> memref<100352x128xf32, #tpu.memory_space<hbm>>
    tpu.enqueue_indirect_dma source(%dma_start3A_3200 : memref<100352x128xf32, #tpu.memory_space<hbm>>) target(%dma_start3A_3194 : memref<128x128xf32, #tpu.memory_space<vmem>>) offsets(%dma_start3A_3197 : memref<128xi32, #tpu.memory_space<vmem>>) semaphore(%arg8 : memref<!tpu.dma_semaphore, #tpu.memory_space<semaphore_mem>>) {add = true}
    %dma_start3A_3201 = arith.constant 7 : i32
    %dma_start3A_3202 = arith.constant 13 : i32
    %dma_start3A_3203 = arith.constant 3 : i32
    %dma_start3A_3204 = arith.constant 0 : i32
    %dma_start3A_3205 = arith.constant 0 : i32
    %dma_start3A_3206 = tpu.memref_slice %arg6[%dma_start3A_3203, %dma_start3A_3204, %dma_start3A_3205] : memref<4x128x128xf32, #tpu.memory_space<vmem>> -> memref<1x128x128xf32, #tpu.memory_space<vmem>>
    %dma_start3A_3207 = tpu.memref_squeeze %dma_start3A_3206 : memref<1x128x128xf32, #tpu.memory_space<vmem>> -> memref<128x128xf32, #tpu.memory_space<vmem>>
    %dma_start3A_3208 = arith.constant 0 : i32
    %dma_start3A_3209 = tpu.memref_slice %arg5[%dma_start3A_3201, %dma_start3A_3202, %dma_start3A_3208] : memref<8x16x128xi32, #tpu.memory_space<vmem>> -> memref<1x1x128xi32, #tpu.memory_space<vmem>>
    %dma_start3A_3210 = tpu.memref_squeeze %dma_start3A_3209 : memref<1x1x128xi32, #tpu.memory_space<vmem>> -> memref<128xi32, #tpu.memory_space<vmem>>
    %dma_start3A_3211 = arith.constant 0 : i32
    %dma_start3A_3212 = arith.constant 0 : i32
    %dma_start3A_3213 = tpu.memref_slice %arg2[%dma_start3A_3211, %dma_start3A_3212] : memref<100352x128xf32, #tpu.memory_space<hbm>> -> memref<100352x128xf32, #tpu.memory_space<hbm>>
    tpu.enqueue_indirect_dma source(%dma_start3A_3213 : memref<100352x128xf32, #tpu.memory_space<hbm>>) target(%dma_start3A_3207 : memref<128x128xf32, #tpu.memory_space<vmem>>) offsets(%dma_start3A_3210 : memref<128xi32, #tpu.memory_space<vmem>>) semaphore(%arg8 : memref<!tpu.dma_semaphore, #tpu.memory_space<semaphore_mem>>) {add = true}
    %dma_start3A_3214 = arith.constant 7 : i32
    %dma_start3A_3215 = arith.constant 14 : i32
    %dma_start3A_3216 = arith.constant 3 : i32
    %dma_start3A_3217 = arith.constant 0 : i32
    %dma_start3A_3218 = arith.constant 0 : i32
    %dma_start3A_3219 = tpu.memref_slice %arg6[%dma_start3A_3216, %dma_start3A_3217, %dma_start3A_3218] : memref<4x128x128xf32, #tpu.memory_space<vmem>> -> memref<1x128x128xf32, #tpu.memory_space<vmem>>
    %dma_start3A_3220 = tpu.memref_squeeze %dma_start3A_3219 : memref<1x128x128xf32, #tpu.memory_space<vmem>> -> memref<128x128xf32, #tpu.memory_space<vmem>>
    %dma_start3A_3221 = arith.constant 0 : i32
    %dma_start3A_3222 = tpu.memref_slice %arg5[%dma_start3A_3214, %dma_start3A_3215, %dma_start3A_3221] : memref<8x16x128xi32, #tpu.memory_space<vmem>> -> memref<1x1x128xi32, #tpu.memory_space<vmem>>
    %dma_start3A_3223 = tpu.memref_squeeze %dma_start3A_3222 : memref<1x1x128xi32, #tpu.memory_space<vmem>> -> memref<128xi32, #tpu.memory_space<vmem>>
    %dma_start3A_3224 = arith.constant 0 : i32
    %dma_start3A_3225 = arith.constant 0 : i32
    %dma_start3A_3226 = tpu.memref_slice %arg2[%dma_start3A_3224, %dma_start3A_3225] : memref<100352x128xf32, #tpu.memory_space<hbm>> -> memref<100352x128xf32, #tpu.memory_space<hbm>>
    tpu.enqueue_indirect_dma source(%dma_start3A_3226 : memref<100352x128xf32, #tpu.memory_space<hbm>>) target(%dma_start3A_3220 : memref<128x128xf32, #tpu.memory_space<vmem>>) offsets(%dma_start3A_3223 : memref<128xi32, #tpu.memory_space<vmem>>) semaphore(%arg8 : memref<!tpu.dma_semaphore, #tpu.memory_space<semaphore_mem>>) {add = true}
    %dma_start3A_3227 = arith.constant 7 : i32
    %dma_start3A_3228 = arith.constant 15 : i32
    %dma_start3A_3229 = arith.constant 3 : i32
    %dma_start3A_3230 = arith.constant 0 : i32
    %dma_start3A_3231 = arith.constant 0 : i32
    %dma_start3A_3232 = tpu.memref_slice %arg6[%dma_start3A_3229, %dma_start3A_3230, %dma_start3A_3231] : memref<4x128x128xf32, #tpu.memory_space<vmem>> -> memref<1x128x128xf32, #tpu.memory_space<vmem>>
    %dma_start3A_3233 = tpu.memref_squeeze %dma_start3A_3232 : memref<1x128x128xf32, #tpu.memory_space<vmem>> -> memref<128x128xf32, #tpu.memory_space<vmem>>
    %dma_start3A_3234 = arith.constant 0 : i32
    %dma_start3A_3235 = tpu.memref_slice %arg5[%dma_start3A_3227, %dma_start3A_3228, %dma_start3A_3234] : memref<8x16x128xi32, #tpu.memory_space<vmem>> -> memref<1x1x128xi32, #tpu.memory_space<vmem>>
    %dma_start3A_3236 = tpu.memref_squeeze %dma_start3A_3235 : memref<1x1x128xi32, #tpu.memory_space<vmem>> -> memref<128xi32, #tpu.memory_space<vmem>>
    %dma_start3A_3237 = arith.constant 0 : i32
    %dma_start3A_3238 = arith.constant 0 : i32
    %dma_start3A_3239 = tpu.memref_slice %arg2[%dma_start3A_3237, %dma_start3A_3238] : memref<100352x128xf32, #tpu.memory_space<hbm>> -> memref<100352x128xf32, #tpu.memory_space<hbm>>
    tpu.enqueue_indirect_dma source(%dma_start3A_3239 : memref<100352x128xf32, #tpu.memory_space<hbm>>) target(%dma_start3A_3233 : memref<128x128xf32, #tpu.memory_space<vmem>>) offsets(%dma_start3A_3236 : memref<128xi32, #tpu.memory_space<vmem>>) semaphore(%arg8 : memref<!tpu.dma_semaphore, #tpu.memory_space<semaphore_mem>>) {add = true}
    %dma_wait3A_3240 = arith.constant 7 : i32
    %dma_wait3A_3241 = arith.constant 1 : i32
    %dma_wait3A_3242 = arith.constant 0 : i32
    %dma_wait3A_3243 = arith.constant 0 : i32
    %dma_wait3A_3244 = arith.constant 0 : i32
    %dma_wait3A_3245 = tpu.memref_slice %arg6[%dma_wait3A_3242, %dma_wait3A_3243, %dma_wait3A_3244] : memref<4x128x128xf32, #tpu.memory_space<vmem>> -> memref<1x128x128xf32, #tpu.memory_space<vmem>>
    %dma_wait3A_3246 = tpu.memref_squeeze %dma_wait3A_3245 : memref<1x128x128xf32, #tpu.memory_space<vmem>> -> memref<128x128xf32, #tpu.memory_space<vmem>>
    %dma_wait3A_3247 = arith.constant 0 : i32
    %dma_wait3A_3248 = tpu.memref_slice %arg5[%dma_wait3A_3240, %dma_wait3A_3241, %dma_wait3A_3247] : memref<8x16x128xi32, #tpu.memory_space<vmem>> -> memref<1x1x128xi32, #tpu.memory_space<vmem>>
    %dma_wait3A_3249 = tpu.memref_squeeze %dma_wait3A_3248 : memref<1x1x128xi32, #tpu.memory_space<vmem>> -> memref<128xi32, #tpu.memory_space<vmem>>
    %dma_wait3A_3250 = arith.constant 0 : i32
    %dma_wait3A_3251 = arith.constant 0 : i32
    %dma_wait3A_3252 = tpu.memref_slice %arg2[%dma_wait3A_3250, %dma_wait3A_3251] : memref<100352x128xf32, #tpu.memory_space<hbm>> -> memref<100352x128xf32, #tpu.memory_space<hbm>>
    tpu.wait_indirect_dma semaphore(%arg8 : memref<!tpu.dma_semaphore, #tpu.memory_space<semaphore_mem>>) src(%dma_wait3A_3252 : memref<100352x128xf32, #tpu.memory_space<hbm>>) dst(%dma_wait3A_3246 : memref<128x128xf32, #tpu.memory_space<vmem>>)
    %dma_wait3A_3253 = arith.constant 7 : i32
    %dma_wait3A_3254 = arith.constant 2 : i32
    %dma_wait3A_3255 = arith.constant 0 : i32
    %dma_wait3A_3256 = arith.constant 0 : i32
    %dma_wait3A_3257 = arith.constant 0 : i32
    %dma_wait3A_3258 = tpu.memref_slice %arg6[%dma_wait3A_3255, %dma_wait3A_3256, %dma_wait3A_3257] : memref<4x128x128xf32, #tpu.memory_space<vmem>> -> memref<1x128x128xf32, #tpu.memory_space<vmem>>
    %dma_wait3A_3259 = tpu.memref_squeeze %dma_wait3A_3258 : memref<1x128x128xf32, #tpu.memory_space<vmem>> -> memref<128x128xf32, #tpu.memory_space<vmem>>
    %dma_wait3A_3260 = arith.constant 0 : i32
    %dma_wait3A_3261 = tpu.memref_slice %arg5[%dma_wait3A_3253, %dma_wait3A_3254, %dma_wait3A_3260] : memref<8x16x128xi32, #tpu.memory_space<vmem>> -> memref<1x1x128xi32, #tpu.memory_space<vmem>>
    %dma_wait3A_3262 = tpu.memref_squeeze %dma_wait3A_3261 : memref<1x1x128xi32, #tpu.memory_space<vmem>> -> memref<128xi32, #tpu.memory_space<vmem>>
    %dma_wait3A_3263 = arith.constant 0 : i32
    %dma_wait3A_3264 = arith.constant 0 : i32
    %dma_wait3A_3265 = tpu.memref_slice %arg2[%dma_wait3A_3263, %dma_wait3A_3264] : memref<100352x128xf32, #tpu.memory_space<hbm>> -> memref<100352x128xf32, #tpu.memory_space<hbm>>
    tpu.wait_indirect_dma semaphore(%arg8 : memref<!tpu.dma_semaphore, #tpu.memory_space<semaphore_mem>>) src(%dma_wait3A_3265 : memref<100352x128xf32, #tpu.memory_space<hbm>>) dst(%dma_wait3A_3259 : memref<128x128xf32, #tpu.memory_space<vmem>>)
    %dma_wait3A_3266 = arith.constant 7 : i32
    %dma_wait3A_3267 = arith.constant 3 : i32
    %dma_wait3A_3268 = arith.constant 0 : i32
    %dma_wait3A_3269 = arith.constant 0 : i32
    %dma_wait3A_3270 = arith.constant 0 : i32
    %dma_wait3A_3271 = tpu.memref_slice %arg6[%dma_wait3A_3268, %dma_wait3A_3269, %dma_wait3A_3270] : memref<4x128x128xf32, #tpu.memory_space<vmem>> -> memref<1x128x128xf32, #tpu.memory_space<vmem>>
    %dma_wait3A_3272 = tpu.memref_squeeze %dma_wait3A_3271 : memref<1x128x128xf32, #tpu.memory_space<vmem>> -> memref<128x128xf32, #tpu.memory_space<vmem>>
    %dma_wait3A_3273 = arith.constant 0 : i32
    %dma_wait3A_3274 = tpu.memref_slice %arg5[%dma_wait3A_3266, %dma_wait3A_3267, %dma_wait3A_3273] : memref<8x16x128xi32, #tpu.memory_space<vmem>> -> memref<1x1x128xi32, #tpu.memory_space<vmem>>
    %dma_wait3A_3275 = tpu.memref_squeeze %dma_wait3A_3274 : memref<1x1x128xi32, #tpu.memory_space<vmem>> -> memref<128xi32, #tpu.memory_space<vmem>>
    %dma_wait3A_3276 = arith.constant 0 : i32
    %dma_wait3A_3277 = arith.constant 0 : i32
    %dma_wait3A_3278 = tpu.memref_slice %arg2[%dma_wait3A_3276, %dma_wait3A_3277] : memref<100352x128xf32, #tpu.memory_space<hbm>> -> memref<100352x128xf32, #tpu.memory_space<hbm>>
    tpu.wait_indirect_dma semaphore(%arg8 : memref<!tpu.dma_semaphore, #tpu.memory_space<semaphore_mem>>) src(%dma_wait3A_3278 : memref<100352x128xf32, #tpu.memory_space<hbm>>) dst(%dma_wait3A_3272 : memref<128x128xf32, #tpu.memory_space<vmem>>)
    %dma_wait3A_3279 = arith.constant 7 : i32
    %dma_wait3A_3280 = arith.constant 5 : i32
    %dma_wait3A_3281 = arith.constant 1 : i32
    %dma_wait3A_3282 = arith.constant 0 : i32
    %dma_wait3A_3283 = arith.constant 0 : i32
    %dma_wait3A_3284 = tpu.memref_slice %arg6[%dma_wait3A_3281, %dma_wait3A_3282, %dma_wait3A_3283] : memref<4x128x128xf32, #tpu.memory_space<vmem>> -> memref<1x128x128xf32, #tpu.memory_space<vmem>>
    %dma_wait3A_3285 = tpu.memref_squeeze %dma_wait3A_3284 : memref<1x128x128xf32, #tpu.memory_space<vmem>> -> memref<128x128xf32, #tpu.memory_space<vmem>>
    %dma_wait3A_3286 = arith.constant 0 : i32
    %dma_wait3A_3287 = tpu.memref_slice %arg5[%dma_wait3A_3279, %dma_wait3A_3280, %dma_wait3A_3286] : memref<8x16x128xi32, #tpu.memory_space<vmem>> -> memref<1x1x128xi32, #tpu.memory_space<vmem>>
    %dma_wait3A_3288 = tpu.memref_squeeze %dma_wait3A_3287 : memref<1x1x128xi32, #tpu.memory_space<vmem>> -> memref<128xi32, #tpu.memory_space<vmem>>
    %dma_wait3A_3289 = arith.constant 0 : i32
    %dma_wait3A_3290 = arith.constant 0 : i32
    %dma_wait3A_3291 = tpu.memref_slice %arg2[%dma_wait3A_3289, %dma_wait3A_3290] : memref<100352x128xf32, #tpu.memory_space<hbm>> -> memref<100352x128xf32, #tpu.memory_space<hbm>>
    tpu.wait_indirect_dma semaphore(%arg8 : memref<!tpu.dma_semaphore, #tpu.memory_space<semaphore_mem>>) src(%dma_wait3A_3291 : memref<100352x128xf32, #tpu.memory_space<hbm>>) dst(%dma_wait3A_3285 : memref<128x128xf32, #tpu.memory_space<vmem>>)
    %dma_wait3A_3292 = arith.constant 7 : i32
    %dma_wait3A_3293 = arith.constant 6 : i32
    %dma_wait3A_3294 = arith.constant 1 : i32
    %dma_wait3A_3295 = arith.constant 0 : i32
    %dma_wait3A_3296 = arith.constant 0 : i32
    %dma_wait3A_3297 = tpu.memref_slice %arg6[%dma_wait3A_3294, %dma_wait3A_3295, %dma_wait3A_3296] : memref<4x128x128xf32, #tpu.memory_space<vmem>> -> memref<1x128x128xf32, #tpu.memory_space<vmem>>
    %dma_wait3A_3298 = tpu.memref_squeeze %dma_wait3A_3297 : memref<1x128x128xf32, #tpu.memory_space<vmem>> -> memref<128x128xf32, #tpu.memory_space<vmem>>
    %dma_wait3A_3299 = arith.constant 0 : i32
    %dma_wait3A_3300 = tpu.memref_slice %arg5[%dma_wait3A_3292, %dma_wait3A_3293, %dma_wait3A_3299] : memref<8x16x128xi32, #tpu.memory_space<vmem>> -> memref<1x1x128xi32, #tpu.memory_space<vmem>>
    %dma_wait3A_3301 = tpu.memref_squeeze %dma_wait3A_3300 : memref<1x1x128xi32, #tpu.memory_space<vmem>> -> memref<128xi32, #tpu.memory_space<vmem>>
    %dma_wait3A_3302 = arith.constant 0 : i32
    %dma_wait3A_3303 = arith.constant 0 : i32
    %dma_wait3A_3304 = tpu.memref_slice %arg2[%dma_wait3A_3302, %dma_wait3A_3303] : memref<100352x128xf32, #tpu.memory_space<hbm>> -> memref<100352x128xf32, #tpu.memory_space<hbm>>
    tpu.wait_indirect_dma semaphore(%arg8 : memref<!tpu.dma_semaphore, #tpu.memory_space<semaphore_mem>>) src(%dma_wait3A_3304 : memref<100352x128xf32, #tpu.memory_space<hbm>>) dst(%dma_wait3A_3298 : memref<128x128xf32, #tpu.memory_space<vmem>>)
    %dma_wait3A_3305 = arith.constant 7 : i32
    %dma_wait3A_3306 = arith.constant 7 : i32
    %dma_wait3A_3307 = arith.constant 1 : i32
    %dma_wait3A_3308 = arith.constant 0 : i32
    %dma_wait3A_3309 = arith.constant 0 : i32
    %dma_wait3A_3310 = tpu.memref_slice %arg6[%dma_wait3A_3307, %dma_wait3A_3308, %dma_wait3A_3309] : memref<4x128x128xf32, #tpu.memory_space<vmem>> -> memref<1x128x128xf32, #tpu.memory_space<vmem>>
    %dma_wait3A_3311 = tpu.memref_squeeze %dma_wait3A_3310 : memref<1x128x128xf32, #tpu.memory_space<vmem>> -> memref<128x128xf32, #tpu.memory_space<vmem>>
    %dma_wait3A_3312 = arith.constant 0 : i32
    %dma_wait3A_3313 = tpu.memref_slice %arg5[%dma_wait3A_3305, %dma_wait3A_3306, %dma_wait3A_3312] : memref<8x16x128xi32, #tpu.memory_space<vmem>> -> memref<1x1x128xi32, #tpu.memory_space<vmem>>
    %dma_wait3A_3314 = tpu.memref_squeeze %dma_wait3A_3313 : memref<1x1x128xi32, #tpu.memory_space<vmem>> -> memref<128xi32, #tpu.memory_space<vmem>>
    %dma_wait3A_3315 = arith.constant 0 : i32
    %dma_wait3A_3316 = arith.constant 0 : i32
    %dma_wait3A_3317 = tpu.memref_slice %arg2[%dma_wait3A_3315, %dma_wait3A_3316] : memref<100352x128xf32, #tpu.memory_space<hbm>> -> memref<100352x128xf32, #tpu.memory_space<hbm>>
    tpu.wait_indirect_dma semaphore(%arg8 : memref<!tpu.dma_semaphore, #tpu.memory_space<semaphore_mem>>) src(%dma_wait3A_3317 : memref<100352x128xf32, #tpu.memory_space<hbm>>) dst(%dma_wait3A_3311 : memref<128x128xf32, #tpu.memory_space<vmem>>)
    %dma_wait3A_3318 = arith.constant 7 : i32
    %dma_wait3A_3319 = arith.constant 9 : i32
    %dma_wait3A_3320 = arith.constant 2 : i32
    %dma_wait3A_3321 = arith.constant 0 : i32
    %dma_wait3A_3322 = arith.constant 0 : i32
    %dma_wait3A_3323 = tpu.memref_slice %arg6[%dma_wait3A_3320, %dma_wait3A_3321, %dma_wait3A_3322] : memref<4x128x128xf32, #tpu.memory_space<vmem>> -> memref<1x128x128xf32, #tpu.memory_space<vmem>>
    %dma_wait3A_3324 = tpu.memref_squeeze %dma_wait3A_3323 : memref<1x128x128xf32, #tpu.memory_space<vmem>> -> memref<128x128xf32, #tpu.memory_space<vmem>>
    %dma_wait3A_3325 = arith.constant 0 : i32
    %dma_wait3A_3326 = tpu.memref_slice %arg5[%dma_wait3A_3318, %dma_wait3A_3319, %dma_wait3A_3325] : memref<8x16x128xi32, #tpu.memory_space<vmem>> -> memref<1x1x128xi32, #tpu.memory_space<vmem>>
    %dma_wait3A_3327 = tpu.memref_squeeze %dma_wait3A_3326 : memref<1x1x128xi32, #tpu.memory_space<vmem>> -> memref<128xi32, #tpu.memory_space<vmem>>
    %dma_wait3A_3328 = arith.constant 0 : i32
    %dma_wait3A_3329 = arith.constant 0 : i32
    %dma_wait3A_3330 = tpu.memref_slice %arg2[%dma_wait3A_3328, %dma_wait3A_3329] : memref<100352x128xf32, #tpu.memory_space<hbm>> -> memref<100352x128xf32, #tpu.memory_space<hbm>>
    tpu.wait_indirect_dma semaphore(%arg8 : memref<!tpu.dma_semaphore, #tpu.memory_space<semaphore_mem>>) src(%dma_wait3A_3330 : memref<100352x128xf32, #tpu.memory_space<hbm>>) dst(%dma_wait3A_3324 : memref<128x128xf32, #tpu.memory_space<vmem>>)
    %dma_wait3A_3331 = arith.constant 7 : i32
    %dma_wait3A_3332 = arith.constant 10 : i32
    %dma_wait3A_3333 = arith.constant 2 : i32
    %dma_wait3A_3334 = arith.constant 0 : i32
    %dma_wait3A_3335 = arith.constant 0 : i32
    %dma_wait3A_3336 = tpu.memref_slice %arg6[%dma_wait3A_3333, %dma_wait3A_3334, %dma_wait3A_3335] : memref<4x128x128xf32, #tpu.memory_space<vmem>> -> memref<1x128x128xf32, #tpu.memory_space<vmem>>
    %dma_wait3A_3337 = tpu.memref_squeeze %dma_wait3A_3336 : memref<1x128x128xf32, #tpu.memory_space<vmem>> -> memref<128x128xf32, #tpu.memory_space<vmem>>
    %dma_wait3A_3338 = arith.constant 0 : i32
    %dma_wait3A_3339 = tpu.memref_slice %arg5[%dma_wait3A_3331, %dma_wait3A_3332, %dma_wait3A_3338] : memref<8x16x128xi32, #tpu.memory_space<vmem>> -> memref<1x1x128xi32, #tpu.memory_space<vmem>>
    %dma_wait3A_3340 = tpu.memref_squeeze %dma_wait3A_3339 : memref<1x1x128xi32, #tpu.memory_space<vmem>> -> memref<128xi32, #tpu.memory_space<vmem>>
    %dma_wait3A_3341 = arith.constant 0 : i32
    %dma_wait3A_3342 = arith.constant 0 : i32
    %dma_wait3A_3343 = tpu.memref_slice %arg2[%dma_wait3A_3341, %dma_wait3A_3342] : memref<100352x128xf32, #tpu.memory_space<hbm>> -> memref<100352x128xf32, #tpu.memory_space<hbm>>
    tpu.wait_indirect_dma semaphore(%arg8 : memref<!tpu.dma_semaphore, #tpu.memory_space<semaphore_mem>>) src(%dma_wait3A_3343 : memref<100352x128xf32, #tpu.memory_space<hbm>>) dst(%dma_wait3A_3337 : memref<128x128xf32, #tpu.memory_space<vmem>>)
    %dma_wait3A_3344 = arith.constant 7 : i32
    %dma_wait3A_3345 = arith.constant 11 : i32
    %dma_wait3A_3346 = arith.constant 2 : i32
    %dma_wait3A_3347 = arith.constant 0 : i32
    %dma_wait3A_3348 = arith.constant 0 : i32
    %dma_wait3A_3349 = tpu.memref_slice %arg6[%dma_wait3A_3346, %dma_wait3A_3347, %dma_wait3A_3348] : memref<4x128x128xf32, #tpu.memory_space<vmem>> -> memref<1x128x128xf32, #tpu.memory_space<vmem>>
    %dma_wait3A_3350 = tpu.memref_squeeze %dma_wait3A_3349 : memref<1x128x128xf32, #tpu.memory_space<vmem>> -> memref<128x128xf32, #tpu.memory_space<vmem>>
    %dma_wait3A_3351 = arith.constant 0 : i32
    %dma_wait3A_3352 = tpu.memref_slice %arg5[%dma_wait3A_3344, %dma_wait3A_3345, %dma_wait3A_3351] : memref<8x16x128xi32, #tpu.memory_space<vmem>> -> memref<1x1x128xi32, #tpu.memory_space<vmem>>
    %dma_wait3A_3353 = tpu.memref_squeeze %dma_wait3A_3352 : memref<1x1x128xi32, #tpu.memory_space<vmem>> -> memref<128xi32, #tpu.memory_space<vmem>>
    %dma_wait3A_3354 = arith.constant 0 : i32
    %dma_wait3A_3355 = arith.constant 0 : i32
    %dma_wait3A_3356 = tpu.memref_slice %arg2[%dma_wait3A_3354, %dma_wait3A_3355] : memref<100352x128xf32, #tpu.memory_space<hbm>> -> memref<100352x128xf32, #tpu.memory_space<hbm>>
    tpu.wait_indirect_dma semaphore(%arg8 : memref<!tpu.dma_semaphore, #tpu.memory_space<semaphore_mem>>) src(%dma_wait3A_3356 : memref<100352x128xf32, #tpu.memory_space<hbm>>) dst(%dma_wait3A_3350 : memref<128x128xf32, #tpu.memory_space<vmem>>)
    %dma_wait3A_3357 = arith.constant 7 : i32
    %dma_wait3A_3358 = arith.constant 13 : i32
    %dma_wait3A_3359 = arith.constant 3 : i32
    %dma_wait3A_3360 = arith.constant 0 : i32
    %dma_wait3A_3361 = arith.constant 0 : i32
    %dma_wait3A_3362 = tpu.memref_slice %arg6[%dma_wait3A_3359, %dma_wait3A_3360, %dma_wait3A_3361] : memref<4x128x128xf32, #tpu.memory_space<vmem>> -> memref<1x128x128xf32, #tpu.memory_space<vmem>>
    %dma_wait3A_3363 = tpu.memref_squeeze %dma_wait3A_3362 : memref<1x128x128xf32, #tpu.memory_space<vmem>> -> memref<128x128xf32, #tpu.memory_space<vmem>>
    %dma_wait3A_3364 = arith.constant 0 : i32
    %dma_wait3A_3365 = tpu.memref_slice %arg5[%dma_wait3A_3357, %dma_wait3A_3358, %dma_wait3A_3364] : memref<8x16x128xi32, #tpu.memory_space<vmem>> -> memref<1x1x128xi32, #tpu.memory_space<vmem>>
    %dma_wait3A_3366 = tpu.memref_squeeze %dma_wait3A_3365 : memref<1x1x128xi32, #tpu.memory_space<vmem>> -> memref<128xi32, #tpu.memory_space<vmem>>
    %dma_wait3A_3367 = arith.constant 0 : i32
    %dma_wait3A_3368 = arith.constant 0 : i32
    %dma_wait3A_3369 = tpu.memref_slice %arg2[%dma_wait3A_3367, %dma_wait3A_3368] : memref<100352x128xf32, #tpu.memory_space<hbm>> -> memref<100352x128xf32, #tpu.memory_space<hbm>>
    tpu.wait_indirect_dma semaphore(%arg8 : memref<!tpu.dma_semaphore, #tpu.memory_space<semaphore_mem>>) src(%dma_wait3A_3369 : memref<100352x128xf32, #tpu.memory_space<hbm>>) dst(%dma_wait3A_3363 : memref<128x128xf32, #tpu.memory_space<vmem>>)
    %dma_wait3A_3370 = arith.constant 7 : i32
    %dma_wait3A_3371 = arith.constant 14 : i32
    %dma_wait3A_3372 = arith.constant 3 : i32
    %dma_wait3A_3373 = arith.constant 0 : i32
    %dma_wait3A_3374 = arith.constant 0 : i32
    %dma_wait3A_3375 = tpu.memref_slice %arg6[%dma_wait3A_3372, %dma_wait3A_3373, %dma_wait3A_3374] : memref<4x128x128xf32, #tpu.memory_space<vmem>> -> memref<1x128x128xf32, #tpu.memory_space<vmem>>
    %dma_wait3A_3376 = tpu.memref_squeeze %dma_wait3A_3375 : memref<1x128x128xf32, #tpu.memory_space<vmem>> -> memref<128x128xf32, #tpu.memory_space<vmem>>
    %dma_wait3A_3377 = arith.constant 0 : i32
    %dma_wait3A_3378 = tpu.memref_slice %arg5[%dma_wait3A_3370, %dma_wait3A_3371, %dma_wait3A_3377] : memref<8x16x128xi32, #tpu.memory_space<vmem>> -> memref<1x1x128xi32, #tpu.memory_space<vmem>>
    %dma_wait3A_3379 = tpu.memref_squeeze %dma_wait3A_3378 : memref<1x1x128xi32, #tpu.memory_space<vmem>> -> memref<128xi32, #tpu.memory_space<vmem>>
    %dma_wait3A_3380 = arith.constant 0 : i32
    %dma_wait3A_3381 = arith.constant 0 : i32
    %dma_wait3A_3382 = tpu.memref_slice %arg2[%dma_wait3A_3380, %dma_wait3A_3381] : memref<100352x128xf32, #tpu.memory_space<hbm>> -> memref<100352x128xf32, #tpu.memory_space<hbm>>
    tpu.wait_indirect_dma semaphore(%arg8 : memref<!tpu.dma_semaphore, #tpu.memory_space<semaphore_mem>>) src(%dma_wait3A_3382 : memref<100352x128xf32, #tpu.memory_space<hbm>>) dst(%dma_wait3A_3376 : memref<128x128xf32, #tpu.memory_space<vmem>>)
    %dma_wait3A_3383 = arith.constant 7 : i32
    %dma_wait3A_3384 = arith.constant 15 : i32
    %dma_wait3A_3385 = arith.constant 3 : i32
    %dma_wait3A_3386 = arith.constant 0 : i32
    %dma_wait3A_3387 = arith.constant 0 : i32
    %dma_wait3A_3388 = tpu.memref_slice %arg6[%dma_wait3A_3385, %dma_wait3A_3386, %dma_wait3A_3387] : memref<4x128x128xf32, #tpu.memory_space<vmem>> -> memref<1x128x128xf32, #tpu.memory_space<vmem>>
    %dma_wait3A_3389 = tpu.memref_squeeze %dma_wait3A_3388 : memref<1x128x128xf32, #tpu.memory_space<vmem>> -> memref<128x128xf32, #tpu.memory_space<vmem>>
    %dma_wait3A_3390 = arith.constant 0 : i32
    %dma_wait3A_3391 = tpu.memref_slice %arg5[%dma_wait3A_3383, %dma_wait3A_3384, %dma_wait3A_3390] : memref<8x16x128xi32, #tpu.memory_space<vmem>> -> memref<1x1x128xi32, #tpu.memory_space<vmem>>
    %dma_wait3A_3392 = tpu.memref_squeeze %dma_wait3A_3391 : memref<1x1x128xi32, #tpu.memory_space<vmem>> -> memref<128xi32, #tpu.memory_space<vmem>>
    %dma_wait3A_3393 = arith.constant 0 : i32
    %dma_wait3A_3394 = arith.constant 0 : i32
    %dma_wait3A_3395 = tpu.memref_slice %arg2[%dma_wait3A_3393, %dma_wait3A_3394] : memref<100352x128xf32, #tpu.memory_space<hbm>> -> memref<100352x128xf32, #tpu.memory_space<hbm>>
    tpu.wait_indirect_dma semaphore(%arg8 : memref<!tpu.dma_semaphore, #tpu.memory_space<semaphore_mem>>) src(%dma_wait3A_3395 : memref<100352x128xf32, #tpu.memory_space<hbm>>) dst(%dma_wait3A_3389 : memref<128x128xf32, #tpu.memory_space<vmem>>)
    %scan3A_3396 = arith.constant 0 : i32
    %scan3A_3397 = arith.constant 0 : i32
    %scan3A_3398 = arith.constant 128 : i32
    %scan3A_3399 = arith.addi %scan3A_3397, %scan3A_3398 : i32
    %scan3A_3400 = arith.constant 1 : i32
    scf.for %scan3A_3406 = %scan3A_3397 to %scan3A_3399 step %scan3A_3400  : i32 {
      %get3A = arith.constant 0 : i32
      %get3A_3407 = arith.index_cast %get3A : i32 to index
      %get3A_3408 = arith.index_cast %scan3A_3406 : i32 to index
      %get3A_3409 = arith.constant 0 : index
      %get3A_3410 = tpu.vector_load %arg6[%get3A_3407, %get3A_3408, %get3A_3409] {strides = array<i32>} : memref<4x128x128xf32, #tpu.memory_space<vmem>>, vector<1x1x16xf32>,
      %get3A_3411 = vector.shape_cast %get3A_3410 : vector<1x1x16xf32> to vector<16xf32>
      %get3A_3412 = arith.constant 1 : i32
      %get3A_3413 = arith.index_cast %get3A_3412 : i32 to index
      %get3A_3414 = arith.index_cast %scan3A_3406 : i32 to index
      %get3A_3415 = arith.constant 32 : index
      %get3A_3416 = tpu.vector_load %arg6[%get3A_3413, %get3A_3414, %get3A_3415] {strides = array<i32>} : memref<4x128x128xf32, #tpu.memory_space<vmem>>, vector<1x1x16xf32>,
      %get3A_3417 = vector.shape_cast %get3A_3416 : vector<1x1x16xf32> to vector<16xf32>
      %add3A_3418 = arith.addf %get3A_3411, %get3A_3417 : vector<16xf32>
      %get3A_3419 = arith.constant 2 : i32
      %get3A_3420 = arith.index_cast %get3A_3419 : i32 to index
      %get3A_3421 = arith.index_cast %scan3A_3406 : i32 to index
      %get3A_3422 = arith.constant 64 : index
      %get3A_3423 = tpu.vector_load %arg6[%get3A_3420, %get3A_3421, %get3A_3422] {strides = array<i32>} : memref<4x128x128xf32, #tpu.memory_space<vmem>>, vector<1x1x16xf32>,
      %get3A_3424 = vector.shape_cast %get3A_3423 : vector<1x1x16xf32> to vector<16xf32>
      %get3A_3425 = arith.constant 3 : i32
      %get3A_3426 = arith.index_cast %get3A_3425 : i32 to index
      %get3A_3427 = arith.index_cast %scan3A_3406 : i32 to index
      %get3A_3428 = arith.constant 96 : index
      %get3A_3429 = tpu.vector_load %arg6[%get3A_3426, %get3A_3427, %get3A_3428] {strides = array<i32>} : memref<4x128x128xf32, #tpu.memory_space<vmem>>, vector<1x1x16xf32>,
      %get3A_3430 = vector.shape_cast %get3A_3429 : vector<1x1x16xf32> to vector<16xf32>
      %add3A_3431 = arith.addf %get3A_3424, %get3A_3430 : vector<16xf32>
      %add3A_3432 = arith.addf %add3A_3418, %add3A_3431 : vector<16xf32>
      %swap3A = arith.index_cast %scan3A_3406 : i32 to index
      %swap3A_3433 = arith.constant 0 : index
      %swap3A_3434 = tpu.vector_load %arg7[%swap3A, %swap3A_3433] {strides = array<i32>} : memref<128x16xf32, #tpu.memory_space<vmem>>, vector<1x16xf32>,
      %swap3A_3435 = vector.shape_cast %swap3A_3434 : vector<1x16xf32> to vector<16xf32>
      %swap3A_3436 = vector.shape_cast %add3A_3432 : vector<16xf32> to vector<1x16xf32>
      tpu.vector_store %arg7[%swap3A, %swap3A_3433], %swap3A_3436 {strides = array<i32>} : memref<128x16xf32, #tpu.memory_space<vmem>>, vector<1x16xf32>,
    }
    %scan3A_3401 = arith.constant 128 : i32
    %mul3A_3402 = arith.constant 1024 : i32
    %mul3A_3403 = arith.muli %add3A, %mul3A_3402 : i32
    %add3A_3404 = arith.constant 896 : i32
    %add3A_3405 = arith.addi %mul3A_3403, %add3A_3404 : i32
    "tpu.region"() ({
      %run_scoped3A = tpu.sem_alloc : memref<!tpu.dma_semaphore, #tpu.memory_space<semaphore_mem>>
      %dma_start3A_3406 = arith.constant 0 : i32
      %dma_start3A_3407 = tpu.memref_slice %arg4[%add3A_3405, %dma_start3A_3406] : memref<32768x16xf32, #tpu.memory_space<hbm>> -> memref<128x16xf32, #tpu.memory_space<hbm>>
      %dma_start3A_3408 = arith.constant 0 : i32
      %dma_start3A_3409 = tpu.memref_slice %arg4[%add3A_3405, %dma_start3A_3408] : memref<32768x16xf32, #tpu.memory_space<hbm>> -> memref<128x16xf32, #tpu.memory_space<hbm>>
      tpu.enqueue_dma source(%arg7 : memref<128x16xf32, #tpu.memory_space<vmem>>) target(%dma_start3A_3409 : memref<128x16xf32, #tpu.memory_space<hbm>>) target_semaphore(%run_scoped3A : memref<!tpu.dma_semaphore, #tpu.memory_space<semaphore_mem>>)
      %dma_wait3A_3410 = arith.constant 0 : i32
      %dma_wait3A_3411 = tpu.memref_slice %arg4[%add3A_3405, %dma_wait3A_3410] : memref<32768x16xf32, #tpu.memory_space<hbm>> -> memref<128x16xf32, #tpu.memory_space<hbm>>
      %dma_wait3A_3412 = arith.constant 0 : i32
      %dma_wait3A_3413 = tpu.memref_slice %arg4[%add3A_3405, %dma_wait3A_3412] : memref<32768x16xf32, #tpu.memory_space<hbm>> -> memref<128x16xf32, #tpu.memory_space<hbm>>
      tpu.wait_dma2 semaphore(%run_scoped3A : memref<!tpu.dma_semaphore, #tpu.memory_space<semaphore_mem>>) src(%arg7 : memref<128x16xf32, #tpu.memory_space<vmem>>) dst(%dma_wait3A_3413 : memref<128x16xf32, #tpu.memory_space<hbm>>)
      tpu.yield
    }) : () -> ()
    return
  }
}

module attributes {stable_mosaic.version = 14 : i64} {
  func.func @_table_body(%arg0: i32, %arg1: memref<2048x64xf32, #tpu.memory_space<vmem>>, %arg2: memref<64x128xf32, #tpu.memory_space<vmem>>, %arg3: memref<2048x128xf32, #tpu.memory_space<vmem>>) attributes {dimension_semantics = [#tpu.dimension_semantics<arbitrary>], iteration_bounds = array<i64: 49>, scalar_prefetch = 0 : i64, scratch_operands = 0 : i64, tpu.core_type = #tpu.core_type<tc>, window_params = [{transform_indices = @transform_0, window_bounds = array<i64: 2048, 64>}, {pipeline_mode = #tpu.pipeline_mode<synchronous>, transform_indices = @transform_1, window_bounds = array<i64: 64, 128>}, {transform_indices = @transform_2, window_bounds = array<i64: 2048, 128>}]} {
    %get3A = arith.constant 0 : index
    %get3A_0 = arith.constant 0 : index
    %get3A_1 = vector.load %arg1[%get3A, %get3A_0] : memref<2048x64xf32, #tpu.memory_space<vmem>>, vector<2048x64xf32>
    %get3A_2 = arith.constant 0 : index
    %get3A_3 = arith.constant 0 : index
    %get3A_4 = vector.load %arg2[%get3A_2, %get3A_3] : memref<64x128xf32, #tpu.memory_space<vmem>>, vector<64x128xf32>
    %dot_general3A = arith.constant dense<0.000000e+00> : vector<2048x128xf32>
    %dot_general3A_5 = tpu.matmul %get3A_1, %get3A_4, %dot_general3A {dimension_numbers = #tpu.dot_dimension_numbers<[1], [0], [0], [1], [0, 0, 1, 1], [], []>, transpose_lhs_hint = false} : vector<2048x64xf32>, vector<64x128xf32>, vector<2048x128xf32> -> vector<2048x128xf32>
    %mul3A = arith.constant 2.500000e-01 : f32
    %mul3A_6 = vector.broadcast %mul3A : f32 to vector<2048x128xf32>
    %mul3A_7 = arith.mulf %dot_general3A_5, %mul3A_6 : vector<2048x128xf32>
    %swap3A = arith.constant 0 : index
    %swap3A_8 = arith.constant 0 : index
    %swap3A_9 = vector.load %arg3[%swap3A, %swap3A_8] : memref<2048x128xf32, #tpu.memory_space<vmem>>, vector<2048x128xf32>
    tpu.vector_store %arg3[%swap3A, %swap3A_8], %mul3A_7 {strides = array<i32>} : memref<2048x128xf32, #tpu.memory_space<vmem>>, vector<2048x128xf32>,
    return
  }
  func.func @transform_0(%arg0: i32) -> (i32, i32) {
    %c0_i32 = arith.constant 0 : i32
    %c0_i32_0 = arith.constant 0 : i32
    return %arg0, %c0_i32 : i32, i32
  }
  func.func @transform_1(%arg0: i32) -> (i32, i32) {
    %c0_i32 = arith.constant 0 : i32
    %c0_i32_0 = arith.constant 0 : i32
    %c0_i32_1 = arith.constant 0 : i32
    return %c0_i32, %c0_i32_0 : i32, i32
  }
  func.func @transform_2(%arg0: i32) -> (i32, i32) {
    %c0_i32 = arith.constant 0 : i32
    %c0_i32_0 = arith.constant 0 : i32
    return %arg0, %c0_i32 : i32, i32
  }
}

</mosaic_0001>

<sc_bundles>
// kernel: kernel.4.cloned.1.call-start
scs
__scs_entry_jumppad:
0x0: {  	(pc) =	sbr.rel $0x88, $3  }
0x1: {  	(tag) =	ssettag $0x0;
	lr =	simm.s32 $0x1  }
0x2: {  	[smem:$0x3F9D] =	sst lr;
	_ =	strace $0xD0000000  }
0x3: {  	_ = 	snop  }
0x4: {  	_ = 	snop  }
0x5: {  	_ = 	snop  }
0x6: {  	_ = 	snop  }
0x7: {  	_ = 	snop  }
__scs_overlays_trampoline_lowered:
0x8: {  	[smem:$0x3FAC] =	sst s0  }
0x9: {  	[smem:$0x3FAD] =	sst s1  }
0xa: {  	[smem:$0x3FAE] =	sst s2  }
0xb: {  	[smem:$0x3FAF] =	sst s3  }
0xc: {  	[smem:$0x3FB0] =	sst s4  }
0xd: {  	[smem:$0x3FB1] =	sst s5  }
0xe: {  	[smem:$0x3FB2] =	sst s6  }
0xf: {  	[smem:$0x3FB3] =	sst s7  }
0x10: {  	[smem:$0x3FB4] =	sst s8  }
0x11: {  	[smem:$0x3FB5] =	sst s9;
	s0 =	simm.s32 @!p0 $0x0  }
0x12: {  	s1 =	sld [smem:$0x3F9B];
	s0 =	simm.s32 @p0 $0x1  }
0x13: {  	[smem:$0x3FB6] =	sst s0;
	s0 =	simm.s32 @!p1 $0x0  }
0x14: {  	s2 =	sld [smem:$0x3F9A];
	s0 =	simm.s32 @p1 $0x1  }
0x15: {  	[smem:$0x3FB7] =	sst s0;
	s0 =	simm.s32 @!p2 $0x0  }
0x16: {  	s3 =	sld [smem:$0x3FDB];
	s0 =	simm.s32 @p2 $0x1  }
0x17: {  	s4 =	simm.s32 $0x1BF5;
	[smem:$0x3FB9] =	sst s0  }
0x18: {  	s0 =	sld [smem:$0x3F9C];
	_ =	swait.ge [sflag:s4], $0x0  }
0x19: {  	s7 =	sld [smem:$0x3F9D]  }
0x1a: {  	s8 =	sadd.s32 $0xFFFFE003, lr  }
0x1b: {  	s9 =	sadd.s32 $0xFFFFFEF7, lr;
	s5 =	simm.s32 $0xFFFFFFFF;
	p2 =	slt.u32 s8, $0xFFFFF086  }
0x1c: {  	p1 =	slt.u32 s9, $0xF7A;
	s5 =	simm.s32 @!p2 $0x0  }
0x1d: {  	s5 =	simm.s32 @p1 $0x1;
	p0 =	seq.s32 s7, s2  }
0x1e: {  	s7 =	smul.u32 @!p0 $0xF7A, s2;
	p2 =	seq.s32 @!p0 s5, $0x0  }
0x1f: {  	s9 =	smul.u32 $0xF7A, s1;
	s8 =	simm.s32 @!p0 $0x1BF5;
	p2 =	por !p2, p0  }
0x20: {  	[sflag:s8] =	ssyncset.s32 @!p0 $0xFFFFF086;
	s6 =	sadd.s32 @!p0 s3, s7;
	s7 =	simm.s32 @!p0 $0x108  }
0x21: {  	s3 =	sadd.s32 s3, s9;
	s6 =	sadd.s32 @!p0 $0x88, s6;
	s7 =	simm.s32 @p2 $0x1082  }
0x22: {  	[simem:s7], [sflag:s8] =	dma.local @!p0 [hbm:s6], $0xF7A  }
0x23: {  	s9 =	sor.u32 $0xD0000000, s2;
	s6 =	simm.s32 $0x108;
	_ =	swait.ge @!p0 [sflag:s8], $0x0  }
0x24: {  	s3 =	sadd.s32 $0x88, s3;
	s6 =	simm.s32 @!p1 $0x1082;
	[sflag:s4] =	ssyncset.s32 $0xFFFFF086  }
0x25: {  	[simem:s6], [sflag:s4] =	dma.local [hbm:s3], $0xF7A  }
0x26: {  	[smem:$0x3F9D] =	sst s1;
	(tag) =	ssettag s2;
	_ =	strace s9  }
0x27: {  	s1 =	sld [smem:$0x3FAD]  }
0x28: {  	s2 =	sld [smem:$0x3FAE]  }
0x29: {  	s4 =	sld [smem:$0x3FB0]  }
0x2a: {  	p0 =	seq.s32 s5, $0x0;
	s5 =	sld [smem:$0x3FB1]  }
0x2b: {  	s6 =	sld [smem:$0x3FB2]  }
0x2c: {  	s7 =	sld [smem:$0x3FB3]  }
0x2d: {  	s3 =	simm.s32 $0x108;
	s8 =	sld [smem:$0x3FB4]  }
0x2e: {  	s3 =	simm.s32 @!p0 $0x1082;
	s9 =	sld [smem:$0x3FB5]  }
0x2f: {  	lr =	sadd.s32 s0, s3;
	s0 =	sld [smem:$0x3FAC]  }
0x30: {  	s3 =	sld [smem:$0x3FAF]  }
0x31: {  	[smem:$0x3FB8] =	sst s10  }
0x32: {  	s10 =	sld [smem:$0x3FB6];
	_ =	sdelay $0x3  }
0x33: {  	p0 =	seq.s32 s10, $0x1;
	s10 =	sld [smem:$0x3FB8];
	_ =	sdelay $0x3  }
0x34: {  	[smem:$0x3FB8] =	sst s10  }
0x35: {  	s10 =	sld [smem:$0x3FB7];
	_ =	sdelay $0x3  }
0x36: {  	p1 =	seq.s32 s10, $0x1;
	s10 =	sld [smem:$0x3FB8];
	_ =	sdelay $0x3  }
0x37: {  	[smem:$0x3FB8] =	sst s10  }
0x38: {  	s10 =	sld [smem:$0x3FB9]  }
0x39: {  	_ = 	snop;
	(pc) =	sbr.ind lr, $3  }
0x3a: {  	_ = 	snop  }
0x3b: {  	_ = 	snop  }
0x3c: {  	p2 =	seq.s32 s10, $0x1;
	s10 =	sld [smem:$0x3FB8]  }
0x3d: {  	_ =	shalt  }
0x3e: {  	_ =	shalt  }
0x3f: {  	_ =	shalt  }
0x40: {  	_ =	shalt  }
0x41: {  	_ =	shalt  }
0x42: {  	_ =	shalt  }
0x43: {  	_ =	shalt  }
0x44: {  	_ =	shalt  }
0x45: {  	_ =	shalt  }
0x46: {  	_ =	shalt  }
0x47: {  	_ =	shalt  }
0x48: {  	_ =	shalt  }
0x49: {  	_ =	shalt  }
0x4a: {  	_ =	shalt  }
0x4b: {  	_ =	shalt  }
0x4c: {  	_ =	shalt  }
0x4d: {  	_ =	shalt  }
0x4e: {  	_ =	shalt  }
0x4f: {  	_ =	shalt  }
0x50: {  	_ =	shalt  }
0x51: {  	_ =	shalt  }
0x52: {  	_ =	shalt  }
0x53: {  	_ =	shalt  }
0x54: {  	_ =	shalt  }
0x55: {  	_ =	shalt  }
0x56: {  	_ =	shalt  }
0x57: {  	_ =	shalt  }
0x58: {  	_ =	shalt  }
0x59: {  	_ =	shalt  }
0x5a: {  	_ =	shalt  }
0x5b: {  	_ =	shalt  }
0x5c: {  	_ =	shalt  }
0x5d: {  	_ =	shalt  }
0x5e: {  	_ =	shalt  }
0x5f: {  	_ =	shalt  }
0x60: {  	_ =	shalt  }
0x61: {  	_ =	shalt  }
0x62: {  	_ =	shalt  }
0x63: {  	_ =	shalt  }
0x64: {  	_ =	shalt  }
0x65: {  	_ =	shalt  }
0x66: {  	_ =	shalt  }
0x67: {  	_ =	shalt  }
0x68: {  	_ =	shalt  }
0x69: {  	_ =	shalt  }
0x6a: {  	_ =	shalt  }
0x6b: {  	_ =	shalt  }
0x6c: {  	_ =	shalt  }
0x6d: {  	_ =	shalt  }
0x6e: {  	_ =	shalt  }
0x6f: {  	_ =	shalt  }
0x70: {  	_ =	shalt  }
0x71: {  	_ =	shalt  }
0x72: {  	_ =	shalt  }
0x73: {  	_ =	shalt  }
0x74: {  	_ =	shalt  }
0x75: {  	_ =	shalt  }
0x76: {  	_ =	shalt  }
0x77: {  	_ =	shalt  }
0x78: {  	_ =	shalt  }
0x79: {  	_ =	shalt  }
0x7a: {  	_ =	shalt  }
0x7b: {  	_ =	shalt  }
0x7c: {  	_ =	shalt  }
0x7d: {  	_ =	shalt  }
0x7e: {  	_ =	shalt  }
0x7f: {  	_ =	shalt  }
0x80: {  	_ =	shalt  }
0x81: {  	_ =	shalt  }
0x82: {  	_ =	shalt  }
0x83: {  	_ =	shalt  }
0x84: {  	_ =	shalt  }
0x85: {  	_ =	shalt  }
0x86: {  	_ =	shalt  }
0x87: {  	_ =	shalt  }
.Lfunc_end0:
.L_simem_size_0:
called_computation_lowered:
.L_overlay_start_0:
0x88: {  	s2 =	sld [smem:$0x3FD9]  }
0x89: {  	s3 =	sld [smem:$0x3FFE];
	_ =	sdelay $0x1  }
0x8a: {  	s1 =	srdreg.scid  }
0x8b: {  	s0 =	sand.u32 $0x1, s1  }
0x8c: {  	s17 =	sshll.u32 s0, $0xA;
	s2 =	sadd.s32 s3, s2  }
0x8d: {  	s2 =	sadd.s32 s2, s17  }
0x8e: {  	[smem:$0x3FC4] =	sst s2  }
0x8f: {  	_ = 	snop  }
0x90: {  	s2 =	sld [smem:$0x3FD0];
	(tm) =	ssettm $0x1  }
0x91: {  	s18 =	sld [smem:$0x3FFB];
	_ =	sdelay $0x3  }
0x92: {  	_ =	strace s18  }
0x93: {  	s3 =	sld [smem:$0x3FFC];
	_ =	sdelay $0x3  }
0x94: {  	_ =	strace s3  }
0x95: {  	s3 =	sld [smem:$0x3FFD];
	_ =	sdelay $0x3  }
0x96: {  	_ =	strace s3  }
0x97: {  	_ =	strace $0x8FFFFFFF  }
0x98: {  	s19 =	sld [smem:$0x3FDB];
	_ =	sdelay $0x1  }
0x99: {  	s4 =	simm.s32 $_scs_section_size  }
0x9a: {  	s5 =	simm.s32 $_size__tile_overlayer_lowered;
	s6 =	simm.s32 $_tile_overlayer_lowered  }
0x9b: {  	s22 =	simm.s32 $0x1BFF;
	s21 =	sshll.u32 s6, $0x1;
	s3 =	sadd.s32 s4, s19  }
0x9c: {  	s7 =	simm.s32 $0x0;
	s20 =	sshll.u32 s5, $0x1;
	s5 =	sadd.s32 s21, s3  }
0x9d: {  	[timem:s7], [sflag:s22] =	dma.local [hbm:s5], s20  }
0x9e: {  	_ =	swait.ge [sflag:s22], s20  }
0x9f: {  	s4 =	ssub.s32 $0x0, s20;
	[sflag:s22] =	ssyncset.done $0x0  }
0xa0: {  	[sflag:s22] =	ssyncadd.s32 s4;
	_ =	sdelay $0x1  }
0xa1: {  	s23 =	simm.s32 $0x1B8B  }
0xa2: {  	_ =	swait.ge [sflag:s23], $0x1  }
0xa3: {  	[sflag:s23] =	ssyncset.done $0x0  }
0xa4: {  	s25 =	simm.s32 $0x1B8E;
	s24 =	sld [smem:$0x3FFE];
	[sflag:s23] =	ssyncadd.s32 $0xFFFFFFFF  }
0xa5: {  	s26 =	simm.s32 $execute0_lowered;
	[smem:$0x3FD2] =	sst s25  }
0xa6: {  	s5 =	sshll.u32 s26, $0x1;
	_ =	strace $0x80000046;
	[dreg:$0x1] =	wrdreg $0xFFFFFFFF  }
0xa7: {  	s28 =	simm.s32 $_size_execute0_lowered;
	s3 =	sadd.s32 s3, s5;
	[dreg:$0x0] =	wrdreg $0x0  }
0xa8: {  	s5 =	sshll.u32 s28, $0x1;
	[dreg:$0x2] =	wrdreg s3  }
0xa9: {  	[dreg:$0x3] =	wrdreg s5  }
0xaa: {  	[dreg:$0x4] =	wrdreg $0xC0  }
0xab: {  	_ =	task [dreg:s7], $0x5FFFF  }
0xac: {  	[dreg:$0x1] =	wrdreg $0xFFFFFFFF  }
0xad: {  	[dreg:$0x0] =	wrdreg $0x60  }
0xae: {  	[dreg:$0x2] =	wrdreg s24  }
0xaf: {  	[dreg:$0x3] =	wrdreg s2  }
0xb0: {  	[dreg:$0x4] =	wrdreg $0x9  }
0xb1: {  	_ =	task.clear_ibuf [dreg:s7], $0x5FFFF;
	_ =	strace $0x90000046  }
0xb2: {  	s29 =	simm.s32 $0x9;
	_ =	strace $0x80000048  }
0xb3: {  	_ =	swait.ge [sflag:s29], $0x1  }
0xb4: {  	[sflag:s29] =	ssyncadd.s32 $0xFFFFFFFF  }
0xb5: {  	_ =	strace $0x90000048  }
0xb6: {  	_ =	sfence  }
0xb7: {  	s30 =	sld [smem:$0x0];
	_ =	sdelay $0x2  }
0xb8: {  	s31 =	sshll.u32 s1, $0xD;
	s1 =	sshrl.u32 s1, $0x2  }
0xb9: {  	s3 =	sand.u32 $0x4000, s31;
	s1 =	sadd.s32 s1, s30  }
0xba: {  	s0 =	sor.u32 s3, s0;
	s1 =	sshll.u32 s1, $0x11  }
0xbb: {  	s0 =	sor.u32 s1, s0  }
0xbc: {  	s0 =	sadd.s32 $0x8F2B, s0  }
0xbd: {  	[sflag:s0] =	ssyncadd.remote.s32 $0x1  }
0xbe: {  	_ =	sfence.sel $0xFFFF  }
0xbf: {  	[dreg:$0x0] =	wrdreg $0xFFFFFFFF;
	(pc) =	sbr.abs _section_cstart, $3  }
0xc0: {  	[dreg:$0x1] =	wrdreg $0xFFFFFFFF  }
0xc1: {  	_ =	task.clear_ibuf [dreg:s7], $0x2FFFF;
	_ =	strace $0x9FFFFFFF  }
0xc2: {  	(tm) =	ssettm $0x7FFFFFFF  }
0xc3: {  	_ =	shalt  }
tec
execute0_lowered:
.L_overlay_start_1:
0x0: {  	(tag) =	ssettag $0x1  }
0x1: {  	s0 =	rddreg [dreg:$0x0]  }
0x2: {  	s1 =	rddreg [dreg:$0x1];
	s2 =	simm.s32 $0x0  }
0x3: {  	s3 =	srdreg.scid;
	s5 =	stileid.u32;
	s14 =	simm.s32 $0x2  }
0x4: {  	s15 =	simm.s32 $0x80;
	s16 =	simm.s32 $0x4000;
	s18 =	simm.s32 $0x8000  }
0x5: {  	s20 =	simm.s32 $0xC000;
	s22 =	simm.s32 $0x10000;
	s23 =	simm.s32 $0x1  }
0x6: {  	s21 =	simm.s32 $0x14000;
	s17 =	simm.s32 $0x3D80;
	s19 =	simm.s32 $0x3E80  }
0x7: {  	s24 =	simm.s32 $0x3F00;
	s25 =	simm.s32 $0x3F80;
	s26 =	simm.s32 $0x0  }
0x8: {  	[smem:$0x7FF] =	sst s2;
	s4 =	sand.u32 $0x1, s3;
	s5 =	sshll.u32 s5, $0x1  }
0x9: {  	s3 =	sadd.s32 $0x187600, s0;
	s5 =	sor.u32 s4, s5;
	s4 =	ssub.s32 $0x2, s4  }
0xa: {  	_ =	strace $0x80000047;
	s6 =	sshll.u32 s5, $0xE;
	s7 =	sshrl.u32 s4, $0x1  }
0xb: {  	s5 =	sshll.u32 s5, $0xB;
	s0 =	sadd.s32 s6, s0;
	s13 =	ssub.s32 s4, s7  }
0xc: {  	s4 =	sadd.s32 s1, s5;
	s1 =	simm.s32 $0x3D00;
	s5 =	sadd.s32 $0xA00, s0  }
0xd: {  	s6 =	sadd.s32 $0x1200, s0;
	s7 =	sadd.s32 $0x1A00, s0;
	s8 =	sadd.s32 $0x2200, s0  }
0xe: {  	s9 =	sadd.s32 $0x2A00, s0;
	s10 =	sadd.s32 $0x3200, s0;
	s11 =	sadd.s32 $0x3A00, s0  }
0xf: {  	s12 =	sadd.s32 $0x4200, s0;
	s13 =	smax.u32 s13, $0x1;
	s0 =	simm.s32 $0x3C80  }
.LBB2_1:
0x10: {  	[tilespmem:s2], [sflag:$0x2] =	stream.linear.gather [hbm4b:s4+s2], $0x4000, $0x38;
	[tilespmem:$0x18000] =	vst v63  }
0x11: {  	_ =	swait.ge [sflag:s14], $0x4000  }
0x12: {  	[sflag:s14] =	ssyncset.done $0x0  }
0x13: {  	[sflag:s14] =	ssyncadd.s32 $0xFFFFC000  }
0x14: {  	[tilespmem:s16], [sflag:$0x1] =	stream.indirect.gather [hbm4b:s3+s15], $0x80, s2, s15, $0xb8;
	[tilespmem:$0x18000] =	vst v63  }
0x15: {  	s28 =	simm.s32 $0x200  }
0x16: {  	[tilespmem:s18], [sflag:$0x1] =	stream.indirect.gather [hbm4b:s3+s15], $0x80, s28, s15, $0xb8;
	[tilespmem:$0x18000] =	vst v63  }
0x17: {  	s28 =	simm.s32 $0x400  }
0x18: {  	[tilespmem:s20], [sflag:$0x1] =	stream.indirect.gather [hbm4b:s3+s15], $0x80, s28, s15, $0xb8;
	[tilespmem:$0x18000] =	vst v63  }
0x19: {  	s28 =	simm.s32 $0x600  }
0x1a: {  	[tilespmem:s22], [sflag:$0x1] =	stream.indirect.gather [hbm4b:s3+s15], $0x80, s28, s15, $0xb8;
	[tilespmem:$0x18000] =	vst v63  }
0x1b: {  	_ =	swait.ge [sflag:s23], $0x4000  }
0x1c: {  	[sflag:s23] =	ssyncset.done $0x0  }
0x1d: {  	[sflag:s23] =	ssyncadd.s32 $0xFFFFC000  }
0x1e: {  	_ =	swait.ge [sflag:s23], $0x4000  }
0x1f: {  	[sflag:s23] =	ssyncset.done $0x0  }
0x20: {  	[sflag:s23] =	ssyncadd.s32 $0xFFFFC000  }
0x21: {  	_ =	swait.ge [sflag:s23], $0x4000  }
0x22: {  	[sflag:s23] =	ssyncset.done $0x0  }
0x23: {  	[sflag:s23] =	ssyncadd.s32 $0xFFFFC000  }
0x24: {  	_ =	swait.ge [sflag:s23], $0x4000  }
0x25: {  	[sflag:s23] =	ssyncset.done $0x0  }
0x26: {  	[sflag:s23] =	ssyncadd.s32 $0xFFFFC000  }
0x27: {  	[tilespmem:s16], [sflag:$0x1] =	stream.indirect.gather.add.f32 [hbm:s3], $0x80, s15, s15, $0xb8;
	[tilespmem:$0x18000] =	vst v63  }
0x28: {  	s28 =	simm.s32 $0x100  }
0x29: {  	[tilespmem:s16], [sflag:$0x1] =	stream.indirect.gather.add.f32 [hbm:s3], $0x80, s28, s15, $0xb8;
	[tilespmem:$0x18000] =	vst v63  }
0x2a: {  	s28 =	simm.s32 $0x180  }
0x2b: {  	[tilespmem:s16], [sflag:$0x1] =	stream.indirect.gather.add.f32 [hbm:s3], $0x80, s28, s15, $0xb8;
	[tilespmem:$0x18000] =	vst v63  }
0x2c: {  	s28 =	simm.s32 $0x280  }
0x2d: {  	[tilespmem:s18], [sflag:$0x1] =	stream.indirect.gather.add.f32 [hbm:s3], $0x80, s28, s15, $0xb8;
	[tilespmem:$0x18000] =	vst v63  }
0x2e: {  	s28 =	simm.s32 $0x300  }
0x2f: {  	[tilespmem:s18], [sflag:$0x1] =	stream.indirect.gather.add.f32 [hbm:s3], $0x80, s28, s15, $0xb8;
	[tilespmem:$0x18000] =	vst v63  }
0x30: {  	s28 =	simm.s32 $0x380  }
0x31: {  	[tilespmem:s18], [sflag:$0x1] =	stream.indirect.gather.add.f32 [hbm:s3], $0x80, s28, s15, $0xb8;
	[tilespmem:$0x18000] =	vst v63  }
0x32: {  	s28 =	simm.s32 $0x480  }
0x33: {  	[tilespmem:s20], [sflag:$0x1] =	stream.indirect.gather.add.f32 [hbm:s3], $0x80, s28, s15, $0xb8;
	[tilespmem:$0x18000] =	vst v63  }
0x34: {  	s28 =	simm.s32 $0x500  }
0x35: {  	[tilespmem:s20], [sflag:$0x1] =	stream.indirect.gather.add.f32 [hbm:s3], $0x80, s28, s15, $0xb8;
	[tilespmem:$0x18000] =	vst v63  }
0x36: {  	s28 =	simm.s32 $0x580  }
0x37: {  	[tilespmem:s20], [sflag:$0x1] =	stream.indirect.gather.add.f32 [hbm:s3], $0x80, s28, s15, $0xb8;
	[tilespmem:$0x18000] =	vst v63  }
0x38: {  	s28 =	simm.s32 $0x680  }
0x39: {  	[tilespmem:s22], [sflag:$0x1] =	stream.indirect.gather.add.f32 [hbm:s3], $0x80, s28, s15, $0xb8;
	[tilespmem:$0x18000] =	vst v63  }
0x3a: {  	s28 =	simm.s32 $0x700  }
0x3b: {  	[tilespmem:s22], [sflag:$0x1] =	stream.indirect.gather.add.f32 [hbm:s3], $0x80, s28, s15, $0xb8;
	[tilespmem:$0x18000] =	vst v63  }
0x3c: {  	s28 =	simm.s32 $0x780  }
0x3d: {  	[tilespmem:s22], [sflag:$0x1] =	stream.indirect.gather.add.f32 [hbm:s3], $0x80, s28, s15, $0xb8;
	[tilespmem:$0x18000] =	vst v63  }
0x3e: {  	_ =	swait.ge [sflag:s23], $0x4000  }
0x3f: {  	[sflag:s23] =	ssyncset.done $0x0  }
0x40: {  	[sflag:s23] =	ssyncadd.s32 $0xFFFFC000  }
0x41: {  	_ =	swait.ge [sflag:s23], $0x4000  }
0x42: {  	[sflag:s23] =	ssyncset.done $0x0  }
0x43: {  	[sflag:s23] =	ssyncadd.s32 $0xFFFFC000  }
0x44: {  	_ =	swait.ge [sflag:s23], $0x4000  }
0x45: {  	[sflag:s23] =	ssyncset.done $0x0  }
0x46: {  	[sflag:s23] =	ssyncadd.s32 $0xFFFFC000  }
0x47: {  	_ =	swait.ge [sflag:s23], $0x4000  }
0x48: {  	[sflag:s23] =	ssyncset.done $0x0  }
0x49: {  	[sflag:s23] =	ssyncadd.s32 $0xFFFFC000  }
0x4a: {  	_ =	swait.ge [sflag:s23], $0x4000  }
0x4b: {  	[sflag:s23] =	ssyncset.done $0x0  }
0x4c: {  	[sflag:s23] =	ssyncadd.s32 $0xFFFFC000  }
0x4d: {  	_ =	swait.ge [sflag:s23], $0x4000  }
0x4e: {  	[sflag:s23] =	ssyncset.done $0x0  }
0x4f: {  	[sflag:s23] =	ssyncadd.s32 $0xFFFFC000  }
0x50: {  	_ =	swait.ge [sflag:s23], $0x4000  }
0x51: {  	[sflag:s23] =	ssyncset.done $0x0  }
0x52: {  	[sflag:s23] =	ssyncadd.s32 $0xFFFFC000  }
0x53: {  	_ =	swait.ge [sflag:s23], $0x4000  }
0x54: {  	[sflag:s23] =	ssyncset.done $0x0  }
0x55: {  	[sflag:s23] =	ssyncadd.s32 $0xFFFFC000  }
0x56: {  	_ =	swait.ge [sflag:s23], $0x4000  }
0x57: {  	[sflag:s23] =	ssyncset.done $0x0  }
0x58: {  	[sflag:s23] =	ssyncadd.s32 $0xFFFFC000  }
0x59: {  	_ =	swait.ge [sflag:s23], $0x4000  }
0x5a: {  	[sflag:s23] =	ssyncset.done $0x0  }
0x5b: {  	[sflag:s23] =	ssyncadd.s32 $0xFFFFC000  }
0x5c: {  	_ =	swait.ge [sflag:s23], $0x4000  }
0x5d: {  	[sflag:s23] =	ssyncset.done $0x0  }
0x5e: {  	[sflag:s23] =	ssyncadd.s32 $0xFFFFC000  }
0x5f: {  	_ =	swait.ge [sflag:s23], $0x4000  }
0x60: {  	[sflag:s23] =	ssyncset.done $0x0  }
0x61: {  	s28 =	simm.s32 $0x0;
	[sflag:s23] =	ssyncadd.s32 $0xFFFFC000  }
0x62: {  	v1 =	vld [tilespmem:s28+$0x4000]  }
0x63: {  	v3 =	vld [tilespmem:s28+$0x8020]  }
0x64: {  	v4 =	vld [tilespmem:s28+$0xC040]  }
0x65: {  	v5 =	vld [tilespmem:s28+$0x10060];
	_ =	sdelay $0x1  }
0x66: {  	s29 =	simm.s32 $0x80  }
0x67: {  	v0 =	vld [tilespmem:s29+$0x4000]  }
0x68: {  	v2 =	vld [tilespmem:s29+$0x8020]  }
0x69: {  	v6 =	vadd.f32 v3, v1;
	v4 =	vadd.f32 v5, v4;
	v1 =	vld [tilespmem:s29+$0xC040]  }
0x6a: {  	v3 =	vld [tilespmem:s29+$0x10060]  }
0x6b: {  	s30 =	simm.s32 $0x400;
	v4 =	vadd.f32 v4, v6  }
.LBB2_2:
0x6c: {  	s31 =	sshra.s32 s30, $0x2;
	v5 =	vmov v0;
	p0 =	sne.s32 s30, $0xFE00  }
.Ltmp0:
0x6d: {  	v0 =	vld [tilespmem:s31+$0x4000];
	[tilespmem:s28+$0x14000] =	vst v4;
	v4 =	vmov v2;
	s28 =	smov.u32 s29;
	s29 =	smov.u32 s31;
	(pc) =	sbr.rel @p0 .LBB2_2-.Ltmp0, $4  }
0x6e: {  	v2 =	vld [tilespmem:s29+$0x8020]  }
0x6f: {  	s30 =	sadd.s32 $0x200, s30;
	v4 =	vadd.f32 v4, v5;
	v5 =	vadd.f32 v3, v1;
	v1 =	vld [tilespmem:s29+$0xC040]  }
0x70: {  	v3 =	vld [tilespmem:s29+$0x10060]  }
0x71: {  	v4 =	vadd.f32 v5, v4  }
0x72: {  	_ =	sdelay $0x2  }
0x73: {  	v0 =	vadd.f32 v2, v0;
	v1 =	vadd.f32 v3, v1;
	_ =	sdelay $0x1  }
0x74: {  	v0 =	vadd.f32 v1, v0  }
0x75: {  	[tilespmem:s28+$0x14000] =	vst v4  }
0x76: {  	s28 =	simm.s32 $0x0;
	[tilespmem:s29+$0x14000] =	vst v0  }
0x77: {  	[hbm4b:s5+s28] =	stream.linear.scatter [tilespmem:s21], [sflag:$0x2], $0x4000, $0x38;
	[tilespmem:$0x18000] =	vst v63  }
0x78: {  	_ =	swait.ge [sflag:s14], $0x4000  }
0x79: {  	[sflag:s14] =	ssyncset.done $0x0  }
0x7a: {  	s28 =	simm.s32 $0x800;
	[sflag:s14] =	ssyncadd.s32 $0xFFFFC000  }
0x7b: {  	[tilespmem:s16], [sflag:$0x1] =	stream.indirect.gather [hbm4b:s3+s15], $0x80, s28, s15, $0xb8;
	[tilespmem:$0x18000] =	vst v63  }
0x7c: {  	s28 =	simm.s32 $0xA00  }
0x7d: {  	[tilespmem:s18], [sflag:$0x1] =	stream.indirect.gather [hbm4b:s3+s15], $0x80, s28, s15, $0xb8;
	[tilespmem:$0x18000] =	vst v63  }
0x7e: {  	s28 =	simm.s32 $0xC00  }
0x7f: {  	[tilespmem:s20], [sflag:$0x1] =	stream.indirect.gather [hbm4b:s3+s15], $0x80, s28, s15, $0xb8;
	[tilespmem:$0x18000] =	vst v63  }
0x80: {  	s28 =	simm.s32 $0xE00  }
0x81: {  	[tilespmem:s22], [sflag:$0x1] =	stream.indirect.gather [hbm4b:s3+s15], $0x80, s28, s15, $0xb8;
	[tilespmem:$0x18000] =	vst v63  }
0x82: {  	_ =	swait.ge [sflag:s23], $0x4000  }
0x83: {  	[sflag:s23] =	ssyncset.done $0x0  }
0x84: {  	[sflag:s23] =	ssyncadd.s32 $0xFFFFC000  }
0x85: {  	_ =	swait.ge [sflag:s23], $0x4000  }
0x86: {  	[sflag:s23] =	ssyncset.done $0x0  }
0x87: {  	[sflag:s23] =	ssyncadd.s32 $0xFFFFC000  }
0x88: {  	_ =	swait.ge [sflag:s23], $0x4000  }
0x89: {  	[sflag:s23] =	ssyncset.done $0x0  }
0x8a: {  	[sflag:s23] =	ssyncadd.s32 $0xFFFFC000  }
0x8b: {  	_ =	swait.ge [sflag:s23], $0x4000  }
0x8c: {  	[sflag:s23] =	ssyncset.done $0x0  }
0x8d: {  	s28 =	simm.s32 $0x880;
	[sflag:s23] =	ssyncadd.s32 $0xFFFFC000  }
0x8e: {  	[tilespmem:s16], [sflag:$0x1] =	stream.indirect.gather.add.f32 [hbm:s3], $0x80, s28, s15, $0xb8;
	[tilespmem:$0x18000] =	vst v63  }
0x8f: {  	s28 =	simm.s32 $0x900  }
0x90: {  	[tilespmem:s16], [sflag:$0x1] =	stream.indirect.gather.add.f32 [hbm:s3], $0x80, s28, s15, $0xb8;
	[tilespmem:$0x18000] =	vst v63  }
0x91: {  	s28 =	simm.s32 $0x980  }
0x92: {  	[tilespmem:s16], [sflag:$0x1] =	stream.indirect.gather.add.f32 [hbm:s3], $0x80, s28, s15, $0xb8;
	[tilespmem:$0x18000] =	vst v63  }
0x93: {  	s28 =	simm.s32 $0xA80  }
0x94: {  	[tilespmem:s18], [sflag:$0x1] =	stream.indirect.gather.add.f32 [hbm:s3], $0x80, s28, s15, $0xb8;
	[tilespmem:$0x18000] =	vst v63  }
0x95: {  	s28 =	simm.s32 $0xB00  }
0x96: {  	[tilespmem:s18], [sflag:$0x1] =	stream.indirect.gather.add.f32 [hbm:s3], $0x80, s28, s15, $0xb8;
	[tilespmem:$0x18000] =	vst v63  }
0x97: {  	s28 =	simm.s32 $0xB80  }
0x98: {  	[tilespmem:s18], [sflag:$0x1] =	stream.indirect.gather.add.f32 [hbm:s3], $0x80, s28, s15, $0xb8;
	[tilespmem:$0x18000] =	vst v63  }
0x99: {  	s28 =	simm.s32 $0xC80  }
0x9a: {  	[tilespmem:s20], [sflag:$0x1] =	stream.indirect.gather.add.f32 [hbm:s3], $0x80, s28, s15, $0xb8;
	[tilespmem:$0x18000] =	vst v63  }
0x9b: {  	s28 =	simm.s32 $0xD00  }
0x9c: {  	[tilespmem:s20], [sflag:$0x1] =	stream.indirect.gather.add.f32 [hbm:s3], $0x80, s28, s15, $0xb8;
	[tilespmem:$0x18000] =	vst v63  }
0x9d: {  	s28 =	simm.s32 $0xD80  }
0x9e: {  	[tilespmem:s20], [sflag:$0x1] =	stream.indirect.gather.add.f32 [hbm:s3], $0x80, s28, s15, $0xb8;
	[tilespmem:$0x18000] =	vst v63  }
0x9f: {  	s28 =	simm.s32 $0xE80  }
0xa0: {  	[tilespmem:s22], [sflag:$0x1] =	stream.indirect.gather.add.f32 [hbm:s3], $0x80, s28, s15, $0xb8;
	[tilespmem:$0x18000] =	vst v63  }
0xa1: {  	s28 =	simm.s32 $0xF00  }
0xa2: {  	[tilespmem:s22], [sflag:$0x1] =	stream.indirect.gather.add.f32 [hbm:s3], $0x80, s28, s15, $0xb8;
	[tilespmem:$0x18000] =	vst v63  }
0xa3: {  	s28 =	simm.s32 $0xF80  }
0xa4: {  	[tilespmem:s22], [sflag:$0x1] =	stream.indirect.gather.add.f32 [hbm:s3], $0x80, s28, s15, $0xb8;
	[tilespmem:$0x18000] =	vst v63  }
0xa5: {  	_ =	swait.ge [sflag:s23], $0x4000  }
0xa6: {  	[sflag:s23] =	ssyncset.done $0x0  }
0xa7: {  	[sflag:s23] =	ssyncadd.s32 $0xFFFFC000  }
0xa8: {  	_ =	swait.ge [sflag:s23], $0x4000  }
0xa9: {  	[sflag:s23] =	ssyncset.done $0x0  }
0xaa: {  	[sflag:s23] =	ssyncadd.s32 $0xFFFFC000  }
0xab: {  	_ =	swait.ge [sflag:s23], $0x4000  }
0xac: {  	[sflag:s23] =	ssyncset.done $0x0  }
0xad: {  	[sflag:s23] =	ssyncadd.s32 $0xFFFFC000  }
0xae: {  	_ =	swait.ge [sflag:s23], $0x4000  }
0xaf: {  	[sflag:s23] =	ssyncset.done $0x0  }
0xb0: {  	[sflag:s23] =	ssyncadd.s32 $0xFFFFC000  }
0xb1: {  	_ =	swait.ge [sflag:s23], $0x4000  }
0xb2: {  	[sflag:s23] =	ssyncset.done $0x0  }
0xb3: {  	[sflag:s23] =	ssyncadd.s32 $0xFFFFC000  }
0xb4: {  	_ =	swait.ge [sflag:s23], $0x4000  }
0xb5: {  	[sflag:s23] =	ssyncset.done $0x0  }
0xb6: {  	[sflag:s23] =	ssyncadd.s32 $0xFFFFC000  }
0xb7: {  	_ =	swait.ge [sflag:s23], $0x4000  }
0xb8: {  	[sflag:s23] =	ssyncset.done $0x0  }
0xb9: {  	[sflag:s23] =	ssyncadd.s32 $0xFFFFC000  }
0xba: {  	_ =	swait.ge [sflag:s23], $0x4000  }
0xbb: {  	[sflag:s23] =	ssyncset.done $0x0  }
0xbc: {  	[sflag:s23] =	ssyncadd.s32 $0xFFFFC000  }
0xbd: {  	_ =	swait.ge [sflag:s23], $0x4000  }
0xbe: {  	[sflag:s23] =	ssyncset.done $0x0  }
0xbf: {  	[sflag:s23] =	ssyncadd.s32 $0xFFFFC000  }
0xc0: {  	_ =	swait.ge [sflag:s23], $0x4000  }
0xc1: {  	[sflag:s23] =	ssyncset.done $0x0  }
0xc2: {  	[sflag:s23] =	ssyncadd.s32 $0xFFFFC000  }
0xc3: {  	_ =	swait.ge [sflag:s23], $0x4000  }
0xc4: {  	[sflag:s23] =	ssyncset.done $0x0  }
0xc5: {  	[sflag:s23] =	ssyncadd.s32 $0xFFFFC000  }
0xc6: {  	_ =	swait.ge [sflag:s23], $0x4000  }
0xc7: {  	[sflag:s23] =	ssyncset.done $0x0  }
0xc8: {  	s28 =	simm.s32 $0x0;
	[sflag:s23] =	ssyncadd.s32 $0xFFFFC000  }
0xc9: {  	v1 =	vld [tilespmem:s28+$0x4000]  }
0xca: {  	v3 =	vld [tilespmem:s28+$0x8020]  }
0xcb: {  	v4 =	vld [tilespmem:s28+$0xC040]  }
0xcc: {  	v5 =	vld [tilespmem:s28+$0x10060];
	_ =	sdelay $0x1  }
0xcd: {  	s29 =	simm.s32 $0x80  }
0xce: {  	v0 =	vld [tilespmem:s29+$0x4000]  }
0xcf: {  	v2 =	vld [tilespmem:s29+$0x8020]  }
0xd0: {  	v6 =	vadd.f32 v3, v1;
	v4 =	vadd.f32 v5, v4;
	v1 =	vld [tilespmem:s29+$0xC040]  }
0xd1: {  	v3 =	vld [tilespmem:s29+$0x10060]  }
0xd2: {  	s30 =	simm.s32 $0x400;
	v4 =	vadd.f32 v4, v6  }
.LBB2_4:
0xd3: {  	s31 =	sshra.s32 s30, $0x2;
	v5 =	vmov v0;
	p0 =	sne.s32 s30, $0xFE00  }
.Ltmp1:
0xd4: {  	v0 =	vld [tilespmem:s31+$0x4000];
	[tilespmem:s28+$0x14000] =	vst v4;
	v4 =	vmov v2;
	s28 =	smov.u32 s29;
	s29 =	smov.u32 s31;
	(pc) =	sbr.rel @p0 .LBB2_4-.Ltmp1, $4  }
0xd5: {  	v2 =	vld [tilespmem:s29+$0x8020]  }
0xd6: {  	s30 =	sadd.s32 $0x200, s30;
	v4 =	vadd.f32 v4, v5;
	v5 =	vadd.f32 v3, v1;
	v1 =	vld [tilespmem:s29+$0xC040]  }
0xd7: {  	v3 =	vld [tilespmem:s29+$0x10060]  }
0xd8: {  	v4 =	vadd.f32 v5, v4  }
0xd9: {  	_ =	sdelay $0x2  }
0xda: {  	v0 =	vadd.f32 v2, v0;
	v1 =	vadd.f32 v3, v1;
	_ =	sdelay $0x1  }
0xdb: {  	v0 =	vadd.f32 v1, v0  }
0xdc: {  	[tilespmem:s28+$0x14000] =	vst v4  }
0xdd: {  	s28 =	simm.s32 $0x0;
	[tilespmem:s29+$0x14000] =	vst v0  }
0xde: {  	[hbm4b:s6+s28] =	stream.linear.scatter [tilespmem:s21], [sflag:$0x2], $0x4000, $0x38;
	[tilespmem:$0x18000] =	vst v63  }
0xdf: {  	_ =	swait.ge [sflag:s14], $0x4000  }
0xe0: {  	[sflag:s14] =	ssyncset.done $0x0  }
0xe1: {  	s28 =	simm.s32 $0x1000;
	[sflag:s14] =	ssyncadd.s32 $0xFFFFC000  }
0xe2: {  	[tilespmem:s16], [sflag:$0x1] =	stream.indirect.gather [hbm4b:s3+s15], $0x80, s28, s15, $0xb8;
	[tilespmem:$0x18000] =	vst v63  }
0xe3: {  	s28 =	simm.s32 $0x1200  }
0xe4: {  	[tilespmem:s18], [sflag:$0x1] =	stream.indirect.gather [hbm4b:s3+s15], $0x80, s28, s15, $0xb8;
	[tilespmem:$0x18000] =	vst v63  }
0xe5: {  	s28 =	simm.s32 $0x1400  }
0xe6: {  	[tilespmem:s20], [sflag:$0x1] =	stream.indirect.gather [hbm4b:s3+s15], $0x80, s28, s15, $0xb8;
	[tilespmem:$0x18000] =	vst v63  }
0xe7: {  	s28 =	simm.s32 $0x1600  }
0xe8: {  	[tilespmem:s22], [sflag:$0x1] =	stream.indirect.gather [hbm4b:s3+s15], $0x80, s28, s15, $0xb8;
	[tilespmem:$0x18000] =	vst v63  }
0xe9: {  	_ =	swait.ge [sflag:s23], $0x4000  }
0xea: {  	[sflag:s23] =	ssyncset.done $0x0  }
0xeb: {  	[sflag:s23] =	ssyncadd.s32 $0xFFFFC000  }
0xec: {  	_ =	swait.ge [sflag:s23], $0x4000  }
0xed: {  	[sflag:s23] =	ssyncset.done $0x0  }
0xee: {  	[sflag:s23] =	ssyncadd.s32 $0xFFFFC000  }
0xef: {  	_ =	swait.ge [sflag:s23], $0x4000  }
0xf0: {  	[sflag:s23] =	ssyncset.done $0x0  }
0xf1: {  	[sflag:s23] =	ssyncadd.s32 $0xFFFFC000  }
0xf2: {  	_ =	swait.ge [sflag:s23], $0x4000  }
0xf3: {  	[sflag:s23] =	ssyncset.done $0x0  }
0xf4: {  	s28 =	simm.s32 $0x1080;
	[sflag:s23] =	ssyncadd.s32 $0xFFFFC000  }
0xf5: {  	[tilespmem:s16], [sflag:$0x1] =	stream.indirect.gather.add.f32 [hbm:s3], $0x80, s28, s15, $0xb8;
	[tilespmem:$0x18000] =	vst v63  }
0xf6: {  	s28 =	simm.s32 $0x1100  }
0xf7: {  	[tilespmem:s16], [sflag:$0x1] =	stream.indirect.gather.add.f32 [hbm:s3], $0x80, s28, s15, $0xb8;
	[tilespmem:$0x18000] =	vst v63  }
0xf8: {  	s28 =	simm.s32 $0x1180  }
0xf9: {  	[tilespmem:s16], [sflag:$0x1] =	stream.indirect.gather.add.f32 [hbm:s3], $0x80, s28, s15, $0xb8;
	[tilespmem:$0x18000] =	vst v63  }
0xfa: {  	s28 =	simm.s32 $0x1280  }
0xfb: {  	[tilespmem:s18], [sflag:$0x1] =	stream.indirect.gather.add.f32 [hbm:s3], $0x80, s28, s15, $0xb8;
	[tilespmem:$0x18000] =	vst v63  }
0xfc: {  	s28 =	simm.s32 $0x1300  }
0xfd: {  	[tilespmem:s18], [sflag:$0x1] =	stream.indirect.gather.add.f32 [hbm:s3], $0x80, s28, s15, $0xb8;
	[tilespmem:$0x18000] =	vst v63  }
0xfe: {  	s28 =	simm.s32 $0x1380  }
0xff: {  	[tilespmem:s18], [sflag:$0x1] =	stream.indirect.gather.add.f32 [hbm:s3], $0x80, s28, s15, $0xb8;
	[tilespmem:$0x18000] =	vst v63  }
0x100: {  	s28 =	simm.s32 $0x1480  }
0x101: {  	[tilespmem:s20], [sflag:$0x1] =	stream.indirect.gather.add.f32 [hbm:s3], $0x80, s28, s15, $0xb8;
	[tilespmem:$0x18000] =	vst v63  }
0x102: {  	s28 =	simm.s32 $0x1500  }
0x103: {  	[tilespmem:s20], [sflag:$0x1] =	stream.indirect.gather.add.f32 [hbm:s3], $0x80, s28, s15, $0xb8;
	[tilespmem:$0x18000] =	vst v63  }
0x104: {  	s28 =	simm.s32 $0x1580  }
0x105: {  	[tilespmem:s20], [sflag:$0x1] =	stream.indirect.gather.add.f32 [hbm:s3], $0x80, s28, s15, $0xb8;
	[tilespmem:$0x18000] =	vst v63  }
0x106: {  	s28 =	simm.s32 $0x1680  }
0x107: {  	[tilespmem:s22], [sflag:$0x1] =	stream.indirect.gather.add.f32 [hbm:s3], $0x80, s28, s15, $0xb8;
	[tilespmem:$0x18000] =	vst v63  }
0x108: {  	s28 =	simm.s32 $0x1700  }
0x109: {  	[tilespmem:s22], [sflag:$0x1] =	stream.indirect.gather.add.f32 [hbm:s3], $0x80, s28, s15, $0xb8;
	[tilespmem:$0x18000] =	vst v63  }
0x10a: {  	s28 =	simm.s32 $0x1780  }
0x10b: {  	[tilespmem:s22], [sflag:$0x1] =	stream.indirect.gather.add.f32 [hbm:s3], $0x80, s28, s15, $0xb8;
	[tilespmem:$0x18000] =	vst v63  }
0x10c: {  	_ =	swait.ge [sflag:s23], $0x4000  }
0x10d: {  	[sflag:s23] =	ssyncset.done $0x0  }
0x10e: {  	[sflag:s23] =	ssyncadd.s32 $0xFFFFC000  }
0x10f: {  	_ =	swait.ge [sflag:s23], $0x4000  }
0x110: {  	[sflag:s23] =	ssyncset.done $0x0  }
0x111: {  	[sflag:s23] =	ssyncadd.s32 $0xFFFFC000  }
0x112: {  	_ =	swait.ge [sflag:s23], $0x4000  }
0x113: {  	[sflag:s23] =	ssyncset.done $0x0  }
0x114: {  	[sflag:s23] =	ssyncadd.s32 $0xFFFFC000  }
0x115: {  	_ =	swait.ge [sflag:s23], $0x4000  }
0x116: {  	[sflag:s23] =	ssyncset.done $0x0  }
0x117: {  	[sflag:s23] =	ssyncadd.s32 $0xFFFFC000  }
0x118: {  	_ =	swait.ge [sflag:s23], $0x4000  }
0x119: {  	[sflag:s23] =	ssyncset.done $0x0  }
0x11a: {  	[sflag:s23] =	ssyncadd.s32 $0xFFFFC000  }
0x11b: {  	_ =	swait.ge [sflag:s23], $0x4000  }
0x11c: {  	[sflag:s23] =	ssyncset.done $0x0  }
0x11d: {  	[sflag:s23] =	ssyncadd.s32 $0xFFFFC000  }
0x11e: {  	_ =	swait.ge [sflag:s23], $0x4000  }
0x11f: {  	[sflag:s23] =	ssyncset.done $0x0  }
0x120: {  	[sflag:s23] =	ssyncadd.s32 $0xFFFFC000  }
0x121: {  	_ =	swait.ge [sflag:s23], $0x4000  }
0x122: {  	[sflag:s23] =	ssyncset.done $0x0  }
0x123: {  	[sflag:s23] =	ssyncadd.s32 $0xFFFFC000  }
0x124: {  	_ =	swait.ge [sflag:s23], $0x4000  }
0x125: {  	[sflag:s23] =	ssyncset.done $0x0  }
0x126: {  	[sflag:s23] =	ssyncadd.s32 $0xFFFFC000  }
0x127: {  	_ =	swait.ge [sflag:s23], $0x4000  }
0x128: {  	[sflag:s23] =	ssyncset.done $0x0  }
0x129: {  	[sflag:s23] =	ssyncadd.s32 $0xFFFFC000  }
0x12a: {  	_ =	swait.ge [sflag:s23], $0x4000  }
0x12b: {  	[sflag:s23] =	ssyncset.done $0x0  }
0x12c: {  	[sflag:s23] =	ssyncadd.s32 $0xFFFFC000  }
0x12d: {  	_ =	swait.ge [sflag:s23], $0x4000  }
0x12e: {  	[sflag:s23] =	ssyncset.done $0x0  }
0x12f: {  	s28 =	simm.s32 $0x0;
	[sflag:s23] =	ssyncadd.s32 $0xFFFFC000  }
0x130: {  	v1 =	vld [tilespmem:s28+$0x4000]  }
0x131: {  	v3 =	vld [tilespmem:s28+$0x8020]  }
0x132: {  	v4 =	vld [tilespmem:s28+$0xC040]  }
0x133: {  	v5 =	vld [tilespmem:s28+$0x10060];
	_ =	sdelay $0x1  }
0x134: {  	s29 =	simm.s32 $0x80  }
0x135: {  	v0 =	vld [tilespmem:s29+$0x4000]  }
0x136: {  	v2 =	vld [tilespmem:s29+$0x8020]  }
0x137: {  	v6 =	vadd.f32 v3, v1;
	v4 =	vadd.f32 v5, v4;
	v1 =	vld [tilespmem:s29+$0xC040]  }
0x138: {  	v3 =	vld [tilespmem:s29+$0x10060]  }
0x139: {  	s30 =	simm.s32 $0x400;
	v4 =	vadd.f32 v4, v6  }
.LBB2_6:
0x13a: {  	s31 =	sshra.s32 s30, $0x2;
	v5 =	vmov v0;
	p0 =	sne.s32 s30, $0xFE00  }
.Ltmp2:
0x13b: {  	v0 =	vld [tilespmem:s31+$0x4000];
	[tilespmem:s28+$0x14000] =	vst v4;
	v4 =	vmov v2;
	s28 =	smov.u32 s29;
	s29 =	smov.u32 s31;
	(pc) =	sbr.rel @p0 .LBB2_6-.Ltmp2, $4  }
0x13c: {  	v2 =	vld [tilespmem:s29+$0x8020]  }
0x13d: {  	s30 =	sadd.s32 $0x200, s30;
	v4 =	vadd.f32 v4, v5;
	v5 =	vadd.f32 v3, v1;
	v1 =	vld [tilespmem:s29+$0xC040]  }
0x13e: {  	v3 =	vld [tilespmem:s29+$0x10060]  }
0x13f: {  	v4 =	vadd.f32 v5, v4  }
0x140: {  	_ =	sdelay $0x2  }
0x141: {  	v0 =	vadd.f32 v2, v0;
	v1 =	vadd.f32 v3, v1;
	_ =	sdelay $0x1  }
0x142: {  	v0 =	vadd.f32 v1, v0  }
0x143: {  	[tilespmem:s28+$0x14000] =	vst v4  }
0x144: {  	s28 =	simm.s32 $0x0;
	[tilespmem:s29+$0x14000] =	vst v0  }
0x145: {  	[hbm4b:s7+s28] =	stream.linear.scatter [tilespmem:s21], [sflag:$0x2], $0x4000, $0x38;
	[tilespmem:$0x18000] =	vst v63  }
0x146: {  	_ =	swait.ge [sflag:s14], $0x4000  }
0x147: {  	[sflag:s14] =	ssyncset.done $0x0  }
0x148: {  	s28 =	simm.s32 $0x1800;
	[sflag:s14] =	ssyncadd.s32 $0xFFFFC000  }
0x149: {  	[tilespmem:s16], [sflag:$0x1] =	stream.indirect.gather [hbm4b:s3+s15], $0x80, s28, s15, $0xb8;
	[tilespmem:$0x18000] =	vst v63  }
0x14a: {  	s28 =	simm.s32 $0x1A00  }
0x14b: {  	[tilespmem:s18], [sflag:$0x1] =	stream.indirect.gather [hbm4b:s3+s15], $0x80, s28, s15, $0xb8;
	[tilespmem:$0x18000] =	vst v63  }
0x14c: {  	s28 =	simm.s32 $0x1C00  }
0x14d: {  	[tilespmem:s20], [sflag:$0x1] =	stream.indirect.gather [hbm4b:s3+s15], $0x80, s28, s15, $0xb8;
	[tilespmem:$0x18000] =	vst v63  }
0x14e: {  	s28 =	simm.s32 $0x1E00  }
0x14f: {  	[tilespmem:s22], [sflag:$0x1] =	stream.indirect.gather [hbm4b:s3+s15], $0x80, s28, s15, $0xb8;
	[tilespmem:$0x18000] =	vst v63  }
0x150: {  	_ =	swait.ge [sflag:s23], $0x4000  }
0x151: {  	[sflag:s23] =	ssyncset.done $0x0  }
0x152: {  	[sflag:s23] =	ssyncadd.s32 $0xFFFFC000  }
0x153: {  	_ =	swait.ge [sflag:s23], $0x4000  }
0x154: {  	[sflag:s23] =	ssyncset.done $0x0  }
0x155: {  	[sflag:s23] =	ssyncadd.s32 $0xFFFFC000  }
0x156: {  	_ =	swait.ge [sflag:s23], $0x4000  }
0x157: {  	[sflag:s23] =	ssyncset.done $0x0  }
0x158: {  	[sflag:s23] =	ssyncadd.s32 $0xFFFFC000  }
0x159: {  	_ =	swait.ge [sflag:s23], $0x4000  }
0x15a: {  	[sflag:s23] =	ssyncset.done $0x0  }
0x15b: {  	s28 =	simm.s32 $0x1880;
	[sflag:s23] =	ssyncadd.s32 $0xFFFFC000  }
0x15c: {  	[tilespmem:s16], [sflag:$0x1] =	stream.indirect.gather.add.f32 [hbm:s3], $0x80, s28, s15, $0xb8;
	[tilespmem:$0x18000] =	vst v63  }
0x15d: {  	s28 =	simm.s32 $0x1900  }
0x15e: {  	[tilespmem:s16], [sflag:$0x1] =	stream.indirect.gather.add.f32 [hbm:s3], $0x80, s28, s15, $0xb8;
	[tilespmem:$0x18000] =	vst v63  }
0x15f: {  	s28 =	simm.s32 $0x1980  }
0x160: {  	[tilespmem:s16], [sflag:$0x1] =	stream.indirect.gather.add.f32 [hbm:s3], $0x80, s28, s15, $0xb8;
	[tilespmem:$0x18000] =	vst v63  }
0x161: {  	s28 =	simm.s32 $0x1A80  }
0x162: {  	[tilespmem:s18], [sflag:$0x1] =	stream.indirect.gather.add.f32 [hbm:s3], $0x80, s28, s15, $0xb8;
	[tilespmem:$0x18000] =	vst v63  }
0x163: {  	s28 =	simm.s32 $0x1B00  }
0x164: {  	[tilespmem:s18], [sflag:$0x1] =	stream.indirect.gather.add.f32 [hbm:s3], $0x80, s28, s15, $0xb8;
	[tilespmem:$0x18000] =	vst v63  }
0x165: {  	s28 =	simm.s32 $0x1B80  }
0x166: {  	[tilespmem:s18], [sflag:$0x1] =	stream.indirect.gather.add.f32 [hbm:s3], $0x80, s28, s15, $0xb8;
	[tilespmem:$0x18000] =	vst v63  }
0x167: {  	s28 =	simm.s32 $0x1C80  }
0x168: {  	[tilespmem:s20], [sflag:$0x1] =	stream.indirect.gather.add.f32 [hbm:s3], $0x80, s28, s15, $0xb8;
	[tilespmem:$0x18000] =	vst v63  }
0x169: {  	s28 =	simm.s32 $0x1D00  }
0x16a: {  	[tilespmem:s20], [sflag:$0x1] =	stream.indirect.gather.add.f32 [hbm:s3], $0x80, s28, s15, $0xb8;
	[tilespmem:$0x18000] =	vst v63  }
0x16b: {  	s28 =	simm.s32 $0x1D80  }
0x16c: {  	[tilespmem:s20], [sflag:$0x1] =	stream.indirect.gather.add.f32 [hbm:s3], $0x80, s28, s15, $0xb8;
	[tilespmem:$0x18000] =	vst v63  }
0x16d: {  	s28 =	simm.s32 $0x1E80  }
0x16e: {  	[tilespmem:s22], [sflag:$0x1] =	stream.indirect.gather.add.f32 [hbm:s3], $0x80, s28, s15, $0xb8;
	[tilespmem:$0x18000] =	vst v63  }
0x16f: {  	s28 =	simm.s32 $0x1F00  }
0x170: {  	[tilespmem:s22], [sflag:$0x1] =	stream.indirect.gather.add.f32 [hbm:s3], $0x80, s28, s15, $0xb8;
	[tilespmem:$0x18000] =	vst v63  }
0x171: {  	s28 =	simm.s32 $0x1F80  }
0x172: {  	[tilespmem:s22], [sflag:$0x1] =	stream.indirect.gather.add.f32 [hbm:s3], $0x80, s28, s15, $0xb8;
	[tilespmem:$0x18000] =	vst v63  }
0x173: {  	_ =	swait.ge [sflag:s23], $0x4000  }
0x174: {  	[sflag:s23] =	ssyncset.done $0x0  }
0x175: {  	[sflag:s23] =	ssyncadd.s32 $0xFFFFC000  }
0x176: {  	_ =	swait.ge [sflag:s23], $0x4000  }
0x177: {  	[sflag:s23] =	ssyncset.done $0x0  }
0x178: {  	[sflag:s23] =	ssyncadd.s32 $0xFFFFC000  }
0x179: {  	_ =	swait.ge [sflag:s23], $0x4000  }
0x17a: {  	[sflag:s23] =	ssyncset.done $0x0  }
0x17b: {  	[sflag:s23] =	ssyncadd.s32 $0xFFFFC000  }
0x17c: {  	_ =	swait.ge [sflag:s23], $0x4000  }
0x17d: {  	[sflag:s23] =	ssyncset.done $0x0  }
0x17e: {  	[sflag:s23] =	ssyncadd.s32 $0xFFFFC000  }
0x17f: {  	_ =	swait.ge [sflag:s23], $0x4000  }
0x180: {  	[sflag:s23] =	ssyncset.done $0x0  }
0x181: {  	[sflag:s23] =	ssyncadd.s32 $0xFFFFC000  }
0x182: {  	_ =	swait.ge [sflag:s23], $0x4000  }
0x183: {  	[sflag:s23] =	ssyncset.done $0x0  }
0x184: {  	[sflag:s23] =	ssyncadd.s32 $0xFFFFC000  }
0x185: {  	_ =	swait.ge [sflag:s23], $0x4000  }
0x186: {  	[sflag:s23] =	ssyncset.done $0x0  }
0x187: {  	[sflag:s23] =	ssyncadd.s32 $0xFFFFC000  }
0x188: {  	_ =	swait.ge [sflag:s23], $0x4000  }
0x189: {  	[sflag:s23] =	ssyncset.done $0x0  }
0x18a: {  	[sflag:s23] =	ssyncadd.s32 $0xFFFFC000  }
0x18b: {  	_ =	swait.ge [sflag:s23], $0x4000  }
0x18c: {  	[sflag:s23] =	ssyncset.done $0x0  }
0x18d: {  	[sflag:s23] =	ssyncadd.s32 $0xFFFFC000  }
0x18e: {  	_ =	swait.ge [sflag:s23], $0x4000  }
0x18f: {  	[sflag:s23] =	ssyncset.done $0x0  }
0x190: {  	[sflag:s23] =	ssyncadd.s32 $0xFFFFC000  }
0x191: {  	_ =	swait.ge [sflag:s23], $0x4000  }
0x192: {  	[sflag:s23] =	ssyncset.done $0x0  }
0x193: {  	[sflag:s23] =	ssyncadd.s32 $0xFFFFC000  }
0x194: {  	_ =	swait.ge [sflag:s23], $0x4000  }
0x195: {  	[sflag:s23] =	ssyncset.done $0x0  }
0x196: {  	s28 =	simm.s32 $0x0;
	[sflag:s23] =	ssyncadd.s32 $0xFFFFC000  }
0x197: {  	v1 =	vld [tilespmem:s28+$0x4000]  }
0x198: {  	v3 =	vld [tilespmem:s28+$0x8020]  }
0x199: {  	v4 =	vld [tilespmem:s28+$0xC040]  }
0x19a: {  	v5 =	vld [tilespmem:s28+$0x10060];
	_ =	sdelay $0x1  }
0x19b: {  	s29 =	simm.s32 $0x80  }
0x19c: {  	v0 =	vld [tilespmem:s29+$0x4000]  }
0x19d: {  	v2 =	vld [tilespmem:s29+$0x8020]  }
0x19e: {  	v6 =	vadd.f32 v3, v1;
	v4 =	vadd.f32 v5, v4;
	v1 =	vld [tilespmem:s29+$0xC040]  }
0x19f: {  	v3 =	vld [tilespmem:s29+$0x10060]  }
0x1a0: {  	s30 =	simm.s32 $0x400;
	v4 =	vadd.f32 v4, v6  }
.LBB2_8:
0x1a1: {  	s31 =	sshra.s32 s30, $0x2;
	v5 =	vmov v0;
	p0 =	sne.s32 s30, $0xFE00  }
.Ltmp3:
0x1a2: {  	v0 =	vld [tilespmem:s31+$0x4000];
	[tilespmem:s28+$0x14000] =	vst v4;
	v4 =	vmov v2;
	s28 =	smov.u32 s29;
	s29 =	smov.u32 s31;
	(pc) =	sbr.rel @p0 .LBB2_8-.Ltmp3, $4  }
0x1a3: {  	v2 =	vld [tilespmem:s29+$0x8020]  }
0x1a4: {  	s30 =	sadd.s32 $0x200, s30;
	v4 =	vadd.f32 v4, v5;
	v5 =	vadd.f32 v3, v1;
	v1 =	vld [tilespmem:s29+$0xC040]  }
0x1a5: {  	v3 =	vld [tilespmem:s29+$0x10060]  }
0x1a6: {  	v4 =	vadd.f32 v5, v4  }
0x1a7: {  	_ =	sdelay $0x2  }
0x1a8: {  	v0 =	vadd.f32 v2, v0;
	v1 =	vadd.f32 v3, v1;
	_ =	sdelay $0x1  }
0x1a9: {  	v0 =	vadd.f32 v1, v0  }
0x1aa: {  	[tilespmem:s28+$0x14000] =	vst v4  }
0x1ab: {  	s28 =	simm.s32 $0x0;
	[tilespmem:s29+$0x14000] =	vst v0  }
0x1ac: {  	[hbm4b:s8+s28] =	stream.linear.scatter [tilespmem:s21], [sflag:$0x2], $0x4000, $0x38;
	[tilespmem:$0x18000] =	vst v63  }
0x1ad: {  	_ =	swait.ge [sflag:s14], $0x4000  }
0x1ae: {  	[sflag:s14] =	ssyncset.done $0x0  }
0x1af: {  	s28 =	simm.s32 $0x2000;
	[sflag:s14] =	ssyncadd.s32 $0xFFFFC000  }
0x1b0: {  	[tilespmem:s16], [sflag:$0x1] =	stream.indirect.gather [hbm4b:s3+s15], $0x80, s28, s15, $0xb8;
	[tilespmem:$0x18000] =	vst v63  }
0x1b1: {  	s28 =	simm.s32 $0x2200  }
0x1b2: {  	[tilespmem:s18], [sflag:$0x1] =	stream.indirect.gather [hbm4b:s3+s15], $0x80, s28, s15, $0xb8;
	[tilespmem:$0x18000] =	vst v63  }
0x1b3: {  	s28 =	simm.s32 $0x2400  }
0x1b4: {  	[tilespmem:s20], [sflag:$0x1] =	stream.indirect.gather [hbm4b:s3+s15], $0x80, s28, s15, $0xb8;
	[tilespmem:$0x18000] =	vst v63  }
0x1b5: {  	s28 =	simm.s32 $0x2600  }
0x1b6: {  	[tilespmem:s22], [sflag:$0x1] =	stream.indirect.gather [hbm4b:s3+s15], $0x80, s28, s15, $0xb8;
	[tilespmem:$0x18000] =	vst v63  }
0x1b7: {  	_ =	swait.ge [sflag:s23], $0x4000  }
0x1b8: {  	[sflag:s23] =	ssyncset.done $0x0  }
0x1b9: {  	[sflag:s23] =	ssyncadd.s32 $0xFFFFC000  }
0x1ba: {  	_ =	swait.ge [sflag:s23], $0x4000  }
0x1bb: {  	[sflag:s23] =	ssyncset.done $0x0  }
0x1bc: {  	[sflag:s23] =	ssyncadd.s32 $0xFFFFC000  }
0x1bd: {  	_ =	swait.ge [sflag:s23], $0x4000  }
0x1be: {  	[sflag:s23] =	ssyncset.done $0x0  }
0x1bf: {  	[sflag:s23] =	ssyncadd.s32 $0xFFFFC000  }
0x1c0: {  	_ =	swait.ge [sflag:s23], $0x4000  }
0x1c1: {  	[sflag:s23] =	ssyncset.done $0x0  }
0x1c2: {  	s28 =	simm.s32 $0x2080;
	[sflag:s23] =	ssyncadd.s32 $0xFFFFC000  }
0x1c3: {  	[tilespmem:s16], [sflag:$0x1] =	stream.indirect.gather.add.f32 [hbm:s3], $0x80, s28, s15, $0xb8;
	[tilespmem:$0x18000] =	vst v63  }
0x1c4: {  	s28 =	simm.s32 $0x2100  }
0x1c5: {  	[tilespmem:s16], [sflag:$0x1] =	stream.indirect.gather.add.f32 [hbm:s3], $0x80, s28, s15, $0xb8;
	[tilespmem:$0x18000] =	vst v63  }
0x1c6: {  	s28 =	simm.s32 $0x2180  }
0x1c7: {  	[tilespmem:s16], [sflag:$0x1] =	stream.indirect.gather.add.f32 [hbm:s3], $0x80, s28, s15, $0xb8;
	[tilespmem:$0x18000] =	vst v63  }
0x1c8: {  	s28 =	simm.s32 $0x2280  }
0x1c9: {  	[tilespmem:s18], [sflag:$0x1] =	stream.indirect.gather.add.f32 [hbm:s3], $0x80, s28, s15, $0xb8;
	[tilespmem:$0x18000] =	vst v63  }
0x1ca: {  	s28 =	simm.s32 $0x2300  }
0x1cb: {  	[tilespmem:s18], [sflag:$0x1] =	stream.indirect.gather.add.f32 [hbm:s3], $0x80, s28, s15, $0xb8;
	[tilespmem:$0x18000] =	vst v63  }
0x1cc: {  	s28 =	simm.s32 $0x2380  }
0x1cd: {  	[tilespmem:s18], [sflag:$0x1] =	stream.indirect.gather.add.f32 [hbm:s3], $0x80, s28, s15, $0xb8;
	[tilespmem:$0x18000] =	vst v63  }
0x1ce: {  	s28 =	simm.s32 $0x2480  }
0x1cf: {  	[tilespmem:s20], [sflag:$0x1] =	stream.indirect.gather.add.f32 [hbm:s3], $0x80, s28, s15, $0xb8;
	[tilespmem:$0x18000] =	vst v63  }
0x1d0: {  	s28 =	simm.s32 $0x2500  }
0x1d1: {  	[tilespmem:s20], [sflag:$0x1] =	stream.indirect.gather.add.f32 [hbm:s3], $0x80, s28, s15, $0xb8;
	[tilespmem:$0x18000] =	vst v63  }
0x1d2: {  	s28 =	simm.s32 $0x2580  }
0x1d3: {  	[tilespmem:s20], [sflag:$0x1] =	stream.indirect.gather.add.f32 [hbm:s3], $0x80, s28, s15, $0xb8;
	[tilespmem:$0x18000] =	vst v63  }
0x1d4: {  	s28 =	simm.s32 $0x2680  }
0x1d5: {  	[tilespmem:s22], [sflag:$0x1] =	stream.indirect.gather.add.f32 [hbm:s3], $0x80, s28, s15, $0xb8;
	[tilespmem:$0x18000] =	vst v63  }
0x1d6: {  	s28 =	simm.s32 $0x2700  }
0x1d7: {  	[tilespmem:s22], [sflag:$0x1] =	stream.indirect.gather.add.f32 [hbm:s3], $0x80, s28, s15, $0xb8;
	[tilespmem:$0x18000] =	vst v63  }
0x1d8: {  	s28 =	simm.s32 $0x2780  }
0x1d9: {  	[tilespmem:s22], [sflag:$0x1] =	stream.indirect.gather.add.f32 [hbm:s3], $0x80, s28, s15, $0xb8;
	[tilespmem:$0x18000] =	vst v63  }
0x1da: {  	_ =	swait.ge [sflag:s23], $0x4000  }
0x1db: {  	[sflag:s23] =	ssyncset.done $0x0  }
0x1dc: {  	[sflag:s23] =	ssyncadd.s32 $0xFFFFC000  }
0x1dd: {  	_ =	swait.ge [sflag:s23], $0x4000  }
0x1de: {  	[sflag:s23] =	ssyncset.done $0x0  }
0x1df: {  	[sflag:s23] =	ssyncadd.s32 $0xFFFFC000  }
0x1e0: {  	_ =	swait.ge [sflag:s23], $0x4000  }
0x1e1: {  	[sflag:s23] =	ssyncset.done $0x0  }
0x1e2: {  	[sflag:s23] =	ssyncadd.s32 $0xFFFFC000  }
0x1e3: {  	_ =	swait.ge [sflag:s23], $0x4000  }
0x1e4: {  	[sflag:s23] =	ssyncset.done $0x0  }
0x1e5: {  	[sflag:s23] =	ssyncadd.s32 $0xFFFFC000  }
0x1e6: {  	_ =	swait.ge [sflag:s23], $0x4000  }
0x1e7: {  	[sflag:s23] =	ssyncset.done $0x0  }
0x1e8: {  	[sflag:s23] =	ssyncadd.s32 $0xFFFFC000  }
0x1e9: {  	_ =	swait.ge [sflag:s23], $0x4000  }
0x1ea: {  	[sflag:s23] =	ssyncset.done $0x0  }
0x1eb: {  	[sflag:s23] =	ssyncadd.s32 $0xFFFFC000  }
0x1ec: {  	_ =	swait.ge [sflag:s23], $0x4000  }
0x1ed: {  	[sflag:s23] =	ssyncset.done $0x0  }
0x1ee: {  	[sflag:s23] =	ssyncadd.s32 $0xFFFFC000  }
0x1ef: {  	_ =	swait.ge [sflag:s23], $0x4000  }
0x1f0: {  	[sflag:s23] =	ssyncset.done $0x0  }
0x1f1: {  	[sflag:s23] =	ssyncadd.s32 $0xFFFFC000  }
0x1f2: {  	_ =	swait.ge [sflag:s23], $0x4000  }
0x1f3: {  	[sflag:s23] =	ssyncset.done $0x0  }
0x1f4: {  	[sflag:s23] =	ssyncadd.s32 $0xFFFFC000  }
0x1f5: {  	_ =	swait.ge [sflag:s23], $0x4000  }
0x1f6: {  	[sflag:s23] =	ssyncset.done $0x0  }
0x1f7: {  	[sflag:s23] =	ssyncadd.s32 $0xFFFFC000  }
0x1f8: {  	_ =	swait.ge [sflag:s23], $0x4000  }
0x1f9: {  	[sflag:s23] =	ssyncset.done $0x0  }
0x1fa: {  	[sflag:s23] =	ssyncadd.s32 $0xFFFFC000  }
0x1fb: {  	_ =	swait.ge [sflag:s23], $0x4000  }
0x1fc: {  	[sflag:s23] =	ssyncset.done $0x0  }
0x1fd: {  	s28 =	simm.s32 $0x0;
	[sflag:s23] =	ssyncadd.s32 $0xFFFFC000  }
0x1fe: {  	v1 =	vld [tilespmem:s28+$0x4000]  }
0x1ff: {  	v3 =	vld [tilespmem:s28+$0x8020]  }
0x200: {  	v4 =	vld [tilespmem:s28+$0xC040]  }
0x201: {  	v5 =	vld [tilespmem:s28+$0x10060];
	_ =	sdelay $0x1  }
0x202: {  	s29 =	simm.s32 $0x80  }
0x203: {  	v0 =	vld [tilespmem:s29+$0x4000]  }
0x204: {  	v2 =	vld [tilespmem:s29+$0x8020]  }
0x205: {  	v6 =	vadd.f32 v3, v1;
	v4 =	vadd.f32 v5, v4;
	v1 =	vld [tilespmem:s29+$0xC040]  }
0x206: {  	v3 =	vld [tilespmem:s29+$0x10060]  }
0x207: {  	s30 =	simm.s32 $0x400;
	v4 =	vadd.f32 v4, v6  }
.LBB2_10:
0x208: {  	s31 =	sshra.s32 s30, $0x2;
	v5 =	vmov v0;
	p0 =	sne.s32 s30, $0xFE00  }
.Ltmp4:
0x209: {  	v0 =	vld [tilespmem:s31+$0x4000];
	[tilespmem:s28+$0x14000] =	vst v4;
	v4 =	vmov v2;
	s28 =	smov.u32 s29;
	s29 =	smov.u32 s31;
	(pc) =	sbr.rel @p0 .LBB2_10-.Ltmp4, $4  }
0x20a: {  	v2 =	vld [tilespmem:s29+$0x8020]  }
0x20b: {  	s30 =	sadd.s32 $0x200, s30;
	v4 =	vadd.f32 v4, v5;
	v5 =	vadd.f32 v3, v1;
	v1 =	vld [tilespmem:s29+$0xC040]  }
0x20c: {  	v3 =	vld [tilespmem:s29+$0x10060]  }
0x20d: {  	v4 =	vadd.f32 v5, v4  }
0x20e: {  	_ =	sdelay $0x2  }
0x20f: {  	v0 =	vadd.f32 v2, v0;
	v1 =	vadd.f32 v3, v1;
	_ =	sdelay $0x1  }
0x210: {  	v0 =	vadd.f32 v1, v0  }
0x211: {  	[tilespmem:s28+$0x14000] =	vst v4  }
0x212: {  	s28 =	simm.s32 $0x0;
	[tilespmem:s29+$0x14000] =	vst v0  }
0x213: {  	[hbm4b:s9+s28] =	stream.linear.scatter [tilespmem:s21], [sflag:$0x2], $0x4000, $0x38;
	[tilespmem:$0x18000] =	vst v63  }
0x214: {  	_ =	swait.ge [sflag:s14], $0x4000  }
0x215: {  	[sflag:s14] =	ssyncset.done $0x0  }
0x216: {  	s28 =	simm.s32 $0x2800;
	[sflag:s14] =	ssyncadd.s32 $0xFFFFC000  }
0x217: {  	[tilespmem:s16], [sflag:$0x1] =	stream.indirect.gather [hbm4b:s3+s15], $0x80, s28, s15, $0xb8;
	[tilespmem:$0x18000] =	vst v63  }
0x218: {  	s28 =	simm.s32 $0x2A00  }
0x219: {  	[tilespmem:s18], [sflag:$0x1] =	stream.indirect.gather [hbm4b:s3+s15], $0x80, s28, s15, $0xb8;
	[tilespmem:$0x18000] =	vst v63  }
0x21a: {  	s28 =	simm.s32 $0x2C00  }
0x21b: {  	[tilespmem:s20], [sflag:$0x1] =	stream.indirect.gather [hbm4b:s3+s15], $0x80, s28, s15, $0xb8;
	[tilespmem:$0x18000] =	vst v63  }
0x21c: {  	s28 =	simm.s32 $0x2E00  }
0x21d: {  	[tilespmem:s22], [sflag:$0x1] =	stream.indirect.gather [hbm4b:s3+s15], $0x80, s28, s15, $0xb8;
	[tilespmem:$0x18000] =	vst v63  }
0x21e: {  	_ =	swait.ge [sflag:s23], $0x4000  }
0x21f: {  	[sflag:s23] =	ssyncset.done $0x0  }
0x220: {  	[sflag:s23] =	ssyncadd.s32 $0xFFFFC000  }
0x221: {  	_ =	swait.ge [sflag:s23], $0x4000  }
0x222: {  	[sflag:s23] =	ssyncset.done $0x0  }
0x223: {  	[sflag:s23] =	ssyncadd.s32 $0xFFFFC000  }
0x224: {  	_ =	swait.ge [sflag:s23], $0x4000  }
0x225: {  	[sflag:s23] =	ssyncset.done $0x0  }
0x226: {  	[sflag:s23] =	ssyncadd.s32 $0xFFFFC000  }
0x227: {  	_ =	swait.ge [sflag:s23], $0x4000  }
0x228: {  	[sflag:s23] =	ssyncset.done $0x0  }
0x229: {  	s28 =	simm.s32 $0x2880;
	[sflag:s23] =	ssyncadd.s32 $0xFFFFC000  }
0x22a: {  	[tilespmem:s16], [sflag:$0x1] =	stream.indirect.gather.add.f32 [hbm:s3], $0x80, s28, s15, $0xb8;
	[tilespmem:$0x18000] =	vst v63  }
0x22b: {  	s28 =	simm.s32 $0x2900  }
0x22c: {  	[tilespmem:s16], [sflag:$0x1] =	stream.indirect.gather.add.f32 [hbm:s3], $0x80, s28, s15, $0xb8;
	[tilespmem:$0x18000] =	vst v63  }
0x22d: {  	s28 =	simm.s32 $0x2980  }
0x22e: {  	[tilespmem:s16], [sflag:$0x1] =	stream.indirect.gather.add.f32 [hbm:s3], $0x80, s28, s15, $0xb8;
	[tilespmem:$0x18000] =	vst v63  }
0x22f: {  	s28 =	simm.s32 $0x2A80  }
0x230: {  	[tilespmem:s18], [sflag:$0x1] =	stream.indirect.gather.add.f32 [hbm:s3], $0x80, s28, s15, $0xb8;
	[tilespmem:$0x18000] =	vst v63  }
0x231: {  	s28 =	simm.s32 $0x2B00  }
0x232: {  	[tilespmem:s18], [sflag:$0x1] =	stream.indirect.gather.add.f32 [hbm:s3], $0x80, s28, s15, $0xb8;
	[tilespmem:$0x18000] =	vst v63  }
0x233: {  	s28 =	simm.s32 $0x2B80  }
0x234: {  	[tilespmem:s18], [sflag:$0x1] =	stream.indirect.gather.add.f32 [hbm:s3], $0x80, s28, s15, $0xb8;
	[tilespmem:$0x18000] =	vst v63  }
0x235: {  	s28 =	simm.s32 $0x2C80  }
0x236: {  	[tilespmem:s20], [sflag:$0x1] =	stream.indirect.gather.add.f32 [hbm:s3], $0x80, s28, s15, $0xb8;
	[tilespmem:$0x18000] =	vst v63  }
0x237: {  	s28 =	simm.s32 $0x2D00  }
0x238: {  	[tilespmem:s20], [sflag:$0x1] =	stream.indirect.gather.add.f32 [hbm:s3], $0x80, s28, s15, $0xb8;
	[tilespmem:$0x18000] =	vst v63  }
0x239: {  	s28 =	simm.s32 $0x2D80  }
0x23a: {  	[tilespmem:s20], [sflag:$0x1] =	stream.indirect.gather.add.f32 [hbm:s3], $0x80, s28, s15, $0xb8;
	[tilespmem:$0x18000] =	vst v63  }
0x23b: {  	s28 =	simm.s32 $0x2E80  }
0x23c: {  	[tilespmem:s22], [sflag:$0x1] =	stream.indirect.gather.add.f32 [hbm:s3], $0x80, s28, s15, $0xb8;
	[tilespmem:$0x18000] =	vst v63  }
0x23d: {  	s28 =	simm.s32 $0x2F00  }
0x23e: {  	[tilespmem:s22], [sflag:$0x1] =	stream.indirect.gather.add.f32 [hbm:s3], $0x80, s28, s15, $0xb8;
	[tilespmem:$0x18000] =	vst v63  }
0x23f: {  	s28 =	simm.s32 $0x2F80  }
0x240: {  	[tilespmem:s22], [sflag:$0x1] =	stream.indirect.gather.add.f32 [hbm:s3], $0x80, s28, s15, $0xb8;
	[tilespmem:$0x18000] =	vst v63  }
0x241: {  	_ =	swait.ge [sflag:s23], $0x4000  }
0x242: {  	[sflag:s23] =	ssyncset.done $0x0  }
0x243: {  	[sflag:s23] =	ssyncadd.s32 $0xFFFFC000  }
0x244: {  	_ =	swait.ge [sflag:s23], $0x4000  }
0x245: {  	[sflag:s23] =	ssyncset.done $0x0  }
0x246: {  	[sflag:s23] =	ssyncadd.s32 $0xFFFFC000  }
0x247: {  	_ =	swait.ge [sflag:s23], $0x4000  }
0x248: {  	[sflag:s23] =	ssyncset.done $0x0  }
0x249: {  	[sflag:s23] =	ssyncadd.s32 $0xFFFFC000  }
0x24a: {  	_ =	swait.ge [sflag:s23], $0x4000  }
0x24b: {  	[sflag:s23] =	ssyncset.done $0x0  }
0x24c: {  	[sflag:s23] =	ssyncadd.s32 $0xFFFFC000  }
0x24d: {  	_ =	swait.ge [sflag:s23], $0x4000  }
0x24e: {  	[sflag:s23] =	ssyncset.done $0x0  }
0x24f: {  	[sflag:s23] =	ssyncadd.s32 $0xFFFFC000  }
0x250: {  	_ =	swait.ge [sflag:s23], $0x4000  }
0x251: {  	[sflag:s23] =	ssyncset.done $0x0  }
0x252: {  	[sflag:s23] =	ssyncadd.s32 $0xFFFFC000  }
0x253: {  	_ =	swait.ge [sflag:s23], $0x4000  }
0x254: {  	[sflag:s23] =	ssyncset.done $0x0  }
0x255: {  	[sflag:s23] =	ssyncadd.s32 $0xFFFFC000  }
0x256: {  	_ =	swait.ge [sflag:s23], $0x4000  }
0x257: {  	[sflag:s23] =	ssyncset.done $0x0  }
0x258: {  	[sflag:s23] =	ssyncadd.s32 $0xFFFFC000  }
0x259: {  	_ =	swait.ge [sflag:s23], $0x4000  }
0x25a: {  	[sflag:s23] =	ssyncset.done $0x0  }
0x25b: {  	[sflag:s23] =	ssyncadd.s32 $0xFFFFC000  }
0x25c: {  	_ =	swait.ge [sflag:s23], $0x4000  }
0x25d: {  	[sflag:s23] =	ssyncset.done $0x0  }
0x25e: {  	[sflag:s23] =	ssyncadd.s32 $0xFFFFC000  }
0x25f: {  	_ =	swait.ge [sflag:s23], $0x4000  }
0x260: {  	[sflag:s23] =	ssyncset.done $0x0  }
0x261: {  	[sflag:s23] =	ssyncadd.s32 $0xFFFFC000  }
0x262: {  	_ =	swait.ge [sflag:s23], $0x4000  }
0x263: {  	[sflag:s23] =	ssyncset.done $0x0  }
0x264: {  	s28 =	simm.s32 $0x0;
	[sflag:s23] =	ssyncadd.s32 $0xFFFFC000  }
0x265: {  	v1 =	vld [tilespmem:s28+$0x4000]  }
0x266: {  	v3 =	vld [tilespmem:s28+$0x8020]  }
0x267: {  	v4 =	vld [tilespmem:s28+$0xC040]  }
0x268: {  	v5 =	vld [tilespmem:s28+$0x10060];
	_ =	sdelay $0x1  }
0x269: {  	s29 =	simm.s32 $0x80  }
0x26a: {  	v0 =	vld [tilespmem:s29+$0x4000]  }
0x26b: {  	v2 =	vld [tilespmem:s29+$0x8020]  }
0x26c: {  	v6 =	vadd.f32 v3, v1;
	v4 =	vadd.f32 v5, v4;
	v1 =	vld [tilespmem:s29+$0xC040]  }
0x26d: {  	v3 =	vld [tilespmem:s29+$0x10060]  }
0x26e: {  	s30 =	simm.s32 $0x400;
	v4 =	vadd.f32 v4, v6  }
.LBB2_12:
0x26f: {  	s31 =	sshra.s32 s30, $0x2;
	v5 =	vmov v0;
	p0 =	sne.s32 s30, $0xFE00  }
.Ltmp5:
0x270: {  	v0 =	vld [tilespmem:s31+$0x4000];
	[tilespmem:s28+$0x14000] =	vst v4;
	v4 =	vmov v2;
	s28 =	smov.u32 s29;
	s29 =	smov.u32 s31;
	(pc) =	sbr.rel @p0 .LBB2_12-.Ltmp5, $4  }
0x271: {  	v2 =	vld [tilespmem:s29+$0x8020]  }
0x272: {  	s30 =	sadd.s32 $0x200, s30;
	v4 =	vadd.f32 v4, v5;
	v5 =	vadd.f32 v3, v1;
	v1 =	vld [tilespmem:s29+$0xC040]  }
0x273: {  	v3 =	vld [tilespmem:s29+$0x10060]  }
0x274: {  	v4 =	vadd.f32 v5, v4  }
0x275: {  	_ =	sdelay $0x2  }
0x276: {  	v0 =	vadd.f32 v2, v0;
	v1 =	vadd.f32 v3, v1;
	_ =	sdelay $0x1  }
0x277: {  	v0 =	vadd.f32 v1, v0  }
0x278: {  	[tilespmem:s28+$0x14000] =	vst v4  }
0x279: {  	s28 =	simm.s32 $0x0;
	[tilespmem:s29+$0x14000] =	vst v0  }
0x27a: {  	[hbm4b:s10+s28] =	stream.linear.scatter [tilespmem:s21], [sflag:$0x2], $0x4000, $0x38;
	[tilespmem:$0x18000] =	vst v63  }
0x27b: {  	_ =	swait.ge [sflag:s14], $0x4000  }
0x27c: {  	[sflag:s14] =	ssyncset.done $0x0  }
0x27d: {  	s28 =	simm.s32 $0x3000;
	[sflag:s14] =	ssyncadd.s32 $0xFFFFC000  }
0x27e: {  	[tilespmem:s16], [sflag:$0x1] =	stream.indirect.gather [hbm4b:s3+s15], $0x80, s28, s15, $0xb8;
	[tilespmem:$0x18000] =	vst v63  }
0x27f: {  	s28 =	simm.s32 $0x3200  }
0x280: {  	[tilespmem:s18], [sflag:$0x1] =	stream.indirect.gather [hbm4b:s3+s15], $0x80, s28, s15, $0xb8;
	[tilespmem:$0x18000] =	vst v63  }
0x281: {  	s28 =	simm.s32 $0x3400  }
0x282: {  	[tilespmem:s20], [sflag:$0x1] =	stream.indirect.gather [hbm4b:s3+s15], $0x80, s28, s15, $0xb8;
	[tilespmem:$0x18000] =	vst v63  }
0x283: {  	s28 =	simm.s32 $0x3600  }
0x284: {  	[tilespmem:s22], [sflag:$0x1] =	stream.indirect.gather [hbm4b:s3+s15], $0x80, s28, s15, $0xb8;
	[tilespmem:$0x18000] =	vst v63  }
0x285: {  	_ =	swait.ge [sflag:s23], $0x4000  }
0x286: {  	[sflag:s23] =	ssyncset.done $0x0  }
0x287: {  	[sflag:s23] =	ssyncadd.s32 $0xFFFFC000  }
0x288: {  	_ =	swait.ge [sflag:s23], $0x4000  }
0x289: {  	[sflag:s23] =	ssyncset.done $0x0  }
0x28a: {  	[sflag:s23] =	ssyncadd.s32 $0xFFFFC000  }
0x28b: {  	_ =	swait.ge [sflag:s23], $0x4000  }
0x28c: {  	[sflag:s23] =	ssyncset.done $0x0  }
0x28d: {  	[sflag:s23] =	ssyncadd.s32 $0xFFFFC000  }
0x28e: {  	_ =	swait.ge [sflag:s23], $0x4000  }
0x28f: {  	[sflag:s23] =	ssyncset.done $0x0  }
0x290: {  	s28 =	simm.s32 $0x3080;
	[sflag:s23] =	ssyncadd.s32 $0xFFFFC000  }
0x291: {  	[tilespmem:s16], [sflag:$0x1] =	stream.indirect.gather.add.f32 [hbm:s3], $0x80, s28, s15, $0xb8;
	[tilespmem:$0x18000] =	vst v63  }
0x292: {  	s28 =	simm.s32 $0x3100  }
0x293: {  	[tilespmem:s16], [sflag:$0x1] =	stream.indirect.gather.add.f32 [hbm:s3], $0x80, s28, s15, $0xb8;
	[tilespmem:$0x18000] =	vst v63  }
0x294: {  	s28 =	simm.s32 $0x3180  }
0x295: {  	[tilespmem:s16], [sflag:$0x1] =	stream.indirect.gather.add.f32 [hbm:s3], $0x80, s28, s15, $0xb8;
	[tilespmem:$0x18000] =	vst v63  }
0x296: {  	s28 =	simm.s32 $0x3280  }
0x297: {  	[tilespmem:s18], [sflag:$0x1] =	stream.indirect.gather.add.f32 [hbm:s3], $0x80, s28, s15, $0xb8;
	[tilespmem:$0x18000] =	vst v63  }
0x298: {  	s28 =	simm.s32 $0x3300  }
0x299: {  	[tilespmem:s18], [sflag:$0x1] =	stream.indirect.gather.add.f32 [hbm:s3], $0x80, s28, s15, $0xb8;
	[tilespmem:$0x18000] =	vst v63  }
0x29a: {  	s28 =	simm.s32 $0x3380  }
0x29b: {  	[tilespmem:s18], [sflag:$0x1] =	stream.indirect.gather.add.f32 [hbm:s3], $0x80, s28, s15, $0xb8;
	[tilespmem:$0x18000] =	vst v63  }
0x29c: {  	s28 =	simm.s32 $0x3480  }
0x29d: {  	[tilespmem:s20], [sflag:$0x1] =	stream.indirect.gather.add.f32 [hbm:s3], $0x80, s28, s15, $0xb8;
	[tilespmem:$0x18000] =	vst v63  }
0x29e: {  	s28 =	simm.s32 $0x3500  }
0x29f: {  	[tilespmem:s20], [sflag:$0x1] =	stream.indirect.gather.add.f32 [hbm:s3], $0x80, s28, s15, $0xb8;
	[tilespmem:$0x18000] =	vst v63  }
0x2a0: {  	s28 =	simm.s32 $0x3580  }
0x2a1: {  	[tilespmem:s20], [sflag:$0x1] =	stream.indirect.gather.add.f32 [hbm:s3], $0x80, s28, s15, $0xb8;
	[tilespmem:$0x18000] =	vst v63  }
0x2a2: {  	s28 =	simm.s32 $0x3680  }
0x2a3: {  	[tilespmem:s22], [sflag:$0x1] =	stream.indirect.gather.add.f32 [hbm:s3], $0x80, s28, s15, $0xb8;
	[tilespmem:$0x18000] =	vst v63  }
0x2a4: {  	s28 =	simm.s32 $0x3700  }
0x2a5: {  	[tilespmem:s22], [sflag:$0x1] =	stream.indirect.gather.add.f32 [hbm:s3], $0x80, s28, s15, $0xb8;
	[tilespmem:$0x18000] =	vst v63  }
0x2a6: {  	s28 =	simm.s32 $0x3780  }
0x2a7: {  	[tilespmem:s22], [sflag:$0x1] =	stream.indirect.gather.add.f32 [hbm:s3], $0x80, s28, s15, $0xb8;
	[tilespmem:$0x18000] =	vst v63  }
0x2a8: {  	_ =	swait.ge [sflag:s23], $0x4000  }
0x2a9: {  	[sflag:s23] =	ssyncset.done $0x0  }
0x2aa: {  	[sflag:s23] =	ssyncadd.s32 $0xFFFFC000  }
0x2ab: {  	_ =	swait.ge [sflag:s23], $0x4000  }
0x2ac: {  	[sflag:s23] =	ssyncset.done $0x0  }
0x2ad: {  	[sflag:s23] =	ssyncadd.s32 $0xFFFFC000  }
0x2ae: {  	_ =	swait.ge [sflag:s23], $0x4000  }
0x2af: {  	[sflag:s23] =	ssyncset.done $0x0  }
0x2b0: {  	[sflag:s23] =	ssyncadd.s32 $0xFFFFC000  }
0x2b1: {  	_ =	swait.ge [sflag:s23], $0x4000  }
0x2b2: {  	[sflag:s23] =	ssyncset.done $0x0  }
0x2b3: {  	[sflag:s23] =	ssyncadd.s32 $0xFFFFC000  }
0x2b4: {  	_ =	swait.ge [sflag:s23], $0x4000  }
0x2b5: {  	[sflag:s23] =	ssyncset.done $0x0  }
0x2b6: {  	[sflag:s23] =	ssyncadd.s32 $0xFFFFC000  }
0x2b7: {  	_ =	swait.ge [sflag:s23], $0x4000  }
0x2b8: {  	[sflag:s23] =	ssyncset.done $0x0  }
0x2b9: {  	[sflag:s23] =	ssyncadd.s32 $0xFFFFC000  }
0x2ba: {  	_ =	swait.ge [sflag:s23], $0x4000  }
0x2bb: {  	[sflag:s23] =	ssyncset.done $0x0  }
0x2bc: {  	[sflag:s23] =	ssyncadd.s32 $0xFFFFC000  }
0x2bd: {  	_ =	swait.ge [sflag:s23], $0x4000  }
0x2be: {  	[sflag:s23] =	ssyncset.done $0x0  }
0x2bf: {  	[sflag:s23] =	ssyncadd.s32 $0xFFFFC000  }
0x2c0: {  	_ =	swait.ge [sflag:s23], $0x4000  }
0x2c1: {  	[sflag:s23] =	ssyncset.done $0x0  }
0x2c2: {  	[sflag:s23] =	ssyncadd.s32 $0xFFFFC000  }
0x2c3: {  	_ =	swait.ge [sflag:s23], $0x4000  }
0x2c4: {  	[sflag:s23] =	ssyncset.done $0x0  }
0x2c5: {  	[sflag:s23] =	ssyncadd.s32 $0xFFFFC000  }
0x2c6: {  	_ =	swait.ge [sflag:s23], $0x4000  }
0x2c7: {  	[sflag:s23] =	ssyncset.done $0x0  }
0x2c8: {  	[sflag:s23] =	ssyncadd.s32 $0xFFFFC000  }
0x2c9: {  	_ =	swait.ge [sflag:s23], $0x4000  }
0x2ca: {  	[sflag:s23] =	ssyncset.done $0x0  }
0x2cb: {  	s28 =	simm.s32 $0x0;
	[sflag:s23] =	ssyncadd.s32 $0xFFFFC000  }
0x2cc: {  	v1 =	vld [tilespmem:s28+$0x4000]  }
0x2cd: {  	v3 =	vld [tilespmem:s28+$0x8020]  }
0x2ce: {  	v4 =	vld [tilespmem:s28+$0xC040]  }
0x2cf: {  	v5 =	vld [tilespmem:s28+$0x10060];
	_ =	sdelay $0x1  }
0x2d0: {  	s29 =	simm.s32 $0x80  }
0x2d1: {  	v0 =	vld [tilespmem:s29+$0x4000]  }
0x2d2: {  	v2 =	vld [tilespmem:s29+$0x8020]  }
0x2d3: {  	v6 =	vadd.f32 v3, v1;
	v4 =	vadd.f32 v5, v4;
	v1 =	vld [tilespmem:s29+$0xC040]  }
0x2d4: {  	v3 =	vld [tilespmem:s29+$0x10060]  }
0x2d5: {  	s30 =	simm.s32 $0x400;
	v4 =	vadd.f32 v4, v6  }
.LBB2_14:
0x2d6: {  	s31 =	sshra.s32 s30, $0x2;
	v5 =	vmov v0;
	p0 =	sne.s32 s30, $0xFE00  }
.Ltmp6:
0x2d7: {  	v0 =	vld [tilespmem:s31+$0x4000];
	[tilespmem:s28+$0x14000] =	vst v4;
	v4 =	vmov v2;
	s28 =	smov.u32 s29;
	s29 =	smov.u32 s31;
	(pc) =	sbr.rel @p0 .LBB2_14-.Ltmp6, $4  }
0x2d8: {  	v2 =	vld [tilespmem:s29+$0x8020]  }
0x2d9: {  	s30 =	sadd.s32 $0x200, s30;
	v4 =	vadd.f32 v4, v5;
	v5 =	vadd.f32 v3, v1;
	v1 =	vld [tilespmem:s29+$0xC040]  }
0x2da: {  	v3 =	vld [tilespmem:s29+$0x10060]  }
0x2db: {  	v4 =	vadd.f32 v5, v4  }
0x2dc: {  	_ =	sdelay $0x2  }
0x2dd: {  	v0 =	vadd.f32 v2, v0;
	v1 =	vadd.f32 v3, v1;
	_ =	sdelay $0x1  }
0x2de: {  	v0 =	vadd.f32 v1, v0  }
0x2df: {  	[tilespmem:s28+$0x14000] =	vst v4  }
0x2e0: {  	s28 =	simm.s32 $0x0;
	[tilespmem:s29+$0x14000] =	vst v0  }
0x2e1: {  	[hbm4b:s11+s28] =	stream.linear.scatter [tilespmem:s21], [sflag:$0x2], $0x4000, $0x38;
	[tilespmem:$0x18000] =	vst v63  }
0x2e2: {  	_ =	swait.ge [sflag:s14], $0x4000  }
0x2e3: {  	[sflag:s14] =	ssyncset.done $0x0  }
0x2e4: {  	s28 =	simm.s32 $0x3800;
	[sflag:s14] =	ssyncadd.s32 $0xFFFFC000  }
0x2e5: {  	[tilespmem:s16], [sflag:$0x1] =	stream.indirect.gather [hbm4b:s3+s15], $0x80, s28, s15, $0xb8;
	[tilespmem:$0x18000] =	vst v63  }
0x2e6: {  	s28 =	simm.s32 $0x3A00  }
0x2e7: {  	[tilespmem:s18], [sflag:$0x1] =	stream.indirect.gather [hbm4b:s3+s15], $0x80, s28, s15, $0xb8;
	[tilespmem:$0x18000] =	vst v63  }
0x2e8: {  	s28 =	simm.s32 $0x3C00  }
0x2e9: {  	[tilespmem:s20], [sflag:$0x1] =	stream.indirect.gather [hbm4b:s3+s15], $0x80, s28, s15, $0xb8;
	[tilespmem:$0x18000] =	vst v63  }
0x2ea: {  	s28 =	simm.s32 $0x3E00  }
0x2eb: {  	[tilespmem:s22], [sflag:$0x1] =	stream.indirect.gather [hbm4b:s3+s15], $0x80, s28, s15, $0xb8;
	[tilespmem:$0x18000] =	vst v63  }
0x2ec: {  	_ =	swait.ge [sflag:s23], $0x4000  }
0x2ed: {  	[sflag:s23] =	ssyncset.done $0x0  }
0x2ee: {  	[sflag:s23] =	ssyncadd.s32 $0xFFFFC000  }
0x2ef: {  	_ =	swait.ge [sflag:s23], $0x4000  }
0x2f0: {  	[sflag:s23] =	ssyncset.done $0x0  }
0x2f1: {  	[sflag:s23] =	ssyncadd.s32 $0xFFFFC000  }
0x2f2: {  	_ =	swait.ge [sflag:s23], $0x4000  }
0x2f3: {  	[sflag:s23] =	ssyncset.done $0x0  }
0x2f4: {  	[sflag:s23] =	ssyncadd.s32 $0xFFFFC000  }
0x2f5: {  	_ =	swait.ge [sflag:s23], $0x4000  }
0x2f6: {  	[sflag:s23] =	ssyncset.done $0x0  }
0x2f7: {  	s28 =	simm.s32 $0x3880;
	[sflag:s23] =	ssyncadd.s32 $0xFFFFC000  }
0x2f8: {  	[tilespmem:s16], [sflag:$0x1] =	stream.indirect.gather.add.f32 [hbm:s3], $0x80, s28, s15, $0xb8;
	[tilespmem:$0x18000] =	vst v63  }
0x2f9: {  	s28 =	simm.s32 $0x3900  }
0x2fa: {  	[tilespmem:s16], [sflag:$0x1] =	stream.indirect.gather.add.f32 [hbm:s3], $0x80, s28, s15, $0xb8;
	[tilespmem:$0x18000] =	vst v63  }
0x2fb: {  	s28 =	simm.s32 $0x3980  }
0x2fc: {  	[tilespmem:s16], [sflag:$0x1] =	stream.indirect.gather.add.f32 [hbm:s3], $0x80, s28, s15, $0xb8;
	[tilespmem:$0x18000] =	vst v63  }
0x2fd: {  	s28 =	simm.s32 $0x3A80  }
0x2fe: {  	[tilespmem:s18], [sflag:$0x1] =	stream.indirect.gather.add.f32 [hbm:s3], $0x80, s28, s15, $0xb8;
	[tilespmem:$0x18000] =	vst v63  }
0x2ff: {  	s28 =	simm.s32 $0x3B00  }
0x300: {  	[tilespmem:s18], [sflag:$0x1] =	stream.indirect.gather.add.f32 [hbm:s3], $0x80, s28, s15, $0xb8;
	[tilespmem:$0x18000] =	vst v63  }
0x301: {  	s28 =	simm.s32 $0x3B80  }
0x302: {  	[tilespmem:s18], [sflag:$0x1] =	stream.indirect.gather.add.f32 [hbm:s3], $0x80, s28, s15, $0xb8;
	[tilespmem:$0x18000] =	vst v63  }
0x303: {  	_ = 	snop  }
0x304: {  	[tilespmem:s20], [sflag:$0x1] =	stream.indirect.gather.add.f32 [hbm:s3], $0x80, s0, s15, $0xb8;
	[tilespmem:$0x18000] =	vst v63  }
0x305: {  	_ = 	snop  }
0x306: {  	[tilespmem:s20], [sflag:$0x1] =	stream.indirect.gather.add.f32 [hbm:s3], $0x80, s1, s15, $0xb8;
	[tilespmem:$0x18000] =	vst v63  }
0x307: {  	_ = 	snop  }
0x308: {  	[tilespmem:s20], [sflag:$0x1] =	stream.indirect.gather.add.f32 [hbm:s3], $0x80, s17, s15, $0xb8;
	[tilespmem:$0x18000] =	vst v63  }
0x309: {  	_ = 	snop  }
0x30a: {  	[tilespmem:s22], [sflag:$0x1] =	stream.indirect.gather.add.f32 [hbm:s3], $0x80, s19, s15, $0xb8;
	[tilespmem:$0x18000] =	vst v63  }
0x30b: {  	_ = 	snop  }
0x30c: {  	[tilespmem:s22], [sflag:$0x1] =	stream.indirect.gather.add.f32 [hbm:s3], $0x80, s24, s15, $0xb8;
	[tilespmem:$0x18000] =	vst v63  }
0x30d: {  	_ = 	snop  }
0x30e: {  	[tilespmem:s22], [sflag:$0x1] =	stream.indirect.gather.add.f32 [hbm:s3], $0x80, s25, s15, $0xb8;
	[tilespmem:$0x18000] =	vst v63  }
0x30f: {  	_ =	swait.ge [sflag:s23], $0x4000  }
0x310: {  	[sflag:s23] =	ssyncset.done $0x0  }
0x311: {  	[sflag:s23] =	ssyncadd.s32 $0xFFFFC000  }
0x312: {  	_ =	swait.ge [sflag:s23], $0x4000  }
0x313: {  	[sflag:s23] =	ssyncset.done $0x0  }
0x314: {  	[sflag:s23] =	ssyncadd.s32 $0xFFFFC000  }
0x315: {  	_ =	swait.ge [sflag:s23], $0x4000  }
0x316: {  	[sflag:s23] =	ssyncset.done $0x0  }
0x317: {  	[sflag:s23] =	ssyncadd.s32 $0xFFFFC000  }
0x318: {  	_ =	swait.ge [sflag:s23], $0x4000  }
0x319: {  	[sflag:s23] =	ssyncset.done $0x0  }
0x31a: {  	[sflag:s23] =	ssyncadd.s32 $0xFFFFC000  }
0x31b: {  	_ =	swait.ge [sflag:s23], $0x4000  }
0x31c: {  	[sflag:s23] =	ssyncset.done $0x0  }
0x31d: {  	[sflag:s23] =	ssyncadd.s32 $0xFFFFC000  }
0x31e: {  	_ =	swait.ge [sflag:s23], $0x4000  }
0x31f: {  	[sflag:s23] =	ssyncset.done $0x0  }
0x320: {  	[sflag:s23] =	ssyncadd.s32 $0xFFFFC000  }
0x321: {  	_ =	swait.ge [sflag:s23], $0x4000  }
0x322: {  	[sflag:s23] =	ssyncset.done $0x0  }
0x323: {  	[sflag:s23] =	ssyncadd.s32 $0xFFFFC000  }
0x324: {  	_ =	swait.ge [sflag:s23], $0x4000  }
0x325: {  	[sflag:s23] =	ssyncset.done $0x0  }
0x326: {  	[sflag:s23] =	ssyncadd.s32 $0xFFFFC000  }
0x327: {  	_ =	swait.ge [sflag:s23], $0x4000  }
0x328: {  	[sflag:s23] =	ssyncset.done $0x0  }
0x329: {  	[sflag:s23] =	ssyncadd.s32 $0xFFFFC000  }
0x32a: {  	_ =	swait.ge [sflag:s23], $0x4000  }
0x32b: {  	[sflag:s23] =	ssyncset.done $0x0  }
0x32c: {  	[sflag:s23] =	ssyncadd.s32 $0xFFFFC000  }
0x32d: {  	_ =	swait.ge [sflag:s23], $0x4000  }
0x32e: {  	[sflag:s23] =	ssyncset.done $0x0  }
0x32f: {  	[sflag:s23] =	ssyncadd.s32 $0xFFFFC000  }
0x330: {  	_ =	swait.ge [sflag:s23], $0x4000  }
0x331: {  	[sflag:s23] =	ssyncset.done $0x0  }
0x332: {  	s28 =	simm.s32 $0x0;
	[sflag:s23] =	ssyncadd.s32 $0xFFFFC000  }
0x333: {  	v1 =	vld [tilespmem:s28+$0x4000]  }
0x334: {  	v3 =	vld [tilespmem:s28+$0x8020]  }
0x335: {  	v4 =	vld [tilespmem:s28+$0xC040]  }
0x336: {  	v5 =	vld [tilespmem:s28+$0x10060];
	_ =	sdelay $0x1  }
0x337: {  	s29 =	simm.s32 $0x80  }
0x338: {  	v0 =	vld [tilespmem:s29+$0x4000]  }
0x339: {  	v2 =	vld [tilespmem:s29+$0x8020]  }
0x33a: {  	v6 =	vadd.f32 v3, v1;
	v4 =	vadd.f32 v5, v4;
	v1 =	vld [tilespmem:s29+$0xC040]  }
0x33b: {  	v3 =	vld [tilespmem:s29+$0x10060]  }
0x33c: {  	s30 =	simm.s32 $0x400;
	v4 =	vadd.f32 v4, v6  }
.LBB2_16:
0x33d: {  	s31 =	sshra.s32 s30, $0x2;
	v5 =	vmov v0;
	p0 =	sne.s32 s30, $0xFE00  }
.Ltmp7:
0x33e: {  	v0 =	vld [tilespmem:s31+$0x4000];
	[tilespmem:s28+$0x14000] =	vst v4;
	v4 =	vmov v2;
	s28 =	smov.u32 s29;
	s29 =	smov.u32 s31;
	(pc) =	sbr.rel @p0 .LBB2_16-.Ltmp7, $4  }
0x33f: {  	v2 =	vld [tilespmem:s29+$0x8020]  }
0x340: {  	s30 =	sadd.s32 $0x200, s30;
	v4 =	vadd.f32 v4, v5;
	v5 =	vadd.f32 v3, v1;
	v1 =	vld [tilespmem:s29+$0xC040]  }
0x341: {  	v3 =	vld [tilespmem:s29+$0x10060]  }
0x342: {  	v4 =	vadd.f32 v5, v4  }
0x343: {  	_ =	sdelay $0x2  }
0x344: {  	v0 =	vadd.f32 v2, v0;
	v1 =	vadd.f32 v3, v1;
	_ =	sdelay $0x1  }
0x345: {  	s26 =	sadd.s32 $0x1, s26;
	v0 =	vadd.f32 v1, v0  }
0x346: {  	[tilespmem:s28+$0x14000] =	vst v4;
	p0 =	sne.s32 s26, s13  }
.Ltmp8:
0x347: {  	[tilespmem:s29+$0x14000] =	vst v0;
	(pc) =	sbr.rel @p0 .LBB2_1-.Ltmp8, $4  }
0x348: {  	[hbm4b:s12+s2] =	stream.linear.scatter [tilespmem:s21], [sflag:$0x2], $0x4000, $0x38;
	[tilespmem:$0x18000] =	vst v63  }
0x349: {  	_ =	swait.ge [sflag:s14], $0x4000  }
0x34a: {  	[sflag:s14] =	ssyncset.done $0x0  }
0x34b: {  	[sflag:s14] =	ssyncadd.s32 $0xFFFFC000  }
0x34c: {  	_ =	sfence.sel $0x180000  }
0x34d: {  	[bflag:$0x0] =	sbarrier.arrive $0xFFFF  }
0x34e: {  	_ =	strace $0x90000047  }
0x34f: {  	s0 =	stileid.u32;
	[bflag:$0x2] =	sbarrier.arrive $0xFFFF  }
0x350: {  	p0 =	sne.s32 s0, $0x0;
	s0 =	rddreg [dreg:$0x2]  }
0x351: {  	s0 =	sadd.s32 @!p0 $0x100000, s0  }
0x352: {  	[sflag:s0] =	ssyncadd.tile.s32 @!p0 $0x1;
	_ =	shalt  }
.Lfunc_end2:
_tile_overlayer_lowered:
.L_overlay_start_2:
0x353: {  	(tag) =	ssettag $0x2  }
0x354: {  	s0 =	rddreg [dreg:$0x0];
	s2 =	stileid.u32  }
0x355: {  	s1 =	rddreg [dreg:$0x1];
	p0 =	sne.s32 s2, $0x0  }
0x356: {  	s3 =	rddreg [dreg:$0x2];
	[bflag:$0x3] =	sbarrier.arrive $0xFFFF;
	s2 =	simm.s32 @!p0 $0x1C02  }
0x357: {  	[timem:s3], [sflag:s2] =	dma.local @!p0 [hbm:s0], s1  }
0x358: {  	s0 =	simm.s32 @!p0 $0x2  }
0x359: {  	_ =	swait.ge @!p0 [sflag:s0], s1  }
0x35a: {  	s1 =	ssub.s32 @!p0 $0x0, s1;
	[sflag:s0] =	ssyncset.done @!p0 $0x0  }
0x35b: {  	[sflag:s0] =	ssyncadd.s32 @!p0 s1  }
0x35c: {  	[bflag:$0x3] =	sbarrier.arrive $0xFFFF  }
0x35d: {  	_ =	shalt  }

</sc_bundles>
